<compile_context>
chip_gen: v7x
topology: tpu7x:2x2x1
jax: 0.10.2.dev20260603
libtpu: 0.0.44.dev20260713+nightly
codegen_flags: <defaults>
</compile_context>

<pallas_src>
import functools

import jax
import jax.numpy as jnp
from jax import lax
from jax.experimental import pallas as pl
from jax.experimental.pallas import tpu as pltpu
from jax.experimental.pallas import tpu_sc as plsc

B, U, W, V, D = 256, 20, 64, 30000, 128
NC, NS = 2, 16
NW = NC * NS
DPW = B // NW
ROWS = DPW * U
CG = D // 16


@functools.cache
def _make_sc_pool():
  mesh = plsc.VectorSubcoreMesh(core_axis_name="c", subcore_axis_name="s")

  @functools.partial(
      pl.kernel,
      mesh=mesh,
      out_type=jax.ShapeDtypeStruct((B * U, D), jnp.float32),
      scratch_types=[
          pltpu.VMEM((ROWS, 2 * W), jnp.int32),
          pltpu.VMEM((ROWS * W,), jnp.int32),
          pltpu.VMEM((ROWS + 16,), jnp.int32),
          pltpu.VMEM((ROWS,), jnp.int32),
          pltpu.VMEM((2, ROWS // 2), jnp.int32),
          pltpu.VMEM((8, W, D), jnp.float32),
          pltpu.VMEM((ROWS, D), jnp.float32),
          pltpu.SemaphoreType.DMA((8,)),
          pltpu.SemaphoreType.DMA,
      ],
  )
  def sc_pool(tok_hbm, eff_hbm, emb_hbm, out_hbm,
              idx_p, idx_v, eff_v, uidx, midx, buf, out_v, sem, sem_s):
    wid = lax.axis_index("s") * NC + lax.axis_index("c")
    base = wid * ROWS
    for t in range(ROWS // 16):
      lane = lax.iota(jnp.int32, 16)
      jv = lane * NW + (t * 16 * NW + wid)
      uidx[pl.ds(t * 16, 16)] = jv >> 1
      bv = (jv * 3277) >> 16
      mv = (jv - bv * U) * B + bv
      midx[t // 5, pl.ds((t % 5) * 16, 16)] = mv
    half = ROWS // 2
    for k in range(2):
      pltpu.make_async_copy(
          tok_hbm.at[uidx.at[pl.ds(k * half, half)]],
          idx_p.at[pl.ds(k * half, half)], sem_s).start()
    pltpu.sync_copy(eff_hbm.at[pl.ds(base, ROWS)], eff_v.at[pl.ds(0, ROWS)])
    for k in range(2):
      pltpu.make_async_copy(
          tok_hbm.at[uidx.at[pl.ds(k * half, half)]],
          idx_p.at[pl.ds(k * half, half)], sem_s).wait()
    half_off = (wid & 1) * W

    def compact(q, carry):
      for c in range(W // 16):
        idx_v[pl.ds(q * W + c * 16, 16)] = idx_p[q, pl.ds(half_off + c * 16, 16)]
      return carry

    lax.fori_loop(0, ROWS, compact, 0)

    def eff_at(j):
      return eff_v[pl.ds(j, 16)][0]

    def copy_for(j, nrows, s):
      return pltpu.make_async_copy(
          emb_hbm.at[idx_v.at[pl.ds(j * W, nrows)]],
          buf.at[s, pl.ds(0, nrows)], sem.at[s])

    def issue(j, s):
      nb = (eff_at(j) + 15) >> 4
      for g in range(1, W // 16 + 1):
        @pl.when(nb == g)
        def _():
          copy_for(j, 16 * g, s).start()

    def wait_acc(j, s):
      eff = eff_at(j)
      nb = (eff + 15) >> 4
      for g in range(1, W // 16 + 1):
        @pl.when(nb == g)
        def _():
          copy_for(j, 16 * g, s).wait()
      def blk(i, acc):
        accs = list(acc)
        for rr in range(16):
          r = i * 16 + rr
          wgt = (r < eff).astype(jnp.float32)
          for c in range(CG):
            accs[c] = accs[c] + wgt * buf[s, r, pl.ds(c * 16, 16)]
        return tuple(accs)

      acc0 = tuple(jnp.zeros((16,), jnp.float32) for _ in range(CG))
      acc = lax.fori_loop(0, nb, blk, acc0)
      for c in range(CG):
        out_v[j, pl.ds(c * 16, 16)] = acc[c]

    for k in range(7):
      issue(k, k)

    def body(j, carry):
      @pl.when(j + 7 < ROWS)
      def _():
        issue(j + 7, lax.rem(j + 7, 8))

      wait_acc(j, lax.rem(j, 8))
      return carry

    lax.fori_loop(0, ROWS, body, 0)
    for k in range(2):
      pltpu.make_async_copy(
          out_v.at[pl.ds(k * half, half)],
          out_hbm.at[midx.at[k]], sem_s).start()
    for k in range(2):
      pltpu.make_async_copy(
          out_v.at[pl.ds(k * half, half)],
          out_hbm.at[midx.at[k]], sem_s).wait()

  return sc_pool


def _tc_body(x_ref, eff_ref, clen_ref, wu_ref, bu_ref, wd_ref, bd_ref, o_ref):
  eff = eff_ref[...]
  x = x_ref[...] / jnp.maximum(eff, 1).astype(jnp.float32)
  y = jnp.tanh(jnp.dot(x, wu_ref[...], preferred_element_type=jnp.float32)
               + bu_ref[...])
  y = y * (eff > 0).astype(jnp.float32)
  clen = clen_ref[...]
  inv = 1.0 / jnp.maximum(clen, 1).astype(jnp.float32)
  acc = jnp.zeros((B, D), jnp.float32)
  for u in range(U):
    wcol = jnp.where(u < clen, inv, 0.0)
    acc = acc + wcol * y[u * B:(u + 1) * B, :]
  c = jnp.tanh(jnp.dot(acc, wd_ref[...], preferred_element_type=jnp.float32)
               + bd_ref[...])
  o_ref[...] = c * (clen > 0).astype(jnp.float32)


_tc_finish = pl.pallas_call(
    _tc_body,
    out_shape=jax.ShapeDtypeStruct((B, D), jnp.float32),
)


def kernel(contexts, context_utterance_lengths, context_lengths,
           emb_table, W_u, b_u, W_d, b_d):
  contexts = contexts.astype(jnp.int32)
  cul = context_utterance_lengths.astype(jnp.int32)
  clen = context_lengths.astype(jnp.int32)
  upos = jnp.arange(U, dtype=jnp.int32)[None, :]
  eff = jnp.where(upos < clen[:, None], jnp.clip(cul, 0, W), 0)
  effp = eff.reshape(ROWS, NW).T.reshape(-1)
  sums_u = _make_sc_pool()(contexts.reshape(B * U // 2, 2 * W), effp,
                           emb_table.astype(jnp.float32))
  eff_t = eff.T.reshape(-1, 1)
  ctx = _tc_finish(sums_u, eff_t, clen[:, None],
                   W_u.astype(jnp.float32), b_u.astype(jnp.float32)[None, :],
                   W_d.astype(jnp.float32), b_d.astype(jnp.float32)[None, :])
  return ctx

# --- scband reference (transcript-rebuilt; emitter-appended) ---
"""Pipeline reference for scband-proxy-input-encoder-11733850652743 (READ-ONLY COPY).

The authoritative reference and input builder live on the scoring server;
editing this copy changes nothing except your own understanding.
"""

import jax, jax.numpy as jnp
import numpy as np

B, U, W, V, D = 256, 20, 64, 30000, 128

def setup_inputs(seed: int = 0) -> dict:
    key = jax.random.key(seed)
    k1, k2, k3, k4, k5, k6 = jax.random.split(key, 6)
    contexts = jax.random.randint(k1, (B, U, W), 0, V)
    context_utterance_lengths = jax.random.randint(k2, (B, U), 0, W + 1)
    context_lengths = jax.random.randint(k3, (B,), 0, U + 1)
    emb_table = jax.random.normal(k4, (V, D), dtype=jnp.float32) * 0.02
    W_u = jax.random.normal(k5, (D, D), dtype=jnp.float32) * 0.05
    b_u = jnp.zeros((D,), dtype=jnp.float32)
    W_d = jax.random.normal(k6, (D, D), dtype=jnp.float32) * 0.05
    b_d = jnp.zeros((D,), dtype=jnp.float32)
    return {"contexts": contexts,
            "context_utterance_lengths": context_utterance_lengths,
            "context_lengths": context_lengths,
            "emb_table": emb_table, "W_u": W_u, "b_u": b_u,
            "W_d": W_d, "b_d": b_d}

def reference(contexts, context_utterance_lengths, context_lengths,
              emb_table, W_u, b_u, W_d, b_d):
    b, u, w = contexts.shape
    # ---- _encode_utterances: flatten to 2D, encode each non-empty utterance ----
    ctx2d = contexts.reshape(-1, w)                       # [B*U, W]
    len2d = context_utterance_lengths.reshape(-1)         # [B*U]
    tok = jnp.take(emb_table, ctx2d, axis=0)              # gather: [B*U, W, D]
    pos = jnp.arange(w)[None, :]
    wmask = (pos < len2d[:, None]).astype(tok.dtype)      # word validity mask
    denom = jnp.maximum(len2d, 1).astype(tok.dtype)[:, None]
    utt = (tok * wmask[:, :, None]).sum(axis=1) / denom   # masked mean pool (U_Encoder)
    utt = jnp.tanh(utt @ W_u + b_u)
    # masked_scatter_: rows for empty utterances stay zero
    utt = utt * (len2d > 0).astype(utt.dtype)[:, None]
    utt3 = utt.reshape(b, u, -1)                          # [B, U, D]
    # ---- get_context_embedding: encode each non-empty context (D_Encoder) ----
    upos = jnp.arange(u)[None, :]
    cmask = (upos < context_lengths[:, None]).astype(utt3.dtype)
    cdenom = jnp.maximum(context_lengths, 1).astype(utt3.dtype)[:, None]
    ctx = (utt3 * cmask[:, :, None]).sum(axis=1) / cdenom
    ctx = jnp.tanh(ctx @ W_d + b_d)
    # masked_scatter_: rows for empty contexts stay zero
    ctx = ctx * (context_lengths > 0).astype(ctx.dtype)[:, None]
    return ctx

if __name__ == "__main__":
    import jax
    _d = setup_inputs()
    print(jax.jit(kernel)(*tuple(_d.values())))

</pallas_src>

<mosaic_0001>
#map = affine_map<(d0, d1) -> (0, 0)>
#map1 = affine_map<(d0, d1) -> (0)>
module attributes {stable_mosaic.version = 14 : i64} {
  func.func @sc_pool(%arg0: i32, %arg1: i32, %arg2: memref<2560x128xi32, #tpu.memory_space<hbm>>, %arg3: memref<5120xi32, #tpu.memory_space<hbm>>, %arg4: memref<30000x128xf32, #tpu.memory_space<hbm>>, %arg5: memref<5120x128xf32, #tpu.memory_space<hbm>>, %arg6: memref<160x128xi32, #tpu.memory_space<vmem>>, %arg7: memref<10240xi32, #tpu.memory_space<vmem>>, %arg8: memref<176xi32, #tpu.memory_space<vmem>>, %arg9: memref<160xi32, #tpu.memory_space<vmem>>, %arg10: memref<2x80xi32, #tpu.memory_space<vmem>>, %arg11: memref<8x64x128xf32, #tpu.memory_space<vmem>>, %arg12: memref<160x128xf32, #tpu.memory_space<vmem>>, %arg13: memref<8x!tpu.dma_semaphore, #tpu.memory_space<semaphore_mem>>, %arg14: memref<!tpu.dma_semaphore, #tpu.memory_space<semaphore_mem>>) attributes {dimension_semantics = [#tpu.dimension_semantics<core_parallel>, #tpu.dimension_semantics<subcore_parallel>], iteration_bounds = array<i64: 2, 16>, scalar_prefetch = 0 : i64, scratch_operands = 9 : i64, tpu.core_type = #tpu.core_type<sc_vector_subcore>, window_params = [{transform_indices = #map}, {transform_indices = #map1}, {transform_indices = #map}, {transform_indices = #map}]} {
    %mul3A = arith.constant 2 : i32
    %mul3A_0 = arith.muli %arg1, %mul3A : i32
    %add3A = arith.addi %mul3A_0, %arg0 : i32
    %mul3A_1 = arith.constant 160 : i32
    %mul3A_2 = arith.muli %add3A, %mul3A_1 : i32
    %iota3A = tpu.iota {dimensions = array<i32: 0>} : vector<16xi32>
    %mul3A_3 = arith.constant 32 : i32
    %mul3A_4 = vector.broadcast %mul3A_3 : i32 to vector<16xi32>
    %mul3A_5 = arith.muli %iota3A, %mul3A_4 : vector<16xi32>
    %add3A_6 = arith.constant 0 : i32
    %add3A_7 = arith.addi %add3A_6, %add3A : i32
    %add3A_8 = vector.broadcast %add3A_7 : i32 to vector<16xi32>
    %add3A_9 = arith.addi %mul3A_5, %add3A_8 : vector<16xi32>
    %shift_right_arithmetic3A = arith.constant 1 : i32
    %shift_right_arithmetic3A_10 = vector.broadcast %shift_right_arithmetic3A : i32 to vector<16xi32>
    %shift_right_arithmetic3A_11 = arith.shrsi %add3A_9, %shift_right_arithmetic3A_10 : vector<16xi32>
    %swap3A = arith.constant 0 : index
    %swap3A_12 = tpu.vector_load %arg9[%swap3A] {strides = array<i32>} : memref<160xi32, #tpu.memory_space<vmem>>, vector<16xi32>,
    %swap3A_13 = vector.shape_cast %swap3A_12 : vector<16xi32> to vector<16xi32>
    %swap3A_14 = vector.shape_cast %shift_right_arithmetic3A_11 : vector<16xi32> to vector<16xi32>
    tpu.vector_store %arg9[%swap3A], %swap3A_14 {strides = array<i32>} : memref<160xi32, #tpu.memory_space<vmem>>, vector<16xi32>,
    %mul3A_15 = arith.constant 3277 : i32
    %mul3A_16 = vector.broadcast %mul3A_15 : i32 to vector<16xi32>
    %mul3A_17 = arith.muli %add3A_9, %mul3A_16 : vector<16xi32>
    %shift_right_arithmetic3A_18 = arith.constant 16 : i32
    %shift_right_arithmetic3A_19 = vector.broadcast %shift_right_arithmetic3A_18 : i32 to vector<16xi32>
    %shift_right_arithmetic3A_20 = arith.shrsi %mul3A_17, %shift_right_arithmetic3A_19 : vector<16xi32>
    %mul3A_21 = arith.constant 20 : i32
    %mul3A_22 = vector.broadcast %mul3A_21 : i32 to vector<16xi32>
    %mul3A_23 = arith.muli %shift_right_arithmetic3A_20, %mul3A_22 : vector<16xi32>
    %sub3A = arith.subi %add3A_9, %mul3A_23 : vector<16xi32>
    %mul3A_24 = arith.constant 256 : i32
    %mul3A_25 = vector.broadcast %mul3A_24 : i32 to vector<16xi32>
    %mul3A_26 = arith.muli %sub3A, %mul3A_25 : vector<16xi32>
    %add3A_27 = arith.addi %mul3A_26, %shift_right_arithmetic3A_20 : vector<16xi32>
    %swap3A_28 = arith.constant 0 : i32
    %swap3A_29 = arith.index_cast %swap3A_28 : i32 to index
    %swap3A_30 = arith.constant 0 : index
    %swap3A_31 = tpu.vector_load %arg10[%swap3A_29, %swap3A_30] {strides = array<i32>} : memref<2x80xi32, #tpu.memory_space<vmem>>, vector<1x16xi32>,
    %swap3A_32 = vector.shape_cast %swap3A_31 : vector<1x16xi32> to vector<16xi32>
    %swap3A_33 = vector.shape_cast %add3A_27 : vector<16xi32> to vector<1x16xi32>
    tpu.vector_store %arg10[%swap3A_29, %swap3A_30], %swap3A_33 {strides = array<i32>} : memref<2x80xi32, #tpu.memory_space<vmem>>, vector<1x16xi32>,
    %iota3A_34 = tpu.iota {dimensions = array<i32: 0>} : vector<16xi32>
    %mul3A_35 = arith.constant 32 : i32
    %mul3A_36 = vector.broadcast %mul3A_35 : i32 to vector<16xi32>
    %mul3A_37 = arith.muli %iota3A_34, %mul3A_36 : vector<16xi32>
    %add3A_38 = arith.constant 512 : i32
    %add3A_39 = arith.addi %add3A_38, %add3A : i32
    %add3A_40 = vector.broadcast %add3A_39 : i32 to vector<16xi32>
    %add3A_41 = arith.addi %mul3A_37, %add3A_40 : vector<16xi32>
    %shift_right_arithmetic3A_42 = arith.constant 1 : i32
    %shift_right_arithmetic3A_43 = vector.broadcast %shift_right_arithmetic3A_42 : i32 to vector<16xi32>
    %shift_right_arithmetic3A_44 = arith.shrsi %add3A_41, %shift_right_arithmetic3A_43 : vector<16xi32>
    %swap3A_45 = arith.constant 16 : index
    %swap3A_46 = tpu.vector_load %arg9[%swap3A_45] {strides = array<i32>} : memref<160xi32, #tpu.memory_space<vmem>>, vector<16xi32>,
    %swap3A_47 = vector.shape_cast %swap3A_46 : vector<16xi32> to vector<16xi32>
    %swap3A_48 = vector.shape_cast %shift_right_arithmetic3A_44 : vector<16xi32> to vector<16xi32>
    tpu.vector_store %arg9[%swap3A_45], %swap3A_48 {strides = array<i32>} : memref<160xi32, #tpu.memory_space<vmem>>, vector<16xi32>,
    %mul3A_49 = arith.constant 3277 : i32
    %mul3A_50 = vector.broadcast %mul3A_49 : i32 to vector<16xi32>
    %mul3A_51 = arith.muli %add3A_41, %mul3A_50 : vector<16xi32>
    %shift_right_arithmetic3A_52 = arith.constant 16 : i32
    %shift_right_arithmetic3A_53 = vector.broadcast %shift_right_arithmetic3A_52 : i32 to vector<16xi32>
    %shift_right_arithmetic3A_54 = arith.shrsi %mul3A_51, %shift_right_arithmetic3A_53 : vector<16xi32>
    %mul3A_55 = arith.constant 20 : i32
    %mul3A_56 = vector.broadcast %mul3A_55 : i32 to vector<16xi32>
    %mul3A_57 = arith.muli %shift_right_arithmetic3A_54, %mul3A_56 : vector<16xi32>
    %sub3A_58 = arith.subi %add3A_41, %mul3A_57 : vector<16xi32>
    %mul3A_59 = arith.constant 256 : i32
    %mul3A_60 = vector.broadcast %mul3A_59 : i32 to vector<16xi32>
    %mul3A_61 = arith.muli %sub3A_58, %mul3A_60 : vector<16xi32>
    %add3A_62 = arith.addi %mul3A_61, %shift_right_arithmetic3A_54 : vector<16xi32>
    %swap3A_63 = arith.constant 0 : i32
    %swap3A_64 = arith.index_cast %swap3A_63 : i32 to index
    %swap3A_65 = arith.constant 16 : index
    %swap3A_66 = tpu.vector_load %arg10[%swap3A_64, %swap3A_65] {strides = array<i32>} : memref<2x80xi32, #tpu.memory_space<vmem>>, vector<1x16xi32>,
    %swap3A_67 = vector.shape_cast %swap3A_66 : vector<1x16xi32> to vector<16xi32>
    %swap3A_68 = vector.shape_cast %add3A_62 : vector<16xi32> to vector<1x16xi32>
    tpu.vector_store %arg10[%swap3A_64, %swap3A_65], %swap3A_68 {strides = array<i32>} : memref<2x80xi32, #tpu.memory_space<vmem>>, vector<1x16xi32>,
    %iota3A_69 = tpu.iota {dimensions = array<i32: 0>} : vector<16xi32>
    %mul3A_70 = arith.constant 32 : i32
    %mul3A_71 = vector.broadcast %mul3A_70 : i32 to vector<16xi32>
    %mul3A_72 = arith.muli %iota3A_69, %mul3A_71 : vector<16xi32>
    %add3A_73 = arith.constant 1024 : i32
    %add3A_74 = arith.addi %add3A_73, %add3A : i32
    %add3A_75 = vector.broadcast %add3A_74 : i32 to vector<16xi32>
    %add3A_76 = arith.addi %mul3A_72, %add3A_75 : vector<16xi32>
    %shift_right_arithmetic3A_77 = arith.constant 1 : i32
    %shift_right_arithmetic3A_78 = vector.broadcast %shift_right_arithmetic3A_77 : i32 to vector<16xi32>
    %shift_right_arithmetic3A_79 = arith.shrsi %add3A_76, %shift_right_arithmetic3A_78 : vector<16xi32>
    %swap3A_80 = arith.constant 32 : index
    %swap3A_81 = tpu.vector_load %arg9[%swap3A_80] {strides = array<i32>} : memref<160xi32, #tpu.memory_space<vmem>>, vector<16xi32>,
    %swap3A_82 = vector.shape_cast %swap3A_81 : vector<16xi32> to vector<16xi32>
    %swap3A_83 = vector.shape_cast %shift_right_arithmetic3A_79 : vector<16xi32> to vector<16xi32>
    tpu.vector_store %arg9[%swap3A_80], %swap3A_83 {strides = array<i32>} : memref<160xi32, #tpu.memory_space<vmem>>, vector<16xi32>,
    %mul3A_84 = arith.constant 3277 : i32
    %mul3A_85 = vector.broadcast %mul3A_84 : i32 to vector<16xi32>
    %mul3A_86 = arith.muli %add3A_76, %mul3A_85 : vector<16xi32>
    %shift_right_arithmetic3A_87 = arith.constant 16 : i32
    %shift_right_arithmetic3A_88 = vector.broadcast %shift_right_arithmetic3A_87 : i32 to vector<16xi32>
    %shift_right_arithmetic3A_89 = arith.shrsi %mul3A_86, %shift_right_arithmetic3A_88 : vector<16xi32>
    %mul3A_90 = arith.constant 20 : i32
    %mul3A_91 = vector.broadcast %mul3A_90 : i32 to vector<16xi32>
    %mul3A_92 = arith.muli %shift_right_arithmetic3A_89, %mul3A_91 : vector<16xi32>
    %sub3A_93 = arith.subi %add3A_76, %mul3A_92 : vector<16xi32>
    %mul3A_94 = arith.constant 256 : i32
    %mul3A_95 = vector.broadcast %mul3A_94 : i32 to vector<16xi32>
    %mul3A_96 = arith.muli %sub3A_93, %mul3A_95 : vector<16xi32>
    %add3A_97 = arith.addi %mul3A_96, %shift_right_arithmetic3A_89 : vector<16xi32>
    %swap3A_98 = arith.constant 0 : i32
    %swap3A_99 = arith.index_cast %swap3A_98 : i32 to index
    %swap3A_100 = arith.constant 32 : index
    %swap3A_101 = tpu.vector_load %arg10[%swap3A_99, %swap3A_100] {strides = array<i32>} : memref<2x80xi32, #tpu.memory_space<vmem>>, vector<1x16xi32>,
    %swap3A_102 = vector.shape_cast %swap3A_101 : vector<1x16xi32> to vector<16xi32>
    %swap3A_103 = vector.shape_cast %add3A_97 : vector<16xi32> to vector<1x16xi32>
    tpu.vector_store %arg10[%swap3A_99, %swap3A_100], %swap3A_103 {strides = array<i32>} : memref<2x80xi32, #tpu.memory_space<vmem>>, vector<1x16xi32>,
    %iota3A_104 = tpu.iota {dimensions = array<i32: 0>} : vector<16xi32>
    %mul3A_105 = arith.constant 32 : i32
    %mul3A_106 = vector.broadcast %mul3A_105 : i32 to vector<16xi32>
    %mul3A_107 = arith.muli %iota3A_104, %mul3A_106 : vector<16xi32>
    %add3A_108 = arith.constant 1536 : i32
    %add3A_109 = arith.addi %add3A_108, %add3A : i32
    %add3A_110 = vector.broadcast %add3A_109 : i32 to vector<16xi32>
    %add3A_111 = arith.addi %mul3A_107, %add3A_110 : vector<16xi32>
    %shift_right_arithmetic3A_112 = arith.constant 1 : i32
    %shift_right_arithmetic3A_113 = vector.broadcast %shift_right_arithmetic3A_112 : i32 to vector<16xi32>
    %shift_right_arithmetic3A_114 = arith.shrsi %add3A_111, %shift_right_arithmetic3A_113 : vector<16xi32>
    %swap3A_115 = arith.constant 48 : index
    %swap3A_116 = tpu.vector_load %arg9[%swap3A_115] {strides = array<i32>} : memref<160xi32, #tpu.memory_space<vmem>>, vector<16xi32>,
    %swap3A_117 = vector.shape_cast %swap3A_116 : vector<16xi32> to vector<16xi32>
    %swap3A_118 = vector.shape_cast %shift_right_arithmetic3A_114 : vector<16xi32> to vector<16xi32>
    tpu.vector_store %arg9[%swap3A_115], %swap3A_118 {strides = array<i32>} : memref<160xi32, #tpu.memory_space<vmem>>, vector<16xi32>,
    %mul3A_119 = arith.constant 3277 : i32
    %mul3A_120 = vector.broadcast %mul3A_119 : i32 to vector<16xi32>
    %mul3A_121 = arith.muli %add3A_111, %mul3A_120 : vector<16xi32>
    %shift_right_arithmetic3A_122 = arith.constant 16 : i32
    %shift_right_arithmetic3A_123 = vector.broadcast %shift_right_arithmetic3A_122 : i32 to vector<16xi32>
    %shift_right_arithmetic3A_124 = arith.shrsi %mul3A_121, %shift_right_arithmetic3A_123 : vector<16xi32>
    %mul3A_125 = arith.constant 20 : i32
    %mul3A_126 = vector.broadcast %mul3A_125 : i32 to vector<16xi32>
    %mul3A_127 = arith.muli %shift_right_arithmetic3A_124, %mul3A_126 : vector<16xi32>
    %sub3A_128 = arith.subi %add3A_111, %mul3A_127 : vector<16xi32>
    %mul3A_129 = arith.constant 256 : i32
    %mul3A_130 = vector.broadcast %mul3A_129 : i32 to vector<16xi32>
    %mul3A_131 = arith.muli %sub3A_128, %mul3A_130 : vector<16xi32>
    %add3A_132 = arith.addi %mul3A_131, %shift_right_arithmetic3A_124 : vector<16xi32>
    %swap3A_133 = arith.constant 0 : i32
    %swap3A_134 = arith.index_cast %swap3A_133 : i32 to index
    %swap3A_135 = arith.constant 48 : index
    %swap3A_136 = tpu.vector_load %arg10[%swap3A_134, %swap3A_135] {strides = array<i32>} : memref<2x80xi32, #tpu.memory_space<vmem>>, vector<1x16xi32>,
    %swap3A_137 = vector.shape_cast %swap3A_136 : vector<1x16xi32> to vector<16xi32>
    %swap3A_138 = vector.shape_cast %add3A_132 : vector<16xi32> to vector<1x16xi32>
    tpu.vector_store %arg10[%swap3A_134, %swap3A_135], %swap3A_138 {strides = array<i32>} : memref<2x80xi32, #tpu.memory_space<vmem>>, vector<1x16xi32>,
    %iota3A_139 = tpu.iota {dimensions = array<i32: 0>} : vector<16xi32>
    %mul3A_140 = arith.constant 32 : i32
    %mul3A_141 = vector.broadcast %mul3A_140 : i32 to vector<16xi32>
    %mul3A_142 = arith.muli %iota3A_139, %mul3A_141 : vector<16xi32>
    %add3A_143 = arith.constant 2048 : i32
    %add3A_144 = arith.addi %add3A_143, %add3A : i32
    %add3A_145 = vector.broadcast %add3A_144 : i32 to vector<16xi32>
    %add3A_146 = arith.addi %mul3A_142, %add3A_145 : vector<16xi32>
    %shift_right_arithmetic3A_147 = arith.constant 1 : i32
    %shift_right_arithmetic3A_148 = vector.broadcast %shift_right_arithmetic3A_147 : i32 to vector<16xi32>
    %shift_right_arithmetic3A_149 = arith.shrsi %add3A_146, %shift_right_arithmetic3A_148 : vector<16xi32>
    %swap3A_150 = arith.constant 64 : index
    %swap3A_151 = tpu.vector_load %arg9[%swap3A_150] {strides = array<i32>} : memref<160xi32, #tpu.memory_space<vmem>>, vector<16xi32>,
    %swap3A_152 = vector.shape_cast %swap3A_151 : vector<16xi32> to vector<16xi32>
    %swap3A_153 = vector.shape_cast %shift_right_arithmetic3A_149 : vector<16xi32> to vector<16xi32>
    tpu.vector_store %arg9[%swap3A_150], %swap3A_153 {strides = array<i32>} : memref<160xi32, #tpu.memory_space<vmem>>, vector<16xi32>,
    %mul3A_154 = arith.constant 3277 : i32
    %mul3A_155 = vector.broadcast %mul3A_154 : i32 to vector<16xi32>
    %mul3A_156 = arith.muli %add3A_146, %mul3A_155 : vector<16xi32>
    %shift_right_arithmetic3A_157 = arith.constant 16 : i32
    %shift_right_arithmetic3A_158 = vector.broadcast %shift_right_arithmetic3A_157 : i32 to vector<16xi32>
    %shift_right_arithmetic3A_159 = arith.shrsi %mul3A_156, %shift_right_arithmetic3A_158 : vector<16xi32>
    %mul3A_160 = arith.constant 20 : i32
    %mul3A_161 = vector.broadcast %mul3A_160 : i32 to vector<16xi32>
    %mul3A_162 = arith.muli %shift_right_arithmetic3A_159, %mul3A_161 : vector<16xi32>
    %sub3A_163 = arith.subi %add3A_146, %mul3A_162 : vector<16xi32>
    %mul3A_164 = arith.constant 256 : i32
    %mul3A_165 = vector.broadcast %mul3A_164 : i32 to vector<16xi32>
    %mul3A_166 = arith.muli %sub3A_163, %mul3A_165 : vector<16xi32>
    %add3A_167 = arith.addi %mul3A_166, %shift_right_arithmetic3A_159 : vector<16xi32>
    %swap3A_168 = arith.constant 0 : i32
    %swap3A_169 = arith.index_cast %swap3A_168 : i32 to index
    %swap3A_170 = arith.constant 64 : index
    %swap3A_171 = tpu.vector_load %arg10[%swap3A_169, %swap3A_170] {strides = array<i32>} : memref<2x80xi32, #tpu.memory_space<vmem>>, vector<1x16xi32>,
    %swap3A_172 = vector.shape_cast %swap3A_171 : vector<1x16xi32> to vector<16xi32>
    %swap3A_173 = vector.shape_cast %add3A_167 : vector<16xi32> to vector<1x16xi32>
    tpu.vector_store %arg10[%swap3A_169, %swap3A_170], %swap3A_173 {strides = array<i32>} : memref<2x80xi32, #tpu.memory_space<vmem>>, vector<1x16xi32>,
    %iota3A_174 = tpu.iota {dimensions = array<i32: 0>} : vector<16xi32>
    %mul3A_175 = arith.constant 32 : i32
    %mul3A_176 = vector.broadcast %mul3A_175 : i32 to vector<16xi32>
    %mul3A_177 = arith.muli %iota3A_174, %mul3A_176 : vector<16xi32>
    %add3A_178 = arith.constant 2560 : i32
    %add3A_179 = arith.addi %add3A_178, %add3A : i32
    %add3A_180 = vector.broadcast %add3A_179 : i32 to vector<16xi32>
    %add3A_181 = arith.addi %mul3A_177, %add3A_180 : vector<16xi32>
    %shift_right_arithmetic3A_182 = arith.constant 1 : i32
    %shift_right_arithmetic3A_183 = vector.broadcast %shift_right_arithmetic3A_182 : i32 to vector<16xi32>
    %shift_right_arithmetic3A_184 = arith.shrsi %add3A_181, %shift_right_arithmetic3A_183 : vector<16xi32>
    %swap3A_185 = arith.constant 80 : index
    %swap3A_186 = tpu.vector_load %arg9[%swap3A_185] {strides = array<i32>} : memref<160xi32, #tpu.memory_space<vmem>>, vector<16xi32>,
    %swap3A_187 = vector.shape_cast %swap3A_186 : vector<16xi32> to vector<16xi32>
    %swap3A_188 = vector.shape_cast %shift_right_arithmetic3A_184 : vector<16xi32> to vector<16xi32>
    tpu.vector_store %arg9[%swap3A_185], %swap3A_188 {strides = array<i32>} : memref<160xi32, #tpu.memory_space<vmem>>, vector<16xi32>,
    %mul3A_189 = arith.constant 3277 : i32
    %mul3A_190 = vector.broadcast %mul3A_189 : i32 to vector<16xi32>
    %mul3A_191 = arith.muli %add3A_181, %mul3A_190 : vector<16xi32>
    %shift_right_arithmetic3A_192 = arith.constant 16 : i32
    %shift_right_arithmetic3A_193 = vector.broadcast %shift_right_arithmetic3A_192 : i32 to vector<16xi32>
    %shift_right_arithmetic3A_194 = arith.shrsi %mul3A_191, %shift_right_arithmetic3A_193 : vector<16xi32>
    %mul3A_195 = arith.constant 20 : i32
    %mul3A_196 = vector.broadcast %mul3A_195 : i32 to vector<16xi32>
    %mul3A_197 = arith.muli %shift_right_arithmetic3A_194, %mul3A_196 : vector<16xi32>
    %sub3A_198 = arith.subi %add3A_181, %mul3A_197 : vector<16xi32>
    %mul3A_199 = arith.constant 256 : i32
    %mul3A_200 = vector.broadcast %mul3A_199 : i32 to vector<16xi32>
    %mul3A_201 = arith.muli %sub3A_198, %mul3A_200 : vector<16xi32>
    %add3A_202 = arith.addi %mul3A_201, %shift_right_arithmetic3A_194 : vector<16xi32>
    %swap3A_203 = arith.constant 1 : i32
    %swap3A_204 = arith.index_cast %swap3A_203 : i32 to index
    %swap3A_205 = arith.constant 0 : index
    %swap3A_206 = tpu.vector_load %arg10[%swap3A_204, %swap3A_205] {strides = array<i32>} : memref<2x80xi32, #tpu.memory_space<vmem>>, vector<1x16xi32>,
    %swap3A_207 = vector.shape_cast %swap3A_206 : vector<1x16xi32> to vector<16xi32>
    %swap3A_208 = vector.shape_cast %add3A_202 : vector<16xi32> to vector<1x16xi32>
    tpu.vector_store %arg10[%swap3A_204, %swap3A_205], %swap3A_208 {strides = array<i32>} : memref<2x80xi32, #tpu.memory_space<vmem>>, vector<1x16xi32>,
    %iota3A_209 = tpu.iota {dimensions = array<i32: 0>} : vector<16xi32>
    %mul3A_210 = arith.constant 32 : i32
    %mul3A_211 = vector.broadcast %mul3A_210 : i32 to vector<16xi32>
    %mul3A_212 = arith.muli %iota3A_209, %mul3A_211 : vector<16xi32>
    %add3A_213 = arith.constant 3072 : i32
    %add3A_214 = arith.addi %add3A_213, %add3A : i32
    %add3A_215 = vector.broadcast %add3A_214 : i32 to vector<16xi32>
    %add3A_216 = arith.addi %mul3A_212, %add3A_215 : vector<16xi32>
    %shift_right_arithmetic3A_217 = arith.constant 1 : i32
    %shift_right_arithmetic3A_218 = vector.broadcast %shift_right_arithmetic3A_217 : i32 to vector<16xi32>
    %shift_right_arithmetic3A_219 = arith.shrsi %add3A_216, %shift_right_arithmetic3A_218 : vector<16xi32>
    %swap3A_220 = arith.constant 96 : index
    %swap3A_221 = tpu.vector_load %arg9[%swap3A_220] {strides = array<i32>} : memref<160xi32, #tpu.memory_space<vmem>>, vector<16xi32>,
    %swap3A_222 = vector.shape_cast %swap3A_221 : vector<16xi32> to vector<16xi32>
    %swap3A_223 = vector.shape_cast %shift_right_arithmetic3A_219 : vector<16xi32> to vector<16xi32>
    tpu.vector_store %arg9[%swap3A_220], %swap3A_223 {strides = array<i32>} : memref<160xi32, #tpu.memory_space<vmem>>, vector<16xi32>,
    %mul3A_224 = arith.constant 3277 : i32
    %mul3A_225 = vector.broadcast %mul3A_224 : i32 to vector<16xi32>
    %mul3A_226 = arith.muli %add3A_216, %mul3A_225 : vector<16xi32>
    %shift_right_arithmetic3A_227 = arith.constant 16 : i32
    %shift_right_arithmetic3A_228 = vector.broadcast %shift_right_arithmetic3A_227 : i32 to vector<16xi32>
    %shift_right_arithmetic3A_229 = arith.shrsi %mul3A_226, %shift_right_arithmetic3A_228 : vector<16xi32>
    %mul3A_230 = arith.constant 20 : i32
    %mul3A_231 = vector.broadcast %mul3A_230 : i32 to vector<16xi32>
    %mul3A_232 = arith.muli %shift_right_arithmetic3A_229, %mul3A_231 : vector<16xi32>
    %sub3A_233 = arith.subi %add3A_216, %mul3A_232 : vector<16xi32>
    %mul3A_234 = arith.constant 256 : i32
    %mul3A_235 = vector.broadcast %mul3A_234 : i32 to vector<16xi32>
    %mul3A_236 = arith.muli %sub3A_233, %mul3A_235 : vector<16xi32>
    %add3A_237 = arith.addi %mul3A_236, %shift_right_arithmetic3A_229 : vector<16xi32>
    %swap3A_238 = arith.constant 1 : i32
    %swap3A_239 = arith.index_cast %swap3A_238 : i32 to index
    %swap3A_240 = arith.constant 16 : index
    %swap3A_241 = tpu.vector_load %arg10[%swap3A_239, %swap3A_240] {strides = array<i32>} : memref<2x80xi32, #tpu.memory_space<vmem>>, vector<1x16xi32>,
    %swap3A_242 = vector.shape_cast %swap3A_241 : vector<1x16xi32> to vector<16xi32>
    %swap3A_243 = vector.shape_cast %add3A_237 : vector<16xi32> to vector<1x16xi32>
    tpu.vector_store %arg10[%swap3A_239, %swap3A_240], %swap3A_243 {strides = array<i32>} : memref<2x80xi32, #tpu.memory_space<vmem>>, vector<1x16xi32>,
    %iota3A_244 = tpu.iota {dimensions = array<i32: 0>} : vector<16xi32>
    %mul3A_245 = arith.constant 32 : i32
    %mul3A_246 = vector.broadcast %mul3A_245 : i32 to vector<16xi32>
    %mul3A_247 = arith.muli %iota3A_244, %mul3A_246 : vector<16xi32>
    %add3A_248 = arith.constant 3584 : i32
    %add3A_249 = arith.addi %add3A_248, %add3A : i32
    %add3A_250 = vector.broadcast %add3A_249 : i32 to vector<16xi32>
    %add3A_251 = arith.addi %mul3A_247, %add3A_250 : vector<16xi32>
    %shift_right_arithmetic3A_252 = arith.constant 1 : i32
    %shift_right_arithmetic3A_253 = vector.broadcast %shift_right_arithmetic3A_252 : i32 to vector<16xi32>
    %shift_right_arithmetic3A_254 = arith.shrsi %add3A_251, %shift_right_arithmetic3A_253 : vector<16xi32>
    %swap3A_255 = arith.constant 112 : index
    %swap3A_256 = tpu.vector_load %arg9[%swap3A_255] {strides = array<i32>} : memref<160xi32, #tpu.memory_space<vmem>>, vector<16xi32>,
    %swap3A_257 = vector.shape_cast %swap3A_256 : vector<16xi32> to vector<16xi32>
    %swap3A_258 = vector.shape_cast %shift_right_arithmetic3A_254 : vector<16xi32> to vector<16xi32>
    tpu.vector_store %arg9[%swap3A_255], %swap3A_258 {strides = array<i32>} : memref<160xi32, #tpu.memory_space<vmem>>, vector<16xi32>,
    %mul3A_259 = arith.constant 3277 : i32
    %mul3A_260 = vector.broadcast %mul3A_259 : i32 to vector<16xi32>
    %mul3A_261 = arith.muli %add3A_251, %mul3A_260 : vector<16xi32>
    %shift_right_arithmetic3A_262 = arith.constant 16 : i32
    %shift_right_arithmetic3A_263 = vector.broadcast %shift_right_arithmetic3A_262 : i32 to vector<16xi32>
    %shift_right_arithmetic3A_264 = arith.shrsi %mul3A_261, %shift_right_arithmetic3A_263 : vector<16xi32>
    %mul3A_265 = arith.constant 20 : i32
    %mul3A_266 = vector.broadcast %mul3A_265 : i32 to vector<16xi32>
    %mul3A_267 = arith.muli %shift_right_arithmetic3A_264, %mul3A_266 : vector<16xi32>
    %sub3A_268 = arith.subi %add3A_251, %mul3A_267 : vector<16xi32>
    %mul3A_269 = arith.constant 256 : i32
    %mul3A_270 = vector.broadcast %mul3A_269 : i32 to vector<16xi32>
    %mul3A_271 = arith.muli %sub3A_268, %mul3A_270 : vector<16xi32>
    %add3A_272 = arith.addi %mul3A_271, %shift_right_arithmetic3A_264 : vector<16xi32>
    %swap3A_273 = arith.constant 1 : i32
    %swap3A_274 = arith.index_cast %swap3A_273 : i32 to index
    %swap3A_275 = arith.constant 32 : index
    %swap3A_276 = tpu.vector_load %arg10[%swap3A_274, %swap3A_275] {strides = array<i32>} : memref<2x80xi32, #tpu.memory_space<vmem>>, vector<1x16xi32>,
    %swap3A_277 = vector.shape_cast %swap3A_276 : vector<1x16xi32> to vector<16xi32>
    %swap3A_278 = vector.shape_cast %add3A_272 : vector<16xi32> to vector<1x16xi32>
    tpu.vector_store %arg10[%swap3A_274, %swap3A_275], %swap3A_278 {strides = array<i32>} : memref<2x80xi32, #tpu.memory_space<vmem>>, vector<1x16xi32>,
    %iota3A_279 = tpu.iota {dimensions = array<i32: 0>} : vector<16xi32>
    %mul3A_280 = arith.constant 32 : i32
    %mul3A_281 = vector.broadcast %mul3A_280 : i32 to vector<16xi32>
    %mul3A_282 = arith.muli %iota3A_279, %mul3A_281 : vector<16xi32>
    %add3A_283 = arith.constant 4096 : i32
    %add3A_284 = arith.addi %add3A_283, %add3A : i32
    %add3A_285 = vector.broadcast %add3A_284 : i32 to vector<16xi32>
    %add3A_286 = arith.addi %mul3A_282, %add3A_285 : vector<16xi32>
    %shift_right_arithmetic3A_287 = arith.constant 1 : i32
    %shift_right_arithmetic3A_288 = vector.broadcast %shift_right_arithmetic3A_287 : i32 to vector<16xi32>
    %shift_right_arithmetic3A_289 = arith.shrsi %add3A_286, %shift_right_arithmetic3A_288 : vector<16xi32>
    %swap3A_290 = arith.constant 128 : index
    %swap3A_291 = tpu.vector_load %arg9[%swap3A_290] {strides = array<i32>} : memref<160xi32, #tpu.memory_space<vmem>>, vector<16xi32>,
    %swap3A_292 = vector.shape_cast %swap3A_291 : vector<16xi32> to vector<16xi32>
    %swap3A_293 = vector.shape_cast %shift_right_arithmetic3A_289 : vector<16xi32> to vector<16xi32>
    tpu.vector_store %arg9[%swap3A_290], %swap3A_293 {strides = array<i32>} : memref<160xi32, #tpu.memory_space<vmem>>, vector<16xi32>,
    %mul3A_294 = arith.constant 3277 : i32
    %mul3A_295 = vector.broadcast %mul3A_294 : i32 to vector<16xi32>
    %mul3A_296 = arith.muli %add3A_286, %mul3A_295 : vector<16xi32>
    %shift_right_arithmetic3A_297 = arith.constant 16 : i32
    %shift_right_arithmetic3A_298 = vector.broadcast %shift_right_arithmetic3A_297 : i32 to vector<16xi32>
    %shift_right_arithmetic3A_299 = arith.shrsi %mul3A_296, %shift_right_arithmetic3A_298 : vector<16xi32>
    %mul3A_300 = arith.constant 20 : i32
    %mul3A_301 = vector.broadcast %mul3A_300 : i32 to vector<16xi32>
    %mul3A_302 = arith.muli %shift_right_arithmetic3A_299, %mul3A_301 : vector<16xi32>
    %sub3A_303 = arith.subi %add3A_286, %mul3A_302 : vector<16xi32>
    %mul3A_304 = arith.constant 256 : i32
    %mul3A_305 = vector.broadcast %mul3A_304 : i32 to vector<16xi32>
    %mul3A_306 = arith.muli %sub3A_303, %mul3A_305 : vector<16xi32>
    %add3A_307 = arith.addi %mul3A_306, %shift_right_arithmetic3A_299 : vector<16xi32>
    %swap3A_308 = arith.constant 1 : i32
    %swap3A_309 = arith.index_cast %swap3A_308 : i32 to index
    %swap3A_310 = arith.constant 48 : index
    %swap3A_311 = tpu.vector_load %arg10[%swap3A_309, %swap3A_310] {strides = array<i32>} : memref<2x80xi32, #tpu.memory_space<vmem>>, vector<1x16xi32>,
    %swap3A_312 = vector.shape_cast %swap3A_311 : vector<1x16xi32> to vector<16xi32>
    %swap3A_313 = vector.shape_cast %add3A_307 : vector<16xi32> to vector<1x16xi32>
    tpu.vector_store %arg10[%swap3A_309, %swap3A_310], %swap3A_313 {strides = array<i32>} : memref<2x80xi32, #tpu.memory_space<vmem>>, vector<1x16xi32>,
    %iota3A_314 = tpu.iota {dimensions = array<i32: 0>} : vector<16xi32>
    %mul3A_315 = arith.constant 32 : i32
    %mul3A_316 = vector.broadcast %mul3A_315 : i32 to vector<16xi32>
    %mul3A_317 = arith.muli %iota3A_314, %mul3A_316 : vector<16xi32>
    %add3A_318 = arith.constant 4608 : i32
    %add3A_319 = arith.addi %add3A_318, %add3A : i32
    %add3A_320 = vector.broadcast %add3A_319 : i32 to vector<16xi32>
    %add3A_321 = arith.addi %mul3A_317, %add3A_320 : vector<16xi32>
    %shift_right_arithmetic3A_322 = arith.constant 1 : i32
    %shift_right_arithmetic3A_323 = vector.broadcast %shift_right_arithmetic3A_322 : i32 to vector<16xi32>
    %shift_right_arithmetic3A_324 = arith.shrsi %add3A_321, %shift_right_arithmetic3A_323 : vector<16xi32>
    %swap3A_325 = arith.constant 144 : index
    %swap3A_326 = tpu.vector_load %arg9[%swap3A_325] {strides = array<i32>} : memref<160xi32, #tpu.memory_space<vmem>>, vector<16xi32>,
    %swap3A_327 = vector.shape_cast %swap3A_326 : vector<16xi32> to vector<16xi32>
    %swap3A_328 = vector.shape_cast %shift_right_arithmetic3A_324 : vector<16xi32> to vector<16xi32>
    tpu.vector_store %arg9[%swap3A_325], %swap3A_328 {strides = array<i32>} : memref<160xi32, #tpu.memory_space<vmem>>, vector<16xi32>,
    %mul3A_329 = arith.constant 3277 : i32
    %mul3A_330 = vector.broadcast %mul3A_329 : i32 to vector<16xi32>
    %mul3A_331 = arith.muli %add3A_321, %mul3A_330 : vector<16xi32>
    %shift_right_arithmetic3A_332 = arith.constant 16 : i32
    %shift_right_arithmetic3A_333 = vector.broadcast %shift_right_arithmetic3A_332 : i32 to vector<16xi32>
    %shift_right_arithmetic3A_334 = arith.shrsi %mul3A_331, %shift_right_arithmetic3A_333 : vector<16xi32>
    %mul3A_335 = arith.constant 20 : i32
    %mul3A_336 = vector.broadcast %mul3A_335 : i32 to vector<16xi32>
    %mul3A_337 = arith.muli %shift_right_arithmetic3A_334, %mul3A_336 : vector<16xi32>
    %sub3A_338 = arith.subi %add3A_321, %mul3A_337 : vector<16xi32>
    %mul3A_339 = arith.constant 256 : i32
    %mul3A_340 = vector.broadcast %mul3A_339 : i32 to vector<16xi32>
    %mul3A_341 = arith.muli %sub3A_338, %mul3A_340 : vector<16xi32>
    %add3A_342 = arith.addi %mul3A_341, %shift_right_arithmetic3A_334 : vector<16xi32>
    %swap3A_343 = arith.constant 1 : i32
    %swap3A_344 = arith.index_cast %swap3A_343 : i32 to index
    %swap3A_345 = arith.constant 64 : index
    %swap3A_346 = tpu.vector_load %arg10[%swap3A_344, %swap3A_345] {strides = array<i32>} : memref<2x80xi32, #tpu.memory_space<vmem>>, vector<1x16xi32>,
    %swap3A_347 = vector.shape_cast %swap3A_346 : vector<1x16xi32> to vector<16xi32>
    %swap3A_348 = vector.shape_cast %add3A_342 : vector<16xi32> to vector<1x16xi32>
    tpu.vector_store %arg10[%swap3A_344, %swap3A_345], %swap3A_348 {strides = array<i32>} : memref<2x80xi32, #tpu.memory_space<vmem>>, vector<1x16xi32>,
    %dma_start3A = arith.constant 0 : i32
    %dma_start3A_349 = arith.constant 0 : i32
    %dma_start3A_350 = tpu.memref_slice %arg6[%dma_start3A, %dma_start3A_349] : memref<160x128xi32, #tpu.memory_space<vmem>> -> memref<80x128xi32, #tpu.memory_space<vmem>>
    %dma_start3A_351 = arith.constant 0 : i32
    %dma_start3A_352 = tpu.memref_slice %arg9[%dma_start3A_351] : memref<160xi32, #tpu.memory_space<vmem>> -> memref<80xi32, #tpu.memory_space<vmem>>
    %dma_start3A_353 = arith.constant 0 : i32
    %dma_start3A_354 = arith.constant 0 : i32
    %dma_start3A_355 = tpu.memref_slice %arg2[%dma_start3A_353, %dma_start3A_354] : memref<2560x128xi32, #tpu.memory_space<hbm>> -> memref<2560x128xi32, #tpu.memory_space<hbm>>
    tpu.enqueue_indirect_dma source(%dma_start3A_355 : memref<2560x128xi32, #tpu.memory_space<hbm>>) target(%dma_start3A_350 : memref<80x128xi32, #tpu.memory_space<vmem>>) offsets(%dma_start3A_352 : memref<80xi32, #tpu.memory_space<vmem>>) semaphore(%arg14 : memref<!tpu.dma_semaphore, #tpu.memory_space<semaphore_mem>>)
    %dma_start3A_356 = arith.constant 80 : i32
    %dma_start3A_357 = arith.constant 0 : i32
    %dma_start3A_358 = tpu.memref_slice %arg6[%dma_start3A_356, %dma_start3A_357] : memref<160x128xi32, #tpu.memory_space<vmem>> -> memref<80x128xi32, #tpu.memory_space<vmem>>
    %dma_start3A_359 = arith.constant 80 : i32
    %dma_start3A_360 = tpu.memref_slice %arg9[%dma_start3A_359] : memref<160xi32, #tpu.memory_space<vmem>> -> memref<80xi32, #tpu.memory_space<vmem>>
    %dma_start3A_361 = arith.constant 0 : i32
    %dma_start3A_362 = arith.constant 0 : i32
    %dma_start3A_363 = tpu.memref_slice %arg2[%dma_start3A_361, %dma_start3A_362] : memref<2560x128xi32, #tpu.memory_space<hbm>> -> memref<2560x128xi32, #tpu.memory_space<hbm>>
    tpu.enqueue_indirect_dma source(%dma_start3A_363 : memref<2560x128xi32, #tpu.memory_space<hbm>>) target(%dma_start3A_358 : memref<80x128xi32, #tpu.memory_space<vmem>>) offsets(%dma_start3A_360 : memref<80xi32, #tpu.memory_space<vmem>>) semaphore(%arg14 : memref<!tpu.dma_semaphore, #tpu.memory_space<semaphore_mem>>)
    "tpu.region"() ({
      %run_scoped3A = tpu.sem_alloc : memref<!tpu.dma_semaphore, #tpu.memory_space<semaphore_mem>>
      %dma_start3A_630 = arith.constant 0 : i32
      %dma_start3A_631 = tpu.memref_slice %arg8[%dma_start3A_630] : memref<176xi32, #tpu.memory_space<vmem>> -> memref<160xi32, #tpu.memory_space<vmem>>
      %dma_start3A_632 = tpu.memref_slice %arg3[%mul3A_2] : memref<5120xi32, #tpu.memory_space<hbm>> -> memref<160xi32, #tpu.memory_space<hbm>>
      %dma_start3A_633 = arith.constant 0 : i32
      %dma_start3A_634 = tpu.memref_slice %arg8[%dma_start3A_633] : memref<176xi32, #tpu.memory_space<vmem>> -> memref<160xi32, #tpu.memory_space<vmem>>
      %dma_start3A_635 = tpu.memref_slice %arg3[%mul3A_2] : memref<5120xi32, #tpu.memory_space<hbm>> -> memref<160xi32, #tpu.memory_space<hbm>>
      tpu.enqueue_dma source(%dma_start3A_635 : memref<160xi32, #tpu.memory_space<hbm>>) target(%dma_start3A_634 : memref<160xi32, #tpu.memory_space<vmem>>) target_semaphore(%run_scoped3A : memref<!tpu.dma_semaphore, #tpu.memory_space<semaphore_mem>>)
      %dma_wait3A_636 = arith.constant 0 : i32
      %dma_wait3A_637 = tpu.memref_slice %arg8[%dma_wait3A_636] : memref<176xi32, #tpu.memory_space<vmem>> -> memref<160xi32, #tpu.memory_space<vmem>>
      %dma_wait3A_638 = tpu.memref_slice %arg3[%mul3A_2] : memref<5120xi32, #tpu.memory_space<hbm>> -> memref<160xi32, #tpu.memory_space<hbm>>
      %dma_wait3A_639 = arith.constant 0 : i32
      %dma_wait3A_640 = tpu.memref_slice %arg8[%dma_wait3A_639] : memref<176xi32, #tpu.memory_space<vmem>> -> memref<160xi32, #tpu.memory_space<vmem>>
      %dma_wait3A_641 = tpu.memref_slice %arg3[%mul3A_2] : memref<5120xi32, #tpu.memory_space<hbm>> -> memref<160xi32, #tpu.memory_space<hbm>>
      tpu.wait_dma2 semaphore(%run_scoped3A : memref<!tpu.dma_semaphore, #tpu.memory_space<semaphore_mem>>) src(%dma_wait3A_641 : memref<160xi32, #tpu.memory_space<hbm>>) dst(%dma_wait3A_640 : memref<160xi32, #tpu.memory_space<vmem>>)
      tpu.yield
    }) : () -> ()
    %dma_wait3A = arith.constant 0 : i32
    %dma_wait3A_364 = arith.constant 0 : i32
    %dma_wait3A_365 = tpu.memref_slice %arg6[%dma_wait3A, %dma_wait3A_364] : memref<160x128xi32, #tpu.memory_space<vmem>> -> memref<80x128xi32, #tpu.memory_space<vmem>>
    %dma_wait3A_366 = arith.constant 0 : i32
    %dma_wait3A_367 = tpu.memref_slice %arg9[%dma_wait3A_366] : memref<160xi32, #tpu.memory_space<vmem>> -> memref<80xi32, #tpu.memory_space<vmem>>
    %dma_wait3A_368 = arith.constant 0 : i32
    %dma_wait3A_369 = arith.constant 0 : i32
    %dma_wait3A_370 = tpu.memref_slice %arg2[%dma_wait3A_368, %dma_wait3A_369] : memref<2560x128xi32, #tpu.memory_space<hbm>> -> memref<2560x128xi32, #tpu.memory_space<hbm>>
    tpu.wait_indirect_dma semaphore(%arg14 : memref<!tpu.dma_semaphore, #tpu.memory_space<semaphore_mem>>) src(%dma_wait3A_370 : memref<2560x128xi32, #tpu.memory_space<hbm>>) dst(%dma_wait3A_365 : memref<80x128xi32, #tpu.memory_space<vmem>>)
    %dma_wait3A_371 = arith.constant 80 : i32
    %dma_wait3A_372 = arith.constant 0 : i32
    %dma_wait3A_373 = tpu.memref_slice %arg6[%dma_wait3A_371, %dma_wait3A_372] : memref<160x128xi32, #tpu.memory_space<vmem>> -> memref<80x128xi32, #tpu.memory_space<vmem>>
    %dma_wait3A_374 = arith.constant 80 : i32
    %dma_wait3A_375 = tpu.memref_slice %arg9[%dma_wait3A_374] : memref<160xi32, #tpu.memory_space<vmem>> -> memref<80xi32, #tpu.memory_space<vmem>>
    %dma_wait3A_376 = arith.constant 0 : i32
    %dma_wait3A_377 = arith.constant 0 : i32
    %dma_wait3A_378 = tpu.memref_slice %arg2[%dma_wait3A_376, %dma_wait3A_377] : memref<2560x128xi32, #tpu.memory_space<hbm>> -> memref<2560x128xi32, #tpu.memory_space<hbm>>
    tpu.wait_indirect_dma semaphore(%arg14 : memref<!tpu.dma_semaphore, #tpu.memory_space<semaphore_mem>>) src(%dma_wait3A_378 : memref<2560x128xi32, #tpu.memory_space<hbm>>) dst(%dma_wait3A_373 : memref<80x128xi32, #tpu.memory_space<vmem>>)
    %and3A = arith.constant 1 : i32
    %and3A_379 = arith.andi %add3A, %and3A : i32
    %mul3A_380 = arith.constant 64 : i32
    %mul3A_381 = arith.muli %and3A_379, %mul3A_380 : i32
    %scan3A = arith.constant 0 : i32
    %scan3A_382 = arith.constant 0 : i32
    %scan3A_383 = arith.constant 160 : i32
    %scan3A_384 = arith.addi %scan3A_382, %scan3A_383 : i32
    %scan3A_385 = arith.constant 1 : i32
    scf.for %scan3A_630 = %scan3A_382 to %scan3A_384 step %scan3A_385  : i32 {
      %add3A_631 = arith.constant 0 : i32
      %add3A_632 = arith.addi %mul3A_381, %add3A_631 : i32
      %get3A_633 = arith.index_cast %scan3A_630 : i32 to index
      %get3A_634 = arith.index_cast %add3A_632 : i32 to index
      %get3A_635 = tpu.vector_load %arg6[%get3A_633, %get3A_634] {strides = array<i32>} : memref<160x128xi32, #tpu.memory_space<vmem>>, vector<1x16xi32>,
      %get3A_636 = vector.shape_cast %get3A_635 : vector<1x16xi32> to vector<16xi32>
      %mul3A_637 = arith.constant 64 : i32
      %mul3A_638 = arith.muli %scan3A_630, %mul3A_637 : i32
      %add3A_639 = arith.constant 0 : i32
      %add3A_640 = arith.addi %mul3A_638, %add3A_639 : i32
      %swap3A_641 = arith.index_cast %add3A_640 : i32 to index
      %swap3A_642 = tpu.vector_load %arg7[%swap3A_641] {strides = array<i32>} : memref<10240xi32, #tpu.memory_space<vmem>>, vector<16xi32>,
      %swap3A_643 = vector.shape_cast %swap3A_642 : vector<16xi32> to vector<16xi32>
      %swap3A_644 = vector.shape_cast %get3A_636 : vector<16xi32> to vector<16xi32>
      tpu.vector_store %arg7[%swap3A_641], %swap3A_644 {strides = array<i32>} : memref<10240xi32, #tpu.memory_space<vmem>>, vector<16xi32>,
      %add3A_645 = arith.constant 16 : i32
      %add3A_646 = arith.addi %mul3A_381, %add3A_645 : i32
      %get3A_647 = arith.index_cast %scan3A_630 : i32 to index
      %get3A_648 = arith.index_cast %add3A_646 : i32 to index
      %get3A_649 = tpu.vector_load %arg6[%get3A_647, %get3A_648] {strides = array<i32>} : memref<160x128xi32, #tpu.memory_space<vmem>>, vector<1x16xi32>,
      %get3A_650 = vector.shape_cast %get3A_649 : vector<1x16xi32> to vector<16xi32>
      %mul3A_651 = arith.constant 64 : i32
      %mul3A_652 = arith.muli %scan3A_630, %mul3A_651 : i32
      %add3A_653 = arith.constant 16 : i32
      %add3A_654 = arith.addi %mul3A_652, %add3A_653 : i32
      %swap3A_655 = arith.index_cast %add3A_654 : i32 to index
      %swap3A_656 = tpu.vector_load %arg7[%swap3A_655] {strides = array<i32>} : memref<10240xi32, #tpu.memory_space<vmem>>, vector<16xi32>,
      %swap3A_657 = vector.shape_cast %swap3A_656 : vector<16xi32> to vector<16xi32>
      %swap3A_658 = vector.shape_cast %get3A_650 : vector<16xi32> to vector<16xi32>
      tpu.vector_store %arg7[%swap3A_655], %swap3A_658 {strides = array<i32>} : memref<10240xi32, #tpu.memory_space<vmem>>, vector<16xi32>,
      %add3A_659 = arith.constant 32 : i32
      %add3A_660 = arith.addi %mul3A_381, %add3A_659 : i32
      %get3A_661 = arith.index_cast %scan3A_630 : i32 to index
      %get3A_662 = arith.index_cast %add3A_660 : i32 to index
      %get3A_663 = tpu.vector_load %arg6[%get3A_661, %get3A_662] {strides = array<i32>} : memref<160x128xi32, #tpu.memory_space<vmem>>, vector<1x16xi32>,
      %get3A_664 = vector.shape_cast %get3A_663 : vector<1x16xi32> to vector<16xi32>
      %mul3A_665 = arith.constant 64 : i32
      %mul3A_666 = arith.muli %scan3A_630, %mul3A_665 : i32
      %add3A_667 = arith.constant 32 : i32
      %add3A_668 = arith.addi %mul3A_666, %add3A_667 : i32
      %swap3A_669 = arith.index_cast %add3A_668 : i32 to index
      %swap3A_670 = tpu.vector_load %arg7[%swap3A_669] {strides = array<i32>} : memref<10240xi32, #tpu.memory_space<vmem>>, vector<16xi32>,
      %swap3A_671 = vector.shape_cast %swap3A_670 : vector<16xi32> to vector<16xi32>
      %swap3A_672 = vector.shape_cast %get3A_664 : vector<16xi32> to vector<16xi32>
      tpu.vector_store %arg7[%swap3A_669], %swap3A_672 {strides = array<i32>} : memref<10240xi32, #tpu.memory_space<vmem>>, vector<16xi32>,
      %add3A_673 = arith.constant 48 : i32
      %add3A_674 = arith.addi %mul3A_381, %add3A_673 : i32
      %get3A_675 = arith.index_cast %scan3A_630 : i32 to index
      %get3A_676 = arith.index_cast %add3A_674 : i32 to index
      %get3A_677 = tpu.vector_load %arg6[%get3A_675, %get3A_676] {strides = array<i32>} : memref<160x128xi32, #tpu.memory_space<vmem>>, vector<1x16xi32>,
      %get3A_678 = vector.shape_cast %get3A_677 : vector<1x16xi32> to vector<16xi32>
      %mul3A_679 = arith.constant 64 : i32
      %mul3A_680 = arith.muli %scan3A_630, %mul3A_679 : i32
      %add3A_681 = arith.constant 48 : i32
      %add3A_682 = arith.addi %mul3A_680, %add3A_681 : i32
      %swap3A_683 = arith.index_cast %add3A_682 : i32 to index
      %swap3A_684 = tpu.vector_load %arg7[%swap3A_683] {strides = array<i32>} : memref<10240xi32, #tpu.memory_space<vmem>>, vector<16xi32>,
      %swap3A_685 = vector.shape_cast %swap3A_684 : vector<16xi32> to vector<16xi32>
      %swap3A_686 = vector.shape_cast %get3A_678 : vector<16xi32> to vector<16xi32>
      tpu.vector_store %arg7[%swap3A_683], %swap3A_686 {strides = array<i32>} : memref<10240xi32, #tpu.memory_space<vmem>>, vector<16xi32>,
    }
    %scan3A_386 = arith.constant 160 : i32
    %get3A = arith.constant 0 : index
    %get3A_387 = tpu.vector_load %arg8[%get3A] {strides = array<i32>} : memref<176xi32, #tpu.memory_space<vmem>>, vector<16xi32>,
    %get3A_388 = vector.shape_cast %get3A_387 : vector<16xi32> to vector<16xi32>
    %slice3A = vector.extract_strided_slice %get3A_388 {offsets = [0], sizes = [1], strides = [1]} : vector<16xi32> to vector<1xi32>
    %squeeze3A = vector.extract %slice3A[0] : i32 from vector<1xi32>
    %add3A_389 = arith.constant 15 : i32
    %add3A_390 = arith.addi %squeeze3A, %add3A_389 : i32
    %shift_right_arithmetic3A_391 = arith.constant 4 : i32
    %shift_right_arithmetic3A_392 = arith.shrsi %add3A_390, %shift_right_arithmetic3A_391 : i32
    %eq3A = arith.constant 1 : i32
    %eq3A_393 = arith.cmpi eq, %shift_right_arithmetic3A_392, %eq3A : i32
    %convert_element_type3A = arith.extui %eq3A_393 : i1 to i32
    %cond3A = arith.constant 0 : i32
    %cond3A_394 = arith.cmpi ne, %convert_element_type3A, %cond3A : i32
    scf.if %cond3A_394 {
      %dma_start3A_630 = arith.constant 0 : i32
      %dma_start3A_631 = arith.constant 0 : i32
      %dma_start3A_632 = arith.constant 0 : i32
      %dma_start3A_633 = arith.constant 0 : i32
      %dma_start3A_634 = tpu.memref_slice %arg11[%dma_start3A_630, %dma_start3A_632, %dma_start3A_633] : memref<8x64x128xf32, #tpu.memory_space<vmem>> -> memref<1x16x128xf32, #tpu.memory_space<vmem>>
      %dma_start3A_635 = tpu.memref_squeeze %dma_start3A_634 : memref<1x16x128xf32, #tpu.memory_space<vmem>> -> memref<16x128xf32, #tpu.memory_space<vmem>>
      %dma_start3A_636 = arith.constant 0 : i32
      %dma_start3A_637 = tpu.memref_slice %arg7[%dma_start3A_636] : memref<10240xi32, #tpu.memory_space<vmem>> -> memref<16xi32, #tpu.memory_space<vmem>>
      %dma_start3A_638 = arith.constant 0 : i32
      %dma_start3A_639 = arith.constant 0 : i32
      %dma_start3A_640 = tpu.memref_slice %arg4[%dma_start3A_638, %dma_start3A_639] : memref<30000x128xf32, #tpu.memory_space<hbm>> -> memref<30000x128xf32, #tpu.memory_space<hbm>>
      %dma_start3A_641 = tpu.memref_slice %arg13[%dma_start3A_631] : memref<8x!tpu.dma_semaphore, #tpu.memory_space<semaphore_mem>> -> memref<1x!tpu.dma_semaphore, #tpu.memory_space<semaphore_mem>>
      %dma_start3A_642 = tpu.memref_squeeze %dma_start3A_641 : memref<1x!tpu.dma_semaphore, #tpu.memory_space<semaphore_mem>> -> memref<!tpu.dma_semaphore, #tpu.memory_space<semaphore_mem>>
      tpu.enqueue_indirect_dma source(%dma_start3A_640 : memref<30000x128xf32, #tpu.memory_space<hbm>>) target(%dma_start3A_635 : memref<16x128xf32, #tpu.memory_space<vmem>>) offsets(%dma_start3A_637 : memref<16xi32, #tpu.memory_space<vmem>>) semaphore(%dma_start3A_642 : memref<!tpu.dma_semaphore, #tpu.memory_space<semaphore_mem>>)
    } else {
    }
    %eq3A_395 = arith.constant 2 : i32
    %eq3A_396 = arith.cmpi eq, %shift_right_arithmetic3A_392, %eq3A_395 : i32
    %convert_element_type3A_397 = arith.extui %eq3A_396 : i1 to i32
    %cond3A_398 = arith.constant 0 : i32
    %cond3A_399 = arith.cmpi ne, %convert_element_type3A_397, %cond3A_398 : i32
    scf.if %cond3A_399 {
      %dma_start3A_630 = arith.constant 0 : i32
      %dma_start3A_631 = arith.constant 0 : i32
      %dma_start3A_632 = arith.constant 0 : i32
      %dma_start3A_633 = arith.constant 0 : i32
      %dma_start3A_634 = tpu.memref_slice %arg11[%dma_start3A_630, %dma_start3A_632, %dma_start3A_633] : memref<8x64x128xf32, #tpu.memory_space<vmem>> -> memref<1x32x128xf32, #tpu.memory_space<vmem>>
      %dma_start3A_635 = tpu.memref_squeeze %dma_start3A_634 : memref<1x32x128xf32, #tpu.memory_space<vmem>> -> memref<32x128xf32, #tpu.memory_space<vmem>>
      %dma_start3A_636 = arith.constant 0 : i32
      %dma_start3A_637 = tpu.memref_slice %arg7[%dma_start3A_636] : memref<10240xi32, #tpu.memory_space<vmem>> -> memref<32xi32, #tpu.memory_space<vmem>>
      %dma_start3A_638 = arith.constant 0 : i32
      %dma_start3A_639 = arith.constant 0 : i32
      %dma_start3A_640 = tpu.memref_slice %arg4[%dma_start3A_638, %dma_start3A_639] : memref<30000x128xf32, #tpu.memory_space<hbm>> -> memref<30000x128xf32, #tpu.memory_space<hbm>>
      %dma_start3A_641 = tpu.memref_slice %arg13[%dma_start3A_631] : memref<8x!tpu.dma_semaphore, #tpu.memory_space<semaphore_mem>> -> memref<1x!tpu.dma_semaphore, #tpu.memory_space<semaphore_mem>>
      %dma_start3A_642 = tpu.memref_squeeze %dma_start3A_641 : memref<1x!tpu.dma_semaphore, #tpu.memory_space<semaphore_mem>> -> memref<!tpu.dma_semaphore, #tpu.memory_space<semaphore_mem>>
      tpu.enqueue_indirect_dma source(%dma_start3A_640 : memref<30000x128xf32, #tpu.memory_space<hbm>>) target(%dma_start3A_635 : memref<32x128xf32, #tpu.memory_space<vmem>>) offsets(%dma_start3A_637 : memref<32xi32, #tpu.memory_space<vmem>>) semaphore(%dma_start3A_642 : memref<!tpu.dma_semaphore, #tpu.memory_space<semaphore_mem>>)
    } else {
    }
    %eq3A_400 = arith.constant 3 : i32
    %eq3A_401 = arith.cmpi eq, %shift_right_arithmetic3A_392, %eq3A_400 : i32
    %convert_element_type3A_402 = arith.extui %eq3A_401 : i1 to i32
    %cond3A_403 = arith.constant 0 : i32
    %cond3A_404 = arith.cmpi ne, %convert_element_type3A_402, %cond3A_403 : i32
    scf.if %cond3A_404 {
      %dma_start3A_630 = arith.constant 0 : i32
      %dma_start3A_631 = arith.constant 0 : i32
      %dma_start3A_632 = arith.constant 0 : i32
      %dma_start3A_633 = arith.constant 0 : i32
      %dma_start3A_634 = tpu.memref_slice %arg11[%dma_start3A_630, %dma_start3A_632, %dma_start3A_633] : memref<8x64x128xf32, #tpu.memory_space<vmem>> -> memref<1x48x128xf32, #tpu.memory_space<vmem>>
      %dma_start3A_635 = tpu.memref_squeeze %dma_start3A_634 : memref<1x48x128xf32, #tpu.memory_space<vmem>> -> memref<48x128xf32, #tpu.memory_space<vmem>>
      %dma_start3A_636 = arith.constant 0 : i32
      %dma_start3A_637 = tpu.memref_slice %arg7[%dma_start3A_636] : memref<10240xi32, #tpu.memory_space<vmem>> -> memref<48xi32, #tpu.memory_space<vmem>>
      %dma_start3A_638 = arith.constant 0 : i32
      %dma_start3A_639 = arith.constant 0 : i32
      %dma_start3A_640 = tpu.memref_slice %arg4[%dma_start3A_638, %dma_start3A_639] : memref<30000x128xf32, #tpu.memory_space<hbm>> -> memref<30000x128xf32, #tpu.memory_space<hbm>>
      %dma_start3A_641 = tpu.memref_slice %arg13[%dma_start3A_631] : memref<8x!tpu.dma_semaphore, #tpu.memory_space<semaphore_mem>> -> memref<1x!tpu.dma_semaphore, #tpu.memory_space<semaphore_mem>>
      %dma_start3A_642 = tpu.memref_squeeze %dma_start3A_641 : memref<1x!tpu.dma_semaphore, #tpu.memory_space<semaphore_mem>> -> memref<!tpu.dma_semaphore, #tpu.memory_space<semaphore_mem>>
      tpu.enqueue_indirect_dma source(%dma_start3A_640 : memref<30000x128xf32, #tpu.memory_space<hbm>>) target(%dma_start3A_635 : memref<48x128xf32, #tpu.memory_space<vmem>>) offsets(%dma_start3A_637 : memref<48xi32, #tpu.memory_space<vmem>>) semaphore(%dma_start3A_642 : memref<!tpu.dma_semaphore, #tpu.memory_space<semaphore_mem>>)
    } else {
    }
    %eq3A_405 = arith.constant 4 : i32
    %eq3A_406 = arith.cmpi eq, %shift_right_arithmetic3A_392, %eq3A_405 : i32
    %convert_element_type3A_407 = arith.extui %eq3A_406 : i1 to i32
    %cond3A_408 = arith.constant 0 : i32
    %cond3A_409 = arith.cmpi ne, %convert_element_type3A_407, %cond3A_408 : i32
    scf.if %cond3A_409 {
      %dma_start3A_630 = arith.constant 0 : i32
      %dma_start3A_631 = arith.constant 0 : i32
      %dma_start3A_632 = arith.constant 0 : i32
      %dma_start3A_633 = arith.constant 0 : i32
      %dma_start3A_634 = tpu.memref_slice %arg11[%dma_start3A_630, %dma_start3A_632, %dma_start3A_633] : memref<8x64x128xf32, #tpu.memory_space<vmem>> -> memref<1x64x128xf32, #tpu.memory_space<vmem>>
      %dma_start3A_635 = tpu.memref_squeeze %dma_start3A_634 : memref<1x64x128xf32, #tpu.memory_space<vmem>> -> memref<64x128xf32, #tpu.memory_space<vmem>>
      %dma_start3A_636 = arith.constant 0 : i32
      %dma_start3A_637 = tpu.memref_slice %arg7[%dma_start3A_636] : memref<10240xi32, #tpu.memory_space<vmem>> -> memref<64xi32, #tpu.memory_space<vmem>>
      %dma_start3A_638 = arith.constant 0 : i32
      %dma_start3A_639 = arith.constant 0 : i32
      %dma_start3A_640 = tpu.memref_slice %arg4[%dma_start3A_638, %dma_start3A_639] : memref<30000x128xf32, #tpu.memory_space<hbm>> -> memref<30000x128xf32, #tpu.memory_space<hbm>>
      %dma_start3A_641 = tpu.memref_slice %arg13[%dma_start3A_631] : memref<8x!tpu.dma_semaphore, #tpu.memory_space<semaphore_mem>> -> memref<1x!tpu.dma_semaphore, #tpu.memory_space<semaphore_mem>>
      %dma_start3A_642 = tpu.memref_squeeze %dma_start3A_641 : memref<1x!tpu.dma_semaphore, #tpu.memory_space<semaphore_mem>> -> memref<!tpu.dma_semaphore, #tpu.memory_space<semaphore_mem>>
      tpu.enqueue_indirect_dma source(%dma_start3A_640 : memref<30000x128xf32, #tpu.memory_space<hbm>>) target(%dma_start3A_635 : memref<64x128xf32, #tpu.memory_space<vmem>>) offsets(%dma_start3A_637 : memref<64xi32, #tpu.memory_space<vmem>>) semaphore(%dma_start3A_642 : memref<!tpu.dma_semaphore, #tpu.memory_space<semaphore_mem>>)
    } else {
    }
    %get3A_410 = arith.constant 1 : index
    %get3A_411 = tpu.vector_load %arg8[%get3A_410] {strides = array<i32>} : memref<176xi32, #tpu.memory_space<vmem>>, vector<16xi32>,
    %get3A_412 = vector.shape_cast %get3A_411 : vector<16xi32> to vector<16xi32>
    %slice3A_413 = vector.extract_strided_slice %get3A_412 {offsets = [0], sizes = [1], strides = [1]} : vector<16xi32> to vector<1xi32>
    %squeeze3A_414 = vector.extract %slice3A_413[0] : i32 from vector<1xi32>
    %add3A_415 = arith.constant 15 : i32
    %add3A_416 = arith.addi %squeeze3A_414, %add3A_415 : i32
    %shift_right_arithmetic3A_417 = arith.constant 4 : i32
    %shift_right_arithmetic3A_418 = arith.shrsi %add3A_416, %shift_right_arithmetic3A_417 : i32
    %eq3A_419 = arith.constant 1 : i32
    %eq3A_420 = arith.cmpi eq, %shift_right_arithmetic3A_418, %eq3A_419 : i32
    %convert_element_type3A_421 = arith.extui %eq3A_420 : i1 to i32
    %cond3A_422 = arith.constant 0 : i32
    %cond3A_423 = arith.cmpi ne, %convert_element_type3A_421, %cond3A_422 : i32
    scf.if %cond3A_423 {
      %dma_start3A_630 = arith.constant 1 : i32
      %dma_start3A_631 = arith.constant 1 : i32
      %dma_start3A_632 = arith.constant 0 : i32
      %dma_start3A_633 = arith.constant 0 : i32
      %dma_start3A_634 = tpu.memref_slice %arg11[%dma_start3A_630, %dma_start3A_632, %dma_start3A_633] : memref<8x64x128xf32, #tpu.memory_space<vmem>> -> memref<1x16x128xf32, #tpu.memory_space<vmem>>
      %dma_start3A_635 = tpu.memref_squeeze %dma_start3A_634 : memref<1x16x128xf32, #tpu.memory_space<vmem>> -> memref<16x128xf32, #tpu.memory_space<vmem>>
      %dma_start3A_636 = arith.constant 64 : i32
      %dma_start3A_637 = tpu.memref_slice %arg7[%dma_start3A_636] : memref<10240xi32, #tpu.memory_space<vmem>> -> memref<16xi32, #tpu.memory_space<vmem>>
      %dma_start3A_638 = arith.constant 0 : i32
      %dma_start3A_639 = arith.constant 0 : i32
      %dma_start3A_640 = tpu.memref_slice %arg4[%dma_start3A_638, %dma_start3A_639] : memref<30000x128xf32, #tpu.memory_space<hbm>> -> memref<30000x128xf32, #tpu.memory_space<hbm>>
      %dma_start3A_641 = tpu.memref_slice %arg13[%dma_start3A_631] : memref<8x!tpu.dma_semaphore, #tpu.memory_space<semaphore_mem>> -> memref<1x!tpu.dma_semaphore, #tpu.memory_space<semaphore_mem>>
      %dma_start3A_642 = tpu.memref_squeeze %dma_start3A_641 : memref<1x!tpu.dma_semaphore, #tpu.memory_space<semaphore_mem>> -> memref<!tpu.dma_semaphore, #tpu.memory_space<semaphore_mem>>
      tpu.enqueue_indirect_dma source(%dma_start3A_640 : memref<30000x128xf32, #tpu.memory_space<hbm>>) target(%dma_start3A_635 : memref<16x128xf32, #tpu.memory_space<vmem>>) offsets(%dma_start3A_637 : memref<16xi32, #tpu.memory_space<vmem>>) semaphore(%dma_start3A_642 : memref<!tpu.dma_semaphore, #tpu.memory_space<semaphore_mem>>)
    } else {
    }
    %eq3A_424 = arith.constant 2 : i32
    %eq3A_425 = arith.cmpi eq, %shift_right_arithmetic3A_418, %eq3A_424 : i32
    %convert_element_type3A_426 = arith.extui %eq3A_425 : i1 to i32
    %cond3A_427 = arith.constant 0 : i32
    %cond3A_428 = arith.cmpi ne, %convert_element_type3A_426, %cond3A_427 : i32
    scf.if %cond3A_428 {
      %dma_start3A_630 = arith.constant 1 : i32
      %dma_start3A_631 = arith.constant 1 : i32
      %dma_start3A_632 = arith.constant 0 : i32
      %dma_start3A_633 = arith.constant 0 : i32
      %dma_start3A_634 = tpu.memref_slice %arg11[%dma_start3A_630, %dma_start3A_632, %dma_start3A_633] : memref<8x64x128xf32, #tpu.memory_space<vmem>> -> memref<1x32x128xf32, #tpu.memory_space<vmem>>
      %dma_start3A_635 = tpu.memref_squeeze %dma_start3A_634 : memref<1x32x128xf32, #tpu.memory_space<vmem>> -> memref<32x128xf32, #tpu.memory_space<vmem>>
      %dma_start3A_636 = arith.constant 64 : i32
      %dma_start3A_637 = tpu.memref_slice %arg7[%dma_start3A_636] : memref<10240xi32, #tpu.memory_space<vmem>> -> memref<32xi32, #tpu.memory_space<vmem>>
      %dma_start3A_638 = arith.constant 0 : i32
      %dma_start3A_639 = arith.constant 0 : i32
      %dma_start3A_640 = tpu.memref_slice %arg4[%dma_start3A_638, %dma_start3A_639] : memref<30000x128xf32, #tpu.memory_space<hbm>> -> memref<30000x128xf32, #tpu.memory_space<hbm>>
      %dma_start3A_641 = tpu.memref_slice %arg13[%dma_start3A_631] : memref<8x!tpu.dma_semaphore, #tpu.memory_space<semaphore_mem>> -> memref<1x!tpu.dma_semaphore, #tpu.memory_space<semaphore_mem>>
      %dma_start3A_642 = tpu.memref_squeeze %dma_start3A_641 : memref<1x!tpu.dma_semaphore, #tpu.memory_space<semaphore_mem>> -> memref<!tpu.dma_semaphore, #tpu.memory_space<semaphore_mem>>
      tpu.enqueue_indirect_dma source(%dma_start3A_640 : memref<30000x128xf32, #tpu.memory_space<hbm>>) target(%dma_start3A_635 : memref<32x128xf32, #tpu.memory_space<vmem>>) offsets(%dma_start3A_637 : memref<32xi32, #tpu.memory_space<vmem>>) semaphore(%dma_start3A_642 : memref<!tpu.dma_semaphore, #tpu.memory_space<semaphore_mem>>)
    } else {
    }
    %eq3A_429 = arith.constant 3 : i32
    %eq3A_430 = arith.cmpi eq, %shift_right_arithmetic3A_418, %eq3A_429 : i32
    %convert_element_type3A_431 = arith.extui %eq3A_430 : i1 to i32
    %cond3A_432 = arith.constant 0 : i32
    %cond3A_433 = arith.cmpi ne, %convert_element_type3A_431, %cond3A_432 : i32
    scf.if %cond3A_433 {
      %dma_start3A_630 = arith.constant 1 : i32
      %dma_start3A_631 = arith.constant 1 : i32
      %dma_start3A_632 = arith.constant 0 : i32
      %dma_start3A_633 = arith.constant 0 : i32
      %dma_start3A_634 = tpu.memref_slice %arg11[%dma_start3A_630, %dma_start3A_632, %dma_start3A_633] : memref<8x64x128xf32, #tpu.memory_space<vmem>> -> memref<1x48x128xf32, #tpu.memory_space<vmem>>
      %dma_start3A_635 = tpu.memref_squeeze %dma_start3A_634 : memref<1x48x128xf32, #tpu.memory_space<vmem>> -> memref<48x128xf32, #tpu.memory_space<vmem>>
      %dma_start3A_636 = arith.constant 64 : i32
      %dma_start3A_637 = tpu.memref_slice %arg7[%dma_start3A_636] : memref<10240xi32, #tpu.memory_space<vmem>> -> memref<48xi32, #tpu.memory_space<vmem>>
      %dma_start3A_638 = arith.constant 0 : i32
      %dma_start3A_639 = arith.constant 0 : i32
      %dma_start3A_640 = tpu.memref_slice %arg4[%dma_start3A_638, %dma_start3A_639] : memref<30000x128xf32, #tpu.memory_space<hbm>> -> memref<30000x128xf32, #tpu.memory_space<hbm>>
      %dma_start3A_641 = tpu.memref_slice %arg13[%dma_start3A_631] : memref<8x!tpu.dma_semaphore, #tpu.memory_space<semaphore_mem>> -> memref<1x!tpu.dma_semaphore, #tpu.memory_space<semaphore_mem>>
      %dma_start3A_642 = tpu.memref_squeeze %dma_start3A_641 : memref<1x!tpu.dma_semaphore, #tpu.memory_space<semaphore_mem>> -> memref<!tpu.dma_semaphore, #tpu.memory_space<semaphore_mem>>
      tpu.enqueue_indirect_dma source(%dma_start3A_640 : memref<30000x128xf32, #tpu.memory_space<hbm>>) target(%dma_start3A_635 : memref<48x128xf32, #tpu.memory_space<vmem>>) offsets(%dma_start3A_637 : memref<48xi32, #tpu.memory_space<vmem>>) semaphore(%dma_start3A_642 : memref<!tpu.dma_semaphore, #tpu.memory_space<semaphore_mem>>)
    } else {
    }
    %eq3A_434 = arith.constant 4 : i32
    %eq3A_435 = arith.cmpi eq, %shift_right_arithmetic3A_418, %eq3A_434 : i32
    %convert_element_type3A_436 = arith.extui %eq3A_435 : i1 to i32
    %cond3A_437 = arith.constant 0 : i32
    %cond3A_438 = arith.cmpi ne, %convert_element_type3A_436, %cond3A_437 : i32
    scf.if %cond3A_438 {
      %dma_start3A_630 = arith.constant 1 : i32
      %dma_start3A_631 = arith.constant 1 : i32
      %dma_start3A_632 = arith.constant 0 : i32
      %dma_start3A_633 = arith.constant 0 : i32
      %dma_start3A_634 = tpu.memref_slice %arg11[%dma_start3A_630, %dma_start3A_632, %dma_start3A_633] : memref<8x64x128xf32, #tpu.memory_space<vmem>> -> memref<1x64x128xf32, #tpu.memory_space<vmem>>
      %dma_start3A_635 = tpu.memref_squeeze %dma_start3A_634 : memref<1x64x128xf32, #tpu.memory_space<vmem>> -> memref<64x128xf32, #tpu.memory_space<vmem>>
      %dma_start3A_636 = arith.constant 64 : i32
      %dma_start3A_637 = tpu.memref_slice %arg7[%dma_start3A_636] : memref<10240xi32, #tpu.memory_space<vmem>> -> memref<64xi32, #tpu.memory_space<vmem>>
      %dma_start3A_638 = arith.constant 0 : i32
      %dma_start3A_639 = arith.constant 0 : i32
      %dma_start3A_640 = tpu.memref_slice %arg4[%dma_start3A_638, %dma_start3A_639] : memref<30000x128xf32, #tpu.memory_space<hbm>> -> memref<30000x128xf32, #tpu.memory_space<hbm>>
      %dma_start3A_641 = tpu.memref_slice %arg13[%dma_start3A_631] : memref<8x!tpu.dma_semaphore, #tpu.memory_space<semaphore_mem>> -> memref<1x!tpu.dma_semaphore, #tpu.memory_space<semaphore_mem>>
      %dma_start3A_642 = tpu.memref_squeeze %dma_start3A_641 : memref<1x!tpu.dma_semaphore, #tpu.memory_space<semaphore_mem>> -> memref<!tpu.dma_semaphore, #tpu.memory_space<semaphore_mem>>
      tpu.enqueue_indirect_dma source(%dma_start3A_640 : memref<30000x128xf32, #tpu.memory_space<hbm>>) target(%dma_start3A_635 : memref<64x128xf32, #tpu.memory_space<vmem>>) offsets(%dma_start3A_637 : memref<64xi32, #tpu.memory_space<vmem>>) semaphore(%dma_start3A_642 : memref<!tpu.dma_semaphore, #tpu.memory_space<semaphore_mem>>)
    } else {
    }
    %get3A_439 = arith.constant 2 : index
    %get3A_440 = tpu.vector_load %arg8[%get3A_439] {strides = array<i32>} : memref<176xi32, #tpu.memory_space<vmem>>, vector<16xi32>,
    %get3A_441 = vector.shape_cast %get3A_440 : vector<16xi32> to vector<16xi32>
    %slice3A_442 = vector.extract_strided_slice %get3A_441 {offsets = [0], sizes = [1], strides = [1]} : vector<16xi32> to vector<1xi32>
    %squeeze3A_443 = vector.extract %slice3A_442[0] : i32 from vector<1xi32>
    %add3A_444 = arith.constant 15 : i32
    %add3A_445 = arith.addi %squeeze3A_443, %add3A_444 : i32
    %shift_right_arithmetic3A_446 = arith.constant 4 : i32
    %shift_right_arithmetic3A_447 = arith.shrsi %add3A_445, %shift_right_arithmetic3A_446 : i32
    %eq3A_448 = arith.constant 1 : i32
    %eq3A_449 = arith.cmpi eq, %shift_right_arithmetic3A_447, %eq3A_448 : i32
    %convert_element_type3A_450 = arith.extui %eq3A_449 : i1 to i32
    %cond3A_451 = arith.constant 0 : i32
    %cond3A_452 = arith.cmpi ne, %convert_element_type3A_450, %cond3A_451 : i32
    scf.if %cond3A_452 {
      %dma_start3A_630 = arith.constant 2 : i32
      %dma_start3A_631 = arith.constant 2 : i32
      %dma_start3A_632 = arith.constant 0 : i32
      %dma_start3A_633 = arith.constant 0 : i32
      %dma_start3A_634 = tpu.memref_slice %arg11[%dma_start3A_630, %dma_start3A_632, %dma_start3A_633] : memref<8x64x128xf32, #tpu.memory_space<vmem>> -> memref<1x16x128xf32, #tpu.memory_space<vmem>>
      %dma_start3A_635 = tpu.memref_squeeze %dma_start3A_634 : memref<1x16x128xf32, #tpu.memory_space<vmem>> -> memref<16x128xf32, #tpu.memory_space<vmem>>
      %dma_start3A_636 = arith.constant 128 : i32
      %dma_start3A_637 = tpu.memref_slice %arg7[%dma_start3A_636] : memref<10240xi32, #tpu.memory_space<vmem>> -> memref<16xi32, #tpu.memory_space<vmem>>
      %dma_start3A_638 = arith.constant 0 : i32
      %dma_start3A_639 = arith.constant 0 : i32
      %dma_start3A_640 = tpu.memref_slice %arg4[%dma_start3A_638, %dma_start3A_639] : memref<30000x128xf32, #tpu.memory_space<hbm>> -> memref<30000x128xf32, #tpu.memory_space<hbm>>
      %dma_start3A_641 = tpu.memref_slice %arg13[%dma_start3A_631] : memref<8x!tpu.dma_semaphore, #tpu.memory_space<semaphore_mem>> -> memref<1x!tpu.dma_semaphore, #tpu.memory_space<semaphore_mem>>
      %dma_start3A_642 = tpu.memref_squeeze %dma_start3A_641 : memref<1x!tpu.dma_semaphore, #tpu.memory_space<semaphore_mem>> -> memref<!tpu.dma_semaphore, #tpu.memory_space<semaphore_mem>>
      tpu.enqueue_indirect_dma source(%dma_start3A_640 : memref<30000x128xf32, #tpu.memory_space<hbm>>) target(%dma_start3A_635 : memref<16x128xf32, #tpu.memory_space<vmem>>) offsets(%dma_start3A_637 : memref<16xi32, #tpu.memory_space<vmem>>) semaphore(%dma_start3A_642 : memref<!tpu.dma_semaphore, #tpu.memory_space<semaphore_mem>>)
    } else {
    }
    %eq3A_453 = arith.constant 2 : i32
    %eq3A_454 = arith.cmpi eq, %shift_right_arithmetic3A_447, %eq3A_453 : i32
    %convert_element_type3A_455 = arith.extui %eq3A_454 : i1 to i32
    %cond3A_456 = arith.constant 0 : i32
    %cond3A_457 = arith.cmpi ne, %convert_element_type3A_455, %cond3A_456 : i32
    scf.if %cond3A_457 {
      %dma_start3A_630 = arith.constant 2 : i32
      %dma_start3A_631 = arith.constant 2 : i32
      %dma_start3A_632 = arith.constant 0 : i32
      %dma_start3A_633 = arith.constant 0 : i32
      %dma_start3A_634 = tpu.memref_slice %arg11[%dma_start3A_630, %dma_start3A_632, %dma_start3A_633] : memref<8x64x128xf32, #tpu.memory_space<vmem>> -> memref<1x32x128xf32, #tpu.memory_space<vmem>>
      %dma_start3A_635 = tpu.memref_squeeze %dma_start3A_634 : memref<1x32x128xf32, #tpu.memory_space<vmem>> -> memref<32x128xf32, #tpu.memory_space<vmem>>
      %dma_start3A_636 = arith.constant 128 : i32
      %dma_start3A_637 = tpu.memref_slice %arg7[%dma_start3A_636] : memref<10240xi32, #tpu.memory_space<vmem>> -> memref<32xi32, #tpu.memory_space<vmem>>
      %dma_start3A_638 = arith.constant 0 : i32
      %dma_start3A_639 = arith.constant 0 : i32
      %dma_start3A_640 = tpu.memref_slice %arg4[%dma_start3A_638, %dma_start3A_639] : memref<30000x128xf32, #tpu.memory_space<hbm>> -> memref<30000x128xf32, #tpu.memory_space<hbm>>
      %dma_start3A_641 = tpu.memref_slice %arg13[%dma_start3A_631] : memref<8x!tpu.dma_semaphore, #tpu.memory_space<semaphore_mem>> -> memref<1x!tpu.dma_semaphore, #tpu.memory_space<semaphore_mem>>
      %dma_start3A_642 = tpu.memref_squeeze %dma_start3A_641 : memref<1x!tpu.dma_semaphore, #tpu.memory_space<semaphore_mem>> -> memref<!tpu.dma_semaphore, #tpu.memory_space<semaphore_mem>>
      tpu.enqueue_indirect_dma source(%dma_start3A_640 : memref<30000x128xf32, #tpu.memory_space<hbm>>) target(%dma_start3A_635 : memref<32x128xf32, #tpu.memory_space<vmem>>) offsets(%dma_start3A_637 : memref<32xi32, #tpu.memory_space<vmem>>) semaphore(%dma_start3A_642 : memref<!tpu.dma_semaphore, #tpu.memory_space<semaphore_mem>>)
    } else {
    }
    %eq3A_458 = arith.constant 3 : i32
    %eq3A_459 = arith.cmpi eq, %shift_right_arithmetic3A_447, %eq3A_458 : i32
    %convert_element_type3A_460 = arith.extui %eq3A_459 : i1 to i32
    %cond3A_461 = arith.constant 0 : i32
    %cond3A_462 = arith.cmpi ne, %convert_element_type3A_460, %cond3A_461 : i32
    scf.if %cond3A_462 {
      %dma_start3A_630 = arith.constant 2 : i32
      %dma_start3A_631 = arith.constant 2 : i32
      %dma_start3A_632 = arith.constant 0 : i32
      %dma_start3A_633 = arith.constant 0 : i32
      %dma_start3A_634 = tpu.memref_slice %arg11[%dma_start3A_630, %dma_start3A_632, %dma_start3A_633] : memref<8x64x128xf32, #tpu.memory_space<vmem>> -> memref<1x48x128xf32, #tpu.memory_space<vmem>>
      %dma_start3A_635 = tpu.memref_squeeze %dma_start3A_634 : memref<1x48x128xf32, #tpu.memory_space<vmem>> -> memref<48x128xf32, #tpu.memory_space<vmem>>
      %dma_start3A_636 = arith.constant 128 : i32
      %dma_start3A_637 = tpu.memref_slice %arg7[%dma_start3A_636] : memref<10240xi32, #tpu.memory_space<vmem>> -> memref<48xi32, #tpu.memory_space<vmem>>
      %dma_start3A_638 = arith.constant 0 : i32
      %dma_start3A_639 = arith.constant 0 : i32
      %dma_start3A_640 = tpu.memref_slice %arg4[%dma_start3A_638, %dma_start3A_639] : memref<30000x128xf32, #tpu.memory_space<hbm>> -> memref<30000x128xf32, #tpu.memory_space<hbm>>
      %dma_start3A_641 = tpu.memref_slice %arg13[%dma_start3A_631] : memref<8x!tpu.dma_semaphore, #tpu.memory_space<semaphore_mem>> -> memref<1x!tpu.dma_semaphore, #tpu.memory_space<semaphore_mem>>
      %dma_start3A_642 = tpu.memref_squeeze %dma_start3A_641 : memref<1x!tpu.dma_semaphore, #tpu.memory_space<semaphore_mem>> -> memref<!tpu.dma_semaphore, #tpu.memory_space<semaphore_mem>>
      tpu.enqueue_indirect_dma source(%dma_start3A_640 : memref<30000x128xf32, #tpu.memory_space<hbm>>) target(%dma_start3A_635 : memref<48x128xf32, #tpu.memory_space<vmem>>) offsets(%dma_start3A_637 : memref<48xi32, #tpu.memory_space<vmem>>) semaphore(%dma_start3A_642 : memref<!tpu.dma_semaphore, #tpu.memory_space<semaphore_mem>>)
    } else {
    }
    %eq3A_463 = arith.constant 4 : i32
    %eq3A_464 = arith.cmpi eq, %shift_right_arithmetic3A_447, %eq3A_463 : i32
    %convert_element_type3A_465 = arith.extui %eq3A_464 : i1 to i32
    %cond3A_466 = arith.constant 0 : i32
    %cond3A_467 = arith.cmpi ne, %convert_element_type3A_465, %cond3A_466 : i32
    scf.if %cond3A_467 {
      %dma_start3A_630 = arith.constant 2 : i32
      %dma_start3A_631 = arith.constant 2 : i32
      %dma_start3A_632 = arith.constant 0 : i32
      %dma_start3A_633 = arith.constant 0 : i32
      %dma_start3A_634 = tpu.memref_slice %arg11[%dma_start3A_630, %dma_start3A_632, %dma_start3A_633] : memref<8x64x128xf32, #tpu.memory_space<vmem>> -> memref<1x64x128xf32, #tpu.memory_space<vmem>>
      %dma_start3A_635 = tpu.memref_squeeze %dma_start3A_634 : memref<1x64x128xf32, #tpu.memory_space<vmem>> -> memref<64x128xf32, #tpu.memory_space<vmem>>
      %dma_start3A_636 = arith.constant 128 : i32
      %dma_start3A_637 = tpu.memref_slice %arg7[%dma_start3A_636] : memref<10240xi32, #tpu.memory_space<vmem>> -> memref<64xi32, #tpu.memory_space<vmem>>
      %dma_start3A_638 = arith.constant 0 : i32
      %dma_start3A_639 = arith.constant 0 : i32
      %dma_start3A_640 = tpu.memref_slice %arg4[%dma_start3A_638, %dma_start3A_639] : memref<30000x128xf32, #tpu.memory_space<hbm>> -> memref<30000x128xf32, #tpu.memory_space<hbm>>
      %dma_start3A_641 = tpu.memref_slice %arg13[%dma_start3A_631] : memref<8x!tpu.dma_semaphore, #tpu.memory_space<semaphore_mem>> -> memref<1x!tpu.dma_semaphore, #tpu.memory_space<semaphore_mem>>
      %dma_start3A_642 = tpu.memref_squeeze %dma_start3A_641 : memref<1x!tpu.dma_semaphore, #tpu.memory_space<semaphore_mem>> -> memref<!tpu.dma_semaphore, #tpu.memory_space<semaphore_mem>>
      tpu.enqueue_indirect_dma source(%dma_start3A_640 : memref<30000x128xf32, #tpu.memory_space<hbm>>) target(%dma_start3A_635 : memref<64x128xf32, #tpu.memory_space<vmem>>) offsets(%dma_start3A_637 : memref<64xi32, #tpu.memory_space<vmem>>) semaphore(%dma_start3A_642 : memref<!tpu.dma_semaphore, #tpu.memory_space<semaphore_mem>>)
    } else {
    }
    %get3A_468 = arith.constant 3 : index
    %get3A_469 = tpu.vector_load %arg8[%get3A_468] {strides = array<i32>} : memref<176xi32, #tpu.memory_space<vmem>>, vector<16xi32>,
    %get3A_470 = vector.shape_cast %get3A_469 : vector<16xi32> to vector<16xi32>
    %slice3A_471 = vector.extract_strided_slice %get3A_470 {offsets = [0], sizes = [1], strides = [1]} : vector<16xi32> to vector<1xi32>
    %squeeze3A_472 = vector.extract %slice3A_471[0] : i32 from vector<1xi32>
    %add3A_473 = arith.constant 15 : i32
    %add3A_474 = arith.addi %squeeze3A_472, %add3A_473 : i32
    %shift_right_arithmetic3A_475 = arith.constant 4 : i32
    %shift_right_arithmetic3A_476 = arith.shrsi %add3A_474, %shift_right_arithmetic3A_475 : i32
    %eq3A_477 = arith.constant 1 : i32
    %eq3A_478 = arith.cmpi eq, %shift_right_arithmetic3A_476, %eq3A_477 : i32
    %convert_element_type3A_479 = arith.extui %eq3A_478 : i1 to i32
    %cond3A_480 = arith.constant 0 : i32
    %cond3A_481 = arith.cmpi ne, %convert_element_type3A_479, %cond3A_480 : i32
    scf.if %cond3A_481 {
      %dma_start3A_630 = arith.constant 3 : i32
      %dma_start3A_631 = arith.constant 3 : i32
      %dma_start3A_632 = arith.constant 0 : i32
      %dma_start3A_633 = arith.constant 0 : i32
      %dma_start3A_634 = tpu.memref_slice %arg11[%dma_start3A_630, %dma_start3A_632, %dma_start3A_633] : memref<8x64x128xf32, #tpu.memory_space<vmem>> -> memref<1x16x128xf32, #tpu.memory_space<vmem>>
      %dma_start3A_635 = tpu.memref_squeeze %dma_start3A_634 : memref<1x16x128xf32, #tpu.memory_space<vmem>> -> memref<16x128xf32, #tpu.memory_space<vmem>>
      %dma_start3A_636 = arith.constant 192 : i32
      %dma_start3A_637 = tpu.memref_slice %arg7[%dma_start3A_636] : memref<10240xi32, #tpu.memory_space<vmem>> -> memref<16xi32, #tpu.memory_space<vmem>>
      %dma_start3A_638 = arith.constant 0 : i32
      %dma_start3A_639 = arith.constant 0 : i32
      %dma_start3A_640 = tpu.memref_slice %arg4[%dma_start3A_638, %dma_start3A_639] : memref<30000x128xf32, #tpu.memory_space<hbm>> -> memref<30000x128xf32, #tpu.memory_space<hbm>>
      %dma_start3A_641 = tpu.memref_slice %arg13[%dma_start3A_631] : memref<8x!tpu.dma_semaphore, #tpu.memory_space<semaphore_mem>> -> memref<1x!tpu.dma_semaphore, #tpu.memory_space<semaphore_mem>>
      %dma_start3A_642 = tpu.memref_squeeze %dma_start3A_641 : memref<1x!tpu.dma_semaphore, #tpu.memory_space<semaphore_mem>> -> memref<!tpu.dma_semaphore, #tpu.memory_space<semaphore_mem>>
      tpu.enqueue_indirect_dma source(%dma_start3A_640 : memref<30000x128xf32, #tpu.memory_space<hbm>>) target(%dma_start3A_635 : memref<16x128xf32, #tpu.memory_space<vmem>>) offsets(%dma_start3A_637 : memref<16xi32, #tpu.memory_space<vmem>>) semaphore(%dma_start3A_642 : memref<!tpu.dma_semaphore, #tpu.memory_space<semaphore_mem>>)
    } else {
    }
    %eq3A_482 = arith.constant 2 : i32
    %eq3A_483 = arith.cmpi eq, %shift_right_arithmetic3A_476, %eq3A_482 : i32
    %convert_element_type3A_484 = arith.extui %eq3A_483 : i1 to i32
    %cond3A_485 = arith.constant 0 : i32
    %cond3A_486 = arith.cmpi ne, %convert_element_type3A_484, %cond3A_485 : i32
    scf.if %cond3A_486 {
      %dma_start3A_630 = arith.constant 3 : i32
      %dma_start3A_631 = arith.constant 3 : i32
      %dma_start3A_632 = arith.constant 0 : i32
      %dma_start3A_633 = arith.constant 0 : i32
      %dma_start3A_634 = tpu.memref_slice %arg11[%dma_start3A_630, %dma_start3A_632, %dma_start3A_633] : memref<8x64x128xf32, #tpu.memory_space<vmem>> -> memref<1x32x128xf32, #tpu.memory_space<vmem>>
      %dma_start3A_635 = tpu.memref_squeeze %dma_start3A_634 : memref<1x32x128xf32, #tpu.memory_space<vmem>> -> memref<32x128xf32, #tpu.memory_space<vmem>>
      %dma_start3A_636 = arith.constant 192 : i32
      %dma_start3A_637 = tpu.memref_slice %arg7[%dma_start3A_636] : memref<10240xi32, #tpu.memory_space<vmem>> -> memref<32xi32, #tpu.memory_space<vmem>>
      %dma_start3A_638 = arith.constant 0 : i32
      %dma_start3A_639 = arith.constant 0 : i32
      %dma_start3A_640 = tpu.memref_slice %arg4[%dma_start3A_638, %dma_start3A_639] : memref<30000x128xf32, #tpu.memory_space<hbm>> -> memref<30000x128xf32, #tpu.memory_space<hbm>>
      %dma_start3A_641 = tpu.memref_slice %arg13[%dma_start3A_631] : memref<8x!tpu.dma_semaphore, #tpu.memory_space<semaphore_mem>> -> memref<1x!tpu.dma_semaphore, #tpu.memory_space<semaphore_mem>>
      %dma_start3A_642 = tpu.memref_squeeze %dma_start3A_641 : memref<1x!tpu.dma_semaphore, #tpu.memory_space<semaphore_mem>> -> memref<!tpu.dma_semaphore, #tpu.memory_space<semaphore_mem>>
      tpu.enqueue_indirect_dma source(%dma_start3A_640 : memref<30000x128xf32, #tpu.memory_space<hbm>>) target(%dma_start3A_635 : memref<32x128xf32, #tpu.memory_space<vmem>>) offsets(%dma_start3A_637 : memref<32xi32, #tpu.memory_space<vmem>>) semaphore(%dma_start3A_642 : memref<!tpu.dma_semaphore, #tpu.memory_space<semaphore_mem>>)
    } else {
    }
    %eq3A_487 = arith.constant 3 : i32
    %eq3A_488 = arith.cmpi eq, %shift_right_arithmetic3A_476, %eq3A_487 : i32
    %convert_element_type3A_489 = arith.extui %eq3A_488 : i1 to i32
    %cond3A_490 = arith.constant 0 : i32
    %cond3A_491 = arith.cmpi ne, %convert_element_type3A_489, %cond3A_490 : i32
    scf.if %cond3A_491 {
      %dma_start3A_630 = arith.constant 3 : i32
      %dma_start3A_631 = arith.constant 3 : i32
      %dma_start3A_632 = arith.constant 0 : i32
      %dma_start3A_633 = arith.constant 0 : i32
      %dma_start3A_634 = tpu.memref_slice %arg11[%dma_start3A_630, %dma_start3A_632, %dma_start3A_633] : memref<8x64x128xf32, #tpu.memory_space<vmem>> -> memref<1x48x128xf32, #tpu.memory_space<vmem>>
      %dma_start3A_635 = tpu.memref_squeeze %dma_start3A_634 : memref<1x48x128xf32, #tpu.memory_space<vmem>> -> memref<48x128xf32, #tpu.memory_space<vmem>>
      %dma_start3A_636 = arith.constant 192 : i32
      %dma_start3A_637 = tpu.memref_slice %arg7[%dma_start3A_636] : memref<10240xi32, #tpu.memory_space<vmem>> -> memref<48xi32, #tpu.memory_space<vmem>>
      %dma_start3A_638 = arith.constant 0 : i32
      %dma_start3A_639 = arith.constant 0 : i32
      %dma_start3A_640 = tpu.memref_slice %arg4[%dma_start3A_638, %dma_start3A_639] : memref<30000x128xf32, #tpu.memory_space<hbm>> -> memref<30000x128xf32, #tpu.memory_space<hbm>>
      %dma_start3A_641 = tpu.memref_slice %arg13[%dma_start3A_631] : memref<8x!tpu.dma_semaphore, #tpu.memory_space<semaphore_mem>> -> memref<1x!tpu.dma_semaphore, #tpu.memory_space<semaphore_mem>>
      %dma_start3A_642 = tpu.memref_squeeze %dma_start3A_641 : memref<1x!tpu.dma_semaphore, #tpu.memory_space<semaphore_mem>> -> memref<!tpu.dma_semaphore, #tpu.memory_space<semaphore_mem>>
      tpu.enqueue_indirect_dma source(%dma_start3A_640 : memref<30000x128xf32, #tpu.memory_space<hbm>>) target(%dma_start3A_635 : memref<48x128xf32, #tpu.memory_space<vmem>>) offsets(%dma_start3A_637 : memref<48xi32, #tpu.memory_space<vmem>>) semaphore(%dma_start3A_642 : memref<!tpu.dma_semaphore, #tpu.memory_space<semaphore_mem>>)
    } else {
    }
    %eq3A_492 = arith.constant 4 : i32
    %eq3A_493 = arith.cmpi eq, %shift_right_arithmetic3A_476, %eq3A_492 : i32
    %convert_element_type3A_494 = arith.extui %eq3A_493 : i1 to i32
    %cond3A_495 = arith.constant 0 : i32
    %cond3A_496 = arith.cmpi ne, %convert_element_type3A_494, %cond3A_495 : i32
    scf.if %cond3A_496 {
      %dma_start3A_630 = arith.constant 3 : i32
      %dma_start3A_631 = arith.constant 3 : i32
      %dma_start3A_632 = arith.constant 0 : i32
      %dma_start3A_633 = arith.constant 0 : i32
      %dma_start3A_634 = tpu.memref_slice %arg11[%dma_start3A_630, %dma_start3A_632, %dma_start3A_633] : memref<8x64x128xf32, #tpu.memory_space<vmem>> -> memref<1x64x128xf32, #tpu.memory_space<vmem>>
      %dma_start3A_635 = tpu.memref_squeeze %dma_start3A_634 : memref<1x64x128xf32, #tpu.memory_space<vmem>> -> memref<64x128xf32, #tpu.memory_space<vmem>>
      %dma_start3A_636 = arith.constant 192 : i32
      %dma_start3A_637 = tpu.memref_slice %arg7[%dma_start3A_636] : memref<10240xi32, #tpu.memory_space<vmem>> -> memref<64xi32, #tpu.memory_space<vmem>>
      %dma_start3A_638 = arith.constant 0 : i32
      %dma_start3A_639 = arith.constant 0 : i32
      %dma_start3A_640 = tpu.memref_slice %arg4[%dma_start3A_638, %dma_start3A_639] : memref<30000x128xf32, #tpu.memory_space<hbm>> -> memref<30000x128xf32, #tpu.memory_space<hbm>>
      %dma_start3A_641 = tpu.memref_slice %arg13[%dma_start3A_631] : memref<8x!tpu.dma_semaphore, #tpu.memory_space<semaphore_mem>> -> memref<1x!tpu.dma_semaphore, #tpu.memory_space<semaphore_mem>>
      %dma_start3A_642 = tpu.memref_squeeze %dma_start3A_641 : memref<1x!tpu.dma_semaphore, #tpu.memory_space<semaphore_mem>> -> memref<!tpu.dma_semaphore, #tpu.memory_space<semaphore_mem>>
      tpu.enqueue_indirect_dma source(%dma_start3A_640 : memref<30000x128xf32, #tpu.memory_space<hbm>>) target(%dma_start3A_635 : memref<64x128xf32, #tpu.memory_space<vmem>>) offsets(%dma_start3A_637 : memref<64xi32, #tpu.memory_space<vmem>>) semaphore(%dma_start3A_642 : memref<!tpu.dma_semaphore, #tpu.memory_space<semaphore_mem>>)
    } else {
    }
    %get3A_497 = arith.constant 4 : index
    %get3A_498 = tpu.vector_load %arg8[%get3A_497] {strides = array<i32>} : memref<176xi32, #tpu.memory_space<vmem>>, vector<16xi32>,
    %get3A_499 = vector.shape_cast %get3A_498 : vector<16xi32> to vector<16xi32>
    %slice3A_500 = vector.extract_strided_slice %get3A_499 {offsets = [0], sizes = [1], strides = [1]} : vector<16xi32> to vector<1xi32>
    %squeeze3A_501 = vector.extract %slice3A_500[0] : i32 from vector<1xi32>
    %add3A_502 = arith.constant 15 : i32
    %add3A_503 = arith.addi %squeeze3A_501, %add3A_502 : i32
    %shift_right_arithmetic3A_504 = arith.constant 4 : i32
    %shift_right_arithmetic3A_505 = arith.shrsi %add3A_503, %shift_right_arithmetic3A_504 : i32
    %eq3A_506 = arith.constant 1 : i32
    %eq3A_507 = arith.cmpi eq, %shift_right_arithmetic3A_505, %eq3A_506 : i32
    %convert_element_type3A_508 = arith.extui %eq3A_507 : i1 to i32
    %cond3A_509 = arith.constant 0 : i32
    %cond3A_510 = arith.cmpi ne, %convert_element_type3A_508, %cond3A_509 : i32
    scf.if %cond3A_510 {
      %dma_start3A_630 = arith.constant 4 : i32
      %dma_start3A_631 = arith.constant 4 : i32
      %dma_start3A_632 = arith.constant 0 : i32
      %dma_start3A_633 = arith.constant 0 : i32
      %dma_start3A_634 = tpu.memref_slice %arg11[%dma_start3A_630, %dma_start3A_632, %dma_start3A_633] : memref<8x64x128xf32, #tpu.memory_space<vmem>> -> memref<1x16x128xf32, #tpu.memory_space<vmem>>
      %dma_start3A_635 = tpu.memref_squeeze %dma_start3A_634 : memref<1x16x128xf32, #tpu.memory_space<vmem>> -> memref<16x128xf32, #tpu.memory_space<vmem>>
      %dma_start3A_636 = arith.constant 256 : i32
      %dma_start3A_637 = tpu.memref_slice %arg7[%dma_start3A_636] : memref<10240xi32, #tpu.memory_space<vmem>> -> memref<16xi32, #tpu.memory_space<vmem>>
      %dma_start3A_638 = arith.constant 0 : i32
      %dma_start3A_639 = arith.constant 0 : i32
      %dma_start3A_640 = tpu.memref_slice %arg4[%dma_start3A_638, %dma_start3A_639] : memref<30000x128xf32, #tpu.memory_space<hbm>> -> memref<30000x128xf32, #tpu.memory_space<hbm>>
      %dma_start3A_641 = tpu.memref_slice %arg13[%dma_start3A_631] : memref<8x!tpu.dma_semaphore, #tpu.memory_space<semaphore_mem>> -> memref<1x!tpu.dma_semaphore, #tpu.memory_space<semaphore_mem>>
      %dma_start3A_642 = tpu.memref_squeeze %dma_start3A_641 : memref<1x!tpu.dma_semaphore, #tpu.memory_space<semaphore_mem>> -> memref<!tpu.dma_semaphore, #tpu.memory_space<semaphore_mem>>
      tpu.enqueue_indirect_dma source(%dma_start3A_640 : memref<30000x128xf32, #tpu.memory_space<hbm>>) target(%dma_start3A_635 : memref<16x128xf32, #tpu.memory_space<vmem>>) offsets(%dma_start3A_637 : memref<16xi32, #tpu.memory_space<vmem>>) semaphore(%dma_start3A_642 : memref<!tpu.dma_semaphore, #tpu.memory_space<semaphore_mem>>)
    } else {
    }
    %eq3A_511 = arith.constant 2 : i32
    %eq3A_512 = arith.cmpi eq, %shift_right_arithmetic3A_505, %eq3A_511 : i32
    %convert_element_type3A_513 = arith.extui %eq3A_512 : i1 to i32
    %cond3A_514 = arith.constant 0 : i32
    %cond3A_515 = arith.cmpi ne, %convert_element_type3A_513, %cond3A_514 : i32
    scf.if %cond3A_515 {
      %dma_start3A_630 = arith.constant 4 : i32
      %dma_start3A_631 = arith.constant 4 : i32
      %dma_start3A_632 = arith.constant 0 : i32
      %dma_start3A_633 = arith.constant 0 : i32
      %dma_start3A_634 = tpu.memref_slice %arg11[%dma_start3A_630, %dma_start3A_632, %dma_start3A_633] : memref<8x64x128xf32, #tpu.memory_space<vmem>> -> memref<1x32x128xf32, #tpu.memory_space<vmem>>
      %dma_start3A_635 = tpu.memref_squeeze %dma_start3A_634 : memref<1x32x128xf32, #tpu.memory_space<vmem>> -> memref<32x128xf32, #tpu.memory_space<vmem>>
      %dma_start3A_636 = arith.constant 256 : i32
      %dma_start3A_637 = tpu.memref_slice %arg7[%dma_start3A_636] : memref<10240xi32, #tpu.memory_space<vmem>> -> memref<32xi32, #tpu.memory_space<vmem>>
      %dma_start3A_638 = arith.constant 0 : i32
      %dma_start3A_639 = arith.constant 0 : i32
      %dma_start3A_640 = tpu.memref_slice %arg4[%dma_start3A_638, %dma_start3A_639] : memref<30000x128xf32, #tpu.memory_space<hbm>> -> memref<30000x128xf32, #tpu.memory_space<hbm>>
      %dma_start3A_641 = tpu.memref_slice %arg13[%dma_start3A_631] : memref<8x!tpu.dma_semaphore, #tpu.memory_space<semaphore_mem>> -> memref<1x!tpu.dma_semaphore, #tpu.memory_space<semaphore_mem>>
      %dma_start3A_642 = tpu.memref_squeeze %dma_start3A_641 : memref<1x!tpu.dma_semaphore, #tpu.memory_space<semaphore_mem>> -> memref<!tpu.dma_semaphore, #tpu.memory_space<semaphore_mem>>
      tpu.enqueue_indirect_dma source(%dma_start3A_640 : memref<30000x128xf32, #tpu.memory_space<hbm>>) target(%dma_start3A_635 : memref<32x128xf32, #tpu.memory_space<vmem>>) offsets(%dma_start3A_637 : memref<32xi32, #tpu.memory_space<vmem>>) semaphore(%dma_start3A_642 : memref<!tpu.dma_semaphore, #tpu.memory_space<semaphore_mem>>)
    } else {
    }
    %eq3A_516 = arith.constant 3 : i32
    %eq3A_517 = arith.cmpi eq, %shift_right_arithmetic3A_505, %eq3A_516 : i32
    %convert_element_type3A_518 = arith.extui %eq3A_517 : i1 to i32
    %cond3A_519 = arith.constant 0 : i32
    %cond3A_520 = arith.cmpi ne, %convert_element_type3A_518, %cond3A_519 : i32
    scf.if %cond3A_520 {
      %dma_start3A_630 = arith.constant 4 : i32
      %dma_start3A_631 = arith.constant 4 : i32
      %dma_start3A_632 = arith.constant 0 : i32
      %dma_start3A_633 = arith.constant 0 : i32
      %dma_start3A_634 = tpu.memref_slice %arg11[%dma_start3A_630, %dma_start3A_632, %dma_start3A_633] : memref<8x64x128xf32, #tpu.memory_space<vmem>> -> memref<1x48x128xf32, #tpu.memory_space<vmem>>
      %dma_start3A_635 = tpu.memref_squeeze %dma_start3A_634 : memref<1x48x128xf32, #tpu.memory_space<vmem>> -> memref<48x128xf32, #tpu.memory_space<vmem>>
      %dma_start3A_636 = arith.constant 256 : i32
      %dma_start3A_637 = tpu.memref_slice %arg7[%dma_start3A_636] : memref<10240xi32, #tpu.memory_space<vmem>> -> memref<48xi32, #tpu.memory_space<vmem>>
      %dma_start3A_638 = arith.constant 0 : i32
      %dma_start3A_639 = arith.constant 0 : i32
      %dma_start3A_640 = tpu.memref_slice %arg4[%dma_start3A_638, %dma_start3A_639] : memref<30000x128xf32, #tpu.memory_space<hbm>> -> memref<30000x128xf32, #tpu.memory_space<hbm>>
      %dma_start3A_641 = tpu.memref_slice %arg13[%dma_start3A_631] : memref<8x!tpu.dma_semaphore, #tpu.memory_space<semaphore_mem>> -> memref<1x!tpu.dma_semaphore, #tpu.memory_space<semaphore_mem>>
      %dma_start3A_642 = tpu.memref_squeeze %dma_start3A_641 : memref<1x!tpu.dma_semaphore, #tpu.memory_space<semaphore_mem>> -> memref<!tpu.dma_semaphore, #tpu.memory_space<semaphore_mem>>
      tpu.enqueue_indirect_dma source(%dma_start3A_640 : memref<30000x128xf32, #tpu.memory_space<hbm>>) target(%dma_start3A_635 : memref<48x128xf32, #tpu.memory_space<vmem>>) offsets(%dma_start3A_637 : memref<48xi32, #tpu.memory_space<vmem>>) semaphore(%dma_start3A_642 : memref<!tpu.dma_semaphore, #tpu.memory_space<semaphore_mem>>)
    } else {
    }
    %eq3A_521 = arith.constant 4 : i32
    %eq3A_522 = arith.cmpi eq, %shift_right_arithmetic3A_505, %eq3A_521 : i32
    %convert_element_type3A_523 = arith.extui %eq3A_522 : i1 to i32
    %cond3A_524 = arith.constant 0 : i32
    %cond3A_525 = arith.cmpi ne, %convert_element_type3A_523, %cond3A_524 : i32
    scf.if %cond3A_525 {
      %dma_start3A_630 = arith.constant 4 : i32
      %dma_start3A_631 = arith.constant 4 : i32
      %dma_start3A_632 = arith.constant 0 : i32
      %dma_start3A_633 = arith.constant 0 : i32
      %dma_start3A_634 = tpu.memref_slice %arg11[%dma_start3A_630, %dma_start3A_632, %dma_start3A_633] : memref<8x64x128xf32, #tpu.memory_space<vmem>> -> memref<1x64x128xf32, #tpu.memory_space<vmem>>
      %dma_start3A_635 = tpu.memref_squeeze %dma_start3A_634 : memref<1x64x128xf32, #tpu.memory_space<vmem>> -> memref<64x128xf32, #tpu.memory_space<vmem>>
      %dma_start3A_636 = arith.constant 256 : i32
      %dma_start3A_637 = tpu.memref_slice %arg7[%dma_start3A_636] : memref<10240xi32, #tpu.memory_space<vmem>> -> memref<64xi32, #tpu.memory_space<vmem>>
      %dma_start3A_638 = arith.constant 0 : i32
      %dma_start3A_639 = arith.constant 0 : i32
      %dma_start3A_640 = tpu.memref_slice %arg4[%dma_start3A_638, %dma_start3A_639] : memref<30000x128xf32, #tpu.memory_space<hbm>> -> memref<30000x128xf32, #tpu.memory_space<hbm>>
      %dma_start3A_641 = tpu.memref_slice %arg13[%dma_start3A_631] : memref<8x!tpu.dma_semaphore, #tpu.memory_space<semaphore_mem>> -> memref<1x!tpu.dma_semaphore, #tpu.memory_space<semaphore_mem>>
      %dma_start3A_642 = tpu.memref_squeeze %dma_start3A_641 : memref<1x!tpu.dma_semaphore, #tpu.memory_space<semaphore_mem>> -> memref<!tpu.dma_semaphore, #tpu.memory_space<semaphore_mem>>
      tpu.enqueue_indirect_dma source(%dma_start3A_640 : memref<30000x128xf32, #tpu.memory_space<hbm>>) target(%dma_start3A_635 : memref<64x128xf32, #tpu.memory_space<vmem>>) offsets(%dma_start3A_637 : memref<64xi32, #tpu.memory_space<vmem>>) semaphore(%dma_start3A_642 : memref<!tpu.dma_semaphore, #tpu.memory_space<semaphore_mem>>)
    } else {
    }
    %get3A_526 = arith.constant 5 : index
    %get3A_527 = tpu.vector_load %arg8[%get3A_526] {strides = array<i32>} : memref<176xi32, #tpu.memory_space<vmem>>, vector<16xi32>,
    %get3A_528 = vector.shape_cast %get3A_527 : vector<16xi32> to vector<16xi32>
    %slice3A_529 = vector.extract_strided_slice %get3A_528 {offsets = [0], sizes = [1], strides = [1]} : vector<16xi32> to vector<1xi32>
    %squeeze3A_530 = vector.extract %slice3A_529[0] : i32 from vector<1xi32>
    %add3A_531 = arith.constant 15 : i32
    %add3A_532 = arith.addi %squeeze3A_530, %add3A_531 : i32
    %shift_right_arithmetic3A_533 = arith.constant 4 : i32
    %shift_right_arithmetic3A_534 = arith.shrsi %add3A_532, %shift_right_arithmetic3A_533 : i32
    %eq3A_535 = arith.constant 1 : i32
    %eq3A_536 = arith.cmpi eq, %shift_right_arithmetic3A_534, %eq3A_535 : i32
    %convert_element_type3A_537 = arith.extui %eq3A_536 : i1 to i32
    %cond3A_538 = arith.constant 0 : i32
    %cond3A_539 = arith.cmpi ne, %convert_element_type3A_537, %cond3A_538 : i32
    scf.if %cond3A_539 {
      %dma_start3A_630 = arith.constant 5 : i32
      %dma_start3A_631 = arith.constant 5 : i32
      %dma_start3A_632 = arith.constant 0 : i32
      %dma_start3A_633 = arith.constant 0 : i32
      %dma_start3A_634 = tpu.memref_slice %arg11[%dma_start3A_630, %dma_start3A_632, %dma_start3A_633] : memref<8x64x128xf32, #tpu.memory_space<vmem>> -> memref<1x16x128xf32, #tpu.memory_space<vmem>>
      %dma_start3A_635 = tpu.memref_squeeze %dma_start3A_634 : memref<1x16x128xf32, #tpu.memory_space<vmem>> -> memref<16x128xf32, #tpu.memory_space<vmem>>
      %dma_start3A_636 = arith.constant 320 : i32
      %dma_start3A_637 = tpu.memref_slice %arg7[%dma_start3A_636] : memref<10240xi32, #tpu.memory_space<vmem>> -> memref<16xi32, #tpu.memory_space<vmem>>
      %dma_start3A_638 = arith.constant 0 : i32
      %dma_start3A_639 = arith.constant 0 : i32
      %dma_start3A_640 = tpu.memref_slice %arg4[%dma_start3A_638, %dma_start3A_639] : memref<30000x128xf32, #tpu.memory_space<hbm>> -> memref<30000x128xf32, #tpu.memory_space<hbm>>
      %dma_start3A_641 = tpu.memref_slice %arg13[%dma_start3A_631] : memref<8x!tpu.dma_semaphore, #tpu.memory_space<semaphore_mem>> -> memref<1x!tpu.dma_semaphore, #tpu.memory_space<semaphore_mem>>
      %dma_start3A_642 = tpu.memref_squeeze %dma_start3A_641 : memref<1x!tpu.dma_semaphore, #tpu.memory_space<semaphore_mem>> -> memref<!tpu.dma_semaphore, #tpu.memory_space<semaphore_mem>>
      tpu.enqueue_indirect_dma source(%dma_start3A_640 : memref<30000x128xf32, #tpu.memory_space<hbm>>) target(%dma_start3A_635 : memref<16x128xf32, #tpu.memory_space<vmem>>) offsets(%dma_start3A_637 : memref<16xi32, #tpu.memory_space<vmem>>) semaphore(%dma_start3A_642 : memref<!tpu.dma_semaphore, #tpu.memory_space<semaphore_mem>>)
    } else {
    }
    %eq3A_540 = arith.constant 2 : i32
    %eq3A_541 = arith.cmpi eq, %shift_right_arithmetic3A_534, %eq3A_540 : i32
    %convert_element_type3A_542 = arith.extui %eq3A_541 : i1 to i32
    %cond3A_543 = arith.constant 0 : i32
    %cond3A_544 = arith.cmpi ne, %convert_element_type3A_542, %cond3A_543 : i32
    scf.if %cond3A_544 {
      %dma_start3A_630 = arith.constant 5 : i32
      %dma_start3A_631 = arith.constant 5 : i32
      %dma_start3A_632 = arith.constant 0 : i32
      %dma_start3A_633 = arith.constant 0 : i32
      %dma_start3A_634 = tpu.memref_slice %arg11[%dma_start3A_630, %dma_start3A_632, %dma_start3A_633] : memref<8x64x128xf32, #tpu.memory_space<vmem>> -> memref<1x32x128xf32, #tpu.memory_space<vmem>>
      %dma_start3A_635 = tpu.memref_squeeze %dma_start3A_634 : memref<1x32x128xf32, #tpu.memory_space<vmem>> -> memref<32x128xf32, #tpu.memory_space<vmem>>
      %dma_start3A_636 = arith.constant 320 : i32
      %dma_start3A_637 = tpu.memref_slice %arg7[%dma_start3A_636] : memref<10240xi32, #tpu.memory_space<vmem>> -> memref<32xi32, #tpu.memory_space<vmem>>
      %dma_start3A_638 = arith.constant 0 : i32
      %dma_start3A_639 = arith.constant 0 : i32
      %dma_start3A_640 = tpu.memref_slice %arg4[%dma_start3A_638, %dma_start3A_639] : memref<30000x128xf32, #tpu.memory_space<hbm>> -> memref<30000x128xf32, #tpu.memory_space<hbm>>
      %dma_start3A_641 = tpu.memref_slice %arg13[%dma_start3A_631] : memref<8x!tpu.dma_semaphore, #tpu.memory_space<semaphore_mem>> -> memref<1x!tpu.dma_semaphore, #tpu.memory_space<semaphore_mem>>
      %dma_start3A_642 = tpu.memref_squeeze %dma_start3A_641 : memref<1x!tpu.dma_semaphore, #tpu.memory_space<semaphore_mem>> -> memref<!tpu.dma_semaphore, #tpu.memory_space<semaphore_mem>>
      tpu.enqueue_indirect_dma source(%dma_start3A_640 : memref<30000x128xf32, #tpu.memory_space<hbm>>) target(%dma_start3A_635 : memref<32x128xf32, #tpu.memory_space<vmem>>) offsets(%dma_start3A_637 : memref<32xi32, #tpu.memory_space<vmem>>) semaphore(%dma_start3A_642 : memref<!tpu.dma_semaphore, #tpu.memory_space<semaphore_mem>>)
    } else {
    }
    %eq3A_545 = arith.constant 3 : i32
    %eq3A_546 = arith.cmpi eq, %shift_right_arithmetic3A_534, %eq3A_545 : i32
    %convert_element_type3A_547 = arith.extui %eq3A_546 : i1 to i32
    %cond3A_548 = arith.constant 0 : i32
    %cond3A_549 = arith.cmpi ne, %convert_element_type3A_547, %cond3A_548 : i32
    scf.if %cond3A_549 {
      %dma_start3A_630 = arith.constant 5 : i32
      %dma_start3A_631 = arith.constant 5 : i32
      %dma_start3A_632 = arith.constant 0 : i32
      %dma_start3A_633 = arith.constant 0 : i32
      %dma_start3A_634 = tpu.memref_slice %arg11[%dma_start3A_630, %dma_start3A_632, %dma_start3A_633] : memref<8x64x128xf32, #tpu.memory_space<vmem>> -> memref<1x48x128xf32, #tpu.memory_space<vmem>>
      %dma_start3A_635 = tpu.memref_squeeze %dma_start3A_634 : memref<1x48x128xf32, #tpu.memory_space<vmem>> -> memref<48x128xf32, #tpu.memory_space<vmem>>
      %dma_start3A_636 = arith.constant 320 : i32
      %dma_start3A_637 = tpu.memref_slice %arg7[%dma_start3A_636] : memref<10240xi32, #tpu.memory_space<vmem>> -> memref<48xi32, #tpu.memory_space<vmem>>
      %dma_start3A_638 = arith.constant 0 : i32
      %dma_start3A_639 = arith.constant 0 : i32
      %dma_start3A_640 = tpu.memref_slice %arg4[%dma_start3A_638, %dma_start3A_639] : memref<30000x128xf32, #tpu.memory_space<hbm>> -> memref<30000x128xf32, #tpu.memory_space<hbm>>
      %dma_start3A_641 = tpu.memref_slice %arg13[%dma_start3A_631] : memref<8x!tpu.dma_semaphore, #tpu.memory_space<semaphore_mem>> -> memref<1x!tpu.dma_semaphore, #tpu.memory_space<semaphore_mem>>
      %dma_start3A_642 = tpu.memref_squeeze %dma_start3A_641 : memref<1x!tpu.dma_semaphore, #tpu.memory_space<semaphore_mem>> -> memref<!tpu.dma_semaphore, #tpu.memory_space<semaphore_mem>>
      tpu.enqueue_indirect_dma source(%dma_start3A_640 : memref<30000x128xf32, #tpu.memory_space<hbm>>) target(%dma_start3A_635 : memref<48x128xf32, #tpu.memory_space<vmem>>) offsets(%dma_start3A_637 : memref<48xi32, #tpu.memory_space<vmem>>) semaphore(%dma_start3A_642 : memref<!tpu.dma_semaphore, #tpu.memory_space<semaphore_mem>>)
    } else {
    }
    %eq3A_550 = arith.constant 4 : i32
    %eq3A_551 = arith.cmpi eq, %shift_right_arithmetic3A_534, %eq3A_550 : i32
    %convert_element_type3A_552 = arith.extui %eq3A_551 : i1 to i32
    %cond3A_553 = arith.constant 0 : i32
    %cond3A_554 = arith.cmpi ne, %convert_element_type3A_552, %cond3A_553 : i32
    scf.if %cond3A_554 {
      %dma_start3A_630 = arith.constant 5 : i32
      %dma_start3A_631 = arith.constant 5 : i32
      %dma_start3A_632 = arith.constant 0 : i32
      %dma_start3A_633 = arith.constant 0 : i32
      %dma_start3A_634 = tpu.memref_slice %arg11[%dma_start3A_630, %dma_start3A_632, %dma_start3A_633] : memref<8x64x128xf32, #tpu.memory_space<vmem>> -> memref<1x64x128xf32, #tpu.memory_space<vmem>>
      %dma_start3A_635 = tpu.memref_squeeze %dma_start3A_634 : memref<1x64x128xf32, #tpu.memory_space<vmem>> -> memref<64x128xf32, #tpu.memory_space<vmem>>
      %dma_start3A_636 = arith.constant 320 : i32
      %dma_start3A_637 = tpu.memref_slice %arg7[%dma_start3A_636] : memref<10240xi32, #tpu.memory_space<vmem>> -> memref<64xi32, #tpu.memory_space<vmem>>
      %dma_start3A_638 = arith.constant 0 : i32
      %dma_start3A_639 = arith.constant 0 : i32
      %dma_start3A_640 = tpu.memref_slice %arg4[%dma_start3A_638, %dma_start3A_639] : memref<30000x128xf32, #tpu.memory_space<hbm>> -> memref<30000x128xf32, #tpu.memory_space<hbm>>
      %dma_start3A_641 = tpu.memref_slice %arg13[%dma_start3A_631] : memref<8x!tpu.dma_semaphore, #tpu.memory_space<semaphore_mem>> -> memref<1x!tpu.dma_semaphore, #tpu.memory_space<semaphore_mem>>
      %dma_start3A_642 = tpu.memref_squeeze %dma_start3A_641 : memref<1x!tpu.dma_semaphore, #tpu.memory_space<semaphore_mem>> -> memref<!tpu.dma_semaphore, #tpu.memory_space<semaphore_mem>>
      tpu.enqueue_indirect_dma source(%dma_start3A_640 : memref<30000x128xf32, #tpu.memory_space<hbm>>) target(%dma_start3A_635 : memref<64x128xf32, #tpu.memory_space<vmem>>) offsets(%dma_start3A_637 : memref<64xi32, #tpu.memory_space<vmem>>) semaphore(%dma_start3A_642 : memref<!tpu.dma_semaphore, #tpu.memory_space<semaphore_mem>>)
    } else {
    }
    %get3A_555 = arith.constant 6 : index
    %get3A_556 = tpu.vector_load %arg8[%get3A_555] {strides = array<i32>} : memref<176xi32, #tpu.memory_space<vmem>>, vector<16xi32>,
    %get3A_557 = vector.shape_cast %get3A_556 : vector<16xi32> to vector<16xi32>
    %slice3A_558 = vector.extract_strided_slice %get3A_557 {offsets = [0], sizes = [1], strides = [1]} : vector<16xi32> to vector<1xi32>
    %squeeze3A_559 = vector.extract %slice3A_558[0] : i32 from vector<1xi32>
    %add3A_560 = arith.constant 15 : i32
    %add3A_561 = arith.addi %squeeze3A_559, %add3A_560 : i32
    %shift_right_arithmetic3A_562 = arith.constant 4 : i32
    %shift_right_arithmetic3A_563 = arith.shrsi %add3A_561, %shift_right_arithmetic3A_562 : i32
    %eq3A_564 = arith.constant 1 : i32
    %eq3A_565 = arith.cmpi eq, %shift_right_arithmetic3A_563, %eq3A_564 : i32
    %convert_element_type3A_566 = arith.extui %eq3A_565 : i1 to i32
    %cond3A_567 = arith.constant 0 : i32
    %cond3A_568 = arith.cmpi ne, %convert_element_type3A_566, %cond3A_567 : i32
    scf.if %cond3A_568 {
      %dma_start3A_630 = arith.constant 6 : i32
      %dma_start3A_631 = arith.constant 6 : i32
      %dma_start3A_632 = arith.constant 0 : i32
      %dma_start3A_633 = arith.constant 0 : i32
      %dma_start3A_634 = tpu.memref_slice %arg11[%dma_start3A_630, %dma_start3A_632, %dma_start3A_633] : memref<8x64x128xf32, #tpu.memory_space<vmem>> -> memref<1x16x128xf32, #tpu.memory_space<vmem>>
      %dma_start3A_635 = tpu.memref_squeeze %dma_start3A_634 : memref<1x16x128xf32, #tpu.memory_space<vmem>> -> memref<16x128xf32, #tpu.memory_space<vmem>>
      %dma_start3A_636 = arith.constant 384 : i32
      %dma_start3A_637 = tpu.memref_slice %arg7[%dma_start3A_636] : memref<10240xi32, #tpu.memory_space<vmem>> -> memref<16xi32, #tpu.memory_space<vmem>>
      %dma_start3A_638 = arith.constant 0 : i32
      %dma_start3A_639 = arith.constant 0 : i32
      %dma_start3A_640 = tpu.memref_slice %arg4[%dma_start3A_638, %dma_start3A_639] : memref<30000x128xf32, #tpu.memory_space<hbm>> -> memref<30000x128xf32, #tpu.memory_space<hbm>>
      %dma_start3A_641 = tpu.memref_slice %arg13[%dma_start3A_631] : memref<8x!tpu.dma_semaphore, #tpu.memory_space<semaphore_mem>> -> memref<1x!tpu.dma_semaphore, #tpu.memory_space<semaphore_mem>>
      %dma_start3A_642 = tpu.memref_squeeze %dma_start3A_641 : memref<1x!tpu.dma_semaphore, #tpu.memory_space<semaphore_mem>> -> memref<!tpu.dma_semaphore, #tpu.memory_space<semaphore_mem>>
      tpu.enqueue_indirect_dma source(%dma_start3A_640 : memref<30000x128xf32, #tpu.memory_space<hbm>>) target(%dma_start3A_635 : memref<16x128xf32, #tpu.memory_space<vmem>>) offsets(%dma_start3A_637 : memref<16xi32, #tpu.memory_space<vmem>>) semaphore(%dma_start3A_642 : memref<!tpu.dma_semaphore, #tpu.memory_space<semaphore_mem>>)
    } else {
    }
    %eq3A_569 = arith.constant 2 : i32
    %eq3A_570 = arith.cmpi eq, %shift_right_arithmetic3A_563, %eq3A_569 : i32
    %convert_element_type3A_571 = arith.extui %eq3A_570 : i1 to i32
    %cond3A_572 = arith.constant 0 : i32
    %cond3A_573 = arith.cmpi ne, %convert_element_type3A_571, %cond3A_572 : i32
    scf.if %cond3A_573 {
      %dma_start3A_630 = arith.constant 6 : i32
      %dma_start3A_631 = arith.constant 6 : i32
      %dma_start3A_632 = arith.constant 0 : i32
      %dma_start3A_633 = arith.constant 0 : i32
      %dma_start3A_634 = tpu.memref_slice %arg11[%dma_start3A_630, %dma_start3A_632, %dma_start3A_633] : memref<8x64x128xf32, #tpu.memory_space<vmem>> -> memref<1x32x128xf32, #tpu.memory_space<vmem>>
      %dma_start3A_635 = tpu.memref_squeeze %dma_start3A_634 : memref<1x32x128xf32, #tpu.memory_space<vmem>> -> memref<32x128xf32, #tpu.memory_space<vmem>>
      %dma_start3A_636 = arith.constant 384 : i32
      %dma_start3A_637 = tpu.memref_slice %arg7[%dma_start3A_636] : memref<10240xi32, #tpu.memory_space<vmem>> -> memref<32xi32, #tpu.memory_space<vmem>>
      %dma_start3A_638 = arith.constant 0 : i32
      %dma_start3A_639 = arith.constant 0 : i32
      %dma_start3A_640 = tpu.memref_slice %arg4[%dma_start3A_638, %dma_start3A_639] : memref<30000x128xf32, #tpu.memory_space<hbm>> -> memref<30000x128xf32, #tpu.memory_space<hbm>>
      %dma_start3A_641 = tpu.memref_slice %arg13[%dma_start3A_631] : memref<8x!tpu.dma_semaphore, #tpu.memory_space<semaphore_mem>> -> memref<1x!tpu.dma_semaphore, #tpu.memory_space<semaphore_mem>>
      %dma_start3A_642 = tpu.memref_squeeze %dma_start3A_641 : memref<1x!tpu.dma_semaphore, #tpu.memory_space<semaphore_mem>> -> memref<!tpu.dma_semaphore, #tpu.memory_space<semaphore_mem>>
      tpu.enqueue_indirect_dma source(%dma_start3A_640 : memref<30000x128xf32, #tpu.memory_space<hbm>>) target(%dma_start3A_635 : memref<32x128xf32, #tpu.memory_space<vmem>>) offsets(%dma_start3A_637 : memref<32xi32, #tpu.memory_space<vmem>>) semaphore(%dma_start3A_642 : memref<!tpu.dma_semaphore, #tpu.memory_space<semaphore_mem>>)
    } else {
    }
    %eq3A_574 = arith.constant 3 : i32
    %eq3A_575 = arith.cmpi eq, %shift_right_arithmetic3A_563, %eq3A_574 : i32
    %convert_element_type3A_576 = arith.extui %eq3A_575 : i1 to i32
    %cond3A_577 = arith.constant 0 : i32
    %cond3A_578 = arith.cmpi ne, %convert_element_type3A_576, %cond3A_577 : i32
    scf.if %cond3A_578 {
      %dma_start3A_630 = arith.constant 6 : i32
      %dma_start3A_631 = arith.constant 6 : i32
      %dma_start3A_632 = arith.constant 0 : i32
      %dma_start3A_633 = arith.constant 0 : i32
      %dma_start3A_634 = tpu.memref_slice %arg11[%dma_start3A_630, %dma_start3A_632, %dma_start3A_633] : memref<8x64x128xf32, #tpu.memory_space<vmem>> -> memref<1x48x128xf32, #tpu.memory_space<vmem>>
      %dma_start3A_635 = tpu.memref_squeeze %dma_start3A_634 : memref<1x48x128xf32, #tpu.memory_space<vmem>> -> memref<48x128xf32, #tpu.memory_space<vmem>>
      %dma_start3A_636 = arith.constant 384 : i32
      %dma_start3A_637 = tpu.memref_slice %arg7[%dma_start3A_636] : memref<10240xi32, #tpu.memory_space<vmem>> -> memref<48xi32, #tpu.memory_space<vmem>>
      %dma_start3A_638 = arith.constant 0 : i32
      %dma_start3A_639 = arith.constant 0 : i32
      %dma_start3A_640 = tpu.memref_slice %arg4[%dma_start3A_638, %dma_start3A_639] : memref<30000x128xf32, #tpu.memory_space<hbm>> -> memref<30000x128xf32, #tpu.memory_space<hbm>>
      %dma_start3A_641 = tpu.memref_slice %arg13[%dma_start3A_631] : memref<8x!tpu.dma_semaphore, #tpu.memory_space<semaphore_mem>> -> memref<1x!tpu.dma_semaphore, #tpu.memory_space<semaphore_mem>>
      %dma_start3A_642 = tpu.memref_squeeze %dma_start3A_641 : memref<1x!tpu.dma_semaphore, #tpu.memory_space<semaphore_mem>> -> memref<!tpu.dma_semaphore, #tpu.memory_space<semaphore_mem>>
      tpu.enqueue_indirect_dma source(%dma_start3A_640 : memref<30000x128xf32, #tpu.memory_space<hbm>>) target(%dma_start3A_635 : memref<48x128xf32, #tpu.memory_space<vmem>>) offsets(%dma_start3A_637 : memref<48xi32, #tpu.memory_space<vmem>>) semaphore(%dma_start3A_642 : memref<!tpu.dma_semaphore, #tpu.memory_space<semaphore_mem>>)
    } else {
    }
    %eq3A_579 = arith.constant 4 : i32
    %eq3A_580 = arith.cmpi eq, %shift_right_arithmetic3A_563, %eq3A_579 : i32
    %convert_element_type3A_581 = arith.extui %eq3A_580 : i1 to i32
    %cond3A_582 = arith.constant 0 : i32
    %cond3A_583 = arith.cmpi ne, %convert_element_type3A_581, %cond3A_582 : i32
    scf.if %cond3A_583 {
      %dma_start3A_630 = arith.constant 6 : i32
      %dma_start3A_631 = arith.constant 6 : i32
      %dma_start3A_632 = arith.constant 0 : i32
      %dma_start3A_633 = arith.constant 0 : i32
      %dma_start3A_634 = tpu.memref_slice %arg11[%dma_start3A_630, %dma_start3A_632, %dma_start3A_633] : memref<8x64x128xf32, #tpu.memory_space<vmem>> -> memref<1x64x128xf32, #tpu.memory_space<vmem>>
      %dma_start3A_635 = tpu.memref_squeeze %dma_start3A_634 : memref<1x64x128xf32, #tpu.memory_space<vmem>> -> memref<64x128xf32, #tpu.memory_space<vmem>>
      %dma_start3A_636 = arith.constant 384 : i32
      %dma_start3A_637 = tpu.memref_slice %arg7[%dma_start3A_636] : memref<10240xi32, #tpu.memory_space<vmem>> -> memref<64xi32, #tpu.memory_space<vmem>>
      %dma_start3A_638 = arith.constant 0 : i32
      %dma_start3A_639 = arith.constant 0 : i32
      %dma_start3A_640 = tpu.memref_slice %arg4[%dma_start3A_638, %dma_start3A_639] : memref<30000x128xf32, #tpu.memory_space<hbm>> -> memref<30000x128xf32, #tpu.memory_space<hbm>>
      %dma_start3A_641 = tpu.memref_slice %arg13[%dma_start3A_631] : memref<8x!tpu.dma_semaphore, #tpu.memory_space<semaphore_mem>> -> memref<1x!tpu.dma_semaphore, #tpu.memory_space<semaphore_mem>>
      %dma_start3A_642 = tpu.memref_squeeze %dma_start3A_641 : memref<1x!tpu.dma_semaphore, #tpu.memory_space<semaphore_mem>> -> memref<!tpu.dma_semaphore, #tpu.memory_space<semaphore_mem>>
      tpu.enqueue_indirect_dma source(%dma_start3A_640 : memref<30000x128xf32, #tpu.memory_space<hbm>>) target(%dma_start3A_635 : memref<64x128xf32, #tpu.memory_space<vmem>>) offsets(%dma_start3A_637 : memref<64xi32, #tpu.memory_space<vmem>>) semaphore(%dma_start3A_642 : memref<!tpu.dma_semaphore, #tpu.memory_space<semaphore_mem>>)
    } else {
    }
    %scan3A_584 = arith.constant 0 : i32
    %scan3A_585 = arith.constant 0 : i32
    %scan3A_586 = arith.constant 160 : i32
    %scan3A_587 = arith.addi %scan3A_585, %scan3A_586 : i32
    %scan3A_588 = arith.constant 1 : i32
    scf.for %scan3A_630 = %scan3A_585 to %scan3A_587 step %scan3A_588  : i32 {
      %add3A_631 = arith.constant 7 : i32
      %add3A_632 = arith.addi %scan3A_630, %add3A_631 : i32
      %lt3A = arith.constant 160 : i32
      %lt3A_633 = arith.cmpi slt, %add3A_632, %lt3A : i32
      %convert_element_type3A_634 = arith.extui %lt3A_633 : i1 to i32
      %cond3A_635 = arith.constant 0 : i32
      %cond3A_636 = arith.cmpi ne, %convert_element_type3A_634, %cond3A_635 : i32
      scf.if %cond3A_636 {
        %add3A_732 = arith.constant 7 : i32
        %add3A_733 = arith.addi %scan3A_630, %add3A_732 : i32
        %add3A_734 = arith.constant 7 : i32
        %add3A_735 = arith.addi %scan3A_630, %add3A_734 : i32
        %rem3A_736 = arith.constant 8 : i32
        %rem3A_737 = arith.remsi %add3A_735, %rem3A_736 : i32
        %get3A_738 = arith.index_cast %add3A_733 : i32 to index
        %get3A_739 = tpu.vector_load %arg8[%get3A_738] {strides = array<i32>} : memref<176xi32, #tpu.memory_space<vmem>>, vector<16xi32>,
        %get3A_740 = vector.shape_cast %get3A_739 : vector<16xi32> to vector<16xi32>
        %slice3A_741 = vector.extract_strided_slice %get3A_740 {offsets = [0], sizes = [1], strides = [1]} : vector<16xi32> to vector<1xi32>
        %squeeze3A_742 = vector.extract %slice3A_741[0] : i32 from vector<1xi32>
        %add3A_743 = arith.constant 15 : i32
        %add3A_744 = arith.addi %squeeze3A_742, %add3A_743 : i32
        %shift_right_arithmetic3A_745 = arith.constant 4 : i32
        %shift_right_arithmetic3A_746 = arith.shrsi %add3A_744, %shift_right_arithmetic3A_745 : i32
        %eq3A_747 = arith.constant 1 : i32
        %eq3A_748 = arith.cmpi eq, %shift_right_arithmetic3A_746, %eq3A_747 : i32
        %convert_element_type3A_749 = arith.extui %eq3A_748 : i1 to i32
        %cond3A_750 = arith.constant 0 : i32
        %cond3A_751 = arith.cmpi ne, %convert_element_type3A_749, %cond3A_750 : i32
        scf.if %cond3A_751 {
          %mul3A_767 = arith.constant 64 : i32
          %mul3A_768 = arith.muli %add3A_733, %mul3A_767 : i32
          %dma_start3A_769 = arith.constant 0 : i32
          %dma_start3A_770 = arith.constant 0 : i32
          %dma_start3A_771 = tpu.memref_slice %arg11[%rem3A_737, %dma_start3A_769, %dma_start3A_770] : memref<8x64x128xf32, #tpu.memory_space<vmem>> -> memref<1x16x128xf32, #tpu.memory_space<vmem>>
          %dma_start3A_772 = tpu.memref_squeeze %dma_start3A_771 : memref<1x16x128xf32, #tpu.memory_space<vmem>> -> memref<16x128xf32, #tpu.memory_space<vmem>>
          %dma_start3A_773 = tpu.memref_slice %arg7[%mul3A_768] : memref<10240xi32, #tpu.memory_space<vmem>> -> memref<16xi32, #tpu.memory_space<vmem>>
          %dma_start3A_774 = arith.constant 0 : i32
          %dma_start3A_775 = arith.constant 0 : i32
          %dma_start3A_776 = tpu.memref_slice %arg4[%dma_start3A_774, %dma_start3A_775] : memref<30000x128xf32, #tpu.memory_space<hbm>> -> memref<30000x128xf32, #tpu.memory_space<hbm>>
          %dma_start3A_777 = tpu.memref_slice %arg13[%rem3A_737] : memref<8x!tpu.dma_semaphore, #tpu.memory_space<semaphore_mem>> -> memref<1x!tpu.dma_semaphore, #tpu.memory_space<semaphore_mem>>
          %dma_start3A_778 = tpu.memref_squeeze %dma_start3A_777 : memref<1x!tpu.dma_semaphore, #tpu.memory_space<semaphore_mem>> -> memref<!tpu.dma_semaphore, #tpu.memory_space<semaphore_mem>>
          tpu.enqueue_indirect_dma source(%dma_start3A_776 : memref<30000x128xf32, #tpu.memory_space<hbm>>) target(%dma_start3A_772 : memref<16x128xf32, #tpu.memory_space<vmem>>) offsets(%dma_start3A_773 : memref<16xi32, #tpu.memory_space<vmem>>) semaphore(%dma_start3A_778 : memref<!tpu.dma_semaphore, #tpu.memory_space<semaphore_mem>>)
        } else {
        }
        %eq3A_752 = arith.constant 2 : i32
        %eq3A_753 = arith.cmpi eq, %shift_right_arithmetic3A_746, %eq3A_752 : i32
        %convert_element_type3A_754 = arith.extui %eq3A_753 : i1 to i32
        %cond3A_755 = arith.constant 0 : i32
        %cond3A_756 = arith.cmpi ne, %convert_element_type3A_754, %cond3A_755 : i32
        scf.if %cond3A_756 {
          %mul3A_767 = arith.constant 64 : i32
          %mul3A_768 = arith.muli %add3A_733, %mul3A_767 : i32
          %dma_start3A_769 = arith.constant 0 : i32
          %dma_start3A_770 = arith.constant 0 : i32
          %dma_start3A_771 = tpu.memref_slice %arg11[%rem3A_737, %dma_start3A_769, %dma_start3A_770] : memref<8x64x128xf32, #tpu.memory_space<vmem>> -> memref<1x32x128xf32, #tpu.memory_space<vmem>>
          %dma_start3A_772 = tpu.memref_squeeze %dma_start3A_771 : memref<1x32x128xf32, #tpu.memory_space<vmem>> -> memref<32x128xf32, #tpu.memory_space<vmem>>
          %dma_start3A_773 = tpu.memref_slice %arg7[%mul3A_768] : memref<10240xi32, #tpu.memory_space<vmem>> -> memref<32xi32, #tpu.memory_space<vmem>>
          %dma_start3A_774 = arith.constant 0 : i32
          %dma_start3A_775 = arith.constant 0 : i32
          %dma_start3A_776 = tpu.memref_slice %arg4[%dma_start3A_774, %dma_start3A_775] : memref<30000x128xf32, #tpu.memory_space<hbm>> -> memref<30000x128xf32, #tpu.memory_space<hbm>>
          %dma_start3A_777 = tpu.memref_slice %arg13[%rem3A_737] : memref<8x!tpu.dma_semaphore, #tpu.memory_space<semaphore_mem>> -> memref<1x!tpu.dma_semaphore, #tpu.memory_space<semaphore_mem>>
          %dma_start3A_778 = tpu.memref_squeeze %dma_start3A_777 : memref<1x!tpu.dma_semaphore, #tpu.memory_space<semaphore_mem>> -> memref<!tpu.dma_semaphore, #tpu.memory_space<semaphore_mem>>
          tpu.enqueue_indirect_dma source(%dma_start3A_776 : memref<30000x128xf32, #tpu.memory_space<hbm>>) target(%dma_start3A_772 : memref<32x128xf32, #tpu.memory_space<vmem>>) offsets(%dma_start3A_773 : memref<32xi32, #tpu.memory_space<vmem>>) semaphore(%dma_start3A_778 : memref<!tpu.dma_semaphore, #tpu.memory_space<semaphore_mem>>)
        } else {
        }
        %eq3A_757 = arith.constant 3 : i32
        %eq3A_758 = arith.cmpi eq, %shift_right_arithmetic3A_746, %eq3A_757 : i32
        %convert_element_type3A_759 = arith.extui %eq3A_758 : i1 to i32
        %cond3A_760 = arith.constant 0 : i32
        %cond3A_761 = arith.cmpi ne, %convert_element_type3A_759, %cond3A_760 : i32
        scf.if %cond3A_761 {
          %mul3A_767 = arith.constant 64 : i32
          %mul3A_768 = arith.muli %add3A_733, %mul3A_767 : i32
          %dma_start3A_769 = arith.constant 0 : i32
          %dma_start3A_770 = arith.constant 0 : i32
          %dma_start3A_771 = tpu.memref_slice %arg11[%rem3A_737, %dma_start3A_769, %dma_start3A_770] : memref<8x64x128xf32, #tpu.memory_space<vmem>> -> memref<1x48x128xf32, #tpu.memory_space<vmem>>
          %dma_start3A_772 = tpu.memref_squeeze %dma_start3A_771 : memref<1x48x128xf32, #tpu.memory_space<vmem>> -> memref<48x128xf32, #tpu.memory_space<vmem>>
          %dma_start3A_773 = tpu.memref_slice %arg7[%mul3A_768] : memref<10240xi32, #tpu.memory_space<vmem>> -> memref<48xi32, #tpu.memory_space<vmem>>
          %dma_start3A_774 = arith.constant 0 : i32
          %dma_start3A_775 = arith.constant 0 : i32
          %dma_start3A_776 = tpu.memref_slice %arg4[%dma_start3A_774, %dma_start3A_775] : memref<30000x128xf32, #tpu.memory_space<hbm>> -> memref<30000x128xf32, #tpu.memory_space<hbm>>
          %dma_start3A_777 = tpu.memref_slice %arg13[%rem3A_737] : memref<8x!tpu.dma_semaphore, #tpu.memory_space<semaphore_mem>> -> memref<1x!tpu.dma_semaphore, #tpu.memory_space<semaphore_mem>>
          %dma_start3A_778 = tpu.memref_squeeze %dma_start3A_777 : memref<1x!tpu.dma_semaphore, #tpu.memory_space<semaphore_mem>> -> memref<!tpu.dma_semaphore, #tpu.memory_space<semaphore_mem>>
          tpu.enqueue_indirect_dma source(%dma_start3A_776 : memref<30000x128xf32, #tpu.memory_space<hbm>>) target(%dma_start3A_772 : memref<48x128xf32, #tpu.memory_space<vmem>>) offsets(%dma_start3A_773 : memref<48xi32, #tpu.memory_space<vmem>>) semaphore(%dma_start3A_778 : memref<!tpu.dma_semaphore, #tpu.memory_space<semaphore_mem>>)
        } else {
        }
        %eq3A_762 = arith.constant 4 : i32
        %eq3A_763 = arith.cmpi eq, %shift_right_arithmetic3A_746, %eq3A_762 : i32
        %convert_element_type3A_764 = arith.extui %eq3A_763 : i1 to i32
        %cond3A_765 = arith.constant 0 : i32
        %cond3A_766 = arith.cmpi ne, %convert_element_type3A_764, %cond3A_765 : i32
        scf.if %cond3A_766 {
          %mul3A_767 = arith.constant 64 : i32
          %mul3A_768 = arith.muli %add3A_733, %mul3A_767 : i32
          %dma_start3A_769 = arith.constant 0 : i32
          %dma_start3A_770 = arith.constant 0 : i32
          %dma_start3A_771 = tpu.memref_slice %arg11[%rem3A_737, %dma_start3A_769, %dma_start3A_770] : memref<8x64x128xf32, #tpu.memory_space<vmem>> -> memref<1x64x128xf32, #tpu.memory_space<vmem>>
          %dma_start3A_772 = tpu.memref_squeeze %dma_start3A_771 : memref<1x64x128xf32, #tpu.memory_space<vmem>> -> memref<64x128xf32, #tpu.memory_space<vmem>>
          %dma_start3A_773 = tpu.memref_slice %arg7[%mul3A_768] : memref<10240xi32, #tpu.memory_space<vmem>> -> memref<64xi32, #tpu.memory_space<vmem>>
          %dma_start3A_774 = arith.constant 0 : i32
          %dma_start3A_775 = arith.constant 0 : i32
          %dma_start3A_776 = tpu.memref_slice %arg4[%dma_start3A_774, %dma_start3A_775] : memref<30000x128xf32, #tpu.memory_space<hbm>> -> memref<30000x128xf32, #tpu.memory_space<hbm>>
          %dma_start3A_777 = tpu.memref_slice %arg13[%rem3A_737] : memref<8x!tpu.dma_semaphore, #tpu.memory_space<semaphore_mem>> -> memref<1x!tpu.dma_semaphore, #tpu.memory_space<semaphore_mem>>
          %dma_start3A_778 = tpu.memref_squeeze %dma_start3A_777 : memref<1x!tpu.dma_semaphore, #tpu.memory_space<semaphore_mem>> -> memref<!tpu.dma_semaphore, #tpu.memory_space<semaphore_mem>>
          tpu.enqueue_indirect_dma source(%dma_start3A_776 : memref<30000x128xf32, #tpu.memory_space<hbm>>) target(%dma_start3A_772 : memref<64x128xf32, #tpu.memory_space<vmem>>) offsets(%dma_start3A_773 : memref<64xi32, #tpu.memory_space<vmem>>) semaphore(%dma_start3A_778 : memref<!tpu.dma_semaphore, #tpu.memory_space<semaphore_mem>>)
        } else {
        }
      } else {
      }
      %rem3A = arith.constant 8 : i32
      %rem3A_637 = arith.remsi %scan3A_630, %rem3A : i32
      %get3A_638 = arith.index_cast %scan3A_630 : i32 to index
      %get3A_639 = tpu.vector_load %arg8[%get3A_638] {strides = array<i32>} : memref<176xi32, #tpu.memory_space<vmem>>, vector<16xi32>,
      %get3A_640 = vector.shape_cast %get3A_639 : vector<16xi32> to vector<16xi32>
      %slice3A_641 = vector.extract_strided_slice %get3A_640 {offsets = [0], sizes = [1], strides = [1]} : vector<16xi32> to vector<1xi32>
      %squeeze3A_642 = vector.extract %slice3A_641[0] : i32 from vector<1xi32>
      %add3A_643 = arith.constant 15 : i32
      %add3A_644 = arith.addi %squeeze3A_642, %add3A_643 : i32
      %shift_right_arithmetic3A_645 = arith.constant 4 : i32
      %shift_right_arithmetic3A_646 = arith.shrsi %add3A_644, %shift_right_arithmetic3A_645 : i32
      %eq3A_647 = arith.constant 1 : i32
      %eq3A_648 = arith.cmpi eq, %shift_right_arithmetic3A_646, %eq3A_647 : i32
      %convert_element_type3A_649 = arith.extui %eq3A_648 : i1 to i32
      %cond3A_650 = arith.constant 0 : i32
      %cond3A_651 = arith.cmpi ne, %convert_element_type3A_649, %cond3A_650 : i32
      scf.if %cond3A_651 {
        %mul3A_732 = arith.constant 64 : i32
        %mul3A_733 = arith.muli %scan3A_630, %mul3A_732 : i32
        %dma_wait3A_734 = arith.constant 0 : i32
        %dma_wait3A_735 = arith.constant 0 : i32
        %dma_wait3A_736 = tpu.memref_slice %arg11[%rem3A_637, %dma_wait3A_734, %dma_wait3A_735] : memref<8x64x128xf32, #tpu.memory_space<vmem>> -> memref<1x16x128xf32, #tpu.memory_space<vmem>>
        %dma_wait3A_737 = tpu.memref_squeeze %dma_wait3A_736 : memref<1x16x128xf32, #tpu.memory_space<vmem>> -> memref<16x128xf32, #tpu.memory_space<vmem>>
        %dma_wait3A_738 = tpu.memref_slice %arg7[%mul3A_733] : memref<10240xi32, #tpu.memory_space<vmem>> -> memref<16xi32, #tpu.memory_space<vmem>>
        %dma_wait3A_739 = arith.constant 0 : i32
        %dma_wait3A_740 = arith.constant 0 : i32
        %dma_wait3A_741 = tpu.memref_slice %arg4[%dma_wait3A_739, %dma_wait3A_740] : memref<30000x128xf32, #tpu.memory_space<hbm>> -> memref<30000x128xf32, #tpu.memory_space<hbm>>
        %dma_wait3A_742 = tpu.memref_slice %arg13[%rem3A_637] : memref<8x!tpu.dma_semaphore, #tpu.memory_space<semaphore_mem>> -> memref<1x!tpu.dma_semaphore, #tpu.memory_space<semaphore_mem>>
        %dma_wait3A_743 = tpu.memref_squeeze %dma_wait3A_742 : memref<1x!tpu.dma_semaphore, #tpu.memory_space<semaphore_mem>> -> memref<!tpu.dma_semaphore, #tpu.memory_space<semaphore_mem>>
        tpu.wait_indirect_dma semaphore(%dma_wait3A_743 : memref<!tpu.dma_semaphore, #tpu.memory_space<semaphore_mem>>) src(%dma_wait3A_741 : memref<30000x128xf32, #tpu.memory_space<hbm>>) dst(%dma_wait3A_737 : memref<16x128xf32, #tpu.memory_space<vmem>>)
      } else {
      }
      %eq3A_652 = arith.constant 2 : i32
      %eq3A_653 = arith.cmpi eq, %shift_right_arithmetic3A_646, %eq3A_652 : i32
      %convert_element_type3A_654 = arith.extui %eq3A_653 : i1 to i32
      %cond3A_655 = arith.constant 0 : i32
      %cond3A_656 = arith.cmpi ne, %convert_element_type3A_654, %cond3A_655 : i32
      scf.if %cond3A_656 {
        %mul3A_732 = arith.constant 64 : i32
        %mul3A_733 = arith.muli %scan3A_630, %mul3A_732 : i32
        %dma_wait3A_734 = arith.constant 0 : i32
        %dma_wait3A_735 = arith.constant 0 : i32
        %dma_wait3A_736 = tpu.memref_slice %arg11[%rem3A_637, %dma_wait3A_734, %dma_wait3A_735] : memref<8x64x128xf32, #tpu.memory_space<vmem>> -> memref<1x32x128xf32, #tpu.memory_space<vmem>>
        %dma_wait3A_737 = tpu.memref_squeeze %dma_wait3A_736 : memref<1x32x128xf32, #tpu.memory_space<vmem>> -> memref<32x128xf32, #tpu.memory_space<vmem>>
        %dma_wait3A_738 = tpu.memref_slice %arg7[%mul3A_733] : memref<10240xi32, #tpu.memory_space<vmem>> -> memref<32xi32, #tpu.memory_space<vmem>>
        %dma_wait3A_739 = arith.constant 0 : i32
        %dma_wait3A_740 = arith.constant 0 : i32
        %dma_wait3A_741 = tpu.memref_slice %arg4[%dma_wait3A_739, %dma_wait3A_740] : memref<30000x128xf32, #tpu.memory_space<hbm>> -> memref<30000x128xf32, #tpu.memory_space<hbm>>
        %dma_wait3A_742 = tpu.memref_slice %arg13[%rem3A_637] : memref<8x!tpu.dma_semaphore, #tpu.memory_space<semaphore_mem>> -> memref<1x!tpu.dma_semaphore, #tpu.memory_space<semaphore_mem>>
        %dma_wait3A_743 = tpu.memref_squeeze %dma_wait3A_742 : memref<1x!tpu.dma_semaphore, #tpu.memory_space<semaphore_mem>> -> memref<!tpu.dma_semaphore, #tpu.memory_space<semaphore_mem>>
        tpu.wait_indirect_dma semaphore(%dma_wait3A_743 : memref<!tpu.dma_semaphore, #tpu.memory_space<semaphore_mem>>) src(%dma_wait3A_741 : memref<30000x128xf32, #tpu.memory_space<hbm>>) dst(%dma_wait3A_737 : memref<32x128xf32, #tpu.memory_space<vmem>>)
      } else {
      }
      %eq3A_657 = arith.constant 3 : i32
      %eq3A_658 = arith.cmpi eq, %shift_right_arithmetic3A_646, %eq3A_657 : i32
      %convert_element_type3A_659 = arith.extui %eq3A_658 : i1 to i32
      %cond3A_660 = arith.constant 0 : i32
      %cond3A_661 = arith.cmpi ne, %convert_element_type3A_659, %cond3A_660 : i32
      scf.if %cond3A_661 {
        %mul3A_732 = arith.constant 64 : i32
        %mul3A_733 = arith.muli %scan3A_630, %mul3A_732 : i32
        %dma_wait3A_734 = arith.constant 0 : i32
        %dma_wait3A_735 = arith.constant 0 : i32
        %dma_wait3A_736 = tpu.memref_slice %arg11[%rem3A_637, %dma_wait3A_734, %dma_wait3A_735] : memref<8x64x128xf32, #tpu.memory_space<vmem>> -> memref<1x48x128xf32, #tpu.memory_space<vmem>>
        %dma_wait3A_737 = tpu.memref_squeeze %dma_wait3A_736 : memref<1x48x128xf32, #tpu.memory_space<vmem>> -> memref<48x128xf32, #tpu.memory_space<vmem>>
        %dma_wait3A_738 = tpu.memref_slice %arg7[%mul3A_733] : memref<10240xi32, #tpu.memory_space<vmem>> -> memref<48xi32, #tpu.memory_space<vmem>>
        %dma_wait3A_739 = arith.constant 0 : i32
        %dma_wait3A_740 = arith.constant 0 : i32
        %dma_wait3A_741 = tpu.memref_slice %arg4[%dma_wait3A_739, %dma_wait3A_740] : memref<30000x128xf32, #tpu.memory_space<hbm>> -> memref<30000x128xf32, #tpu.memory_space<hbm>>
        %dma_wait3A_742 = tpu.memref_slice %arg13[%rem3A_637] : memref<8x!tpu.dma_semaphore, #tpu.memory_space<semaphore_mem>> -> memref<1x!tpu.dma_semaphore, #tpu.memory_space<semaphore_mem>>
        %dma_wait3A_743 = tpu.memref_squeeze %dma_wait3A_742 : memref<1x!tpu.dma_semaphore, #tpu.memory_space<semaphore_mem>> -> memref<!tpu.dma_semaphore, #tpu.memory_space<semaphore_mem>>
        tpu.wait_indirect_dma semaphore(%dma_wait3A_743 : memref<!tpu.dma_semaphore, #tpu.memory_space<semaphore_mem>>) src(%dma_wait3A_741 : memref<30000x128xf32, #tpu.memory_space<hbm>>) dst(%dma_wait3A_737 : memref<48x128xf32, #tpu.memory_space<vmem>>)
      } else {
      }
      %eq3A_662 = arith.constant 4 : i32
      %eq3A_663 = arith.cmpi eq, %shift_right_arithmetic3A_646, %eq3A_662 : i32
      %convert_element_type3A_664 = arith.extui %eq3A_663 : i1 to i32
      %cond3A_665 = arith.constant 0 : i32
      %cond3A_666 = arith.cmpi ne, %convert_element_type3A_664, %cond3A_665 : i32
      scf.if %cond3A_666 {
        %mul3A_732 = arith.constant 64 : i32
        %mul3A_733 = arith.muli %scan3A_630, %mul3A_732 : i32
        %dma_wait3A_734 = arith.constant 0 : i32
        %dma_wait3A_735 = arith.constant 0 : i32
        %dma_wait3A_736 = tpu.memref_slice %arg11[%rem3A_637, %dma_wait3A_734, %dma_wait3A_735] : memref<8x64x128xf32, #tpu.memory_space<vmem>> -> memref<1x64x128xf32, #tpu.memory_space<vmem>>
        %dma_wait3A_737 = tpu.memref_squeeze %dma_wait3A_736 : memref<1x64x128xf32, #tpu.memory_space<vmem>> -> memref<64x128xf32, #tpu.memory_space<vmem>>
        %dma_wait3A_738 = tpu.memref_slice %arg7[%mul3A_733] : memref<10240xi32, #tpu.memory_space<vmem>> -> memref<64xi32, #tpu.memory_space<vmem>>
        %dma_wait3A_739 = arith.constant 0 : i32
        %dma_wait3A_740 = arith.constant 0 : i32
        %dma_wait3A_741 = tpu.memref_slice %arg4[%dma_wait3A_739, %dma_wait3A_740] : memref<30000x128xf32, #tpu.memory_space<hbm>> -> memref<30000x128xf32, #tpu.memory_space<hbm>>
        %dma_wait3A_742 = tpu.memref_slice %arg13[%rem3A_637] : memref<8x!tpu.dma_semaphore, #tpu.memory_space<semaphore_mem>> -> memref<1x!tpu.dma_semaphore, #tpu.memory_space<semaphore_mem>>
        %dma_wait3A_743 = tpu.memref_squeeze %dma_wait3A_742 : memref<1x!tpu.dma_semaphore, #tpu.memory_space<semaphore_mem>> -> memref<!tpu.dma_semaphore, #tpu.memory_space<semaphore_mem>>
        tpu.wait_indirect_dma semaphore(%dma_wait3A_743 : memref<!tpu.dma_semaphore, #tpu.memory_space<semaphore_mem>>) src(%dma_wait3A_741 : memref<30000x128xf32, #tpu.memory_space<hbm>>) dst(%dma_wait3A_737 : memref<64x128xf32, #tpu.memory_space<vmem>>)
      } else {
      }
      %broadcast_in_dim3A = arith.constant 0.000000e+00 : f32
      %broadcast_in_dim3A_667 = vector.broadcast %broadcast_in_dim3A : f32 to vector<16xf32>
      %broadcast_in_dim3A_668 = arith.constant 0.000000e+00 : f32
      %broadcast_in_dim3A_669 = vector.broadcast %broadcast_in_dim3A_668 : f32 to vector<16xf32>
      %broadcast_in_dim3A_670 = arith.constant 0.000000e+00 : f32
      %broadcast_in_dim3A_671 = vector.broadcast %broadcast_in_dim3A_670 : f32 to vector<16xf32>
      %broadcast_in_dim3A_672 = arith.constant 0.000000e+00 : f32
      %broadcast_in_dim3A_673 = vector.broadcast %broadcast_in_dim3A_672 : f32 to vector<16xf32>
      %broadcast_in_dim3A_674 = arith.constant 0.000000e+00 : f32
      %broadcast_in_dim3A_675 = vector.broadcast %broadcast_in_dim3A_674 : f32 to vector<16xf32>
      %broadcast_in_dim3A_676 = arith.constant 0.000000e+00 : f32
      %broadcast_in_dim3A_677 = vector.broadcast %broadcast_in_dim3A_676 : f32 to vector<16xf32>
      %broadcast_in_dim3A_678 = arith.constant 0.000000e+00 : f32
      %broadcast_in_dim3A_679 = vector.broadcast %broadcast_in_dim3A_678 : f32 to vector<16xf32>
      %broadcast_in_dim3A_680 = arith.constant 0.000000e+00 : f32
      %broadcast_in_dim3A_681 = vector.broadcast %broadcast_in_dim3A_680 : f32 to vector<16xf32>
      %while3A = arith.constant 0 : i32
      %while3A_682 = arith.subi %shift_right_arithmetic3A_646, %while3A : i32
      %while3A_683 = arith.addi %while3A, %while3A_682 : i32
      %while3A_684 = arith.constant 1 : i32
      %while3A_685 = arith.divsi %while3A_682, %while3A_684 : i32
      %while3A_686 = arith.muli %while3A_685, %while3A_684 : i32
      %while3A_687 = arith.addi %while3A, %while3A_686 : i32
      %while3A_688 = arith.constant 1 : i32
      %while3A_689:8 = scf.for %while3A_732 = %while3A to %while3A_687 step %while3A_688 iter_args(%while3A_733 = %broadcast_in_dim3A_667, %while3A_734 = %broadcast_in_dim3A_669, %while3A_735 = %broadcast_in_dim3A_671, %while3A_736 = %broadcast_in_dim3A_673, %while3A_737 = %broadcast_in_dim3A_675, %while3A_738 = %broadcast_in_dim3A_677, %while3A_739 = %broadcast_in_dim3A_679, %while3A_740 = %broadcast_in_dim3A_681) -> (vector<16xf32>, vector<16xf32>, vector<16xf32>, vector<16xf32>, vector<16xf32>, vector<16xf32>, vector<16xf32>, vector<16xf32>)  : i32 {
        %mul3A_741 = arith.constant 16 : i32
        %mul3A_742 = arith.muli %while3A_732, %mul3A_741 : i32
        %add3A_743 = arith.constant 0 : i32
        %add3A_744 = arith.addi %mul3A_742, %add3A_743 : i32
        %lt3A_745 = arith.cmpi slt, %add3A_744, %squeeze3A_642 : i32
        %convert_element_type3A_746 = arith.extui %lt3A_745 : i1 to i32
        %convert_element_type3A_747 = arith.sitofp %convert_element_type3A_746 : i32 to f32
        %get3A_748 = arith.index_cast %rem3A_637 : i32 to index
        %get3A_749 = arith.index_cast %add3A_744 : i32 to index
        %get3A_750 = arith.constant 0 : index
        %get3A_751 = tpu.vector_load %arg11[%get3A_748, %get3A_749, %get3A_750] {strides = array<i32>} : memref<8x64x128xf32, #tpu.memory_space<vmem>>, vector<1x1x16xf32>,
        %get3A_752 = vector.shape_cast %get3A_751 : vector<1x1x16xf32> to vector<16xf32>
        %mul3A_753 = vector.broadcast %convert_element_type3A_747 : f32 to vector<16xf32>
        %mul3A_754 = arith.mulf %mul3A_753, %get3A_752 : vector<16xf32>
        %add3A_755 = arith.addf %while3A_733, %mul3A_754 : vector<16xf32>
        %get3A_756 = arith.index_cast %rem3A_637 : i32 to index
        %get3A_757 = arith.index_cast %add3A_744 : i32 to index
        %get3A_758 = arith.constant 16 : index
        %get3A_759 = tpu.vector_load %arg11[%get3A_756, %get3A_757, %get3A_758] {strides = array<i32>} : memref<8x64x128xf32, #tpu.memory_space<vmem>>, vector<1x1x16xf32>,
        %get3A_760 = vector.shape_cast %get3A_759 : vector<1x1x16xf32> to vector<16xf32>
        %mul3A_761 = vector.broadcast %convert_element_type3A_747 : f32 to vector<16xf32>
        %mul3A_762 = arith.mulf %mul3A_761, %get3A_760 : vector<16xf32>
        %add3A_763 = arith.addf %while3A_734, %mul3A_762 : vector<16xf32>
        %get3A_764 = arith.index_cast %rem3A_637 : i32 to index
        %get3A_765 = arith.index_cast %add3A_744 : i32 to index
        %get3A_766 = arith.constant 32 : index
        %get3A_767 = tpu.vector_load %arg11[%get3A_764, %get3A_765, %get3A_766] {strides = array<i32>} : memref<8x64x128xf32, #tpu.memory_space<vmem>>, vector<1x1x16xf32>,
        %get3A_768 = vector.shape_cast %get3A_767 : vector<1x1x16xf32> to vector<16xf32>
        %mul3A_769 = vector.broadcast %convert_element_type3A_747 : f32 to vector<16xf32>
        %mul3A_770 = arith.mulf %mul3A_769, %get3A_768 : vector<16xf32>
        %add3A_771 = arith.addf %while3A_735, %mul3A_770 : vector<16xf32>
        %get3A_772 = arith.index_cast %rem3A_637 : i32 to index
        %get3A_773 = arith.index_cast %add3A_744 : i32 to index
        %get3A_774 = arith.constant 48 : index
        %get3A_775 = tpu.vector_load %arg11[%get3A_772, %get3A_773, %get3A_774] {strides = array<i32>} : memref<8x64x128xf32, #tpu.memory_space<vmem>>, vector<1x1x16xf32>,
        %get3A_776 = vector.shape_cast %get3A_775 : vector<1x1x16xf32> to vector<16xf32>
        %mul3A_777 = vector.broadcast %convert_element_type3A_747 : f32 to vector<16xf32>
        %mul3A_778 = arith.mulf %mul3A_777, %get3A_776 : vector<16xf32>
        %add3A_779 = arith.addf %while3A_736, %mul3A_778 : vector<16xf32>
        %get3A_780 = arith.index_cast %rem3A_637 : i32 to index
        %get3A_781 = arith.index_cast %add3A_744 : i32 to index
        %get3A_782 = arith.constant 64 : index
        %get3A_783 = tpu.vector_load %arg11[%get3A_780, %get3A_781, %get3A_782] {strides = array<i32>} : memref<8x64x128xf32, #tpu.memory_space<vmem>>, vector<1x1x16xf32>,
        %get3A_784 = vector.shape_cast %get3A_783 : vector<1x1x16xf32> to vector<16xf32>
        %mul3A_785 = vector.broadcast %convert_element_type3A_747 : f32 to vector<16xf32>
        %mul3A_786 = arith.mulf %mul3A_785, %get3A_784 : vector<16xf32>
        %add3A_787 = arith.addf %while3A_737, %mul3A_786 : vector<16xf32>
        %get3A_788 = arith.index_cast %rem3A_637 : i32 to index
        %get3A_789 = arith.index_cast %add3A_744 : i32 to index
        %get3A_790 = arith.constant 80 : index
        %get3A_791 = tpu.vector_load %arg11[%get3A_788, %get3A_789, %get3A_790] {strides = array<i32>} : memref<8x64x128xf32, #tpu.memory_space<vmem>>, vector<1x1x16xf32>,
        %get3A_792 = vector.shape_cast %get3A_791 : vector<1x1x16xf32> to vector<16xf32>
        %mul3A_793 = vector.broadcast %convert_element_type3A_747 : f32 to vector<16xf32>
        %mul3A_794 = arith.mulf %mul3A_793, %get3A_792 : vector<16xf32>
        %add3A_795 = arith.addf %while3A_738, %mul3A_794 : vector<16xf32>
        %get3A_796 = arith.index_cast %rem3A_637 : i32 to index
        %get3A_797 = arith.index_cast %add3A_744 : i32 to index
        %get3A_798 = arith.constant 96 : index
        %get3A_799 = tpu.vector_load %arg11[%get3A_796, %get3A_797, %get3A_798] {strides = array<i32>} : memref<8x64x128xf32, #tpu.memory_space<vmem>>, vector<1x1x16xf32>,
        %get3A_800 = vector.shape_cast %get3A_799 : vector<1x1x16xf32> to vector<16xf32>
        %mul3A_801 = vector.broadcast %convert_element_type3A_747 : f32 to vector<16xf32>
        %mul3A_802 = arith.mulf %mul3A_801, %get3A_800 : vector<16xf32>
        %add3A_803 = arith.addf %while3A_739, %mul3A_802 : vector<16xf32>
        %get3A_804 = arith.index_cast %rem3A_637 : i32 to index
        %get3A_805 = arith.index_cast %add3A_744 : i32 to index
        %get3A_806 = arith.constant 112 : index
        %get3A_807 = tpu.vector_load %arg11[%get3A_804, %get3A_805, %get3A_806] {strides = array<i32>} : memref<8x64x128xf32, #tpu.memory_space<vmem>>, vector<1x1x16xf32>,
        %get3A_808 = vector.shape_cast %get3A_807 : vector<1x1x16xf32> to vector<16xf32>
        %mul3A_809 = vector.broadcast %convert_element_type3A_747 : f32 to vector<16xf32>
        %mul3A_810 = arith.mulf %mul3A_809, %get3A_808 : vector<16xf32>
        %add3A_811 = arith.addf %while3A_740, %mul3A_810 : vector<16xf32>
        %mul3A_812 = arith.constant 16 : i32
        %mul3A_813 = arith.muli %while3A_732, %mul3A_812 : i32
        %add3A_814 = arith.constant 1 : i32
        %add3A_815 = arith.addi %mul3A_813, %add3A_814 : i32
        %lt3A_816 = arith.cmpi slt, %add3A_815, %squeeze3A_642 : i32
        %convert_element_type3A_817 = arith.extui %lt3A_816 : i1 to i32
        %convert_element_type3A_818 = arith.sitofp %convert_element_type3A_817 : i32 to f32
        %get3A_819 = arith.index_cast %rem3A_637 : i32 to index
        %get3A_820 = arith.index_cast %add3A_815 : i32 to index
        %get3A_821 = arith.constant 0 : index
        %get3A_822 = tpu.vector_load %arg11[%get3A_819, %get3A_820, %get3A_821] {strides = array<i32>} : memref<8x64x128xf32, #tpu.memory_space<vmem>>, vector<1x1x16xf32>,
        %get3A_823 = vector.shape_cast %get3A_822 : vector<1x1x16xf32> to vector<16xf32>
        %mul3A_824 = vector.broadcast %convert_element_type3A_818 : f32 to vector<16xf32>
        %mul3A_825 = arith.mulf %mul3A_824, %get3A_823 : vector<16xf32>
        %add3A_826 = arith.addf %add3A_755, %mul3A_825 : vector<16xf32>
        %get3A_827 = arith.index_cast %rem3A_637 : i32 to index
        %get3A_828 = arith.index_cast %add3A_815 : i32 to index
        %get3A_829 = arith.constant 16 : index
        %get3A_830 = tpu.vector_load %arg11[%get3A_827, %get3A_828, %get3A_829] {strides = array<i32>} : memref<8x64x128xf32, #tpu.memory_space<vmem>>, vector<1x1x16xf32>,
        %get3A_831 = vector.shape_cast %get3A_830 : vector<1x1x16xf32> to vector<16xf32>
        %mul3A_832 = vector.broadcast %convert_element_type3A_818 : f32 to vector<16xf32>
        %mul3A_833 = arith.mulf %mul3A_832, %get3A_831 : vector<16xf32>
        %add3A_834 = arith.addf %add3A_763, %mul3A_833 : vector<16xf32>
        %get3A_835 = arith.index_cast %rem3A_637 : i32 to index
        %get3A_836 = arith.index_cast %add3A_815 : i32 to index
        %get3A_837 = arith.constant 32 : index
        %get3A_838 = tpu.vector_load %arg11[%get3A_835, %get3A_836, %get3A_837] {strides = array<i32>} : memref<8x64x128xf32, #tpu.memory_space<vmem>>, vector<1x1x16xf32>,
        %get3A_839 = vector.shape_cast %get3A_838 : vector<1x1x16xf32> to vector<16xf32>
        %mul3A_840 = vector.broadcast %convert_element_type3A_818 : f32 to vector<16xf32>
        %mul3A_841 = arith.mulf %mul3A_840, %get3A_839 : vector<16xf32>
        %add3A_842 = arith.addf %add3A_771, %mul3A_841 : vector<16xf32>
        %get3A_843 = arith.index_cast %rem3A_637 : i32 to index
        %get3A_844 = arith.index_cast %add3A_815 : i32 to index
        %get3A_845 = arith.constant 48 : index
        %get3A_846 = tpu.vector_load %arg11[%get3A_843, %get3A_844, %get3A_845] {strides = array<i32>} : memref<8x64x128xf32, #tpu.memory_space<vmem>>, vector<1x1x16xf32>,
        %get3A_847 = vector.shape_cast %get3A_846 : vector<1x1x16xf32> to vector<16xf32>
        %mul3A_848 = vector.broadcast %convert_element_type3A_818 : f32 to vector<16xf32>
        %mul3A_849 = arith.mulf %mul3A_848, %get3A_847 : vector<16xf32>
        %add3A_850 = arith.addf %add3A_779, %mul3A_849 : vector<16xf32>
        %get3A_851 = arith.index_cast %rem3A_637 : i32 to index
        %get3A_852 = arith.index_cast %add3A_815 : i32 to index
        %get3A_853 = arith.constant 64 : index
        %get3A_854 = tpu.vector_load %arg11[%get3A_851, %get3A_852, %get3A_853] {strides = array<i32>} : memref<8x64x128xf32, #tpu.memory_space<vmem>>, vector<1x1x16xf32>,
        %get3A_855 = vector.shape_cast %get3A_854 : vector<1x1x16xf32> to vector<16xf32>
        %mul3A_856 = vector.broadcast %convert_element_type3A_818 : f32 to vector<16xf32>
        %mul3A_857 = arith.mulf %mul3A_856, %get3A_855 : vector<16xf32>
        %add3A_858 = arith.addf %add3A_787, %mul3A_857 : vector<16xf32>
        %get3A_859 = arith.index_cast %rem3A_637 : i32 to index
        %get3A_860 = arith.index_cast %add3A_815 : i32 to index
        %get3A_861 = arith.constant 80 : index
        %get3A_862 = tpu.vector_load %arg11[%get3A_859, %get3A_860, %get3A_861] {strides = array<i32>} : memref<8x64x128xf32, #tpu.memory_space<vmem>>, vector<1x1x16xf32>,
        %get3A_863 = vector.shape_cast %get3A_862 : vector<1x1x16xf32> to vector<16xf32>
        %mul3A_864 = vector.broadcast %convert_element_type3A_818 : f32 to vector<16xf32>
        %mul3A_865 = arith.mulf %mul3A_864, %get3A_863 : vector<16xf32>
        %add3A_866 = arith.addf %add3A_795, %mul3A_865 : vector<16xf32>
        %get3A_867 = arith.index_cast %rem3A_637 : i32 to index
        %get3A_868 = arith.index_cast %add3A_815 : i32 to index
        %get3A_869 = arith.constant 96 : index
        %get3A_870 = tpu.vector_load %arg11[%get3A_867, %get3A_868, %get3A_869] {strides = array<i32>} : memref<8x64x128xf32, #tpu.memory_space<vmem>>, vector<1x1x16xf32>,
        %get3A_871 = vector.shape_cast %get3A_870 : vector<1x1x16xf32> to vector<16xf32>
        %mul3A_872 = vector.broadcast %convert_element_type3A_818 : f32 to vector<16xf32>
        %mul3A_873 = arith.mulf %mul3A_872, %get3A_871 : vector<16xf32>
        %add3A_874 = arith.addf %add3A_803, %mul3A_873 : vector<16xf32>
        %get3A_875 = arith.index_cast %rem3A_637 : i32 to index
        %get3A_876 = arith.index_cast %add3A_815 : i32 to index
        %get3A_877 = arith.constant 112 : index
        %get3A_878 = tpu.vector_load %arg11[%get3A_875, %get3A_876, %get3A_877] {strides = array<i32>} : memref<8x64x128xf32, #tpu.memory_space<vmem>>, vector<1x1x16xf32>,
        %get3A_879 = vector.shape_cast %get3A_878 : vector<1x1x16xf32> to vector<16xf32>
        %mul3A_880 = vector.broadcast %convert_element_type3A_818 : f32 to vector<16xf32>
        %mul3A_881 = arith.mulf %mul3A_880, %get3A_879 : vector<16xf32>
        %add3A_882 = arith.addf %add3A_811, %mul3A_881 : vector<16xf32>
        %mul3A_883 = arith.constant 16 : i32
        %mul3A_884 = arith.muli %while3A_732, %mul3A_883 : i32
        %add3A_885 = arith.constant 2 : i32
        %add3A_886 = arith.addi %mul3A_884, %add3A_885 : i32
        %lt3A_887 = arith.cmpi slt, %add3A_886, %squeeze3A_642 : i32
        %convert_element_type3A_888 = arith.extui %lt3A_887 : i1 to i32
        %convert_element_type3A_889 = arith.sitofp %convert_element_type3A_888 : i32 to f32
        %get3A_890 = arith.index_cast %rem3A_637 : i32 to index
        %get3A_891 = arith.index_cast %add3A_886 : i32 to index
        %get3A_892 = arith.constant 0 : index
        %get3A_893 = tpu.vector_load %arg11[%get3A_890, %get3A_891, %get3A_892] {strides = array<i32>} : memref<8x64x128xf32, #tpu.memory_space<vmem>>, vector<1x1x16xf32>,
        %get3A_894 = vector.shape_cast %get3A_893 : vector<1x1x16xf32> to vector<16xf32>
        %mul3A_895 = vector.broadcast %convert_element_type3A_889 : f32 to vector<16xf32>
        %mul3A_896 = arith.mulf %mul3A_895, %get3A_894 : vector<16xf32>
        %add3A_897 = arith.addf %add3A_826, %mul3A_896 : vector<16xf32>
        %get3A_898 = arith.index_cast %rem3A_637 : i32 to index
        %get3A_899 = arith.index_cast %add3A_886 : i32 to index
        %get3A_900 = arith.constant 16 : index
        %get3A_901 = tpu.vector_load %arg11[%get3A_898, %get3A_899, %get3A_900] {strides = array<i32>} : memref<8x64x128xf32, #tpu.memory_space<vmem>>, vector<1x1x16xf32>,
        %get3A_902 = vector.shape_cast %get3A_901 : vector<1x1x16xf32> to vector<16xf32>
        %mul3A_903 = vector.broadcast %convert_element_type3A_889 : f32 to vector<16xf32>
        %mul3A_904 = arith.mulf %mul3A_903, %get3A_902 : vector<16xf32>
        %add3A_905 = arith.addf %add3A_834, %mul3A_904 : vector<16xf32>
        %get3A_906 = arith.index_cast %rem3A_637 : i32 to index
        %get3A_907 = arith.index_cast %add3A_886 : i32 to index
        %get3A_908 = arith.constant 32 : index
        %get3A_909 = tpu.vector_load %arg11[%get3A_906, %get3A_907, %get3A_908] {strides = array<i32>} : memref<8x64x128xf32, #tpu.memory_space<vmem>>, vector<1x1x16xf32>,
        %get3A_910 = vector.shape_cast %get3A_909 : vector<1x1x16xf32> to vector<16xf32>
        %mul3A_911 = vector.broadcast %convert_element_type3A_889 : f32 to vector<16xf32>
        %mul3A_912 = arith.mulf %mul3A_911, %get3A_910 : vector<16xf32>
        %add3A_913 = arith.addf %add3A_842, %mul3A_912 : vector<16xf32>
        %get3A_914 = arith.index_cast %rem3A_637 : i32 to index
        %get3A_915 = arith.index_cast %add3A_886 : i32 to index
        %get3A_916 = arith.constant 48 : index
        %get3A_917 = tpu.vector_load %arg11[%get3A_914, %get3A_915, %get3A_916] {strides = array<i32>} : memref<8x64x128xf32, #tpu.memory_space<vmem>>, vector<1x1x16xf32>,
        %get3A_918 = vector.shape_cast %get3A_917 : vector<1x1x16xf32> to vector<16xf32>
        %mul3A_919 = vector.broadcast %convert_element_type3A_889 : f32 to vector<16xf32>
        %mul3A_920 = arith.mulf %mul3A_919, %get3A_918 : vector<16xf32>
        %add3A_921 = arith.addf %add3A_850, %mul3A_920 : vector<16xf32>
        %get3A_922 = arith.index_cast %rem3A_637 : i32 to index
        %get3A_923 = arith.index_cast %add3A_886 : i32 to index
        %get3A_924 = arith.constant 64 : index
        %get3A_925 = tpu.vector_load %arg11[%get3A_922, %get3A_923, %get3A_924] {strides = array<i32>} : memref<8x64x128xf32, #tpu.memory_space<vmem>>, vector<1x1x16xf32>,
        %get3A_926 = vector.shape_cast %get3A_925 : vector<1x1x16xf32> to vector<16xf32>
        %mul3A_927 = vector.broadcast %convert_element_type3A_889 : f32 to vector<16xf32>
        %mul3A_928 = arith.mulf %mul3A_927, %get3A_926 : vector<16xf32>
        %add3A_929 = arith.addf %add3A_858, %mul3A_928 : vector<16xf32>
        %get3A_930 = arith.index_cast %rem3A_637 : i32 to index
        %get3A_931 = arith.index_cast %add3A_886 : i32 to index
        %get3A_932 = arith.constant 80 : index
        %get3A_933 = tpu.vector_load %arg11[%get3A_930, %get3A_931, %get3A_932] {strides = array<i32>} : memref<8x64x128xf32, #tpu.memory_space<vmem>>, vector<1x1x16xf32>,
        %get3A_934 = vector.shape_cast %get3A_933 : vector<1x1x16xf32> to vector<16xf32>
        %mul3A_935 = vector.broadcast %convert_element_type3A_889 : f32 to vector<16xf32>
        %mul3A_936 = arith.mulf %mul3A_935, %get3A_934 : vector<16xf32>
        %add3A_937 = arith.addf %add3A_866, %mul3A_936 : vector<16xf32>
        %get3A_938 = arith.index_cast %rem3A_637 : i32 to index
        %get3A_939 = arith.index_cast %add3A_886 : i32 to index
        %get3A_940 = arith.constant 96 : index
        %get3A_941 = tpu.vector_load %arg11[%get3A_938, %get3A_939, %get3A_940] {strides = array<i32>} : memref<8x64x128xf32, #tpu.memory_space<vmem>>, vector<1x1x16xf32>,
        %get3A_942 = vector.shape_cast %get3A_941 : vector<1x1x16xf32> to vector<16xf32>
        %mul3A_943 = vector.broadcast %convert_element_type3A_889 : f32 to vector<16xf32>
        %mul3A_944 = arith.mulf %mul3A_943, %get3A_942 : vector<16xf32>
        %add3A_945 = arith.addf %add3A_874, %mul3A_944 : vector<16xf32>
        %get3A_946 = arith.index_cast %rem3A_637 : i32 to index
        %get3A_947 = arith.index_cast %add3A_886 : i32 to index
        %get3A_948 = arith.constant 112 : index
        %get3A_949 = tpu.vector_load %arg11[%get3A_946, %get3A_947, %get3A_948] {strides = array<i32>} : memref<8x64x128xf32, #tpu.memory_space<vmem>>, vector<1x1x16xf32>,
        %get3A_950 = vector.shape_cast %get3A_949 : vector<1x1x16xf32> to vector<16xf32>
        %mul3A_951 = vector.broadcast %convert_element_type3A_889 : f32 to vector<16xf32>
        %mul3A_952 = arith.mulf %mul3A_951, %get3A_950 : vector<16xf32>
        %add3A_953 = arith.addf %add3A_882, %mul3A_952 : vector<16xf32>
        %mul3A_954 = arith.constant 16 : i32
        %mul3A_955 = arith.muli %while3A_732, %mul3A_954 : i32
        %add3A_956 = arith.constant 3 : i32
        %add3A_957 = arith.addi %mul3A_955, %add3A_956 : i32
        %lt3A_958 = arith.cmpi slt, %add3A_957, %squeeze3A_642 : i32
        %convert_element_type3A_959 = arith.extui %lt3A_958 : i1 to i32
        %convert_element_type3A_960 = arith.sitofp %convert_element_type3A_959 : i32 to f32
        %get3A_961 = arith.index_cast %rem3A_637 : i32 to index
        %get3A_962 = arith.index_cast %add3A_957 : i32 to index
        %get3A_963 = arith.constant 0 : index
        %get3A_964 = tpu.vector_load %arg11[%get3A_961, %get3A_962, %get3A_963] {strides = array<i32>} : memref<8x64x128xf32, #tpu.memory_space<vmem>>, vector<1x1x16xf32>,
        %get3A_965 = vector.shape_cast %get3A_964 : vector<1x1x16xf32> to vector<16xf32>
        %mul3A_966 = vector.broadcast %convert_element_type3A_960 : f32 to vector<16xf32>
        %mul3A_967 = arith.mulf %mul3A_966, %get3A_965 : vector<16xf32>
        %add3A_968 = arith.addf %add3A_897, %mul3A_967 : vector<16xf32>
        %get3A_969 = arith.index_cast %rem3A_637 : i32 to index
        %get3A_970 = arith.index_cast %add3A_957 : i32 to index
        %get3A_971 = arith.constant 16 : index
        %get3A_972 = tpu.vector_load %arg11[%get3A_969, %get3A_970, %get3A_971] {strides = array<i32>} : memref<8x64x128xf32, #tpu.memory_space<vmem>>, vector<1x1x16xf32>,
        %get3A_973 = vector.shape_cast %get3A_972 : vector<1x1x16xf32> to vector<16xf32>
        %mul3A_974 = vector.broadcast %convert_element_type3A_960 : f32 to vector<16xf32>
        %mul3A_975 = arith.mulf %mul3A_974, %get3A_973 : vector<16xf32>
        %add3A_976 = arith.addf %add3A_905, %mul3A_975 : vector<16xf32>
        %get3A_977 = arith.index_cast %rem3A_637 : i32 to index
        %get3A_978 = arith.index_cast %add3A_957 : i32 to index
        %get3A_979 = arith.constant 32 : index
        %get3A_980 = tpu.vector_load %arg11[%get3A_977, %get3A_978, %get3A_979] {strides = array<i32>} : memref<8x64x128xf32, #tpu.memory_space<vmem>>, vector<1x1x16xf32>,
        %get3A_981 = vector.shape_cast %get3A_980 : vector<1x1x16xf32> to vector<16xf32>
        %mul3A_982 = vector.broadcast %convert_element_type3A_960 : f32 to vector<16xf32>
        %mul3A_983 = arith.mulf %mul3A_982, %get3A_981 : vector<16xf32>
        %add3A_984 = arith.addf %add3A_913, %mul3A_983 : vector<16xf32>
        %get3A_985 = arith.index_cast %rem3A_637 : i32 to index
        %get3A_986 = arith.index_cast %add3A_957 : i32 to index
        %get3A_987 = arith.constant 48 : index
        %get3A_988 = tpu.vector_load %arg11[%get3A_985, %get3A_986, %get3A_987] {strides = array<i32>} : memref<8x64x128xf32, #tpu.memory_space<vmem>>, vector<1x1x16xf32>,
        %get3A_989 = vector.shape_cast %get3A_988 : vector<1x1x16xf32> to vector<16xf32>
        %mul3A_990 = vector.broadcast %convert_element_type3A_960 : f32 to vector<16xf32>
        %mul3A_991 = arith.mulf %mul3A_990, %get3A_989 : vector<16xf32>
        %add3A_992 = arith.addf %add3A_921, %mul3A_991 : vector<16xf32>
        %get3A_993 = arith.index_cast %rem3A_637 : i32 to index
        %get3A_994 = arith.index_cast %add3A_957 : i32 to index
        %get3A_995 = arith.constant 64 : index
        %get3A_996 = tpu.vector_load %arg11[%get3A_993, %get3A_994, %get3A_995] {strides = array<i32>} : memref<8x64x128xf32, #tpu.memory_space<vmem>>, vector<1x1x16xf32>,
        %get3A_997 = vector.shape_cast %get3A_996 : vector<1x1x16xf32> to vector<16xf32>
        %mul3A_998 = vector.broadcast %convert_element_type3A_960 : f32 to vector<16xf32>
        %mul3A_999 = arith.mulf %mul3A_998, %get3A_997 : vector<16xf32>
        %add3A_1000 = arith.addf %add3A_929, %mul3A_999 : vector<16xf32>
        %get3A_1001 = arith.index_cast %rem3A_637 : i32 to index
        %get3A_1002 = arith.index_cast %add3A_957 : i32 to index
        %get3A_1003 = arith.constant 80 : index
        %get3A_1004 = tpu.vector_load %arg11[%get3A_1001, %get3A_1002, %get3A_1003] {strides = array<i32>} : memref<8x64x128xf32, #tpu.memory_space<vmem>>, vector<1x1x16xf32>,
        %get3A_1005 = vector.shape_cast %get3A_1004 : vector<1x1x16xf32> to vector<16xf32>
        %mul3A_1006 = vector.broadcast %convert_element_type3A_960 : f32 to vector<16xf32>
        %mul3A_1007 = arith.mulf %mul3A_1006, %get3A_1005 : vector<16xf32>
        %add3A_1008 = arith.addf %add3A_937, %mul3A_1007 : vector<16xf32>
        %get3A_1009 = arith.index_cast %rem3A_637 : i32 to index
        %get3A_1010 = arith.index_cast %add3A_957 : i32 to index
        %get3A_1011 = arith.constant 96 : index
        %get3A_1012 = tpu.vector_load %arg11[%get3A_1009, %get3A_1010, %get3A_1011] {strides = array<i32>} : memref<8x64x128xf32, #tpu.memory_space<vmem>>, vector<1x1x16xf32>,
        %get3A_1013 = vector.shape_cast %get3A_1012 : vector<1x1x16xf32> to vector<16xf32>
        %mul3A_1014 = vector.broadcast %convert_element_type3A_960 : f32 to vector<16xf32>
        %mul3A_1015 = arith.mulf %mul3A_1014, %get3A_1013 : vector<16xf32>
        %add3A_1016 = arith.addf %add3A_945, %mul3A_1015 : vector<16xf32>
        %get3A_1017 = arith.index_cast %rem3A_637 : i32 to index
        %get3A_1018 = arith.index_cast %add3A_957 : i32 to index
        %get3A_1019 = arith.constant 112 : index
        %get3A_1020 = tpu.vector_load %arg11[%get3A_1017, %get3A_1018, %get3A_1019] {strides = array<i32>} : memref<8x64x128xf32, #tpu.memory_space<vmem>>, vector<1x1x16xf32>,
        %get3A_1021 = vector.shape_cast %get3A_1020 : vector<1x1x16xf32> to vector<16xf32>
        %mul3A_1022 = vector.broadcast %convert_element_type3A_960 : f32 to vector<16xf32>
        %mul3A_1023 = arith.mulf %mul3A_1022, %get3A_1021 : vector<16xf32>
        %add3A_1024 = arith.addf %add3A_953, %mul3A_1023 : vector<16xf32>
        %mul3A_1025 = arith.constant 16 : i32
        %mul3A_1026 = arith.muli %while3A_732, %mul3A_1025 : i32
        %add3A_1027 = arith.constant 4 : i32
        %add3A_1028 = arith.addi %mul3A_1026, %add3A_1027 : i32
        %lt3A_1029 = arith.cmpi slt, %add3A_1028, %squeeze3A_642 : i32
        %convert_element_type3A_1030 = arith.extui %lt3A_1029 : i1 to i32
        %convert_element_type3A_1031 = arith.sitofp %convert_element_type3A_1030 : i32 to f32
        %get3A_1032 = arith.index_cast %rem3A_637 : i32 to index
        %get3A_1033 = arith.index_cast %add3A_1028 : i32 to index
        %get3A_1034 = arith.constant 0 : index
        %get3A_1035 = tpu.vector_load %arg11[%get3A_1032, %get3A_1033, %get3A_1034] {strides = array<i32>} : memref<8x64x128xf32, #tpu.memory_space<vmem>>, vector<1x1x16xf32>,
        %get3A_1036 = vector.shape_cast %get3A_1035 : vector<1x1x16xf32> to vector<16xf32>
        %mul3A_1037 = vector.broadcast %convert_element_type3A_1031 : f32 to vector<16xf32>
        %mul3A_1038 = arith.mulf %mul3A_1037, %get3A_1036 : vector<16xf32>
        %add3A_1039 = arith.addf %add3A_968, %mul3A_1038 : vector<16xf32>
        %get3A_1040 = arith.index_cast %rem3A_637 : i32 to index
        %get3A_1041 = arith.index_cast %add3A_1028 : i32 to index
        %get3A_1042 = arith.constant 16 : index
        %get3A_1043 = tpu.vector_load %arg11[%get3A_1040, %get3A_1041, %get3A_1042] {strides = array<i32>} : memref<8x64x128xf32, #tpu.memory_space<vmem>>, vector<1x1x16xf32>,
        %get3A_1044 = vector.shape_cast %get3A_1043 : vector<1x1x16xf32> to vector<16xf32>
        %mul3A_1045 = vector.broadcast %convert_element_type3A_1031 : f32 to vector<16xf32>
        %mul3A_1046 = arith.mulf %mul3A_1045, %get3A_1044 : vector<16xf32>
        %add3A_1047 = arith.addf %add3A_976, %mul3A_1046 : vector<16xf32>
        %get3A_1048 = arith.index_cast %rem3A_637 : i32 to index
        %get3A_1049 = arith.index_cast %add3A_1028 : i32 to index
        %get3A_1050 = arith.constant 32 : index
        %get3A_1051 = tpu.vector_load %arg11[%get3A_1048, %get3A_1049, %get3A_1050] {strides = array<i32>} : memref<8x64x128xf32, #tpu.memory_space<vmem>>, vector<1x1x16xf32>,
        %get3A_1052 = vector.shape_cast %get3A_1051 : vector<1x1x16xf32> to vector<16xf32>
        %mul3A_1053 = vector.broadcast %convert_element_type3A_1031 : f32 to vector<16xf32>
        %mul3A_1054 = arith.mulf %mul3A_1053, %get3A_1052 : vector<16xf32>
        %add3A_1055 = arith.addf %add3A_984, %mul3A_1054 : vector<16xf32>
        %get3A_1056 = arith.index_cast %rem3A_637 : i32 to index
        %get3A_1057 = arith.index_cast %add3A_1028 : i32 to index
        %get3A_1058 = arith.constant 48 : index
        %get3A_1059 = tpu.vector_load %arg11[%get3A_1056, %get3A_1057, %get3A_1058] {strides = array<i32>} : memref<8x64x128xf32, #tpu.memory_space<vmem>>, vector<1x1x16xf32>,
        %get3A_1060 = vector.shape_cast %get3A_1059 : vector<1x1x16xf32> to vector<16xf32>
        %mul3A_1061 = vector.broadcast %convert_element_type3A_1031 : f32 to vector<16xf32>
        %mul3A_1062 = arith.mulf %mul3A_1061, %get3A_1060 : vector<16xf32>
        %add3A_1063 = arith.addf %add3A_992, %mul3A_1062 : vector<16xf32>
        %get3A_1064 = arith.index_cast %rem3A_637 : i32 to index
        %get3A_1065 = arith.index_cast %add3A_1028 : i32 to index
        %get3A_1066 = arith.constant 64 : index
        %get3A_1067 = tpu.vector_load %arg11[%get3A_1064, %get3A_1065, %get3A_1066] {strides = array<i32>} : memref<8x64x128xf32, #tpu.memory_space<vmem>>, vector<1x1x16xf32>,
        %get3A_1068 = vector.shape_cast %get3A_1067 : vector<1x1x16xf32> to vector<16xf32>
        %mul3A_1069 = vector.broadcast %convert_element_type3A_1031 : f32 to vector<16xf32>
        %mul3A_1070 = arith.mulf %mul3A_1069, %get3A_1068 : vector<16xf32>
        %add3A_1071 = arith.addf %add3A_1000, %mul3A_1070 : vector<16xf32>
        %get3A_1072 = arith.index_cast %rem3A_637 : i32 to index
        %get3A_1073 = arith.index_cast %add3A_1028 : i32 to index
        %get3A_1074 = arith.constant 80 : index
        %get3A_1075 = tpu.vector_load %arg11[%get3A_1072, %get3A_1073, %get3A_1074] {strides = array<i32>} : memref<8x64x128xf32, #tpu.memory_space<vmem>>, vector<1x1x16xf32>,
        %get3A_1076 = vector.shape_cast %get3A_1075 : vector<1x1x16xf32> to vector<16xf32>
        %mul3A_1077 = vector.broadcast %convert_element_type3A_1031 : f32 to vector<16xf32>
        %mul3A_1078 = arith.mulf %mul3A_1077, %get3A_1076 : vector<16xf32>
        %add3A_1079 = arith.addf %add3A_1008, %mul3A_1078 : vector<16xf32>
        %get3A_1080 = arith.index_cast %rem3A_637 : i32 to index
        %get3A_1081 = arith.index_cast %add3A_1028 : i32 to index
        %get3A_1082 = arith.constant 96 : index
        %get3A_1083 = tpu.vector_load %arg11[%get3A_1080, %get3A_1081, %get3A_1082] {strides = array<i32>} : memref<8x64x128xf32, #tpu.memory_space<vmem>>, vector<1x1x16xf32>,
        %get3A_1084 = vector.shape_cast %get3A_1083 : vector<1x1x16xf32> to vector<16xf32>
        %mul3A_1085 = vector.broadcast %convert_element_type3A_1031 : f32 to vector<16xf32>
        %mul3A_1086 = arith.mulf %mul3A_1085, %get3A_1084 : vector<16xf32>
        %add3A_1087 = arith.addf %add3A_1016, %mul3A_1086 : vector<16xf32>
        %get3A_1088 = arith.index_cast %rem3A_637 : i32 to index
        %get3A_1089 = arith.index_cast %add3A_1028 : i32 to index
        %get3A_1090 = arith.constant 112 : index
        %get3A_1091 = tpu.vector_load %arg11[%get3A_1088, %get3A_1089, %get3A_1090] {strides = array<i32>} : memref<8x64x128xf32, #tpu.memory_space<vmem>>, vector<1x1x16xf32>,
        %get3A_1092 = vector.shape_cast %get3A_1091 : vector<1x1x16xf32> to vector<16xf32>
        %mul3A_1093 = vector.broadcast %convert_element_type3A_1031 : f32 to vector<16xf32>
        %mul3A_1094 = arith.mulf %mul3A_1093, %get3A_1092 : vector<16xf32>
        %add3A_1095 = arith.addf %add3A_1024, %mul3A_1094 : vector<16xf32>
        %mul3A_1096 = arith.constant 16 : i32
        %mul3A_1097 = arith.muli %while3A_732, %mul3A_1096 : i32
        %add3A_1098 = arith.constant 5 : i32
        %add3A_1099 = arith.addi %mul3A_1097, %add3A_1098 : i32
        %lt3A_1100 = arith.cmpi slt, %add3A_1099, %squeeze3A_642 : i32
        %convert_element_type3A_1101 = arith.extui %lt3A_1100 : i1 to i32
        %convert_element_type3A_1102 = arith.sitofp %convert_element_type3A_1101 : i32 to f32
        %get3A_1103 = arith.index_cast %rem3A_637 : i32 to index
        %get3A_1104 = arith.index_cast %add3A_1099 : i32 to index
        %get3A_1105 = arith.constant 0 : index
        %get3A_1106 = tpu.vector_load %arg11[%get3A_1103, %get3A_1104, %get3A_1105] {strides = array<i32>} : memref<8x64x128xf32, #tpu.memory_space<vmem>>, vector<1x1x16xf32>,
        %get3A_1107 = vector.shape_cast %get3A_1106 : vector<1x1x16xf32> to vector<16xf32>
        %mul3A_1108 = vector.broadcast %convert_element_type3A_1102 : f32 to vector<16xf32>
        %mul3A_1109 = arith.mulf %mul3A_1108, %get3A_1107 : vector<16xf32>
        %add3A_1110 = arith.addf %add3A_1039, %mul3A_1109 : vector<16xf32>
        %get3A_1111 = arith.index_cast %rem3A_637 : i32 to index
        %get3A_1112 = arith.index_cast %add3A_1099 : i32 to index
        %get3A_1113 = arith.constant 16 : index
        %get3A_1114 = tpu.vector_load %arg11[%get3A_1111, %get3A_1112, %get3A_1113] {strides = array<i32>} : memref<8x64x128xf32, #tpu.memory_space<vmem>>, vector<1x1x16xf32>,
        %get3A_1115 = vector.shape_cast %get3A_1114 : vector<1x1x16xf32> to vector<16xf32>
        %mul3A_1116 = vector.broadcast %convert_element_type3A_1102 : f32 to vector<16xf32>
        %mul3A_1117 = arith.mulf %mul3A_1116, %get3A_1115 : vector<16xf32>
        %add3A_1118 = arith.addf %add3A_1047, %mul3A_1117 : vector<16xf32>
        %get3A_1119 = arith.index_cast %rem3A_637 : i32 to index
        %get3A_1120 = arith.index_cast %add3A_1099 : i32 to index
        %get3A_1121 = arith.constant 32 : index
        %get3A_1122 = tpu.vector_load %arg11[%get3A_1119, %get3A_1120, %get3A_1121] {strides = array<i32>} : memref<8x64x128xf32, #tpu.memory_space<vmem>>, vector<1x1x16xf32>,
        %get3A_1123 = vector.shape_cast %get3A_1122 : vector<1x1x16xf32> to vector<16xf32>
        %mul3A_1124 = vector.broadcast %convert_element_type3A_1102 : f32 to vector<16xf32>
        %mul3A_1125 = arith.mulf %mul3A_1124, %get3A_1123 : vector<16xf32>
        %add3A_1126 = arith.addf %add3A_1055, %mul3A_1125 : vector<16xf32>
        %get3A_1127 = arith.index_cast %rem3A_637 : i32 to index
        %get3A_1128 = arith.index_cast %add3A_1099 : i32 to index
        %get3A_1129 = arith.constant 48 : index
        %get3A_1130 = tpu.vector_load %arg11[%get3A_1127, %get3A_1128, %get3A_1129] {strides = array<i32>} : memref<8x64x128xf32, #tpu.memory_space<vmem>>, vector<1x1x16xf32>,
        %get3A_1131 = vector.shape_cast %get3A_1130 : vector<1x1x16xf32> to vector<16xf32>
        %mul3A_1132 = vector.broadcast %convert_element_type3A_1102 : f32 to vector<16xf32>
        %mul3A_1133 = arith.mulf %mul3A_1132, %get3A_1131 : vector<16xf32>
        %add3A_1134 = arith.addf %add3A_1063, %mul3A_1133 : vector<16xf32>
        %get3A_1135 = arith.index_cast %rem3A_637 : i32 to index
        %get3A_1136 = arith.index_cast %add3A_1099 : i32 to index
        %get3A_1137 = arith.constant 64 : index
        %get3A_1138 = tpu.vector_load %arg11[%get3A_1135, %get3A_1136, %get3A_1137] {strides = array<i32>} : memref<8x64x128xf32, #tpu.memory_space<vmem>>, vector<1x1x16xf32>,
        %get3A_1139 = vector.shape_cast %get3A_1138 : vector<1x1x16xf32> to vector<16xf32>
        %mul3A_1140 = vector.broadcast %convert_element_type3A_1102 : f32 to vector<16xf32>
        %mul3A_1141 = arith.mulf %mul3A_1140, %get3A_1139 : vector<16xf32>
        %add3A_1142 = arith.addf %add3A_1071, %mul3A_1141 : vector<16xf32>
        %get3A_1143 = arith.index_cast %rem3A_637 : i32 to index
        %get3A_1144 = arith.index_cast %add3A_1099 : i32 to index
        %get3A_1145 = arith.constant 80 : index
        %get3A_1146 = tpu.vector_load %arg11[%get3A_1143, %get3A_1144, %get3A_1145] {strides = array<i32>} : memref<8x64x128xf32, #tpu.memory_space<vmem>>, vector<1x1x16xf32>,
        %get3A_1147 = vector.shape_cast %get3A_1146 : vector<1x1x16xf32> to vector<16xf32>
        %mul3A_1148 = vector.broadcast %convert_element_type3A_1102 : f32 to vector<16xf32>
        %mul3A_1149 = arith.mulf %mul3A_1148, %get3A_1147 : vector<16xf32>
        %add3A_1150 = arith.addf %add3A_1079, %mul3A_1149 : vector<16xf32>
        %get3A_1151 = arith.index_cast %rem3A_637 : i32 to index
        %get3A_1152 = arith.index_cast %add3A_1099 : i32 to index
        %get3A_1153 = arith.constant 96 : index
        %get3A_1154 = tpu.vector_load %arg11[%get3A_1151, %get3A_1152, %get3A_1153] {strides = array<i32>} : memref<8x64x128xf32, #tpu.memory_space<vmem>>, vector<1x1x16xf32>,
        %get3A_1155 = vector.shape_cast %get3A_1154 : vector<1x1x16xf32> to vector<16xf32>
        %mul3A_1156 = vector.broadcast %convert_element_type3A_1102 : f32 to vector<16xf32>
        %mul3A_1157 = arith.mulf %mul3A_1156, %get3A_1155 : vector<16xf32>
        %add3A_1158 = arith.addf %add3A_1087, %mul3A_1157 : vector<16xf32>
        %get3A_1159 = arith.index_cast %rem3A_637 : i32 to index
        %get3A_1160 = arith.index_cast %add3A_1099 : i32 to index
        %get3A_1161 = arith.constant 112 : index
        %get3A_1162 = tpu.vector_load %arg11[%get3A_1159, %get3A_1160, %get3A_1161] {strides = array<i32>} : memref<8x64x128xf32, #tpu.memory_space<vmem>>, vector<1x1x16xf32>,
        %get3A_1163 = vector.shape_cast %get3A_1162 : vector<1x1x16xf32> to vector<16xf32>
        %mul3A_1164 = vector.broadcast %convert_element_type3A_1102 : f32 to vector<16xf32>
        %mul3A_1165 = arith.mulf %mul3A_1164, %get3A_1163 : vector<16xf32>
        %add3A_1166 = arith.addf %add3A_1095, %mul3A_1165 : vector<16xf32>
        %mul3A_1167 = arith.constant 16 : i32
        %mul3A_1168 = arith.muli %while3A_732, %mul3A_1167 : i32
        %add3A_1169 = arith.constant 6 : i32
        %add3A_1170 = arith.addi %mul3A_1168, %add3A_1169 : i32
        %lt3A_1171 = arith.cmpi slt, %add3A_1170, %squeeze3A_642 : i32
        %convert_element_type3A_1172 = arith.extui %lt3A_1171 : i1 to i32
        %convert_element_type3A_1173 = arith.sitofp %convert_element_type3A_1172 : i32 to f32
        %get3A_1174 = arith.index_cast %rem3A_637 : i32 to index
        %get3A_1175 = arith.index_cast %add3A_1170 : i32 to index
        %get3A_1176 = arith.constant 0 : index
        %get3A_1177 = tpu.vector_load %arg11[%get3A_1174, %get3A_1175, %get3A_1176] {strides = array<i32>} : memref<8x64x128xf32, #tpu.memory_space<vmem>>, vector<1x1x16xf32>,
        %get3A_1178 = vector.shape_cast %get3A_1177 : vector<1x1x16xf32> to vector<16xf32>
        %mul3A_1179 = vector.broadcast %convert_element_type3A_1173 : f32 to vector<16xf32>
        %mul3A_1180 = arith.mulf %mul3A_1179, %get3A_1178 : vector<16xf32>
        %add3A_1181 = arith.addf %add3A_1110, %mul3A_1180 : vector<16xf32>
        %get3A_1182 = arith.index_cast %rem3A_637 : i32 to index
        %get3A_1183 = arith.index_cast %add3A_1170 : i32 to index
        %get3A_1184 = arith.constant 16 : index
        %get3A_1185 = tpu.vector_load %arg11[%get3A_1182, %get3A_1183, %get3A_1184] {strides = array<i32>} : memref<8x64x128xf32, #tpu.memory_space<vmem>>, vector<1x1x16xf32>,
        %get3A_1186 = vector.shape_cast %get3A_1185 : vector<1x1x16xf32> to vector<16xf32>
        %mul3A_1187 = vector.broadcast %convert_element_type3A_1173 : f32 to vector<16xf32>
        %mul3A_1188 = arith.mulf %mul3A_1187, %get3A_1186 : vector<16xf32>
        %add3A_1189 = arith.addf %add3A_1118, %mul3A_1188 : vector<16xf32>
        %get3A_1190 = arith.index_cast %rem3A_637 : i32 to index
        %get3A_1191 = arith.index_cast %add3A_1170 : i32 to index
        %get3A_1192 = arith.constant 32 : index
        %get3A_1193 = tpu.vector_load %arg11[%get3A_1190, %get3A_1191, %get3A_1192] {strides = array<i32>} : memref<8x64x128xf32, #tpu.memory_space<vmem>>, vector<1x1x16xf32>,
        %get3A_1194 = vector.shape_cast %get3A_1193 : vector<1x1x16xf32> to vector<16xf32>
        %mul3A_1195 = vector.broadcast %convert_element_type3A_1173 : f32 to vector<16xf32>
        %mul3A_1196 = arith.mulf %mul3A_1195, %get3A_1194 : vector<16xf32>
        %add3A_1197 = arith.addf %add3A_1126, %mul3A_1196 : vector<16xf32>
        %get3A_1198 = arith.index_cast %rem3A_637 : i32 to index
        %get3A_1199 = arith.index_cast %add3A_1170 : i32 to index
        %get3A_1200 = arith.constant 48 : index
        %get3A_1201 = tpu.vector_load %arg11[%get3A_1198, %get3A_1199, %get3A_1200] {strides = array<i32>} : memref<8x64x128xf32, #tpu.memory_space<vmem>>, vector<1x1x16xf32>,
        %get3A_1202 = vector.shape_cast %get3A_1201 : vector<1x1x16xf32> to vector<16xf32>
        %mul3A_1203 = vector.broadcast %convert_element_type3A_1173 : f32 to vector<16xf32>
        %mul3A_1204 = arith.mulf %mul3A_1203, %get3A_1202 : vector<16xf32>
        %add3A_1205 = arith.addf %add3A_1134, %mul3A_1204 : vector<16xf32>
        %get3A_1206 = arith.index_cast %rem3A_637 : i32 to index
        %get3A_1207 = arith.index_cast %add3A_1170 : i32 to index
        %get3A_1208 = arith.constant 64 : index
        %get3A_1209 = tpu.vector_load %arg11[%get3A_1206, %get3A_1207, %get3A_1208] {strides = array<i32>} : memref<8x64x128xf32, #tpu.memory_space<vmem>>, vector<1x1x16xf32>,
        %get3A_1210 = vector.shape_cast %get3A_1209 : vector<1x1x16xf32> to vector<16xf32>
        %mul3A_1211 = vector.broadcast %convert_element_type3A_1173 : f32 to vector<16xf32>
        %mul3A_1212 = arith.mulf %mul3A_1211, %get3A_1210 : vector<16xf32>
        %add3A_1213 = arith.addf %add3A_1142, %mul3A_1212 : vector<16xf32>
        %get3A_1214 = arith.index_cast %rem3A_637 : i32 to index
        %get3A_1215 = arith.index_cast %add3A_1170 : i32 to index
        %get3A_1216 = arith.constant 80 : index
        %get3A_1217 = tpu.vector_load %arg11[%get3A_1214, %get3A_1215, %get3A_1216] {strides = array<i32>} : memref<8x64x128xf32, #tpu.memory_space<vmem>>, vector<1x1x16xf32>,
        %get3A_1218 = vector.shape_cast %get3A_1217 : vector<1x1x16xf32> to vector<16xf32>
        %mul3A_1219 = vector.broadcast %convert_element_type3A_1173 : f32 to vector<16xf32>
        %mul3A_1220 = arith.mulf %mul3A_1219, %get3A_1218 : vector<16xf32>
        %add3A_1221 = arith.addf %add3A_1150, %mul3A_1220 : vector<16xf32>
        %get3A_1222 = arith.index_cast %rem3A_637 : i32 to index
        %get3A_1223 = arith.index_cast %add3A_1170 : i32 to index
        %get3A_1224 = arith.constant 96 : index
        %get3A_1225 = tpu.vector_load %arg11[%get3A_1222, %get3A_1223, %get3A_1224] {strides = array<i32>} : memref<8x64x128xf32, #tpu.memory_space<vmem>>, vector<1x1x16xf32>,
        %get3A_1226 = vector.shape_cast %get3A_1225 : vector<1x1x16xf32> to vector<16xf32>
        %mul3A_1227 = vector.broadcast %convert_element_type3A_1173 : f32 to vector<16xf32>
        %mul3A_1228 = arith.mulf %mul3A_1227, %get3A_1226 : vector<16xf32>
        %add3A_1229 = arith.addf %add3A_1158, %mul3A_1228 : vector<16xf32>
        %get3A_1230 = arith.index_cast %rem3A_637 : i32 to index
        %get3A_1231 = arith.index_cast %add3A_1170 : i32 to index
        %get3A_1232 = arith.constant 112 : index
        %get3A_1233 = tpu.vector_load %arg11[%get3A_1230, %get3A_1231, %get3A_1232] {strides = array<i32>} : memref<8x64x128xf32, #tpu.memory_space<vmem>>, vector<1x1x16xf32>,
        %get3A_1234 = vector.shape_cast %get3A_1233 : vector<1x1x16xf32> to vector<16xf32>
        %mul3A_1235 = vector.broadcast %convert_element_type3A_1173 : f32 to vector<16xf32>
        %mul3A_1236 = arith.mulf %mul3A_1235, %get3A_1234 : vector<16xf32>
        %add3A_1237 = arith.addf %add3A_1166, %mul3A_1236 : vector<16xf32>
        %mul3A_1238 = arith.constant 16 : i32
        %mul3A_1239 = arith.muli %while3A_732, %mul3A_1238 : i32
        %add3A_1240 = arith.constant 7 : i32
        %add3A_1241 = arith.addi %mul3A_1239, %add3A_1240 : i32
        %lt3A_1242 = arith.cmpi slt, %add3A_1241, %squeeze3A_642 : i32
        %convert_element_type3A_1243 = arith.extui %lt3A_1242 : i1 to i32
        %convert_element_type3A_1244 = arith.sitofp %convert_element_type3A_1243 : i32 to f32
        %get3A_1245 = arith.index_cast %rem3A_637 : i32 to index
        %get3A_1246 = arith.index_cast %add3A_1241 : i32 to index
        %get3A_1247 = arith.constant 0 : index
        %get3A_1248 = tpu.vector_load %arg11[%get3A_1245, %get3A_1246, %get3A_1247] {strides = array<i32>} : memref<8x64x128xf32, #tpu.memory_space<vmem>>, vector<1x1x16xf32>,
        %get3A_1249 = vector.shape_cast %get3A_1248 : vector<1x1x16xf32> to vector<16xf32>
        %mul3A_1250 = vector.broadcast %convert_element_type3A_1244 : f32 to vector<16xf32>
        %mul3A_1251 = arith.mulf %mul3A_1250, %get3A_1249 : vector<16xf32>
        %add3A_1252 = arith.addf %add3A_1181, %mul3A_1251 : vector<16xf32>
        %get3A_1253 = arith.index_cast %rem3A_637 : i32 to index
        %get3A_1254 = arith.index_cast %add3A_1241 : i32 to index
        %get3A_1255 = arith.constant 16 : index
        %get3A_1256 = tpu.vector_load %arg11[%get3A_1253, %get3A_1254, %get3A_1255] {strides = array<i32>} : memref<8x64x128xf32, #tpu.memory_space<vmem>>, vector<1x1x16xf32>,
        %get3A_1257 = vector.shape_cast %get3A_1256 : vector<1x1x16xf32> to vector<16xf32>
        %mul3A_1258 = vector.broadcast %convert_element_type3A_1244 : f32 to vector<16xf32>
        %mul3A_1259 = arith.mulf %mul3A_1258, %get3A_1257 : vector<16xf32>
        %add3A_1260 = arith.addf %add3A_1189, %mul3A_1259 : vector<16xf32>
        %get3A_1261 = arith.index_cast %rem3A_637 : i32 to index
        %get3A_1262 = arith.index_cast %add3A_1241 : i32 to index
        %get3A_1263 = arith.constant 32 : index
        %get3A_1264 = tpu.vector_load %arg11[%get3A_1261, %get3A_1262, %get3A_1263] {strides = array<i32>} : memref<8x64x128xf32, #tpu.memory_space<vmem>>, vector<1x1x16xf32>,
        %get3A_1265 = vector.shape_cast %get3A_1264 : vector<1x1x16xf32> to vector<16xf32>
        %mul3A_1266 = vector.broadcast %convert_element_type3A_1244 : f32 to vector<16xf32>
        %mul3A_1267 = arith.mulf %mul3A_1266, %get3A_1265 : vector<16xf32>
        %add3A_1268 = arith.addf %add3A_1197, %mul3A_1267 : vector<16xf32>
        %get3A_1269 = arith.index_cast %rem3A_637 : i32 to index
        %get3A_1270 = arith.index_cast %add3A_1241 : i32 to index
        %get3A_1271 = arith.constant 48 : index
        %get3A_1272 = tpu.vector_load %arg11[%get3A_1269, %get3A_1270, %get3A_1271] {strides = array<i32>} : memref<8x64x128xf32, #tpu.memory_space<vmem>>, vector<1x1x16xf32>,
        %get3A_1273 = vector.shape_cast %get3A_1272 : vector<1x1x16xf32> to vector<16xf32>
        %mul3A_1274 = vector.broadcast %convert_element_type3A_1244 : f32 to vector<16xf32>
        %mul3A_1275 = arith.mulf %mul3A_1274, %get3A_1273 : vector<16xf32>
        %add3A_1276 = arith.addf %add3A_1205, %mul3A_1275 : vector<16xf32>
        %get3A_1277 = arith.index_cast %rem3A_637 : i32 to index
        %get3A_1278 = arith.index_cast %add3A_1241 : i32 to index
        %get3A_1279 = arith.constant 64 : index
        %get3A_1280 = tpu.vector_load %arg11[%get3A_1277, %get3A_1278, %get3A_1279] {strides = array<i32>} : memref<8x64x128xf32, #tpu.memory_space<vmem>>, vector<1x1x16xf32>,
        %get3A_1281 = vector.shape_cast %get3A_1280 : vector<1x1x16xf32> to vector<16xf32>
        %mul3A_1282 = vector.broadcast %convert_element_type3A_1244 : f32 to vector<16xf32>
        %mul3A_1283 = arith.mulf %mul3A_1282, %get3A_1281 : vector<16xf32>
        %add3A_1284 = arith.addf %add3A_1213, %mul3A_1283 : vector<16xf32>
        %get3A_1285 = arith.index_cast %rem3A_637 : i32 to index
        %get3A_1286 = arith.index_cast %add3A_1241 : i32 to index
        %get3A_1287 = arith.constant 80 : index
        %get3A_1288 = tpu.vector_load %arg11[%get3A_1285, %get3A_1286, %get3A_1287] {strides = array<i32>} : memref<8x64x128xf32, #tpu.memory_space<vmem>>, vector<1x1x16xf32>,
        %get3A_1289 = vector.shape_cast %get3A_1288 : vector<1x1x16xf32> to vector<16xf32>
        %mul3A_1290 = vector.broadcast %convert_element_type3A_1244 : f32 to vector<16xf32>
        %mul3A_1291 = arith.mulf %mul3A_1290, %get3A_1289 : vector<16xf32>
        %add3A_1292 = arith.addf %add3A_1221, %mul3A_1291 : vector<16xf32>
        %get3A_1293 = arith.index_cast %rem3A_637 : i32 to index
        %get3A_1294 = arith.index_cast %add3A_1241 : i32 to index
        %get3A_1295 = arith.constant 96 : index
        %get3A_1296 = tpu.vector_load %arg11[%get3A_1293, %get3A_1294, %get3A_1295] {strides = array<i32>} : memref<8x64x128xf32, #tpu.memory_space<vmem>>, vector<1x1x16xf32>,
        %get3A_1297 = vector.shape_cast %get3A_1296 : vector<1x1x16xf32> to vector<16xf32>
        %mul3A_1298 = vector.broadcast %convert_element_type3A_1244 : f32 to vector<16xf32>
        %mul3A_1299 = arith.mulf %mul3A_1298, %get3A_1297 : vector<16xf32>
        %add3A_1300 = arith.addf %add3A_1229, %mul3A_1299 : vector<16xf32>
        %get3A_1301 = arith.index_cast %rem3A_637 : i32 to index
        %get3A_1302 = arith.index_cast %add3A_1241 : i32 to index
        %get3A_1303 = arith.constant 112 : index
        %get3A_1304 = tpu.vector_load %arg11[%get3A_1301, %get3A_1302, %get3A_1303] {strides = array<i32>} : memref<8x64x128xf32, #tpu.memory_space<vmem>>, vector<1x1x16xf32>,
        %get3A_1305 = vector.shape_cast %get3A_1304 : vector<1x1x16xf32> to vector<16xf32>
        %mul3A_1306 = vector.broadcast %convert_element_type3A_1244 : f32 to vector<16xf32>
        %mul3A_1307 = arith.mulf %mul3A_1306, %get3A_1305 : vector<16xf32>
        %add3A_1308 = arith.addf %add3A_1237, %mul3A_1307 : vector<16xf32>
        %mul3A_1309 = arith.constant 16 : i32
        %mul3A_1310 = arith.muli %while3A_732, %mul3A_1309 : i32
        %add3A_1311 = arith.constant 8 : i32
        %add3A_1312 = arith.addi %mul3A_1310, %add3A_1311 : i32
        %lt3A_1313 = arith.cmpi slt, %add3A_1312, %squeeze3A_642 : i32
        %convert_element_type3A_1314 = arith.extui %lt3A_1313 : i1 to i32
        %convert_element_type3A_1315 = arith.sitofp %convert_element_type3A_1314 : i32 to f32
        %get3A_1316 = arith.index_cast %rem3A_637 : i32 to index
        %get3A_1317 = arith.index_cast %add3A_1312 : i32 to index
        %get3A_1318 = arith.constant 0 : index
        %get3A_1319 = tpu.vector_load %arg11[%get3A_1316, %get3A_1317, %get3A_1318] {strides = array<i32>} : memref<8x64x128xf32, #tpu.memory_space<vmem>>, vector<1x1x16xf32>,
        %get3A_1320 = vector.shape_cast %get3A_1319 : vector<1x1x16xf32> to vector<16xf32>
        %mul3A_1321 = vector.broadcast %convert_element_type3A_1315 : f32 to vector<16xf32>
        %mul3A_1322 = arith.mulf %mul3A_1321, %get3A_1320 : vector<16xf32>
        %add3A_1323 = arith.addf %add3A_1252, %mul3A_1322 : vector<16xf32>
        %get3A_1324 = arith.index_cast %rem3A_637 : i32 to index
        %get3A_1325 = arith.index_cast %add3A_1312 : i32 to index
        %get3A_1326 = arith.constant 16 : index
        %get3A_1327 = tpu.vector_load %arg11[%get3A_1324, %get3A_1325, %get3A_1326] {strides = array<i32>} : memref<8x64x128xf32, #tpu.memory_space<vmem>>, vector<1x1x16xf32>,
        %get3A_1328 = vector.shape_cast %get3A_1327 : vector<1x1x16xf32> to vector<16xf32>
        %mul3A_1329 = vector.broadcast %convert_element_type3A_1315 : f32 to vector<16xf32>
        %mul3A_1330 = arith.mulf %mul3A_1329, %get3A_1328 : vector<16xf32>
        %add3A_1331 = arith.addf %add3A_1260, %mul3A_1330 : vector<16xf32>
        %get3A_1332 = arith.index_cast %rem3A_637 : i32 to index
        %get3A_1333 = arith.index_cast %add3A_1312 : i32 to index
        %get3A_1334 = arith.constant 32 : index
        %get3A_1335 = tpu.vector_load %arg11[%get3A_1332, %get3A_1333, %get3A_1334] {strides = array<i32>} : memref<8x64x128xf32, #tpu.memory_space<vmem>>, vector<1x1x16xf32>,
        %get3A_1336 = vector.shape_cast %get3A_1335 : vector<1x1x16xf32> to vector<16xf32>
        %mul3A_1337 = vector.broadcast %convert_element_type3A_1315 : f32 to vector<16xf32>
        %mul3A_1338 = arith.mulf %mul3A_1337, %get3A_1336 : vector<16xf32>
        %add3A_1339 = arith.addf %add3A_1268, %mul3A_1338 : vector<16xf32>
        %get3A_1340 = arith.index_cast %rem3A_637 : i32 to index
        %get3A_1341 = arith.index_cast %add3A_1312 : i32 to index
        %get3A_1342 = arith.constant 48 : index
        %get3A_1343 = tpu.vector_load %arg11[%get3A_1340, %get3A_1341, %get3A_1342] {strides = array<i32>} : memref<8x64x128xf32, #tpu.memory_space<vmem>>, vector<1x1x16xf32>,
        %get3A_1344 = vector.shape_cast %get3A_1343 : vector<1x1x16xf32> to vector<16xf32>
        %mul3A_1345 = vector.broadcast %convert_element_type3A_1315 : f32 to vector<16xf32>
        %mul3A_1346 = arith.mulf %mul3A_1345, %get3A_1344 : vector<16xf32>
        %add3A_1347 = arith.addf %add3A_1276, %mul3A_1346 : vector<16xf32>
        %get3A_1348 = arith.index_cast %rem3A_637 : i32 to index
        %get3A_1349 = arith.index_cast %add3A_1312 : i32 to index
        %get3A_1350 = arith.constant 64 : index
        %get3A_1351 = tpu.vector_load %arg11[%get3A_1348, %get3A_1349, %get3A_1350] {strides = array<i32>} : memref<8x64x128xf32, #tpu.memory_space<vmem>>, vector<1x1x16xf32>,
        %get3A_1352 = vector.shape_cast %get3A_1351 : vector<1x1x16xf32> to vector<16xf32>
        %mul3A_1353 = vector.broadcast %convert_element_type3A_1315 : f32 to vector<16xf32>
        %mul3A_1354 = arith.mulf %mul3A_1353, %get3A_1352 : vector<16xf32>
        %add3A_1355 = arith.addf %add3A_1284, %mul3A_1354 : vector<16xf32>
        %get3A_1356 = arith.index_cast %rem3A_637 : i32 to index
        %get3A_1357 = arith.index_cast %add3A_1312 : i32 to index
        %get3A_1358 = arith.constant 80 : index
        %get3A_1359 = tpu.vector_load %arg11[%get3A_1356, %get3A_1357, %get3A_1358] {strides = array<i32>} : memref<8x64x128xf32, #tpu.memory_space<vmem>>, vector<1x1x16xf32>,
        %get3A_1360 = vector.shape_cast %get3A_1359 : vector<1x1x16xf32> to vector<16xf32>
        %mul3A_1361 = vector.broadcast %convert_element_type3A_1315 : f32 to vector<16xf32>
        %mul3A_1362 = arith.mulf %mul3A_1361, %get3A_1360 : vector<16xf32>
        %add3A_1363 = arith.addf %add3A_1292, %mul3A_1362 : vector<16xf32>
        %get3A_1364 = arith.index_cast %rem3A_637 : i32 to index
        %get3A_1365 = arith.index_cast %add3A_1312 : i32 to index
        %get3A_1366 = arith.constant 96 : index
        %get3A_1367 = tpu.vector_load %arg11[%get3A_1364, %get3A_1365, %get3A_1366] {strides = array<i32>} : memref<8x64x128xf32, #tpu.memory_space<vmem>>, vector<1x1x16xf32>,
        %get3A_1368 = vector.shape_cast %get3A_1367 : vector<1x1x16xf32> to vector<16xf32>
        %mul3A_1369 = vector.broadcast %convert_element_type3A_1315 : f32 to vector<16xf32>
        %mul3A_1370 = arith.mulf %mul3A_1369, %get3A_1368 : vector<16xf32>
        %add3A_1371 = arith.addf %add3A_1300, %mul3A_1370 : vector<16xf32>
        %get3A_1372 = arith.index_cast %rem3A_637 : i32 to index
        %get3A_1373 = arith.index_cast %add3A_1312 : i32 to index
        %get3A_1374 = arith.constant 112 : index
        %get3A_1375 = tpu.vector_load %arg11[%get3A_1372, %get3A_1373, %get3A_1374] {strides = array<i32>} : memref<8x64x128xf32, #tpu.memory_space<vmem>>, vector<1x1x16xf32>,
        %get3A_1376 = vector.shape_cast %get3A_1375 : vector<1x1x16xf32> to vector<16xf32>
        %mul3A_1377 = vector.broadcast %convert_element_type3A_1315 : f32 to vector<16xf32>
        %mul3A_1378 = arith.mulf %mul3A_1377, %get3A_1376 : vector<16xf32>
        %add3A_1379 = arith.addf %add3A_1308, %mul3A_1378 : vector<16xf32>
        %mul3A_1380 = arith.constant 16 : i32
        %mul3A_1381 = arith.muli %while3A_732, %mul3A_1380 : i32
        %add3A_1382 = arith.constant 9 : i32
        %add3A_1383 = arith.addi %mul3A_1381, %add3A_1382 : i32
        %lt3A_1384 = arith.cmpi slt, %add3A_1383, %squeeze3A_642 : i32
        %convert_element_type3A_1385 = arith.extui %lt3A_1384 : i1 to i32
        %convert_element_type3A_1386 = arith.sitofp %convert_element_type3A_1385 : i32 to f32
        %get3A_1387 = arith.index_cast %rem3A_637 : i32 to index
        %get3A_1388 = arith.index_cast %add3A_1383 : i32 to index
        %get3A_1389 = arith.constant 0 : index
        %get3A_1390 = tpu.vector_load %arg11[%get3A_1387, %get3A_1388, %get3A_1389] {strides = array<i32>} : memref<8x64x128xf32, #tpu.memory_space<vmem>>, vector<1x1x16xf32>,
        %get3A_1391 = vector.shape_cast %get3A_1390 : vector<1x1x16xf32> to vector<16xf32>
        %mul3A_1392 = vector.broadcast %convert_element_type3A_1386 : f32 to vector<16xf32>
        %mul3A_1393 = arith.mulf %mul3A_1392, %get3A_1391 : vector<16xf32>
        %add3A_1394 = arith.addf %add3A_1323, %mul3A_1393 : vector<16xf32>
        %get3A_1395 = arith.index_cast %rem3A_637 : i32 to index
        %get3A_1396 = arith.index_cast %add3A_1383 : i32 to index
        %get3A_1397 = arith.constant 16 : index
        %get3A_1398 = tpu.vector_load %arg11[%get3A_1395, %get3A_1396, %get3A_1397] {strides = array<i32>} : memref<8x64x128xf32, #tpu.memory_space<vmem>>, vector<1x1x16xf32>,
        %get3A_1399 = vector.shape_cast %get3A_1398 : vector<1x1x16xf32> to vector<16xf32>
        %mul3A_1400 = vector.broadcast %convert_element_type3A_1386 : f32 to vector<16xf32>
        %mul3A_1401 = arith.mulf %mul3A_1400, %get3A_1399 : vector<16xf32>
        %add3A_1402 = arith.addf %add3A_1331, %mul3A_1401 : vector<16xf32>
        %get3A_1403 = arith.index_cast %rem3A_637 : i32 to index
        %get3A_1404 = arith.index_cast %add3A_1383 : i32 to index
        %get3A_1405 = arith.constant 32 : index
        %get3A_1406 = tpu.vector_load %arg11[%get3A_1403, %get3A_1404, %get3A_1405] {strides = array<i32>} : memref<8x64x128xf32, #tpu.memory_space<vmem>>, vector<1x1x16xf32>,
        %get3A_1407 = vector.shape_cast %get3A_1406 : vector<1x1x16xf32> to vector<16xf32>
        %mul3A_1408 = vector.broadcast %convert_element_type3A_1386 : f32 to vector<16xf32>
        %mul3A_1409 = arith.mulf %mul3A_1408, %get3A_1407 : vector<16xf32>
        %add3A_1410 = arith.addf %add3A_1339, %mul3A_1409 : vector<16xf32>
        %get3A_1411 = arith.index_cast %rem3A_637 : i32 to index
        %get3A_1412 = arith.index_cast %add3A_1383 : i32 to index
        %get3A_1413 = arith.constant 48 : index
        %get3A_1414 = tpu.vector_load %arg11[%get3A_1411, %get3A_1412, %get3A_1413] {strides = array<i32>} : memref<8x64x128xf32, #tpu.memory_space<vmem>>, vector<1x1x16xf32>,
        %get3A_1415 = vector.shape_cast %get3A_1414 : vector<1x1x16xf32> to vector<16xf32>
        %mul3A_1416 = vector.broadcast %convert_element_type3A_1386 : f32 to vector<16xf32>
        %mul3A_1417 = arith.mulf %mul3A_1416, %get3A_1415 : vector<16xf32>
        %add3A_1418 = arith.addf %add3A_1347, %mul3A_1417 : vector<16xf32>
        %get3A_1419 = arith.index_cast %rem3A_637 : i32 to index
        %get3A_1420 = arith.index_cast %add3A_1383 : i32 to index
        %get3A_1421 = arith.constant 64 : index
        %get3A_1422 = tpu.vector_load %arg11[%get3A_1419, %get3A_1420, %get3A_1421] {strides = array<i32>} : memref<8x64x128xf32, #tpu.memory_space<vmem>>, vector<1x1x16xf32>,
        %get3A_1423 = vector.shape_cast %get3A_1422 : vector<1x1x16xf32> to vector<16xf32>
        %mul3A_1424 = vector.broadcast %convert_element_type3A_1386 : f32 to vector<16xf32>
        %mul3A_1425 = arith.mulf %mul3A_1424, %get3A_1423 : vector<16xf32>
        %add3A_1426 = arith.addf %add3A_1355, %mul3A_1425 : vector<16xf32>
        %get3A_1427 = arith.index_cast %rem3A_637 : i32 to index
        %get3A_1428 = arith.index_cast %add3A_1383 : i32 to index
        %get3A_1429 = arith.constant 80 : index
        %get3A_1430 = tpu.vector_load %arg11[%get3A_1427, %get3A_1428, %get3A_1429] {strides = array<i32>} : memref<8x64x128xf32, #tpu.memory_space<vmem>>, vector<1x1x16xf32>,
        %get3A_1431 = vector.shape_cast %get3A_1430 : vector<1x1x16xf32> to vector<16xf32>
        %mul3A_1432 = vector.broadcast %convert_element_type3A_1386 : f32 to vector<16xf32>
        %mul3A_1433 = arith.mulf %mul3A_1432, %get3A_1431 : vector<16xf32>
        %add3A_1434 = arith.addf %add3A_1363, %mul3A_1433 : vector<16xf32>
        %get3A_1435 = arith.index_cast %rem3A_637 : i32 to index
        %get3A_1436 = arith.index_cast %add3A_1383 : i32 to index
        %get3A_1437 = arith.constant 96 : index
        %get3A_1438 = tpu.vector_load %arg11[%get3A_1435, %get3A_1436, %get3A_1437] {strides = array<i32>} : memref<8x64x128xf32, #tpu.memory_space<vmem>>, vector<1x1x16xf32>,
        %get3A_1439 = vector.shape_cast %get3A_1438 : vector<1x1x16xf32> to vector<16xf32>
        %mul3A_1440 = vector.broadcast %convert_element_type3A_1386 : f32 to vector<16xf32>
        %mul3A_1441 = arith.mulf %mul3A_1440, %get3A_1439 : vector<16xf32>
        %add3A_1442 = arith.addf %add3A_1371, %mul3A_1441 : vector<16xf32>
        %get3A_1443 = arith.index_cast %rem3A_637 : i32 to index
        %get3A_1444 = arith.index_cast %add3A_1383 : i32 to index
        %get3A_1445 = arith.constant 112 : index
        %get3A_1446 = tpu.vector_load %arg11[%get3A_1443, %get3A_1444, %get3A_1445] {strides = array<i32>} : memref<8x64x128xf32, #tpu.memory_space<vmem>>, vector<1x1x16xf32>,
        %get3A_1447 = vector.shape_cast %get3A_1446 : vector<1x1x16xf32> to vector<16xf32>
        %mul3A_1448 = vector.broadcast %convert_element_type3A_1386 : f32 to vector<16xf32>
        %mul3A_1449 = arith.mulf %mul3A_1448, %get3A_1447 : vector<16xf32>
        %add3A_1450 = arith.addf %add3A_1379, %mul3A_1449 : vector<16xf32>
        %mul3A_1451 = arith.constant 16 : i32
        %mul3A_1452 = arith.muli %while3A_732, %mul3A_1451 : i32
        %add3A_1453 = arith.constant 10 : i32
        %add3A_1454 = arith.addi %mul3A_1452, %add3A_1453 : i32
        %lt3A_1455 = arith.cmpi slt, %add3A_1454, %squeeze3A_642 : i32
        %convert_element_type3A_1456 = arith.extui %lt3A_1455 : i1 to i32
        %convert_element_type3A_1457 = arith.sitofp %convert_element_type3A_1456 : i32 to f32
        %get3A_1458 = arith.index_cast %rem3A_637 : i32 to index
        %get3A_1459 = arith.index_cast %add3A_1454 : i32 to index
        %get3A_1460 = arith.constant 0 : index
        %get3A_1461 = tpu.vector_load %arg11[%get3A_1458, %get3A_1459, %get3A_1460] {strides = array<i32>} : memref<8x64x128xf32, #tpu.memory_space<vmem>>, vector<1x1x16xf32>,
        %get3A_1462 = vector.shape_cast %get3A_1461 : vector<1x1x16xf32> to vector<16xf32>
        %mul3A_1463 = vector.broadcast %convert_element_type3A_1457 : f32 to vector<16xf32>
        %mul3A_1464 = arith.mulf %mul3A_1463, %get3A_1462 : vector<16xf32>
        %add3A_1465 = arith.addf %add3A_1394, %mul3A_1464 : vector<16xf32>
        %get3A_1466 = arith.index_cast %rem3A_637 : i32 to index
        %get3A_1467 = arith.index_cast %add3A_1454 : i32 to index
        %get3A_1468 = arith.constant 16 : index
        %get3A_1469 = tpu.vector_load %arg11[%get3A_1466, %get3A_1467, %get3A_1468] {strides = array<i32>} : memref<8x64x128xf32, #tpu.memory_space<vmem>>, vector<1x1x16xf32>,
        %get3A_1470 = vector.shape_cast %get3A_1469 : vector<1x1x16xf32> to vector<16xf32>
        %mul3A_1471 = vector.broadcast %convert_element_type3A_1457 : f32 to vector<16xf32>
        %mul3A_1472 = arith.mulf %mul3A_1471, %get3A_1470 : vector<16xf32>
        %add3A_1473 = arith.addf %add3A_1402, %mul3A_1472 : vector<16xf32>
        %get3A_1474 = arith.index_cast %rem3A_637 : i32 to index
        %get3A_1475 = arith.index_cast %add3A_1454 : i32 to index
        %get3A_1476 = arith.constant 32 : index
        %get3A_1477 = tpu.vector_load %arg11[%get3A_1474, %get3A_1475, %get3A_1476] {strides = array<i32>} : memref<8x64x128xf32, #tpu.memory_space<vmem>>, vector<1x1x16xf32>,
        %get3A_1478 = vector.shape_cast %get3A_1477 : vector<1x1x16xf32> to vector<16xf32>
        %mul3A_1479 = vector.broadcast %convert_element_type3A_1457 : f32 to vector<16xf32>
        %mul3A_1480 = arith.mulf %mul3A_1479, %get3A_1478 : vector<16xf32>
        %add3A_1481 = arith.addf %add3A_1410, %mul3A_1480 : vector<16xf32>
        %get3A_1482 = arith.index_cast %rem3A_637 : i32 to index
        %get3A_1483 = arith.index_cast %add3A_1454 : i32 to index
        %get3A_1484 = arith.constant 48 : index
        %get3A_1485 = tpu.vector_load %arg11[%get3A_1482, %get3A_1483, %get3A_1484] {strides = array<i32>} : memref<8x64x128xf32, #tpu.memory_space<vmem>>, vector<1x1x16xf32>,
        %get3A_1486 = vector.shape_cast %get3A_1485 : vector<1x1x16xf32> to vector<16xf32>
        %mul3A_1487 = vector.broadcast %convert_element_type3A_1457 : f32 to vector<16xf32>
        %mul3A_1488 = arith.mulf %mul3A_1487, %get3A_1486 : vector<16xf32>
        %add3A_1489 = arith.addf %add3A_1418, %mul3A_1488 : vector<16xf32>
        %get3A_1490 = arith.index_cast %rem3A_637 : i32 to index
        %get3A_1491 = arith.index_cast %add3A_1454 : i32 to index
        %get3A_1492 = arith.constant 64 : index
        %get3A_1493 = tpu.vector_load %arg11[%get3A_1490, %get3A_1491, %get3A_1492] {strides = array<i32>} : memref<8x64x128xf32, #tpu.memory_space<vmem>>, vector<1x1x16xf32>,
        %get3A_1494 = vector.shape_cast %get3A_1493 : vector<1x1x16xf32> to vector<16xf32>
        %mul3A_1495 = vector.broadcast %convert_element_type3A_1457 : f32 to vector<16xf32>
        %mul3A_1496 = arith.mulf %mul3A_1495, %get3A_1494 : vector<16xf32>
        %add3A_1497 = arith.addf %add3A_1426, %mul3A_1496 : vector<16xf32>
        %get3A_1498 = arith.index_cast %rem3A_637 : i32 to index
        %get3A_1499 = arith.index_cast %add3A_1454 : i32 to index
        %get3A_1500 = arith.constant 80 : index
        %get3A_1501 = tpu.vector_load %arg11[%get3A_1498, %get3A_1499, %get3A_1500] {strides = array<i32>} : memref<8x64x128xf32, #tpu.memory_space<vmem>>, vector<1x1x16xf32>,
        %get3A_1502 = vector.shape_cast %get3A_1501 : vector<1x1x16xf32> to vector<16xf32>
        %mul3A_1503 = vector.broadcast %convert_element_type3A_1457 : f32 to vector<16xf32>
        %mul3A_1504 = arith.mulf %mul3A_1503, %get3A_1502 : vector<16xf32>
        %add3A_1505 = arith.addf %add3A_1434, %mul3A_1504 : vector<16xf32>
        %get3A_1506 = arith.index_cast %rem3A_637 : i32 to index
        %get3A_1507 = arith.index_cast %add3A_1454 : i32 to index
        %get3A_1508 = arith.constant 96 : index
        %get3A_1509 = tpu.vector_load %arg11[%get3A_1506, %get3A_1507, %get3A_1508] {strides = array<i32>} : memref<8x64x128xf32, #tpu.memory_space<vmem>>, vector<1x1x16xf32>,
        %get3A_1510 = vector.shape_cast %get3A_1509 : vector<1x1x16xf32> to vector<16xf32>
        %mul3A_1511 = vector.broadcast %convert_element_type3A_1457 : f32 to vector<16xf32>
        %mul3A_1512 = arith.mulf %mul3A_1511, %get3A_1510 : vector<16xf32>
        %add3A_1513 = arith.addf %add3A_1442, %mul3A_1512 : vector<16xf32>
        %get3A_1514 = arith.index_cast %rem3A_637 : i32 to index
        %get3A_1515 = arith.index_cast %add3A_1454 : i32 to index
        %get3A_1516 = arith.constant 112 : index
        %get3A_1517 = tpu.vector_load %arg11[%get3A_1514, %get3A_1515, %get3A_1516] {strides = array<i32>} : memref<8x64x128xf32, #tpu.memory_space<vmem>>, vector<1x1x16xf32>,
        %get3A_1518 = vector.shape_cast %get3A_1517 : vector<1x1x16xf32> to vector<16xf32>
        %mul3A_1519 = vector.broadcast %convert_element_type3A_1457 : f32 to vector<16xf32>
        %mul3A_1520 = arith.mulf %mul3A_1519, %get3A_1518 : vector<16xf32>
        %add3A_1521 = arith.addf %add3A_1450, %mul3A_1520 : vector<16xf32>
        %mul3A_1522 = arith.constant 16 : i32
        %mul3A_1523 = arith.muli %while3A_732, %mul3A_1522 : i32
        %add3A_1524 = arith.constant 11 : i32
        %add3A_1525 = arith.addi %mul3A_1523, %add3A_1524 : i32
        %lt3A_1526 = arith.cmpi slt, %add3A_1525, %squeeze3A_642 : i32
        %convert_element_type3A_1527 = arith.extui %lt3A_1526 : i1 to i32
        %convert_element_type3A_1528 = arith.sitofp %convert_element_type3A_1527 : i32 to f32
        %get3A_1529 = arith.index_cast %rem3A_637 : i32 to index
        %get3A_1530 = arith.index_cast %add3A_1525 : i32 to index
        %get3A_1531 = arith.constant 0 : index
        %get3A_1532 = tpu.vector_load %arg11[%get3A_1529, %get3A_1530, %get3A_1531] {strides = array<i32>} : memref<8x64x128xf32, #tpu.memory_space<vmem>>, vector<1x1x16xf32>,
        %get3A_1533 = vector.shape_cast %get3A_1532 : vector<1x1x16xf32> to vector<16xf32>
        %mul3A_1534 = vector.broadcast %convert_element_type3A_1528 : f32 to vector<16xf32>
        %mul3A_1535 = arith.mulf %mul3A_1534, %get3A_1533 : vector<16xf32>
        %add3A_1536 = arith.addf %add3A_1465, %mul3A_1535 : vector<16xf32>
        %get3A_1537 = arith.index_cast %rem3A_637 : i32 to index
        %get3A_1538 = arith.index_cast %add3A_1525 : i32 to index
        %get3A_1539 = arith.constant 16 : index
        %get3A_1540 = tpu.vector_load %arg11[%get3A_1537, %get3A_1538, %get3A_1539] {strides = array<i32>} : memref<8x64x128xf32, #tpu.memory_space<vmem>>, vector<1x1x16xf32>,
        %get3A_1541 = vector.shape_cast %get3A_1540 : vector<1x1x16xf32> to vector<16xf32>
        %mul3A_1542 = vector.broadcast %convert_element_type3A_1528 : f32 to vector<16xf32>
        %mul3A_1543 = arith.mulf %mul3A_1542, %get3A_1541 : vector<16xf32>
        %add3A_1544 = arith.addf %add3A_1473, %mul3A_1543 : vector<16xf32>
        %get3A_1545 = arith.index_cast %rem3A_637 : i32 to index
        %get3A_1546 = arith.index_cast %add3A_1525 : i32 to index
        %get3A_1547 = arith.constant 32 : index
        %get3A_1548 = tpu.vector_load %arg11[%get3A_1545, %get3A_1546, %get3A_1547] {strides = array<i32>} : memref<8x64x128xf32, #tpu.memory_space<vmem>>, vector<1x1x16xf32>,
        %get3A_1549 = vector.shape_cast %get3A_1548 : vector<1x1x16xf32> to vector<16xf32>
        %mul3A_1550 = vector.broadcast %convert_element_type3A_1528 : f32 to vector<16xf32>
        %mul3A_1551 = arith.mulf %mul3A_1550, %get3A_1549 : vector<16xf32>
        %add3A_1552 = arith.addf %add3A_1481, %mul3A_1551 : vector<16xf32>
        %get3A_1553 = arith.index_cast %rem3A_637 : i32 to index
        %get3A_1554 = arith.index_cast %add3A_1525 : i32 to index
        %get3A_1555 = arith.constant 48 : index
        %get3A_1556 = tpu.vector_load %arg11[%get3A_1553, %get3A_1554, %get3A_1555] {strides = array<i32>} : memref<8x64x128xf32, #tpu.memory_space<vmem>>, vector<1x1x16xf32>,
        %get3A_1557 = vector.shape_cast %get3A_1556 : vector<1x1x16xf32> to vector<16xf32>
        %mul3A_1558 = vector.broadcast %convert_element_type3A_1528 : f32 to vector<16xf32>
        %mul3A_1559 = arith.mulf %mul3A_1558, %get3A_1557 : vector<16xf32>
        %add3A_1560 = arith.addf %add3A_1489, %mul3A_1559 : vector<16xf32>
        %get3A_1561 = arith.index_cast %rem3A_637 : i32 to index
        %get3A_1562 = arith.index_cast %add3A_1525 : i32 to index
        %get3A_1563 = arith.constant 64 : index
        %get3A_1564 = tpu.vector_load %arg11[%get3A_1561, %get3A_1562, %get3A_1563] {strides = array<i32>} : memref<8x64x128xf32, #tpu.memory_space<vmem>>, vector<1x1x16xf32>,
        %get3A_1565 = vector.shape_cast %get3A_1564 : vector<1x1x16xf32> to vector<16xf32>
        %mul3A_1566 = vector.broadcast %convert_element_type3A_1528 : f32 to vector<16xf32>
        %mul3A_1567 = arith.mulf %mul3A_1566, %get3A_1565 : vector<16xf32>
        %add3A_1568 = arith.addf %add3A_1497, %mul3A_1567 : vector<16xf32>
        %get3A_1569 = arith.index_cast %rem3A_637 : i32 to index
        %get3A_1570 = arith.index_cast %add3A_1525 : i32 to index
        %get3A_1571 = arith.constant 80 : index
        %get3A_1572 = tpu.vector_load %arg11[%get3A_1569, %get3A_1570, %get3A_1571] {strides = array<i32>} : memref<8x64x128xf32, #tpu.memory_space<vmem>>, vector<1x1x16xf32>,
        %get3A_1573 = vector.shape_cast %get3A_1572 : vector<1x1x16xf32> to vector<16xf32>
        %mul3A_1574 = vector.broadcast %convert_element_type3A_1528 : f32 to vector<16xf32>
        %mul3A_1575 = arith.mulf %mul3A_1574, %get3A_1573 : vector<16xf32>
        %add3A_1576 = arith.addf %add3A_1505, %mul3A_1575 : vector<16xf32>
        %get3A_1577 = arith.index_cast %rem3A_637 : i32 to index
        %get3A_1578 = arith.index_cast %add3A_1525 : i32 to index
        %get3A_1579 = arith.constant 96 : index
        %get3A_1580 = tpu.vector_load %arg11[%get3A_1577, %get3A_1578, %get3A_1579] {strides = array<i32>} : memref<8x64x128xf32, #tpu.memory_space<vmem>>, vector<1x1x16xf32>,
        %get3A_1581 = vector.shape_cast %get3A_1580 : vector<1x1x16xf32> to vector<16xf32>
        %mul3A_1582 = vector.broadcast %convert_element_type3A_1528 : f32 to vector<16xf32>
        %mul3A_1583 = arith.mulf %mul3A_1582, %get3A_1581 : vector<16xf32>
        %add3A_1584 = arith.addf %add3A_1513, %mul3A_1583 : vector<16xf32>
        %get3A_1585 = arith.index_cast %rem3A_637 : i32 to index
        %get3A_1586 = arith.index_cast %add3A_1525 : i32 to index
        %get3A_1587 = arith.constant 112 : index
        %get3A_1588 = tpu.vector_load %arg11[%get3A_1585, %get3A_1586, %get3A_1587] {strides = array<i32>} : memref<8x64x128xf32, #tpu.memory_space<vmem>>, vector<1x1x16xf32>,
        %get3A_1589 = vector.shape_cast %get3A_1588 : vector<1x1x16xf32> to vector<16xf32>
        %mul3A_1590 = vector.broadcast %convert_element_type3A_1528 : f32 to vector<16xf32>
        %mul3A_1591 = arith.mulf %mul3A_1590, %get3A_1589 : vector<16xf32>
        %add3A_1592 = arith.addf %add3A_1521, %mul3A_1591 : vector<16xf32>
        %mul3A_1593 = arith.constant 16 : i32
        %mul3A_1594 = arith.muli %while3A_732, %mul3A_1593 : i32
        %add3A_1595 = arith.constant 12 : i32
        %add3A_1596 = arith.addi %mul3A_1594, %add3A_1595 : i32
        %lt3A_1597 = arith.cmpi slt, %add3A_1596, %squeeze3A_642 : i32
        %convert_element_type3A_1598 = arith.extui %lt3A_1597 : i1 to i32
        %convert_element_type3A_1599 = arith.sitofp %convert_element_type3A_1598 : i32 to f32
        %get3A_1600 = arith.index_cast %rem3A_637 : i32 to index
        %get3A_1601 = arith.index_cast %add3A_1596 : i32 to index
        %get3A_1602 = arith.constant 0 : index
        %get3A_1603 = tpu.vector_load %arg11[%get3A_1600, %get3A_1601, %get3A_1602] {strides = array<i32>} : memref<8x64x128xf32, #tpu.memory_space<vmem>>, vector<1x1x16xf32>,
        %get3A_1604 = vector.shape_cast %get3A_1603 : vector<1x1x16xf32> to vector<16xf32>
        %mul3A_1605 = vector.broadcast %convert_element_type3A_1599 : f32 to vector<16xf32>
        %mul3A_1606 = arith.mulf %mul3A_1605, %get3A_1604 : vector<16xf32>
        %add3A_1607 = arith.addf %add3A_1536, %mul3A_1606 : vector<16xf32>
        %get3A_1608 = arith.index_cast %rem3A_637 : i32 to index
        %get3A_1609 = arith.index_cast %add3A_1596 : i32 to index
        %get3A_1610 = arith.constant 16 : index
        %get3A_1611 = tpu.vector_load %arg11[%get3A_1608, %get3A_1609, %get3A_1610] {strides = array<i32>} : memref<8x64x128xf32, #tpu.memory_space<vmem>>, vector<1x1x16xf32>,
        %get3A_1612 = vector.shape_cast %get3A_1611 : vector<1x1x16xf32> to vector<16xf32>
        %mul3A_1613 = vector.broadcast %convert_element_type3A_1599 : f32 to vector<16xf32>
        %mul3A_1614 = arith.mulf %mul3A_1613, %get3A_1612 : vector<16xf32>
        %add3A_1615 = arith.addf %add3A_1544, %mul3A_1614 : vector<16xf32>
        %get3A_1616 = arith.index_cast %rem3A_637 : i32 to index
        %get3A_1617 = arith.index_cast %add3A_1596 : i32 to index
        %get3A_1618 = arith.constant 32 : index
        %get3A_1619 = tpu.vector_load %arg11[%get3A_1616, %get3A_1617, %get3A_1618] {strides = array<i32>} : memref<8x64x128xf32, #tpu.memory_space<vmem>>, vector<1x1x16xf32>,
        %get3A_1620 = vector.shape_cast %get3A_1619 : vector<1x1x16xf32> to vector<16xf32>
        %mul3A_1621 = vector.broadcast %convert_element_type3A_1599 : f32 to vector<16xf32>
        %mul3A_1622 = arith.mulf %mul3A_1621, %get3A_1620 : vector<16xf32>
        %add3A_1623 = arith.addf %add3A_1552, %mul3A_1622 : vector<16xf32>
        %get3A_1624 = arith.index_cast %rem3A_637 : i32 to index
        %get3A_1625 = arith.index_cast %add3A_1596 : i32 to index
        %get3A_1626 = arith.constant 48 : index
        %get3A_1627 = tpu.vector_load %arg11[%get3A_1624, %get3A_1625, %get3A_1626] {strides = array<i32>} : memref<8x64x128xf32, #tpu.memory_space<vmem>>, vector<1x1x16xf32>,
        %get3A_1628 = vector.shape_cast %get3A_1627 : vector<1x1x16xf32> to vector<16xf32>
        %mul3A_1629 = vector.broadcast %convert_element_type3A_1599 : f32 to vector<16xf32>
        %mul3A_1630 = arith.mulf %mul3A_1629, %get3A_1628 : vector<16xf32>
        %add3A_1631 = arith.addf %add3A_1560, %mul3A_1630 : vector<16xf32>
        %get3A_1632 = arith.index_cast %rem3A_637 : i32 to index
        %get3A_1633 = arith.index_cast %add3A_1596 : i32 to index
        %get3A_1634 = arith.constant 64 : index
        %get3A_1635 = tpu.vector_load %arg11[%get3A_1632, %get3A_1633, %get3A_1634] {strides = array<i32>} : memref<8x64x128xf32, #tpu.memory_space<vmem>>, vector<1x1x16xf32>,
        %get3A_1636 = vector.shape_cast %get3A_1635 : vector<1x1x16xf32> to vector<16xf32>
        %mul3A_1637 = vector.broadcast %convert_element_type3A_1599 : f32 to vector<16xf32>
        %mul3A_1638 = arith.mulf %mul3A_1637, %get3A_1636 : vector<16xf32>
        %add3A_1639 = arith.addf %add3A_1568, %mul3A_1638 : vector<16xf32>
        %get3A_1640 = arith.index_cast %rem3A_637 : i32 to index
        %get3A_1641 = arith.index_cast %add3A_1596 : i32 to index
        %get3A_1642 = arith.constant 80 : index
        %get3A_1643 = tpu.vector_load %arg11[%get3A_1640, %get3A_1641, %get3A_1642] {strides = array<i32>} : memref<8x64x128xf32, #tpu.memory_space<vmem>>, vector<1x1x16xf32>,
        %get3A_1644 = vector.shape_cast %get3A_1643 : vector<1x1x16xf32> to vector<16xf32>
        %mul3A_1645 = vector.broadcast %convert_element_type3A_1599 : f32 to vector<16xf32>
        %mul3A_1646 = arith.mulf %mul3A_1645, %get3A_1644 : vector<16xf32>
        %add3A_1647 = arith.addf %add3A_1576, %mul3A_1646 : vector<16xf32>
        %get3A_1648 = arith.index_cast %rem3A_637 : i32 to index
        %get3A_1649 = arith.index_cast %add3A_1596 : i32 to index
        %get3A_1650 = arith.constant 96 : index
        %get3A_1651 = tpu.vector_load %arg11[%get3A_1648, %get3A_1649, %get3A_1650] {strides = array<i32>} : memref<8x64x128xf32, #tpu.memory_space<vmem>>, vector<1x1x16xf32>,
        %get3A_1652 = vector.shape_cast %get3A_1651 : vector<1x1x16xf32> to vector<16xf32>
        %mul3A_1653 = vector.broadcast %convert_element_type3A_1599 : f32 to vector<16xf32>
        %mul3A_1654 = arith.mulf %mul3A_1653, %get3A_1652 : vector<16xf32>
        %add3A_1655 = arith.addf %add3A_1584, %mul3A_1654 : vector<16xf32>
        %get3A_1656 = arith.index_cast %rem3A_637 : i32 to index
        %get3A_1657 = arith.index_cast %add3A_1596 : i32 to index
        %get3A_1658 = arith.constant 112 : index
        %get3A_1659 = tpu.vector_load %arg11[%get3A_1656, %get3A_1657, %get3A_1658] {strides = array<i32>} : memref<8x64x128xf32, #tpu.memory_space<vmem>>, vector<1x1x16xf32>,
        %get3A_1660 = vector.shape_cast %get3A_1659 : vector<1x1x16xf32> to vector<16xf32>
        %mul3A_1661 = vector.broadcast %convert_element_type3A_1599 : f32 to vector<16xf32>
        %mul3A_1662 = arith.mulf %mul3A_1661, %get3A_1660 : vector<16xf32>
        %add3A_1663 = arith.addf %add3A_1592, %mul3A_1662 : vector<16xf32>
        %mul3A_1664 = arith.constant 16 : i32
        %mul3A_1665 = arith.muli %while3A_732, %mul3A_1664 : i32
        %add3A_1666 = arith.constant 13 : i32
        %add3A_1667 = arith.addi %mul3A_1665, %add3A_1666 : i32
        %lt3A_1668 = arith.cmpi slt, %add3A_1667, %squeeze3A_642 : i32
        %convert_element_type3A_1669 = arith.extui %lt3A_1668 : i1 to i32
        %convert_element_type3A_1670 = arith.sitofp %convert_element_type3A_1669 : i32 to f32
        %get3A_1671 = arith.index_cast %rem3A_637 : i32 to index
        %get3A_1672 = arith.index_cast %add3A_1667 : i32 to index
        %get3A_1673 = arith.constant 0 : index
        %get3A_1674 = tpu.vector_load %arg11[%get3A_1671, %get3A_1672, %get3A_1673] {strides = array<i32>} : memref<8x64x128xf32, #tpu.memory_space<vmem>>, vector<1x1x16xf32>,
        %get3A_1675 = vector.shape_cast %get3A_1674 : vector<1x1x16xf32> to vector<16xf32>
        %mul3A_1676 = vector.broadcast %convert_element_type3A_1670 : f32 to vector<16xf32>
        %mul3A_1677 = arith.mulf %mul3A_1676, %get3A_1675 : vector<16xf32>
        %add3A_1678 = arith.addf %add3A_1607, %mul3A_1677 : vector<16xf32>
        %get3A_1679 = arith.index_cast %rem3A_637 : i32 to index
        %get3A_1680 = arith.index_cast %add3A_1667 : i32 to index
        %get3A_1681 = arith.constant 16 : index
        %get3A_1682 = tpu.vector_load %arg11[%get3A_1679, %get3A_1680, %get3A_1681] {strides = array<i32>} : memref<8x64x128xf32, #tpu.memory_space<vmem>>, vector<1x1x16xf32>,
        %get3A_1683 = vector.shape_cast %get3A_1682 : vector<1x1x16xf32> to vector<16xf32>
        %mul3A_1684 = vector.broadcast %convert_element_type3A_1670 : f32 to vector<16xf32>
        %mul3A_1685 = arith.mulf %mul3A_1684, %get3A_1683 : vector<16xf32>
        %add3A_1686 = arith.addf %add3A_1615, %mul3A_1685 : vector<16xf32>
        %get3A_1687 = arith.index_cast %rem3A_637 : i32 to index
        %get3A_1688 = arith.index_cast %add3A_1667 : i32 to index
        %get3A_1689 = arith.constant 32 : index
        %get3A_1690 = tpu.vector_load %arg11[%get3A_1687, %get3A_1688, %get3A_1689] {strides = array<i32>} : memref<8x64x128xf32, #tpu.memory_space<vmem>>, vector<1x1x16xf32>,
        %get3A_1691 = vector.shape_cast %get3A_1690 : vector<1x1x16xf32> to vector<16xf32>
        %mul3A_1692 = vector.broadcast %convert_element_type3A_1670 : f32 to vector<16xf32>
        %mul3A_1693 = arith.mulf %mul3A_1692, %get3A_1691 : vector<16xf32>
        %add3A_1694 = arith.addf %add3A_1623, %mul3A_1693 : vector<16xf32>
        %get3A_1695 = arith.index_cast %rem3A_637 : i32 to index
        %get3A_1696 = arith.index_cast %add3A_1667 : i32 to index
        %get3A_1697 = arith.constant 48 : index
        %get3A_1698 = tpu.vector_load %arg11[%get3A_1695, %get3A_1696, %get3A_1697] {strides = array<i32>} : memref<8x64x128xf32, #tpu.memory_space<vmem>>, vector<1x1x16xf32>,
        %get3A_1699 = vector.shape_cast %get3A_1698 : vector<1x1x16xf32> to vector<16xf32>
        %mul3A_1700 = vector.broadcast %convert_element_type3A_1670 : f32 to vector<16xf32>
        %mul3A_1701 = arith.mulf %mul3A_1700, %get3A_1699 : vector<16xf32>
        %add3A_1702 = arith.addf %add3A_1631, %mul3A_1701 : vector<16xf32>
        %get3A_1703 = arith.index_cast %rem3A_637 : i32 to index
        %get3A_1704 = arith.index_cast %add3A_1667 : i32 to index
        %get3A_1705 = arith.constant 64 : index
        %get3A_1706 = tpu.vector_load %arg11[%get3A_1703, %get3A_1704, %get3A_1705] {strides = array<i32>} : memref<8x64x128xf32, #tpu.memory_space<vmem>>, vector<1x1x16xf32>,
        %get3A_1707 = vector.shape_cast %get3A_1706 : vector<1x1x16xf32> to vector<16xf32>
        %mul3A_1708 = vector.broadcast %convert_element_type3A_1670 : f32 to vector<16xf32>
        %mul3A_1709 = arith.mulf %mul3A_1708, %get3A_1707 : vector<16xf32>
        %add3A_1710 = arith.addf %add3A_1639, %mul3A_1709 : vector<16xf32>
        %get3A_1711 = arith.index_cast %rem3A_637 : i32 to index
        %get3A_1712 = arith.index_cast %add3A_1667 : i32 to index
        %get3A_1713 = arith.constant 80 : index
        %get3A_1714 = tpu.vector_load %arg11[%get3A_1711, %get3A_1712, %get3A_1713] {strides = array<i32>} : memref<8x64x128xf32, #tpu.memory_space<vmem>>, vector<1x1x16xf32>,
        %get3A_1715 = vector.shape_cast %get3A_1714 : vector<1x1x16xf32> to vector<16xf32>
        %mul3A_1716 = vector.broadcast %convert_element_type3A_1670 : f32 to vector<16xf32>
        %mul3A_1717 = arith.mulf %mul3A_1716, %get3A_1715 : vector<16xf32>
        %add3A_1718 = arith.addf %add3A_1647, %mul3A_1717 : vector<16xf32>
        %get3A_1719 = arith.index_cast %rem3A_637 : i32 to index
        %get3A_1720 = arith.index_cast %add3A_1667 : i32 to index
        %get3A_1721 = arith.constant 96 : index
        %get3A_1722 = tpu.vector_load %arg11[%get3A_1719, %get3A_1720, %get3A_1721] {strides = array<i32>} : memref<8x64x128xf32, #tpu.memory_space<vmem>>, vector<1x1x16xf32>,
        %get3A_1723 = vector.shape_cast %get3A_1722 : vector<1x1x16xf32> to vector<16xf32>
        %mul3A_1724 = vector.broadcast %convert_element_type3A_1670 : f32 to vector<16xf32>
        %mul3A_1725 = arith.mulf %mul3A_1724, %get3A_1723 : vector<16xf32>
        %add3A_1726 = arith.addf %add3A_1655, %mul3A_1725 : vector<16xf32>
        %get3A_1727 = arith.index_cast %rem3A_637 : i32 to index
        %get3A_1728 = arith.index_cast %add3A_1667 : i32 to index
        %get3A_1729 = arith.constant 112 : index
        %get3A_1730 = tpu.vector_load %arg11[%get3A_1727, %get3A_1728, %get3A_1729] {strides = array<i32>} : memref<8x64x128xf32, #tpu.memory_space<vmem>>, vector<1x1x16xf32>,
        %get3A_1731 = vector.shape_cast %get3A_1730 : vector<1x1x16xf32> to vector<16xf32>
        %mul3A_1732 = vector.broadcast %convert_element_type3A_1670 : f32 to vector<16xf32>
        %mul3A_1733 = arith.mulf %mul3A_1732, %get3A_1731 : vector<16xf32>
        %add3A_1734 = arith.addf %add3A_1663, %mul3A_1733 : vector<16xf32>
        %mul3A_1735 = arith.constant 16 : i32
        %mul3A_1736 = arith.muli %while3A_732, %mul3A_1735 : i32
        %add3A_1737 = arith.constant 14 : i32
        %add3A_1738 = arith.addi %mul3A_1736, %add3A_1737 : i32
        %lt3A_1739 = arith.cmpi slt, %add3A_1738, %squeeze3A_642 : i32
        %convert_element_type3A_1740 = arith.extui %lt3A_1739 : i1 to i32
        %convert_element_type3A_1741 = arith.sitofp %convert_element_type3A_1740 : i32 to f32
        %get3A_1742 = arith.index_cast %rem3A_637 : i32 to index
        %get3A_1743 = arith.index_cast %add3A_1738 : i32 to index
        %get3A_1744 = arith.constant 0 : index
        %get3A_1745 = tpu.vector_load %arg11[%get3A_1742, %get3A_1743, %get3A_1744] {strides = array<i32>} : memref<8x64x128xf32, #tpu.memory_space<vmem>>, vector<1x1x16xf32>,
        %get3A_1746 = vector.shape_cast %get3A_1745 : vector<1x1x16xf32> to vector<16xf32>
        %mul3A_1747 = vector.broadcast %convert_element_type3A_1741 : f32 to vector<16xf32>
        %mul3A_1748 = arith.mulf %mul3A_1747, %get3A_1746 : vector<16xf32>
        %add3A_1749 = arith.addf %add3A_1678, %mul3A_1748 : vector<16xf32>
        %get3A_1750 = arith.index_cast %rem3A_637 : i32 to index
        %get3A_1751 = arith.index_cast %add3A_1738 : i32 to index
        %get3A_1752 = arith.constant 16 : index
        %get3A_1753 = tpu.vector_load %arg11[%get3A_1750, %get3A_1751, %get3A_1752] {strides = array<i32>} : memref<8x64x128xf32, #tpu.memory_space<vmem>>, vector<1x1x16xf32>,
        %get3A_1754 = vector.shape_cast %get3A_1753 : vector<1x1x16xf32> to vector<16xf32>
        %mul3A_1755 = vector.broadcast %convert_element_type3A_1741 : f32 to vector<16xf32>
        %mul3A_1756 = arith.mulf %mul3A_1755, %get3A_1754 : vector<16xf32>
        %add3A_1757 = arith.addf %add3A_1686, %mul3A_1756 : vector<16xf32>
        %get3A_1758 = arith.index_cast %rem3A_637 : i32 to index
        %get3A_1759 = arith.index_cast %add3A_1738 : i32 to index
        %get3A_1760 = arith.constant 32 : index
        %get3A_1761 = tpu.vector_load %arg11[%get3A_1758, %get3A_1759, %get3A_1760] {strides = array<i32>} : memref<8x64x128xf32, #tpu.memory_space<vmem>>, vector<1x1x16xf32>,
        %get3A_1762 = vector.shape_cast %get3A_1761 : vector<1x1x16xf32> to vector<16xf32>
        %mul3A_1763 = vector.broadcast %convert_element_type3A_1741 : f32 to vector<16xf32>
        %mul3A_1764 = arith.mulf %mul3A_1763, %get3A_1762 : vector<16xf32>
        %add3A_1765 = arith.addf %add3A_1694, %mul3A_1764 : vector<16xf32>
        %get3A_1766 = arith.index_cast %rem3A_637 : i32 to index
        %get3A_1767 = arith.index_cast %add3A_1738 : i32 to index
        %get3A_1768 = arith.constant 48 : index
        %get3A_1769 = tpu.vector_load %arg11[%get3A_1766, %get3A_1767, %get3A_1768] {strides = array<i32>} : memref<8x64x128xf32, #tpu.memory_space<vmem>>, vector<1x1x16xf32>,
        %get3A_1770 = vector.shape_cast %get3A_1769 : vector<1x1x16xf32> to vector<16xf32>
        %mul3A_1771 = vector.broadcast %convert_element_type3A_1741 : f32 to vector<16xf32>
        %mul3A_1772 = arith.mulf %mul3A_1771, %get3A_1770 : vector<16xf32>
        %add3A_1773 = arith.addf %add3A_1702, %mul3A_1772 : vector<16xf32>
        %get3A_1774 = arith.index_cast %rem3A_637 : i32 to index
        %get3A_1775 = arith.index_cast %add3A_1738 : i32 to index
        %get3A_1776 = arith.constant 64 : index
        %get3A_1777 = tpu.vector_load %arg11[%get3A_1774, %get3A_1775, %get3A_1776] {strides = array<i32>} : memref<8x64x128xf32, #tpu.memory_space<vmem>>, vector<1x1x16xf32>,
        %get3A_1778 = vector.shape_cast %get3A_1777 : vector<1x1x16xf32> to vector<16xf32>
        %mul3A_1779 = vector.broadcast %convert_element_type3A_1741 : f32 to vector<16xf32>
        %mul3A_1780 = arith.mulf %mul3A_1779, %get3A_1778 : vector<16xf32>
        %add3A_1781 = arith.addf %add3A_1710, %mul3A_1780 : vector<16xf32>
        %get3A_1782 = arith.index_cast %rem3A_637 : i32 to index
        %get3A_1783 = arith.index_cast %add3A_1738 : i32 to index
        %get3A_1784 = arith.constant 80 : index
        %get3A_1785 = tpu.vector_load %arg11[%get3A_1782, %get3A_1783, %get3A_1784] {strides = array<i32>} : memref<8x64x128xf32, #tpu.memory_space<vmem>>, vector<1x1x16xf32>,
        %get3A_1786 = vector.shape_cast %get3A_1785 : vector<1x1x16xf32> to vector<16xf32>
        %mul3A_1787 = vector.broadcast %convert_element_type3A_1741 : f32 to vector<16xf32>
        %mul3A_1788 = arith.mulf %mul3A_1787, %get3A_1786 : vector<16xf32>
        %add3A_1789 = arith.addf %add3A_1718, %mul3A_1788 : vector<16xf32>
        %get3A_1790 = arith.index_cast %rem3A_637 : i32 to index
        %get3A_1791 = arith.index_cast %add3A_1738 : i32 to index
        %get3A_1792 = arith.constant 96 : index
        %get3A_1793 = tpu.vector_load %arg11[%get3A_1790, %get3A_1791, %get3A_1792] {strides = array<i32>} : memref<8x64x128xf32, #tpu.memory_space<vmem>>, vector<1x1x16xf32>,
        %get3A_1794 = vector.shape_cast %get3A_1793 : vector<1x1x16xf32> to vector<16xf32>
        %mul3A_1795 = vector.broadcast %convert_element_type3A_1741 : f32 to vector<16xf32>
        %mul3A_1796 = arith.mulf %mul3A_1795, %get3A_1794 : vector<16xf32>
        %add3A_1797 = arith.addf %add3A_1726, %mul3A_1796 : vector<16xf32>
        %get3A_1798 = arith.index_cast %rem3A_637 : i32 to index
        %get3A_1799 = arith.index_cast %add3A_1738 : i32 to index
        %get3A_1800 = arith.constant 112 : index
        %get3A_1801 = tpu.vector_load %arg11[%get3A_1798, %get3A_1799, %get3A_1800] {strides = array<i32>} : memref<8x64x128xf32, #tpu.memory_space<vmem>>, vector<1x1x16xf32>,
        %get3A_1802 = vector.shape_cast %get3A_1801 : vector<1x1x16xf32> to vector<16xf32>
        %mul3A_1803 = vector.broadcast %convert_element_type3A_1741 : f32 to vector<16xf32>
        %mul3A_1804 = arith.mulf %mul3A_1803, %get3A_1802 : vector<16xf32>
        %add3A_1805 = arith.addf %add3A_1734, %mul3A_1804 : vector<16xf32>
        %mul3A_1806 = arith.constant 16 : i32
        %mul3A_1807 = arith.muli %while3A_732, %mul3A_1806 : i32
        %add3A_1808 = arith.constant 15 : i32
        %add3A_1809 = arith.addi %mul3A_1807, %add3A_1808 : i32
        %lt3A_1810 = arith.cmpi slt, %add3A_1809, %squeeze3A_642 : i32
        %convert_element_type3A_1811 = arith.extui %lt3A_1810 : i1 to i32
        %convert_element_type3A_1812 = arith.sitofp %convert_element_type3A_1811 : i32 to f32
        %get3A_1813 = arith.index_cast %rem3A_637 : i32 to index
        %get3A_1814 = arith.index_cast %add3A_1809 : i32 to index
        %get3A_1815 = arith.constant 0 : index
        %get3A_1816 = tpu.vector_load %arg11[%get3A_1813, %get3A_1814, %get3A_1815] {strides = array<i32>} : memref<8x64x128xf32, #tpu.memory_space<vmem>>, vector<1x1x16xf32>,
        %get3A_1817 = vector.shape_cast %get3A_1816 : vector<1x1x16xf32> to vector<16xf32>
        %mul3A_1818 = vector.broadcast %convert_element_type3A_1812 : f32 to vector<16xf32>
        %mul3A_1819 = arith.mulf %mul3A_1818, %get3A_1817 : vector<16xf32>
        %add3A_1820 = arith.addf %add3A_1749, %mul3A_1819 : vector<16xf32>
        %get3A_1821 = arith.index_cast %rem3A_637 : i32 to index
        %get3A_1822 = arith.index_cast %add3A_1809 : i32 to index
        %get3A_1823 = arith.constant 16 : index
        %get3A_1824 = tpu.vector_load %arg11[%get3A_1821, %get3A_1822, %get3A_1823] {strides = array<i32>} : memref<8x64x128xf32, #tpu.memory_space<vmem>>, vector<1x1x16xf32>,
        %get3A_1825 = vector.shape_cast %get3A_1824 : vector<1x1x16xf32> to vector<16xf32>
        %mul3A_1826 = vector.broadcast %convert_element_type3A_1812 : f32 to vector<16xf32>
        %mul3A_1827 = arith.mulf %mul3A_1826, %get3A_1825 : vector<16xf32>
        %add3A_1828 = arith.addf %add3A_1757, %mul3A_1827 : vector<16xf32>
        %get3A_1829 = arith.index_cast %rem3A_637 : i32 to index
        %get3A_1830 = arith.index_cast %add3A_1809 : i32 to index
        %get3A_1831 = arith.constant 32 : index
        %get3A_1832 = tpu.vector_load %arg11[%get3A_1829, %get3A_1830, %get3A_1831] {strides = array<i32>} : memref<8x64x128xf32, #tpu.memory_space<vmem>>, vector<1x1x16xf32>,
        %get3A_1833 = vector.shape_cast %get3A_1832 : vector<1x1x16xf32> to vector<16xf32>
        %mul3A_1834 = vector.broadcast %convert_element_type3A_1812 : f32 to vector<16xf32>
        %mul3A_1835 = arith.mulf %mul3A_1834, %get3A_1833 : vector<16xf32>
        %add3A_1836 = arith.addf %add3A_1765, %mul3A_1835 : vector<16xf32>
        %get3A_1837 = arith.index_cast %rem3A_637 : i32 to index
        %get3A_1838 = arith.index_cast %add3A_1809 : i32 to index
        %get3A_1839 = arith.constant 48 : index
        %get3A_1840 = tpu.vector_load %arg11[%get3A_1837, %get3A_1838, %get3A_1839] {strides = array<i32>} : memref<8x64x128xf32, #tpu.memory_space<vmem>>, vector<1x1x16xf32>,
        %get3A_1841 = vector.shape_cast %get3A_1840 : vector<1x1x16xf32> to vector<16xf32>
        %mul3A_1842 = vector.broadcast %convert_element_type3A_1812 : f32 to vector<16xf32>
        %mul3A_1843 = arith.mulf %mul3A_1842, %get3A_1841 : vector<16xf32>
        %add3A_1844 = arith.addf %add3A_1773, %mul3A_1843 : vector<16xf32>
        %get3A_1845 = arith.index_cast %rem3A_637 : i32 to index
        %get3A_1846 = arith.index_cast %add3A_1809 : i32 to index
        %get3A_1847 = arith.constant 64 : index
        %get3A_1848 = tpu.vector_load %arg11[%get3A_1845, %get3A_1846, %get3A_1847] {strides = array<i32>} : memref<8x64x128xf32, #tpu.memory_space<vmem>>, vector<1x1x16xf32>,
        %get3A_1849 = vector.shape_cast %get3A_1848 : vector<1x1x16xf32> to vector<16xf32>
        %mul3A_1850 = vector.broadcast %convert_element_type3A_1812 : f32 to vector<16xf32>
        %mul3A_1851 = arith.mulf %mul3A_1850, %get3A_1849 : vector<16xf32>
        %add3A_1852 = arith.addf %add3A_1781, %mul3A_1851 : vector<16xf32>
        %get3A_1853 = arith.index_cast %rem3A_637 : i32 to index
        %get3A_1854 = arith.index_cast %add3A_1809 : i32 to index
        %get3A_1855 = arith.constant 80 : index
        %get3A_1856 = tpu.vector_load %arg11[%get3A_1853, %get3A_1854, %get3A_1855] {strides = array<i32>} : memref<8x64x128xf32, #tpu.memory_space<vmem>>, vector<1x1x16xf32>,
        %get3A_1857 = vector.shape_cast %get3A_1856 : vector<1x1x16xf32> to vector<16xf32>
        %mul3A_1858 = vector.broadcast %convert_element_type3A_1812 : f32 to vector<16xf32>
        %mul3A_1859 = arith.mulf %mul3A_1858, %get3A_1857 : vector<16xf32>
        %add3A_1860 = arith.addf %add3A_1789, %mul3A_1859 : vector<16xf32>
        %get3A_1861 = arith.index_cast %rem3A_637 : i32 to index
        %get3A_1862 = arith.index_cast %add3A_1809 : i32 to index
        %get3A_1863 = arith.constant 96 : index
        %get3A_1864 = tpu.vector_load %arg11[%get3A_1861, %get3A_1862, %get3A_1863] {strides = array<i32>} : memref<8x64x128xf32, #tpu.memory_space<vmem>>, vector<1x1x16xf32>,
        %get3A_1865 = vector.shape_cast %get3A_1864 : vector<1x1x16xf32> to vector<16xf32>
        %mul3A_1866 = vector.broadcast %convert_element_type3A_1812 : f32 to vector<16xf32>
        %mul3A_1867 = arith.mulf %mul3A_1866, %get3A_1865 : vector<16xf32>
        %add3A_1868 = arith.addf %add3A_1797, %mul3A_1867 : vector<16xf32>
        %get3A_1869 = arith.index_cast %rem3A_637 : i32 to index
        %get3A_1870 = arith.index_cast %add3A_1809 : i32 to index
        %get3A_1871 = arith.constant 112 : index
        %get3A_1872 = tpu.vector_load %arg11[%get3A_1869, %get3A_1870, %get3A_1871] {strides = array<i32>} : memref<8x64x128xf32, #tpu.memory_space<vmem>>, vector<1x1x16xf32>,
        %get3A_1873 = vector.shape_cast %get3A_1872 : vector<1x1x16xf32> to vector<16xf32>
        %mul3A_1874 = vector.broadcast %convert_element_type3A_1812 : f32 to vector<16xf32>
        %mul3A_1875 = arith.mulf %mul3A_1874, %get3A_1873 : vector<16xf32>
        %add3A_1876 = arith.addf %add3A_1805, %mul3A_1875 : vector<16xf32>
        scf.yield %add3A_1820, %add3A_1828, %add3A_1836, %add3A_1844, %add3A_1852, %add3A_1860, %add3A_1868, %add3A_1876 : vector<16xf32>, vector<16xf32>, vector<16xf32>, vector<16xf32>, vector<16xf32>, vector<16xf32>, vector<16xf32>, vector<16xf32>
      }
      %while3A_690 = arith.constant 1 : i32
      %while3A_691:8 = scf.for %while3A_732 = %while3A_687 to %while3A_683 step %while3A_690 iter_args(%while3A_733 = %while3A_689#0, %while3A_734 = %while3A_689#1, %while3A_735 = %while3A_689#2, %while3A_736 = %while3A_689#3, %while3A_737 = %while3A_689#4, %while3A_738 = %while3A_689#5, %while3A_739 = %while3A_689#6, %while3A_740 = %while3A_689#7) -> (vector<16xf32>, vector<16xf32>, vector<16xf32>, vector<16xf32>, vector<16xf32>, vector<16xf32>, vector<16xf32>, vector<16xf32>)  : i32 {
        %mul3A_741 = arith.constant 16 : i32
        %mul3A_742 = arith.muli %while3A_732, %mul3A_741 : i32
        %add3A_743 = arith.constant 0 : i32
        %add3A_744 = arith.addi %mul3A_742, %add3A_743 : i32
        %lt3A_745 = arith.cmpi slt, %add3A_744, %squeeze3A_642 : i32
        %convert_element_type3A_746 = arith.extui %lt3A_745 : i1 to i32
        %convert_element_type3A_747 = arith.sitofp %convert_element_type3A_746 : i32 to f32
        %get3A_748 = arith.index_cast %rem3A_637 : i32 to index
        %get3A_749 = arith.index_cast %add3A_744 : i32 to index
        %get3A_750 = arith.constant 0 : index
        %get3A_751 = tpu.vector_load %arg11[%get3A_748, %get3A_749, %get3A_750] {strides = array<i32>} : memref<8x64x128xf32, #tpu.memory_space<vmem>>, vector<1x1x16xf32>,
        %get3A_752 = vector.shape_cast %get3A_751 : vector<1x1x16xf32> to vector<16xf32>
        %mul3A_753 = vector.broadcast %convert_element_type3A_747 : f32 to vector<16xf32>
        %mul3A_754 = arith.mulf %mul3A_753, %get3A_752 : vector<16xf32>
        %add3A_755 = arith.addf %while3A_733, %mul3A_754 : vector<16xf32>
        %get3A_756 = arith.index_cast %rem3A_637 : i32 to index
        %get3A_757 = arith.index_cast %add3A_744 : i32 to index
        %get3A_758 = arith.constant 16 : index
        %get3A_759 = tpu.vector_load %arg11[%get3A_756, %get3A_757, %get3A_758] {strides = array<i32>} : memref<8x64x128xf32, #tpu.memory_space<vmem>>, vector<1x1x16xf32>,
        %get3A_760 = vector.shape_cast %get3A_759 : vector<1x1x16xf32> to vector<16xf32>
        %mul3A_761 = vector.broadcast %convert_element_type3A_747 : f32 to vector<16xf32>
        %mul3A_762 = arith.mulf %mul3A_761, %get3A_760 : vector<16xf32>
        %add3A_763 = arith.addf %while3A_734, %mul3A_762 : vector<16xf32>
        %get3A_764 = arith.index_cast %rem3A_637 : i32 to index
        %get3A_765 = arith.index_cast %add3A_744 : i32 to index
        %get3A_766 = arith.constant 32 : index
        %get3A_767 = tpu.vector_load %arg11[%get3A_764, %get3A_765, %get3A_766] {strides = array<i32>} : memref<8x64x128xf32, #tpu.memory_space<vmem>>, vector<1x1x16xf32>,
        %get3A_768 = vector.shape_cast %get3A_767 : vector<1x1x16xf32> to vector<16xf32>
        %mul3A_769 = vector.broadcast %convert_element_type3A_747 : f32 to vector<16xf32>
        %mul3A_770 = arith.mulf %mul3A_769, %get3A_768 : vector<16xf32>
        %add3A_771 = arith.addf %while3A_735, %mul3A_770 : vector<16xf32>
        %get3A_772 = arith.index_cast %rem3A_637 : i32 to index
        %get3A_773 = arith.index_cast %add3A_744 : i32 to index
        %get3A_774 = arith.constant 48 : index
        %get3A_775 = tpu.vector_load %arg11[%get3A_772, %get3A_773, %get3A_774] {strides = array<i32>} : memref<8x64x128xf32, #tpu.memory_space<vmem>>, vector<1x1x16xf32>,
        %get3A_776 = vector.shape_cast %get3A_775 : vector<1x1x16xf32> to vector<16xf32>
        %mul3A_777 = vector.broadcast %convert_element_type3A_747 : f32 to vector<16xf32>
        %mul3A_778 = arith.mulf %mul3A_777, %get3A_776 : vector<16xf32>
        %add3A_779 = arith.addf %while3A_736, %mul3A_778 : vector<16xf32>
        %get3A_780 = arith.index_cast %rem3A_637 : i32 to index
        %get3A_781 = arith.index_cast %add3A_744 : i32 to index
        %get3A_782 = arith.constant 64 : index
        %get3A_783 = tpu.vector_load %arg11[%get3A_780, %get3A_781, %get3A_782] {strides = array<i32>} : memref<8x64x128xf32, #tpu.memory_space<vmem>>, vector<1x1x16xf32>,
        %get3A_784 = vector.shape_cast %get3A_783 : vector<1x1x16xf32> to vector<16xf32>
        %mul3A_785 = vector.broadcast %convert_element_type3A_747 : f32 to vector<16xf32>
        %mul3A_786 = arith.mulf %mul3A_785, %get3A_784 : vector<16xf32>
        %add3A_787 = arith.addf %while3A_737, %mul3A_786 : vector<16xf32>
        %get3A_788 = arith.index_cast %rem3A_637 : i32 to index
        %get3A_789 = arith.index_cast %add3A_744 : i32 to index
        %get3A_790 = arith.constant 80 : index
        %get3A_791 = tpu.vector_load %arg11[%get3A_788, %get3A_789, %get3A_790] {strides = array<i32>} : memref<8x64x128xf32, #tpu.memory_space<vmem>>, vector<1x1x16xf32>,
        %get3A_792 = vector.shape_cast %get3A_791 : vector<1x1x16xf32> to vector<16xf32>
        %mul3A_793 = vector.broadcast %convert_element_type3A_747 : f32 to vector<16xf32>
        %mul3A_794 = arith.mulf %mul3A_793, %get3A_792 : vector<16xf32>
        %add3A_795 = arith.addf %while3A_738, %mul3A_794 : vector<16xf32>
        %get3A_796 = arith.index_cast %rem3A_637 : i32 to index
        %get3A_797 = arith.index_cast %add3A_744 : i32 to index
        %get3A_798 = arith.constant 96 : index
        %get3A_799 = tpu.vector_load %arg11[%get3A_796, %get3A_797, %get3A_798] {strides = array<i32>} : memref<8x64x128xf32, #tpu.memory_space<vmem>>, vector<1x1x16xf32>,
        %get3A_800 = vector.shape_cast %get3A_799 : vector<1x1x16xf32> to vector<16xf32>
        %mul3A_801 = vector.broadcast %convert_element_type3A_747 : f32 to vector<16xf32>
        %mul3A_802 = arith.mulf %mul3A_801, %get3A_800 : vector<16xf32>
        %add3A_803 = arith.addf %while3A_739, %mul3A_802 : vector<16xf32>
        %get3A_804 = arith.index_cast %rem3A_637 : i32 to index
        %get3A_805 = arith.index_cast %add3A_744 : i32 to index
        %get3A_806 = arith.constant 112 : index
        %get3A_807 = tpu.vector_load %arg11[%get3A_804, %get3A_805, %get3A_806] {strides = array<i32>} : memref<8x64x128xf32, #tpu.memory_space<vmem>>, vector<1x1x16xf32>,
        %get3A_808 = vector.shape_cast %get3A_807 : vector<1x1x16xf32> to vector<16xf32>
        %mul3A_809 = vector.broadcast %convert_element_type3A_747 : f32 to vector<16xf32>
        %mul3A_810 = arith.mulf %mul3A_809, %get3A_808 : vector<16xf32>
        %add3A_811 = arith.addf %while3A_740, %mul3A_810 : vector<16xf32>
        %mul3A_812 = arith.constant 16 : i32
        %mul3A_813 = arith.muli %while3A_732, %mul3A_812 : i32
        %add3A_814 = arith.constant 1 : i32
        %add3A_815 = arith.addi %mul3A_813, %add3A_814 : i32
        %lt3A_816 = arith.cmpi slt, %add3A_815, %squeeze3A_642 : i32
        %convert_element_type3A_817 = arith.extui %lt3A_816 : i1 to i32
        %convert_element_type3A_818 = arith.sitofp %convert_element_type3A_817 : i32 to f32
        %get3A_819 = arith.index_cast %rem3A_637 : i32 to index
        %get3A_820 = arith.index_cast %add3A_815 : i32 to index
        %get3A_821 = arith.constant 0 : index
        %get3A_822 = tpu.vector_load %arg11[%get3A_819, %get3A_820, %get3A_821] {strides = array<i32>} : memref<8x64x128xf32, #tpu.memory_space<vmem>>, vector<1x1x16xf32>,
        %get3A_823 = vector.shape_cast %get3A_822 : vector<1x1x16xf32> to vector<16xf32>
        %mul3A_824 = vector.broadcast %convert_element_type3A_818 : f32 to vector<16xf32>
        %mul3A_825 = arith.mulf %mul3A_824, %get3A_823 : vector<16xf32>
        %add3A_826 = arith.addf %add3A_755, %mul3A_825 : vector<16xf32>
        %get3A_827 = arith.index_cast %rem3A_637 : i32 to index
        %get3A_828 = arith.index_cast %add3A_815 : i32 to index
        %get3A_829 = arith.constant 16 : index
        %get3A_830 = tpu.vector_load %arg11[%get3A_827, %get3A_828, %get3A_829] {strides = array<i32>} : memref<8x64x128xf32, #tpu.memory_space<vmem>>, vector<1x1x16xf32>,
        %get3A_831 = vector.shape_cast %get3A_830 : vector<1x1x16xf32> to vector<16xf32>
        %mul3A_832 = vector.broadcast %convert_element_type3A_818 : f32 to vector<16xf32>
        %mul3A_833 = arith.mulf %mul3A_832, %get3A_831 : vector<16xf32>
        %add3A_834 = arith.addf %add3A_763, %mul3A_833 : vector<16xf32>
        %get3A_835 = arith.index_cast %rem3A_637 : i32 to index
        %get3A_836 = arith.index_cast %add3A_815 : i32 to index
        %get3A_837 = arith.constant 32 : index
        %get3A_838 = tpu.vector_load %arg11[%get3A_835, %get3A_836, %get3A_837] {strides = array<i32>} : memref<8x64x128xf32, #tpu.memory_space<vmem>>, vector<1x1x16xf32>,
        %get3A_839 = vector.shape_cast %get3A_838 : vector<1x1x16xf32> to vector<16xf32>
        %mul3A_840 = vector.broadcast %convert_element_type3A_818 : f32 to vector<16xf32>
        %mul3A_841 = arith.mulf %mul3A_840, %get3A_839 : vector<16xf32>
        %add3A_842 = arith.addf %add3A_771, %mul3A_841 : vector<16xf32>
        %get3A_843 = arith.index_cast %rem3A_637 : i32 to index
        %get3A_844 = arith.index_cast %add3A_815 : i32 to index
        %get3A_845 = arith.constant 48 : index
        %get3A_846 = tpu.vector_load %arg11[%get3A_843, %get3A_844, %get3A_845] {strides = array<i32>} : memref<8x64x128xf32, #tpu.memory_space<vmem>>, vector<1x1x16xf32>,
        %get3A_847 = vector.shape_cast %get3A_846 : vector<1x1x16xf32> to vector<16xf32>
        %mul3A_848 = vector.broadcast %convert_element_type3A_818 : f32 to vector<16xf32>
        %mul3A_849 = arith.mulf %mul3A_848, %get3A_847 : vector<16xf32>
        %add3A_850 = arith.addf %add3A_779, %mul3A_849 : vector<16xf32>
        %get3A_851 = arith.index_cast %rem3A_637 : i32 to index
        %get3A_852 = arith.index_cast %add3A_815 : i32 to index
        %get3A_853 = arith.constant 64 : index
        %get3A_854 = tpu.vector_load %arg11[%get3A_851, %get3A_852, %get3A_853] {strides = array<i32>} : memref<8x64x128xf32, #tpu.memory_space<vmem>>, vector<1x1x16xf32>,
        %get3A_855 = vector.shape_cast %get3A_854 : vector<1x1x16xf32> to vector<16xf32>
        %mul3A_856 = vector.broadcast %convert_element_type3A_818 : f32 to vector<16xf32>
        %mul3A_857 = arith.mulf %mul3A_856, %get3A_855 : vector<16xf32>
        %add3A_858 = arith.addf %add3A_787, %mul3A_857 : vector<16xf32>
        %get3A_859 = arith.index_cast %rem3A_637 : i32 to index
        %get3A_860 = arith.index_cast %add3A_815 : i32 to index
        %get3A_861 = arith.constant 80 : index
        %get3A_862 = tpu.vector_load %arg11[%get3A_859, %get3A_860, %get3A_861] {strides = array<i32>} : memref<8x64x128xf32, #tpu.memory_space<vmem>>, vector<1x1x16xf32>,
        %get3A_863 = vector.shape_cast %get3A_862 : vector<1x1x16xf32> to vector<16xf32>
        %mul3A_864 = vector.broadcast %convert_element_type3A_818 : f32 to vector<16xf32>
        %mul3A_865 = arith.mulf %mul3A_864, %get3A_863 : vector<16xf32>
        %add3A_866 = arith.addf %add3A_795, %mul3A_865 : vector<16xf32>
        %get3A_867 = arith.index_cast %rem3A_637 : i32 to index
        %get3A_868 = arith.index_cast %add3A_815 : i32 to index
        %get3A_869 = arith.constant 96 : index
        %get3A_870 = tpu.vector_load %arg11[%get3A_867, %get3A_868, %get3A_869] {strides = array<i32>} : memref<8x64x128xf32, #tpu.memory_space<vmem>>, vector<1x1x16xf32>,
        %get3A_871 = vector.shape_cast %get3A_870 : vector<1x1x16xf32> to vector<16xf32>
        %mul3A_872 = vector.broadcast %convert_element_type3A_818 : f32 to vector<16xf32>
        %mul3A_873 = arith.mulf %mul3A_872, %get3A_871 : vector<16xf32>
        %add3A_874 = arith.addf %add3A_803, %mul3A_873 : vector<16xf32>
        %get3A_875 = arith.index_cast %rem3A_637 : i32 to index
        %get3A_876 = arith.index_cast %add3A_815 : i32 to index
        %get3A_877 = arith.constant 112 : index
        %get3A_878 = tpu.vector_load %arg11[%get3A_875, %get3A_876, %get3A_877] {strides = array<i32>} : memref<8x64x128xf32, #tpu.memory_space<vmem>>, vector<1x1x16xf32>,
        %get3A_879 = vector.shape_cast %get3A_878 : vector<1x1x16xf32> to vector<16xf32>
        %mul3A_880 = vector.broadcast %convert_element_type3A_818 : f32 to vector<16xf32>
        %mul3A_881 = arith.mulf %mul3A_880, %get3A_879 : vector<16xf32>
        %add3A_882 = arith.addf %add3A_811, %mul3A_881 : vector<16xf32>
        %mul3A_883 = arith.constant 16 : i32
        %mul3A_884 = arith.muli %while3A_732, %mul3A_883 : i32
        %add3A_885 = arith.constant 2 : i32
        %add3A_886 = arith.addi %mul3A_884, %add3A_885 : i32
        %lt3A_887 = arith.cmpi slt, %add3A_886, %squeeze3A_642 : i32
        %convert_element_type3A_888 = arith.extui %lt3A_887 : i1 to i32
        %convert_element_type3A_889 = arith.sitofp %convert_element_type3A_888 : i32 to f32
        %get3A_890 = arith.index_cast %rem3A_637 : i32 to index
        %get3A_891 = arith.index_cast %add3A_886 : i32 to index
        %get3A_892 = arith.constant 0 : index
        %get3A_893 = tpu.vector_load %arg11[%get3A_890, %get3A_891, %get3A_892] {strides = array<i32>} : memref<8x64x128xf32, #tpu.memory_space<vmem>>, vector<1x1x16xf32>,
        %get3A_894 = vector.shape_cast %get3A_893 : vector<1x1x16xf32> to vector<16xf32>
        %mul3A_895 = vector.broadcast %convert_element_type3A_889 : f32 to vector<16xf32>
        %mul3A_896 = arith.mulf %mul3A_895, %get3A_894 : vector<16xf32>
        %add3A_897 = arith.addf %add3A_826, %mul3A_896 : vector<16xf32>
        %get3A_898 = arith.index_cast %rem3A_637 : i32 to index
        %get3A_899 = arith.index_cast %add3A_886 : i32 to index
        %get3A_900 = arith.constant 16 : index
        %get3A_901 = tpu.vector_load %arg11[%get3A_898, %get3A_899, %get3A_900] {strides = array<i32>} : memref<8x64x128xf32, #tpu.memory_space<vmem>>, vector<1x1x16xf32>,
        %get3A_902 = vector.shape_cast %get3A_901 : vector<1x1x16xf32> to vector<16xf32>
        %mul3A_903 = vector.broadcast %convert_element_type3A_889 : f32 to vector<16xf32>
        %mul3A_904 = arith.mulf %mul3A_903, %get3A_902 : vector<16xf32>
        %add3A_905 = arith.addf %add3A_834, %mul3A_904 : vector<16xf32>
        %get3A_906 = arith.index_cast %rem3A_637 : i32 to index
        %get3A_907 = arith.index_cast %add3A_886 : i32 to index
        %get3A_908 = arith.constant 32 : index
        %get3A_909 = tpu.vector_load %arg11[%get3A_906, %get3A_907, %get3A_908] {strides = array<i32>} : memref<8x64x128xf32, #tpu.memory_space<vmem>>, vector<1x1x16xf32>,
        %get3A_910 = vector.shape_cast %get3A_909 : vector<1x1x16xf32> to vector<16xf32>
        %mul3A_911 = vector.broadcast %convert_element_type3A_889 : f32 to vector<16xf32>
        %mul3A_912 = arith.mulf %mul3A_911, %get3A_910 : vector<16xf32>
        %add3A_913 = arith.addf %add3A_842, %mul3A_912 : vector<16xf32>
        %get3A_914 = arith.index_cast %rem3A_637 : i32 to index
        %get3A_915 = arith.index_cast %add3A_886 : i32 to index
        %get3A_916 = arith.constant 48 : index
        %get3A_917 = tpu.vector_load %arg11[%get3A_914, %get3A_915, %get3A_916] {strides = array<i32>} : memref<8x64x128xf32, #tpu.memory_space<vmem>>, vector<1x1x16xf32>,
        %get3A_918 = vector.shape_cast %get3A_917 : vector<1x1x16xf32> to vector<16xf32>
        %mul3A_919 = vector.broadcast %convert_element_type3A_889 : f32 to vector<16xf32>
        %mul3A_920 = arith.mulf %mul3A_919, %get3A_918 : vector<16xf32>
        %add3A_921 = arith.addf %add3A_850, %mul3A_920 : vector<16xf32>
        %get3A_922 = arith.index_cast %rem3A_637 : i32 to index
        %get3A_923 = arith.index_cast %add3A_886 : i32 to index
        %get3A_924 = arith.constant 64 : index
        %get3A_925 = tpu.vector_load %arg11[%get3A_922, %get3A_923, %get3A_924] {strides = array<i32>} : memref<8x64x128xf32, #tpu.memory_space<vmem>>, vector<1x1x16xf32>,
        %get3A_926 = vector.shape_cast %get3A_925 : vector<1x1x16xf32> to vector<16xf32>
        %mul3A_927 = vector.broadcast %convert_element_type3A_889 : f32 to vector<16xf32>
        %mul3A_928 = arith.mulf %mul3A_927, %get3A_926 : vector<16xf32>
        %add3A_929 = arith.addf %add3A_858, %mul3A_928 : vector<16xf32>
        %get3A_930 = arith.index_cast %rem3A_637 : i32 to index
        %get3A_931 = arith.index_cast %add3A_886 : i32 to index
        %get3A_932 = arith.constant 80 : index
        %get3A_933 = tpu.vector_load %arg11[%get3A_930, %get3A_931, %get3A_932] {strides = array<i32>} : memref<8x64x128xf32, #tpu.memory_space<vmem>>, vector<1x1x16xf32>,
        %get3A_934 = vector.shape_cast %get3A_933 : vector<1x1x16xf32> to vector<16xf32>
        %mul3A_935 = vector.broadcast %convert_element_type3A_889 : f32 to vector<16xf32>
        %mul3A_936 = arith.mulf %mul3A_935, %get3A_934 : vector<16xf32>
        %add3A_937 = arith.addf %add3A_866, %mul3A_936 : vector<16xf32>
        %get3A_938 = arith.index_cast %rem3A_637 : i32 to index
        %get3A_939 = arith.index_cast %add3A_886 : i32 to index
        %get3A_940 = arith.constant 96 : index
        %get3A_941 = tpu.vector_load %arg11[%get3A_938, %get3A_939, %get3A_940] {strides = array<i32>} : memref<8x64x128xf32, #tpu.memory_space<vmem>>, vector<1x1x16xf32>,
        %get3A_942 = vector.shape_cast %get3A_941 : vector<1x1x16xf32> to vector<16xf32>
        %mul3A_943 = vector.broadcast %convert_element_type3A_889 : f32 to vector<16xf32>
        %mul3A_944 = arith.mulf %mul3A_943, %get3A_942 : vector<16xf32>
        %add3A_945 = arith.addf %add3A_874, %mul3A_944 : vector<16xf32>
        %get3A_946 = arith.index_cast %rem3A_637 : i32 to index
        %get3A_947 = arith.index_cast %add3A_886 : i32 to index
        %get3A_948 = arith.constant 112 : index
        %get3A_949 = tpu.vector_load %arg11[%get3A_946, %get3A_947, %get3A_948] {strides = array<i32>} : memref<8x64x128xf32, #tpu.memory_space<vmem>>, vector<1x1x16xf32>,
        %get3A_950 = vector.shape_cast %get3A_949 : vector<1x1x16xf32> to vector<16xf32>
        %mul3A_951 = vector.broadcast %convert_element_type3A_889 : f32 to vector<16xf32>
        %mul3A_952 = arith.mulf %mul3A_951, %get3A_950 : vector<16xf32>
        %add3A_953 = arith.addf %add3A_882, %mul3A_952 : vector<16xf32>
        %mul3A_954 = arith.constant 16 : i32
        %mul3A_955 = arith.muli %while3A_732, %mul3A_954 : i32
        %add3A_956 = arith.constant 3 : i32
        %add3A_957 = arith.addi %mul3A_955, %add3A_956 : i32
        %lt3A_958 = arith.cmpi slt, %add3A_957, %squeeze3A_642 : i32
        %convert_element_type3A_959 = arith.extui %lt3A_958 : i1 to i32
        %convert_element_type3A_960 = arith.sitofp %convert_element_type3A_959 : i32 to f32
        %get3A_961 = arith.index_cast %rem3A_637 : i32 to index
        %get3A_962 = arith.index_cast %add3A_957 : i32 to index
        %get3A_963 = arith.constant 0 : index
        %get3A_964 = tpu.vector_load %arg11[%get3A_961, %get3A_962, %get3A_963] {strides = array<i32>} : memref<8x64x128xf32, #tpu.memory_space<vmem>>, vector<1x1x16xf32>,
        %get3A_965 = vector.shape_cast %get3A_964 : vector<1x1x16xf32> to vector<16xf32>
        %mul3A_966 = vector.broadcast %convert_element_type3A_960 : f32 to vector<16xf32>
        %mul3A_967 = arith.mulf %mul3A_966, %get3A_965 : vector<16xf32>
        %add3A_968 = arith.addf %add3A_897, %mul3A_967 : vector<16xf32>
        %get3A_969 = arith.index_cast %rem3A_637 : i32 to index
        %get3A_970 = arith.index_cast %add3A_957 : i32 to index
        %get3A_971 = arith.constant 16 : index
        %get3A_972 = tpu.vector_load %arg11[%get3A_969, %get3A_970, %get3A_971] {strides = array<i32>} : memref<8x64x128xf32, #tpu.memory_space<vmem>>, vector<1x1x16xf32>,
        %get3A_973 = vector.shape_cast %get3A_972 : vector<1x1x16xf32> to vector<16xf32>
        %mul3A_974 = vector.broadcast %convert_element_type3A_960 : f32 to vector<16xf32>
        %mul3A_975 = arith.mulf %mul3A_974, %get3A_973 : vector<16xf32>
        %add3A_976 = arith.addf %add3A_905, %mul3A_975 : vector<16xf32>
        %get3A_977 = arith.index_cast %rem3A_637 : i32 to index
        %get3A_978 = arith.index_cast %add3A_957 : i32 to index
        %get3A_979 = arith.constant 32 : index
        %get3A_980 = tpu.vector_load %arg11[%get3A_977, %get3A_978, %get3A_979] {strides = array<i32>} : memref<8x64x128xf32, #tpu.memory_space<vmem>>, vector<1x1x16xf32>,
        %get3A_981 = vector.shape_cast %get3A_980 : vector<1x1x16xf32> to vector<16xf32>
        %mul3A_982 = vector.broadcast %convert_element_type3A_960 : f32 to vector<16xf32>
        %mul3A_983 = arith.mulf %mul3A_982, %get3A_981 : vector<16xf32>
        %add3A_984 = arith.addf %add3A_913, %mul3A_983 : vector<16xf32>
        %get3A_985 = arith.index_cast %rem3A_637 : i32 to index
        %get3A_986 = arith.index_cast %add3A_957 : i32 to index
        %get3A_987 = arith.constant 48 : index
        %get3A_988 = tpu.vector_load %arg11[%get3A_985, %get3A_986, %get3A_987] {strides = array<i32>} : memref<8x64x128xf32, #tpu.memory_space<vmem>>, vector<1x1x16xf32>,
        %get3A_989 = vector.shape_cast %get3A_988 : vector<1x1x16xf32> to vector<16xf32>
        %mul3A_990 = vector.broadcast %convert_element_type3A_960 : f32 to vector<16xf32>
        %mul3A_991 = arith.mulf %mul3A_990, %get3A_989 : vector<16xf32>
        %add3A_992 = arith.addf %add3A_921, %mul3A_991 : vector<16xf32>
        %get3A_993 = arith.index_cast %rem3A_637 : i32 to index
        %get3A_994 = arith.index_cast %add3A_957 : i32 to index
        %get3A_995 = arith.constant 64 : index
        %get3A_996 = tpu.vector_load %arg11[%get3A_993, %get3A_994, %get3A_995] {strides = array<i32>} : memref<8x64x128xf32, #tpu.memory_space<vmem>>, vector<1x1x16xf32>,
        %get3A_997 = vector.shape_cast %get3A_996 : vector<1x1x16xf32> to vector<16xf32>
        %mul3A_998 = vector.broadcast %convert_element_type3A_960 : f32 to vector<16xf32>
        %mul3A_999 = arith.mulf %mul3A_998, %get3A_997 : vector<16xf32>
        %add3A_1000 = arith.addf %add3A_929, %mul3A_999 : vector<16xf32>
        %get3A_1001 = arith.index_cast %rem3A_637 : i32 to index
        %get3A_1002 = arith.index_cast %add3A_957 : i32 to index
        %get3A_1003 = arith.constant 80 : index
        %get3A_1004 = tpu.vector_load %arg11[%get3A_1001, %get3A_1002, %get3A_1003] {strides = array<i32>} : memref<8x64x128xf32, #tpu.memory_space<vmem>>, vector<1x1x16xf32>,
        %get3A_1005 = vector.shape_cast %get3A_1004 : vector<1x1x16xf32> to vector<16xf32>
        %mul3A_1006 = vector.broadcast %convert_element_type3A_960 : f32 to vector<16xf32>
        %mul3A_1007 = arith.mulf %mul3A_1006, %get3A_1005 : vector<16xf32>
        %add3A_1008 = arith.addf %add3A_937, %mul3A_1007 : vector<16xf32>
        %get3A_1009 = arith.index_cast %rem3A_637 : i32 to index
        %get3A_1010 = arith.index_cast %add3A_957 : i32 to index
        %get3A_1011 = arith.constant 96 : index
        %get3A_1012 = tpu.vector_load %arg11[%get3A_1009, %get3A_1010, %get3A_1011] {strides = array<i32>} : memref<8x64x128xf32, #tpu.memory_space<vmem>>, vector<1x1x16xf32>,
        %get3A_1013 = vector.shape_cast %get3A_1012 : vector<1x1x16xf32> to vector<16xf32>
        %mul3A_1014 = vector.broadcast %convert_element_type3A_960 : f32 to vector<16xf32>
        %mul3A_1015 = arith.mulf %mul3A_1014, %get3A_1013 : vector<16xf32>
        %add3A_1016 = arith.addf %add3A_945, %mul3A_1015 : vector<16xf32>
        %get3A_1017 = arith.index_cast %rem3A_637 : i32 to index
        %get3A_1018 = arith.index_cast %add3A_957 : i32 to index
        %get3A_1019 = arith.constant 112 : index
        %get3A_1020 = tpu.vector_load %arg11[%get3A_1017, %get3A_1018, %get3A_1019] {strides = array<i32>} : memref<8x64x128xf32, #tpu.memory_space<vmem>>, vector<1x1x16xf32>,
        %get3A_1021 = vector.shape_cast %get3A_1020 : vector<1x1x16xf32> to vector<16xf32>
        %mul3A_1022 = vector.broadcast %convert_element_type3A_960 : f32 to vector<16xf32>
        %mul3A_1023 = arith.mulf %mul3A_1022, %get3A_1021 : vector<16xf32>
        %add3A_1024 = arith.addf %add3A_953, %mul3A_1023 : vector<16xf32>
        %mul3A_1025 = arith.constant 16 : i32
        %mul3A_1026 = arith.muli %while3A_732, %mul3A_1025 : i32
        %add3A_1027 = arith.constant 4 : i32
        %add3A_1028 = arith.addi %mul3A_1026, %add3A_1027 : i32
        %lt3A_1029 = arith.cmpi slt, %add3A_1028, %squeeze3A_642 : i32
        %convert_element_type3A_1030 = arith.extui %lt3A_1029 : i1 to i32
        %convert_element_type3A_1031 = arith.sitofp %convert_element_type3A_1030 : i32 to f32
        %get3A_1032 = arith.index_cast %rem3A_637 : i32 to index
        %get3A_1033 = arith.index_cast %add3A_1028 : i32 to index
        %get3A_1034 = arith.constant 0 : index
        %get3A_1035 = tpu.vector_load %arg11[%get3A_1032, %get3A_1033, %get3A_1034] {strides = array<i32>} : memref<8x64x128xf32, #tpu.memory_space<vmem>>, vector<1x1x16xf32>,
        %get3A_1036 = vector.shape_cast %get3A_1035 : vector<1x1x16xf32> to vector<16xf32>
        %mul3A_1037 = vector.broadcast %convert_element_type3A_1031 : f32 to vector<16xf32>
        %mul3A_1038 = arith.mulf %mul3A_1037, %get3A_1036 : vector<16xf32>
        %add3A_1039 = arith.addf %add3A_968, %mul3A_1038 : vector<16xf32>
        %get3A_1040 = arith.index_cast %rem3A_637 : i32 to index
        %get3A_1041 = arith.index_cast %add3A_1028 : i32 to index
        %get3A_1042 = arith.constant 16 : index
        %get3A_1043 = tpu.vector_load %arg11[%get3A_1040, %get3A_1041, %get3A_1042] {strides = array<i32>} : memref<8x64x128xf32, #tpu.memory_space<vmem>>, vector<1x1x16xf32>,
        %get3A_1044 = vector.shape_cast %get3A_1043 : vector<1x1x16xf32> to vector<16xf32>
        %mul3A_1045 = vector.broadcast %convert_element_type3A_1031 : f32 to vector<16xf32>
        %mul3A_1046 = arith.mulf %mul3A_1045, %get3A_1044 : vector<16xf32>
        %add3A_1047 = arith.addf %add3A_976, %mul3A_1046 : vector<16xf32>
        %get3A_1048 = arith.index_cast %rem3A_637 : i32 to index
        %get3A_1049 = arith.index_cast %add3A_1028 : i32 to index
        %get3A_1050 = arith.constant 32 : index
        %get3A_1051 = tpu.vector_load %arg11[%get3A_1048, %get3A_1049, %get3A_1050] {strides = array<i32>} : memref<8x64x128xf32, #tpu.memory_space<vmem>>, vector<1x1x16xf32>,
        %get3A_1052 = vector.shape_cast %get3A_1051 : vector<1x1x16xf32> to vector<16xf32>
        %mul3A_1053 = vector.broadcast %convert_element_type3A_1031 : f32 to vector<16xf32>
        %mul3A_1054 = arith.mulf %mul3A_1053, %get3A_1052 : vector<16xf32>
        %add3A_1055 = arith.addf %add3A_984, %mul3A_1054 : vector<16xf32>
        %get3A_1056 = arith.index_cast %rem3A_637 : i32 to index
        %get3A_1057 = arith.index_cast %add3A_1028 : i32 to index
        %get3A_1058 = arith.constant 48 : index
        %get3A_1059 = tpu.vector_load %arg11[%get3A_1056, %get3A_1057, %get3A_1058] {strides = array<i32>} : memref<8x64x128xf32, #tpu.memory_space<vmem>>, vector<1x1x16xf32>,
        %get3A_1060 = vector.shape_cast %get3A_1059 : vector<1x1x16xf32> to vector<16xf32>
        %mul3A_1061 = vector.broadcast %convert_element_type3A_1031 : f32 to vector<16xf32>
        %mul3A_1062 = arith.mulf %mul3A_1061, %get3A_1060 : vector<16xf32>
        %add3A_1063 = arith.addf %add3A_992, %mul3A_1062 : vector<16xf32>
        %get3A_1064 = arith.index_cast %rem3A_637 : i32 to index
        %get3A_1065 = arith.index_cast %add3A_1028 : i32 to index
        %get3A_1066 = arith.constant 64 : index
        %get3A_1067 = tpu.vector_load %arg11[%get3A_1064, %get3A_1065, %get3A_1066] {strides = array<i32>} : memref<8x64x128xf32, #tpu.memory_space<vmem>>, vector<1x1x16xf32>,
        %get3A_1068 = vector.shape_cast %get3A_1067 : vector<1x1x16xf32> to vector<16xf32>
        %mul3A_1069 = vector.broadcast %convert_element_type3A_1031 : f32 to vector<16xf32>
        %mul3A_1070 = arith.mulf %mul3A_1069, %get3A_1068 : vector<16xf32>
        %add3A_1071 = arith.addf %add3A_1000, %mul3A_1070 : vector<16xf32>
        %get3A_1072 = arith.index_cast %rem3A_637 : i32 to index
        %get3A_1073 = arith.index_cast %add3A_1028 : i32 to index
        %get3A_1074 = arith.constant 80 : index
        %get3A_1075 = tpu.vector_load %arg11[%get3A_1072, %get3A_1073, %get3A_1074] {strides = array<i32>} : memref<8x64x128xf32, #tpu.memory_space<vmem>>, vector<1x1x16xf32>,
        %get3A_1076 = vector.shape_cast %get3A_1075 : vector<1x1x16xf32> to vector<16xf32>
        %mul3A_1077 = vector.broadcast %convert_element_type3A_1031 : f32 to vector<16xf32>
        %mul3A_1078 = arith.mulf %mul3A_1077, %get3A_1076 : vector<16xf32>
        %add3A_1079 = arith.addf %add3A_1008, %mul3A_1078 : vector<16xf32>
        %get3A_1080 = arith.index_cast %rem3A_637 : i32 to index
        %get3A_1081 = arith.index_cast %add3A_1028 : i32 to index
        %get3A_1082 = arith.constant 96 : index
        %get3A_1083 = tpu.vector_load %arg11[%get3A_1080, %get3A_1081, %get3A_1082] {strides = array<i32>} : memref<8x64x128xf32, #tpu.memory_space<vmem>>, vector<1x1x16xf32>,
        %get3A_1084 = vector.shape_cast %get3A_1083 : vector<1x1x16xf32> to vector<16xf32>
        %mul3A_1085 = vector.broadcast %convert_element_type3A_1031 : f32 to vector<16xf32>
        %mul3A_1086 = arith.mulf %mul3A_1085, %get3A_1084 : vector<16xf32>
        %add3A_1087 = arith.addf %add3A_1016, %mul3A_1086 : vector<16xf32>
        %get3A_1088 = arith.index_cast %rem3A_637 : i32 to index
        %get3A_1089 = arith.index_cast %add3A_1028 : i32 to index
        %get3A_1090 = arith.constant 112 : index
        %get3A_1091 = tpu.vector_load %arg11[%get3A_1088, %get3A_1089, %get3A_1090] {strides = array<i32>} : memref<8x64x128xf32, #tpu.memory_space<vmem>>, vector<1x1x16xf32>,
        %get3A_1092 = vector.shape_cast %get3A_1091 : vector<1x1x16xf32> to vector<16xf32>
        %mul3A_1093 = vector.broadcast %convert_element_type3A_1031 : f32 to vector<16xf32>
        %mul3A_1094 = arith.mulf %mul3A_1093, %get3A_1092 : vector<16xf32>
        %add3A_1095 = arith.addf %add3A_1024, %mul3A_1094 : vector<16xf32>
        %mul3A_1096 = arith.constant 16 : i32
        %mul3A_1097 = arith.muli %while3A_732, %mul3A_1096 : i32
        %add3A_1098 = arith.constant 5 : i32
        %add3A_1099 = arith.addi %mul3A_1097, %add3A_1098 : i32
        %lt3A_1100 = arith.cmpi slt, %add3A_1099, %squeeze3A_642 : i32
        %convert_element_type3A_1101 = arith.extui %lt3A_1100 : i1 to i32
        %convert_element_type3A_1102 = arith.sitofp %convert_element_type3A_1101 : i32 to f32
        %get3A_1103 = arith.index_cast %rem3A_637 : i32 to index
        %get3A_1104 = arith.index_cast %add3A_1099 : i32 to index
        %get3A_1105 = arith.constant 0 : index
        %get3A_1106 = tpu.vector_load %arg11[%get3A_1103, %get3A_1104, %get3A_1105] {strides = array<i32>} : memref<8x64x128xf32, #tpu.memory_space<vmem>>, vector<1x1x16xf32>,
        %get3A_1107 = vector.shape_cast %get3A_1106 : vector<1x1x16xf32> to vector<16xf32>
        %mul3A_1108 = vector.broadcast %convert_element_type3A_1102 : f32 to vector<16xf32>
        %mul3A_1109 = arith.mulf %mul3A_1108, %get3A_1107 : vector<16xf32>
        %add3A_1110 = arith.addf %add3A_1039, %mul3A_1109 : vector<16xf32>
        %get3A_1111 = arith.index_cast %rem3A_637 : i32 to index
        %get3A_1112 = arith.index_cast %add3A_1099 : i32 to index
        %get3A_1113 = arith.constant 16 : index
        %get3A_1114 = tpu.vector_load %arg11[%get3A_1111, %get3A_1112, %get3A_1113] {strides = array<i32>} : memref<8x64x128xf32, #tpu.memory_space<vmem>>, vector<1x1x16xf32>,
        %get3A_1115 = vector.shape_cast %get3A_1114 : vector<1x1x16xf32> to vector<16xf32>
        %mul3A_1116 = vector.broadcast %convert_element_type3A_1102 : f32 to vector<16xf32>
        %mul3A_1117 = arith.mulf %mul3A_1116, %get3A_1115 : vector<16xf32>
        %add3A_1118 = arith.addf %add3A_1047, %mul3A_1117 : vector<16xf32>
        %get3A_1119 = arith.index_cast %rem3A_637 : i32 to index
        %get3A_1120 = arith.index_cast %add3A_1099 : i32 to index
        %get3A_1121 = arith.constant 32 : index
        %get3A_1122 = tpu.vector_load %arg11[%get3A_1119, %get3A_1120, %get3A_1121] {strides = array<i32>} : memref<8x64x128xf32, #tpu.memory_space<vmem>>, vector<1x1x16xf32>,
        %get3A_1123 = vector.shape_cast %get3A_1122 : vector<1x1x16xf32> to vector<16xf32>
        %mul3A_1124 = vector.broadcast %convert_element_type3A_1102 : f32 to vector<16xf32>
        %mul3A_1125 = arith.mulf %mul3A_1124, %get3A_1123 : vector<16xf32>
        %add3A_1126 = arith.addf %add3A_1055, %mul3A_1125 : vector<16xf32>
        %get3A_1127 = arith.index_cast %rem3A_637 : i32 to index
        %get3A_1128 = arith.index_cast %add3A_1099 : i32 to index
        %get3A_1129 = arith.constant 48 : index
        %get3A_1130 = tpu.vector_load %arg11[%get3A_1127, %get3A_1128, %get3A_1129] {strides = array<i32>} : memref<8x64x128xf32, #tpu.memory_space<vmem>>, vector<1x1x16xf32>,
        %get3A_1131 = vector.shape_cast %get3A_1130 : vector<1x1x16xf32> to vector<16xf32>
        %mul3A_1132 = vector.broadcast %convert_element_type3A_1102 : f32 to vector<16xf32>
        %mul3A_1133 = arith.mulf %mul3A_1132, %get3A_1131 : vector<16xf32>
        %add3A_1134 = arith.addf %add3A_1063, %mul3A_1133 : vector<16xf32>
        %get3A_1135 = arith.index_cast %rem3A_637 : i32 to index
        %get3A_1136 = arith.index_cast %add3A_1099 : i32 to index
        %get3A_1137 = arith.constant 64 : index
        %get3A_1138 = tpu.vector_load %arg11[%get3A_1135, %get3A_1136, %get3A_1137] {strides = array<i32>} : memref<8x64x128xf32, #tpu.memory_space<vmem>>, vector<1x1x16xf32>,
        %get3A_1139 = vector.shape_cast %get3A_1138 : vector<1x1x16xf32> to vector<16xf32>
        %mul3A_1140 = vector.broadcast %convert_element_type3A_1102 : f32 to vector<16xf32>
        %mul3A_1141 = arith.mulf %mul3A_1140, %get3A_1139 : vector<16xf32>
        %add3A_1142 = arith.addf %add3A_1071, %mul3A_1141 : vector<16xf32>
        %get3A_1143 = arith.index_cast %rem3A_637 : i32 to index
        %get3A_1144 = arith.index_cast %add3A_1099 : i32 to index
        %get3A_1145 = arith.constant 80 : index
        %get3A_1146 = tpu.vector_load %arg11[%get3A_1143, %get3A_1144, %get3A_1145] {strides = array<i32>} : memref<8x64x128xf32, #tpu.memory_space<vmem>>, vector<1x1x16xf32>,
        %get3A_1147 = vector.shape_cast %get3A_1146 : vector<1x1x16xf32> to vector<16xf32>
        %mul3A_1148 = vector.broadcast %convert_element_type3A_1102 : f32 to vector<16xf32>
        %mul3A_1149 = arith.mulf %mul3A_1148, %get3A_1147 : vector<16xf32>
        %add3A_1150 = arith.addf %add3A_1079, %mul3A_1149 : vector<16xf32>
        %get3A_1151 = arith.index_cast %rem3A_637 : i32 to index
        %get3A_1152 = arith.index_cast %add3A_1099 : i32 to index
        %get3A_1153 = arith.constant 96 : index
        %get3A_1154 = tpu.vector_load %arg11[%get3A_1151, %get3A_1152, %get3A_1153] {strides = array<i32>} : memref<8x64x128xf32, #tpu.memory_space<vmem>>, vector<1x1x16xf32>,
        %get3A_1155 = vector.shape_cast %get3A_1154 : vector<1x1x16xf32> to vector<16xf32>
        %mul3A_1156 = vector.broadcast %convert_element_type3A_1102 : f32 to vector<16xf32>
        %mul3A_1157 = arith.mulf %mul3A_1156, %get3A_1155 : vector<16xf32>
        %add3A_1158 = arith.addf %add3A_1087, %mul3A_1157 : vector<16xf32>
        %get3A_1159 = arith.index_cast %rem3A_637 : i32 to index
        %get3A_1160 = arith.index_cast %add3A_1099 : i32 to index
        %get3A_1161 = arith.constant 112 : index
        %get3A_1162 = tpu.vector_load %arg11[%get3A_1159, %get3A_1160, %get3A_1161] {strides = array<i32>} : memref<8x64x128xf32, #tpu.memory_space<vmem>>, vector<1x1x16xf32>,
        %get3A_1163 = vector.shape_cast %get3A_1162 : vector<1x1x16xf32> to vector<16xf32>
        %mul3A_1164 = vector.broadcast %convert_element_type3A_1102 : f32 to vector<16xf32>
        %mul3A_1165 = arith.mulf %mul3A_1164, %get3A_1163 : vector<16xf32>
        %add3A_1166 = arith.addf %add3A_1095, %mul3A_1165 : vector<16xf32>
        %mul3A_1167 = arith.constant 16 : i32
        %mul3A_1168 = arith.muli %while3A_732, %mul3A_1167 : i32
        %add3A_1169 = arith.constant 6 : i32
        %add3A_1170 = arith.addi %mul3A_1168, %add3A_1169 : i32
        %lt3A_1171 = arith.cmpi slt, %add3A_1170, %squeeze3A_642 : i32
        %convert_element_type3A_1172 = arith.extui %lt3A_1171 : i1 to i32
        %convert_element_type3A_1173 = arith.sitofp %convert_element_type3A_1172 : i32 to f32
        %get3A_1174 = arith.index_cast %rem3A_637 : i32 to index
        %get3A_1175 = arith.index_cast %add3A_1170 : i32 to index
        %get3A_1176 = arith.constant 0 : index
        %get3A_1177 = tpu.vector_load %arg11[%get3A_1174, %get3A_1175, %get3A_1176] {strides = array<i32>} : memref<8x64x128xf32, #tpu.memory_space<vmem>>, vector<1x1x16xf32>,
        %get3A_1178 = vector.shape_cast %get3A_1177 : vector<1x1x16xf32> to vector<16xf32>
        %mul3A_1179 = vector.broadcast %convert_element_type3A_1173 : f32 to vector<16xf32>
        %mul3A_1180 = arith.mulf %mul3A_1179, %get3A_1178 : vector<16xf32>
        %add3A_1181 = arith.addf %add3A_1110, %mul3A_1180 : vector<16xf32>
        %get3A_1182 = arith.index_cast %rem3A_637 : i32 to index
        %get3A_1183 = arith.index_cast %add3A_1170 : i32 to index
        %get3A_1184 = arith.constant 16 : index
        %get3A_1185 = tpu.vector_load %arg11[%get3A_1182, %get3A_1183, %get3A_1184] {strides = array<i32>} : memref<8x64x128xf32, #tpu.memory_space<vmem>>, vector<1x1x16xf32>,
        %get3A_1186 = vector.shape_cast %get3A_1185 : vector<1x1x16xf32> to vector<16xf32>
        %mul3A_1187 = vector.broadcast %convert_element_type3A_1173 : f32 to vector<16xf32>
        %mul3A_1188 = arith.mulf %mul3A_1187, %get3A_1186 : vector<16xf32>
        %add3A_1189 = arith.addf %add3A_1118, %mul3A_1188 : vector<16xf32>
        %get3A_1190 = arith.index_cast %rem3A_637 : i32 to index
        %get3A_1191 = arith.index_cast %add3A_1170 : i32 to index
        %get3A_1192 = arith.constant 32 : index
        %get3A_1193 = tpu.vector_load %arg11[%get3A_1190, %get3A_1191, %get3A_1192] {strides = array<i32>} : memref<8x64x128xf32, #tpu.memory_space<vmem>>, vector<1x1x16xf32>,
        %get3A_1194 = vector.shape_cast %get3A_1193 : vector<1x1x16xf32> to vector<16xf32>
        %mul3A_1195 = vector.broadcast %convert_element_type3A_1173 : f32 to vector<16xf32>
        %mul3A_1196 = arith.mulf %mul3A_1195, %get3A_1194 : vector<16xf32>
        %add3A_1197 = arith.addf %add3A_1126, %mul3A_1196 : vector<16xf32>
        %get3A_1198 = arith.index_cast %rem3A_637 : i32 to index
        %get3A_1199 = arith.index_cast %add3A_1170 : i32 to index
        %get3A_1200 = arith.constant 48 : index
        %get3A_1201 = tpu.vector_load %arg11[%get3A_1198, %get3A_1199, %get3A_1200] {strides = array<i32>} : memref<8x64x128xf32, #tpu.memory_space<vmem>>, vector<1x1x16xf32>,
        %get3A_1202 = vector.shape_cast %get3A_1201 : vector<1x1x16xf32> to vector<16xf32>
        %mul3A_1203 = vector.broadcast %convert_element_type3A_1173 : f32 to vector<16xf32>
        %mul3A_1204 = arith.mulf %mul3A_1203, %get3A_1202 : vector<16xf32>
        %add3A_1205 = arith.addf %add3A_1134, %mul3A_1204 : vector<16xf32>
        %get3A_1206 = arith.index_cast %rem3A_637 : i32 to index
        %get3A_1207 = arith.index_cast %add3A_1170 : i32 to index
        %get3A_1208 = arith.constant 64 : index
        %get3A_1209 = tpu.vector_load %arg11[%get3A_1206, %get3A_1207, %get3A_1208] {strides = array<i32>} : memref<8x64x128xf32, #tpu.memory_space<vmem>>, vector<1x1x16xf32>,
        %get3A_1210 = vector.shape_cast %get3A_1209 : vector<1x1x16xf32> to vector<16xf32>
        %mul3A_1211 = vector.broadcast %convert_element_type3A_1173 : f32 to vector<16xf32>
        %mul3A_1212 = arith.mulf %mul3A_1211, %get3A_1210 : vector<16xf32>
        %add3A_1213 = arith.addf %add3A_1142, %mul3A_1212 : vector<16xf32>
        %get3A_1214 = arith.index_cast %rem3A_637 : i32 to index
        %get3A_1215 = arith.index_cast %add3A_1170 : i32 to index
        %get3A_1216 = arith.constant 80 : index
        %get3A_1217 = tpu.vector_load %arg11[%get3A_1214, %get3A_1215, %get3A_1216] {strides = array<i32>} : memref<8x64x128xf32, #tpu.memory_space<vmem>>, vector<1x1x16xf32>,
        %get3A_1218 = vector.shape_cast %get3A_1217 : vector<1x1x16xf32> to vector<16xf32>
        %mul3A_1219 = vector.broadcast %convert_element_type3A_1173 : f32 to vector<16xf32>
        %mul3A_1220 = arith.mulf %mul3A_1219, %get3A_1218 : vector<16xf32>
        %add3A_1221 = arith.addf %add3A_1150, %mul3A_1220 : vector<16xf32>
        %get3A_1222 = arith.index_cast %rem3A_637 : i32 to index
        %get3A_1223 = arith.index_cast %add3A_1170 : i32 to index
        %get3A_1224 = arith.constant 96 : index
        %get3A_1225 = tpu.vector_load %arg11[%get3A_1222, %get3A_1223, %get3A_1224] {strides = array<i32>} : memref<8x64x128xf32, #tpu.memory_space<vmem>>, vector<1x1x16xf32>,
        %get3A_1226 = vector.shape_cast %get3A_1225 : vector<1x1x16xf32> to vector<16xf32>
        %mul3A_1227 = vector.broadcast %convert_element_type3A_1173 : f32 to vector<16xf32>
        %mul3A_1228 = arith.mulf %mul3A_1227, %get3A_1226 : vector<16xf32>
        %add3A_1229 = arith.addf %add3A_1158, %mul3A_1228 : vector<16xf32>
        %get3A_1230 = arith.index_cast %rem3A_637 : i32 to index
        %get3A_1231 = arith.index_cast %add3A_1170 : i32 to index
        %get3A_1232 = arith.constant 112 : index
        %get3A_1233 = tpu.vector_load %arg11[%get3A_1230, %get3A_1231, %get3A_1232] {strides = array<i32>} : memref<8x64x128xf32, #tpu.memory_space<vmem>>, vector<1x1x16xf32>,
        %get3A_1234 = vector.shape_cast %get3A_1233 : vector<1x1x16xf32> to vector<16xf32>
        %mul3A_1235 = vector.broadcast %convert_element_type3A_1173 : f32 to vector<16xf32>
        %mul3A_1236 = arith.mulf %mul3A_1235, %get3A_1234 : vector<16xf32>
        %add3A_1237 = arith.addf %add3A_1166, %mul3A_1236 : vector<16xf32>
        %mul3A_1238 = arith.constant 16 : i32
        %mul3A_1239 = arith.muli %while3A_732, %mul3A_1238 : i32
        %add3A_1240 = arith.constant 7 : i32
        %add3A_1241 = arith.addi %mul3A_1239, %add3A_1240 : i32
        %lt3A_1242 = arith.cmpi slt, %add3A_1241, %squeeze3A_642 : i32
        %convert_element_type3A_1243 = arith.extui %lt3A_1242 : i1 to i32
        %convert_element_type3A_1244 = arith.sitofp %convert_element_type3A_1243 : i32 to f32
        %get3A_1245 = arith.index_cast %rem3A_637 : i32 to index
        %get3A_1246 = arith.index_cast %add3A_1241 : i32 to index
        %get3A_1247 = arith.constant 0 : index
        %get3A_1248 = tpu.vector_load %arg11[%get3A_1245, %get3A_1246, %get3A_1247] {strides = array<i32>} : memref<8x64x128xf32, #tpu.memory_space<vmem>>, vector<1x1x16xf32>,
        %get3A_1249 = vector.shape_cast %get3A_1248 : vector<1x1x16xf32> to vector<16xf32>
        %mul3A_1250 = vector.broadcast %convert_element_type3A_1244 : f32 to vector<16xf32>
        %mul3A_1251 = arith.mulf %mul3A_1250, %get3A_1249 : vector<16xf32>
        %add3A_1252 = arith.addf %add3A_1181, %mul3A_1251 : vector<16xf32>
        %get3A_1253 = arith.index_cast %rem3A_637 : i32 to index
        %get3A_1254 = arith.index_cast %add3A_1241 : i32 to index
        %get3A_1255 = arith.constant 16 : index
        %get3A_1256 = tpu.vector_load %arg11[%get3A_1253, %get3A_1254, %get3A_1255] {strides = array<i32>} : memref<8x64x128xf32, #tpu.memory_space<vmem>>, vector<1x1x16xf32>,
        %get3A_1257 = vector.shape_cast %get3A_1256 : vector<1x1x16xf32> to vector<16xf32>
        %mul3A_1258 = vector.broadcast %convert_element_type3A_1244 : f32 to vector<16xf32>
        %mul3A_1259 = arith.mulf %mul3A_1258, %get3A_1257 : vector<16xf32>
        %add3A_1260 = arith.addf %add3A_1189, %mul3A_1259 : vector<16xf32>
        %get3A_1261 = arith.index_cast %rem3A_637 : i32 to index
        %get3A_1262 = arith.index_cast %add3A_1241 : i32 to index
        %get3A_1263 = arith.constant 32 : index
        %get3A_1264 = tpu.vector_load %arg11[%get3A_1261, %get3A_1262, %get3A_1263] {strides = array<i32>} : memref<8x64x128xf32, #tpu.memory_space<vmem>>, vector<1x1x16xf32>,
        %get3A_1265 = vector.shape_cast %get3A_1264 : vector<1x1x16xf32> to vector<16xf32>
        %mul3A_1266 = vector.broadcast %convert_element_type3A_1244 : f32 to vector<16xf32>
        %mul3A_1267 = arith.mulf %mul3A_1266, %get3A_1265 : vector<16xf32>
        %add3A_1268 = arith.addf %add3A_1197, %mul3A_1267 : vector<16xf32>
        %get3A_1269 = arith.index_cast %rem3A_637 : i32 to index
        %get3A_1270 = arith.index_cast %add3A_1241 : i32 to index
        %get3A_1271 = arith.constant 48 : index
        %get3A_1272 = tpu.vector_load %arg11[%get3A_1269, %get3A_1270, %get3A_1271] {strides = array<i32>} : memref<8x64x128xf32, #tpu.memory_space<vmem>>, vector<1x1x16xf32>,
        %get3A_1273 = vector.shape_cast %get3A_1272 : vector<1x1x16xf32> to vector<16xf32>
        %mul3A_1274 = vector.broadcast %convert_element_type3A_1244 : f32 to vector<16xf32>
        %mul3A_1275 = arith.mulf %mul3A_1274, %get3A_1273 : vector<16xf32>
        %add3A_1276 = arith.addf %add3A_1205, %mul3A_1275 : vector<16xf32>
        %get3A_1277 = arith.index_cast %rem3A_637 : i32 to index
        %get3A_1278 = arith.index_cast %add3A_1241 : i32 to index
        %get3A_1279 = arith.constant 64 : index
        %get3A_1280 = tpu.vector_load %arg11[%get3A_1277, %get3A_1278, %get3A_1279] {strides = array<i32>} : memref<8x64x128xf32, #tpu.memory_space<vmem>>, vector<1x1x16xf32>,
        %get3A_1281 = vector.shape_cast %get3A_1280 : vector<1x1x16xf32> to vector<16xf32>
        %mul3A_1282 = vector.broadcast %convert_element_type3A_1244 : f32 to vector<16xf32>
        %mul3A_1283 = arith.mulf %mul3A_1282, %get3A_1281 : vector<16xf32>
        %add3A_1284 = arith.addf %add3A_1213, %mul3A_1283 : vector<16xf32>
        %get3A_1285 = arith.index_cast %rem3A_637 : i32 to index
        %get3A_1286 = arith.index_cast %add3A_1241 : i32 to index
        %get3A_1287 = arith.constant 80 : index
        %get3A_1288 = tpu.vector_load %arg11[%get3A_1285, %get3A_1286, %get3A_1287] {strides = array<i32>} : memref<8x64x128xf32, #tpu.memory_space<vmem>>, vector<1x1x16xf32>,
        %get3A_1289 = vector.shape_cast %get3A_1288 : vector<1x1x16xf32> to vector<16xf32>
        %mul3A_1290 = vector.broadcast %convert_element_type3A_1244 : f32 to vector<16xf32>
        %mul3A_1291 = arith.mulf %mul3A_1290, %get3A_1289 : vector<16xf32>
        %add3A_1292 = arith.addf %add3A_1221, %mul3A_1291 : vector<16xf32>
        %get3A_1293 = arith.index_cast %rem3A_637 : i32 to index
        %get3A_1294 = arith.index_cast %add3A_1241 : i32 to index
        %get3A_1295 = arith.constant 96 : index
        %get3A_1296 = tpu.vector_load %arg11[%get3A_1293, %get3A_1294, %get3A_1295] {strides = array<i32>} : memref<8x64x128xf32, #tpu.memory_space<vmem>>, vector<1x1x16xf32>,
        %get3A_1297 = vector.shape_cast %get3A_1296 : vector<1x1x16xf32> to vector<16xf32>
        %mul3A_1298 = vector.broadcast %convert_element_type3A_1244 : f32 to vector<16xf32>
        %mul3A_1299 = arith.mulf %mul3A_1298, %get3A_1297 : vector<16xf32>
        %add3A_1300 = arith.addf %add3A_1229, %mul3A_1299 : vector<16xf32>
        %get3A_1301 = arith.index_cast %rem3A_637 : i32 to index
        %get3A_1302 = arith.index_cast %add3A_1241 : i32 to index
        %get3A_1303 = arith.constant 112 : index
        %get3A_1304 = tpu.vector_load %arg11[%get3A_1301, %get3A_1302, %get3A_1303] {strides = array<i32>} : memref<8x64x128xf32, #tpu.memory_space<vmem>>, vector<1x1x16xf32>,
        %get3A_1305 = vector.shape_cast %get3A_1304 : vector<1x1x16xf32> to vector<16xf32>
        %mul3A_1306 = vector.broadcast %convert_element_type3A_1244 : f32 to vector<16xf32>
        %mul3A_1307 = arith.mulf %mul3A_1306, %get3A_1305 : vector<16xf32>
        %add3A_1308 = arith.addf %add3A_1237, %mul3A_1307 : vector<16xf32>
        %mul3A_1309 = arith.constant 16 : i32
        %mul3A_1310 = arith.muli %while3A_732, %mul3A_1309 : i32
        %add3A_1311 = arith.constant 8 : i32
        %add3A_1312 = arith.addi %mul3A_1310, %add3A_1311 : i32
        %lt3A_1313 = arith.cmpi slt, %add3A_1312, %squeeze3A_642 : i32
        %convert_element_type3A_1314 = arith.extui %lt3A_1313 : i1 to i32
        %convert_element_type3A_1315 = arith.sitofp %convert_element_type3A_1314 : i32 to f32
        %get3A_1316 = arith.index_cast %rem3A_637 : i32 to index
        %get3A_1317 = arith.index_cast %add3A_1312 : i32 to index
        %get3A_1318 = arith.constant 0 : index
        %get3A_1319 = tpu.vector_load %arg11[%get3A_1316, %get3A_1317, %get3A_1318] {strides = array<i32>} : memref<8x64x128xf32, #tpu.memory_space<vmem>>, vector<1x1x16xf32>,
        %get3A_1320 = vector.shape_cast %get3A_1319 : vector<1x1x16xf32> to vector<16xf32>
        %mul3A_1321 = vector.broadcast %convert_element_type3A_1315 : f32 to vector<16xf32>
        %mul3A_1322 = arith.mulf %mul3A_1321, %get3A_1320 : vector<16xf32>
        %add3A_1323 = arith.addf %add3A_1252, %mul3A_1322 : vector<16xf32>
        %get3A_1324 = arith.index_cast %rem3A_637 : i32 to index
        %get3A_1325 = arith.index_cast %add3A_1312 : i32 to index
        %get3A_1326 = arith.constant 16 : index
        %get3A_1327 = tpu.vector_load %arg11[%get3A_1324, %get3A_1325, %get3A_1326] {strides = array<i32>} : memref<8x64x128xf32, #tpu.memory_space<vmem>>, vector<1x1x16xf32>,
        %get3A_1328 = vector.shape_cast %get3A_1327 : vector<1x1x16xf32> to vector<16xf32>
        %mul3A_1329 = vector.broadcast %convert_element_type3A_1315 : f32 to vector<16xf32>
        %mul3A_1330 = arith.mulf %mul3A_1329, %get3A_1328 : vector<16xf32>
        %add3A_1331 = arith.addf %add3A_1260, %mul3A_1330 : vector<16xf32>
        %get3A_1332 = arith.index_cast %rem3A_637 : i32 to index
        %get3A_1333 = arith.index_cast %add3A_1312 : i32 to index
        %get3A_1334 = arith.constant 32 : index
        %get3A_1335 = tpu.vector_load %arg11[%get3A_1332, %get3A_1333, %get3A_1334] {strides = array<i32>} : memref<8x64x128xf32, #tpu.memory_space<vmem>>, vector<1x1x16xf32>,
        %get3A_1336 = vector.shape_cast %get3A_1335 : vector<1x1x16xf32> to vector<16xf32>
        %mul3A_1337 = vector.broadcast %convert_element_type3A_1315 : f32 to vector<16xf32>
        %mul3A_1338 = arith.mulf %mul3A_1337, %get3A_1336 : vector<16xf32>
        %add3A_1339 = arith.addf %add3A_1268, %mul3A_1338 : vector<16xf32>
        %get3A_1340 = arith.index_cast %rem3A_637 : i32 to index
        %get3A_1341 = arith.index_cast %add3A_1312 : i32 to index
        %get3A_1342 = arith.constant 48 : index
        %get3A_1343 = tpu.vector_load %arg11[%get3A_1340, %get3A_1341, %get3A_1342] {strides = array<i32>} : memref<8x64x128xf32, #tpu.memory_space<vmem>>, vector<1x1x16xf32>,
        %get3A_1344 = vector.shape_cast %get3A_1343 : vector<1x1x16xf32> to vector<16xf32>
        %mul3A_1345 = vector.broadcast %convert_element_type3A_1315 : f32 to vector<16xf32>
        %mul3A_1346 = arith.mulf %mul3A_1345, %get3A_1344 : vector<16xf32>
        %add3A_1347 = arith.addf %add3A_1276, %mul3A_1346 : vector<16xf32>
        %get3A_1348 = arith.index_cast %rem3A_637 : i32 to index
        %get3A_1349 = arith.index_cast %add3A_1312 : i32 to index
        %get3A_1350 = arith.constant 64 : index
        %get3A_1351 = tpu.vector_load %arg11[%get3A_1348, %get3A_1349, %get3A_1350] {strides = array<i32>} : memref<8x64x128xf32, #tpu.memory_space<vmem>>, vector<1x1x16xf32>,
        %get3A_1352 = vector.shape_cast %get3A_1351 : vector<1x1x16xf32> to vector<16xf32>
        %mul3A_1353 = vector.broadcast %convert_element_type3A_1315 : f32 to vector<16xf32>
        %mul3A_1354 = arith.mulf %mul3A_1353, %get3A_1352 : vector<16xf32>
        %add3A_1355 = arith.addf %add3A_1284, %mul3A_1354 : vector<16xf32>
        %get3A_1356 = arith.index_cast %rem3A_637 : i32 to index
        %get3A_1357 = arith.index_cast %add3A_1312 : i32 to index
        %get3A_1358 = arith.constant 80 : index
        %get3A_1359 = tpu.vector_load %arg11[%get3A_1356, %get3A_1357, %get3A_1358] {strides = array<i32>} : memref<8x64x128xf32, #tpu.memory_space<vmem>>, vector<1x1x16xf32>,
        %get3A_1360 = vector.shape_cast %get3A_1359 : vector<1x1x16xf32> to vector<16xf32>
        %mul3A_1361 = vector.broadcast %convert_element_type3A_1315 : f32 to vector<16xf32>
        %mul3A_1362 = arith.mulf %mul3A_1361, %get3A_1360 : vector<16xf32>
        %add3A_1363 = arith.addf %add3A_1292, %mul3A_1362 : vector<16xf32>
        %get3A_1364 = arith.index_cast %rem3A_637 : i32 to index
        %get3A_1365 = arith.index_cast %add3A_1312 : i32 to index
        %get3A_1366 = arith.constant 96 : index
        %get3A_1367 = tpu.vector_load %arg11[%get3A_1364, %get3A_1365, %get3A_1366] {strides = array<i32>} : memref<8x64x128xf32, #tpu.memory_space<vmem>>, vector<1x1x16xf32>,
        %get3A_1368 = vector.shape_cast %get3A_1367 : vector<1x1x16xf32> to vector<16xf32>
        %mul3A_1369 = vector.broadcast %convert_element_type3A_1315 : f32 to vector<16xf32>
        %mul3A_1370 = arith.mulf %mul3A_1369, %get3A_1368 : vector<16xf32>
        %add3A_1371 = arith.addf %add3A_1300, %mul3A_1370 : vector<16xf32>
        %get3A_1372 = arith.index_cast %rem3A_637 : i32 to index
        %get3A_1373 = arith.index_cast %add3A_1312 : i32 to index
        %get3A_1374 = arith.constant 112 : index
        %get3A_1375 = tpu.vector_load %arg11[%get3A_1372, %get3A_1373, %get3A_1374] {strides = array<i32>} : memref<8x64x128xf32, #tpu.memory_space<vmem>>, vector<1x1x16xf32>,
        %get3A_1376 = vector.shape_cast %get3A_1375 : vector<1x1x16xf32> to vector<16xf32>
        %mul3A_1377 = vector.broadcast %convert_element_type3A_1315 : f32 to vector<16xf32>
        %mul3A_1378 = arith.mulf %mul3A_1377, %get3A_1376 : vector<16xf32>
        %add3A_1379 = arith.addf %add3A_1308, %mul3A_1378 : vector<16xf32>
        %mul3A_1380 = arith.constant 16 : i32
        %mul3A_1381 = arith.muli %while3A_732, %mul3A_1380 : i32
        %add3A_1382 = arith.constant 9 : i32
        %add3A_1383 = arith.addi %mul3A_1381, %add3A_1382 : i32
        %lt3A_1384 = arith.cmpi slt, %add3A_1383, %squeeze3A_642 : i32
        %convert_element_type3A_1385 = arith.extui %lt3A_1384 : i1 to i32
        %convert_element_type3A_1386 = arith.sitofp %convert_element_type3A_1385 : i32 to f32
        %get3A_1387 = arith.index_cast %rem3A_637 : i32 to index
        %get3A_1388 = arith.index_cast %add3A_1383 : i32 to index
        %get3A_1389 = arith.constant 0 : index
        %get3A_1390 = tpu.vector_load %arg11[%get3A_1387, %get3A_1388, %get3A_1389] {strides = array<i32>} : memref<8x64x128xf32, #tpu.memory_space<vmem>>, vector<1x1x16xf32>,
        %get3A_1391 = vector.shape_cast %get3A_1390 : vector<1x1x16xf32> to vector<16xf32>
        %mul3A_1392 = vector.broadcast %convert_element_type3A_1386 : f32 to vector<16xf32>
        %mul3A_1393 = arith.mulf %mul3A_1392, %get3A_1391 : vector<16xf32>
        %add3A_1394 = arith.addf %add3A_1323, %mul3A_1393 : vector<16xf32>
        %get3A_1395 = arith.index_cast %rem3A_637 : i32 to index
        %get3A_1396 = arith.index_cast %add3A_1383 : i32 to index
        %get3A_1397 = arith.constant 16 : index
        %get3A_1398 = tpu.vector_load %arg11[%get3A_1395, %get3A_1396, %get3A_1397] {strides = array<i32>} : memref<8x64x128xf32, #tpu.memory_space<vmem>>, vector<1x1x16xf32>,
        %get3A_1399 = vector.shape_cast %get3A_1398 : vector<1x1x16xf32> to vector<16xf32>
        %mul3A_1400 = vector.broadcast %convert_element_type3A_1386 : f32 to vector<16xf32>
        %mul3A_1401 = arith.mulf %mul3A_1400, %get3A_1399 : vector<16xf32>
        %add3A_1402 = arith.addf %add3A_1331, %mul3A_1401 : vector<16xf32>
        %get3A_1403 = arith.index_cast %rem3A_637 : i32 to index
        %get3A_1404 = arith.index_cast %add3A_1383 : i32 to index
        %get3A_1405 = arith.constant 32 : index
        %get3A_1406 = tpu.vector_load %arg11[%get3A_1403, %get3A_1404, %get3A_1405] {strides = array<i32>} : memref<8x64x128xf32, #tpu.memory_space<vmem>>, vector<1x1x16xf32>,
        %get3A_1407 = vector.shape_cast %get3A_1406 : vector<1x1x16xf32> to vector<16xf32>
        %mul3A_1408 = vector.broadcast %convert_element_type3A_1386 : f32 to vector<16xf32>
        %mul3A_1409 = arith.mulf %mul3A_1408, %get3A_1407 : vector<16xf32>
        %add3A_1410 = arith.addf %add3A_1339, %mul3A_1409 : vector<16xf32>
        %get3A_1411 = arith.index_cast %rem3A_637 : i32 to index
        %get3A_1412 = arith.index_cast %add3A_1383 : i32 to index
        %get3A_1413 = arith.constant 48 : index
        %get3A_1414 = tpu.vector_load %arg11[%get3A_1411, %get3A_1412, %get3A_1413] {strides = array<i32>} : memref<8x64x128xf32, #tpu.memory_space<vmem>>, vector<1x1x16xf32>,
        %get3A_1415 = vector.shape_cast %get3A_1414 : vector<1x1x16xf32> to vector<16xf32>
        %mul3A_1416 = vector.broadcast %convert_element_type3A_1386 : f32 to vector<16xf32>
        %mul3A_1417 = arith.mulf %mul3A_1416, %get3A_1415 : vector<16xf32>
        %add3A_1418 = arith.addf %add3A_1347, %mul3A_1417 : vector<16xf32>
        %get3A_1419 = arith.index_cast %rem3A_637 : i32 to index
        %get3A_1420 = arith.index_cast %add3A_1383 : i32 to index
        %get3A_1421 = arith.constant 64 : index
        %get3A_1422 = tpu.vector_load %arg11[%get3A_1419, %get3A_1420, %get3A_1421] {strides = array<i32>} : memref<8x64x128xf32, #tpu.memory_space<vmem>>, vector<1x1x16xf32>,
        %get3A_1423 = vector.shape_cast %get3A_1422 : vector<1x1x16xf32> to vector<16xf32>
        %mul3A_1424 = vector.broadcast %convert_element_type3A_1386 : f32 to vector<16xf32>
        %mul3A_1425 = arith.mulf %mul3A_1424, %get3A_1423 : vector<16xf32>
        %add3A_1426 = arith.addf %add3A_1355, %mul3A_1425 : vector<16xf32>
        %get3A_1427 = arith.index_cast %rem3A_637 : i32 to index
        %get3A_1428 = arith.index_cast %add3A_1383 : i32 to index
        %get3A_1429 = arith.constant 80 : index
        %get3A_1430 = tpu.vector_load %arg11[%get3A_1427, %get3A_1428, %get3A_1429] {strides = array<i32>} : memref<8x64x128xf32, #tpu.memory_space<vmem>>, vector<1x1x16xf32>,
        %get3A_1431 = vector.shape_cast %get3A_1430 : vector<1x1x16xf32> to vector<16xf32>
        %mul3A_1432 = vector.broadcast %convert_element_type3A_1386 : f32 to vector<16xf32>
        %mul3A_1433 = arith.mulf %mul3A_1432, %get3A_1431 : vector<16xf32>
        %add3A_1434 = arith.addf %add3A_1363, %mul3A_1433 : vector<16xf32>
        %get3A_1435 = arith.index_cast %rem3A_637 : i32 to index
        %get3A_1436 = arith.index_cast %add3A_1383 : i32 to index
        %get3A_1437 = arith.constant 96 : index
        %get3A_1438 = tpu.vector_load %arg11[%get3A_1435, %get3A_1436, %get3A_1437] {strides = array<i32>} : memref<8x64x128xf32, #tpu.memory_space<vmem>>, vector<1x1x16xf32>,
        %get3A_1439 = vector.shape_cast %get3A_1438 : vector<1x1x16xf32> to vector<16xf32>
        %mul3A_1440 = vector.broadcast %convert_element_type3A_1386 : f32 to vector<16xf32>
        %mul3A_1441 = arith.mulf %mul3A_1440, %get3A_1439 : vector<16xf32>
        %add3A_1442 = arith.addf %add3A_1371, %mul3A_1441 : vector<16xf32>
        %get3A_1443 = arith.index_cast %rem3A_637 : i32 to index
        %get3A_1444 = arith.index_cast %add3A_1383 : i32 to index
        %get3A_1445 = arith.constant 112 : index
        %get3A_1446 = tpu.vector_load %arg11[%get3A_1443, %get3A_1444, %get3A_1445] {strides = array<i32>} : memref<8x64x128xf32, #tpu.memory_space<vmem>>, vector<1x1x16xf32>,
        %get3A_1447 = vector.shape_cast %get3A_1446 : vector<1x1x16xf32> to vector<16xf32>
        %mul3A_1448 = vector.broadcast %convert_element_type3A_1386 : f32 to vector<16xf32>
        %mul3A_1449 = arith.mulf %mul3A_1448, %get3A_1447 : vector<16xf32>
        %add3A_1450 = arith.addf %add3A_1379, %mul3A_1449 : vector<16xf32>
        %mul3A_1451 = arith.constant 16 : i32
        %mul3A_1452 = arith.muli %while3A_732, %mul3A_1451 : i32
        %add3A_1453 = arith.constant 10 : i32
        %add3A_1454 = arith.addi %mul3A_1452, %add3A_1453 : i32
        %lt3A_1455 = arith.cmpi slt, %add3A_1454, %squeeze3A_642 : i32
        %convert_element_type3A_1456 = arith.extui %lt3A_1455 : i1 to i32
        %convert_element_type3A_1457 = arith.sitofp %convert_element_type3A_1456 : i32 to f32
        %get3A_1458 = arith.index_cast %rem3A_637 : i32 to index
        %get3A_1459 = arith.index_cast %add3A_1454 : i32 to index
        %get3A_1460 = arith.constant 0 : index
        %get3A_1461 = tpu.vector_load %arg11[%get3A_1458, %get3A_1459, %get3A_1460] {strides = array<i32>} : memref<8x64x128xf32, #tpu.memory_space<vmem>>, vector<1x1x16xf32>,
        %get3A_1462 = vector.shape_cast %get3A_1461 : vector<1x1x16xf32> to vector<16xf32>
        %mul3A_1463 = vector.broadcast %convert_element_type3A_1457 : f32 to vector<16xf32>
        %mul3A_1464 = arith.mulf %mul3A_1463, %get3A_1462 : vector<16xf32>
        %add3A_1465 = arith.addf %add3A_1394, %mul3A_1464 : vector<16xf32>
        %get3A_1466 = arith.index_cast %rem3A_637 : i32 to index
        %get3A_1467 = arith.index_cast %add3A_1454 : i32 to index
        %get3A_1468 = arith.constant 16 : index
        %get3A_1469 = tpu.vector_load %arg11[%get3A_1466, %get3A_1467, %get3A_1468] {strides = array<i32>} : memref<8x64x128xf32, #tpu.memory_space<vmem>>, vector<1x1x16xf32>,
        %get3A_1470 = vector.shape_cast %get3A_1469 : vector<1x1x16xf32> to vector<16xf32>
        %mul3A_1471 = vector.broadcast %convert_element_type3A_1457 : f32 to vector<16xf32>
        %mul3A_1472 = arith.mulf %mul3A_1471, %get3A_1470 : vector<16xf32>
        %add3A_1473 = arith.addf %add3A_1402, %mul3A_1472 : vector<16xf32>
        %get3A_1474 = arith.index_cast %rem3A_637 : i32 to index
        %get3A_1475 = arith.index_cast %add3A_1454 : i32 to index
        %get3A_1476 = arith.constant 32 : index
        %get3A_1477 = tpu.vector_load %arg11[%get3A_1474, %get3A_1475, %get3A_1476] {strides = array<i32>} : memref<8x64x128xf32, #tpu.memory_space<vmem>>, vector<1x1x16xf32>,
        %get3A_1478 = vector.shape_cast %get3A_1477 : vector<1x1x16xf32> to vector<16xf32>
        %mul3A_1479 = vector.broadcast %convert_element_type3A_1457 : f32 to vector<16xf32>
        %mul3A_1480 = arith.mulf %mul3A_1479, %get3A_1478 : vector<16xf32>
        %add3A_1481 = arith.addf %add3A_1410, %mul3A_1480 : vector<16xf32>
        %get3A_1482 = arith.index_cast %rem3A_637 : i32 to index
        %get3A_1483 = arith.index_cast %add3A_1454 : i32 to index
        %get3A_1484 = arith.constant 48 : index
        %get3A_1485 = tpu.vector_load %arg11[%get3A_1482, %get3A_1483, %get3A_1484] {strides = array<i32>} : memref<8x64x128xf32, #tpu.memory_space<vmem>>, vector<1x1x16xf32>,
        %get3A_1486 = vector.shape_cast %get3A_1485 : vector<1x1x16xf32> to vector<16xf32>
        %mul3A_1487 = vector.broadcast %convert_element_type3A_1457 : f32 to vector<16xf32>
        %mul3A_1488 = arith.mulf %mul3A_1487, %get3A_1486 : vector<16xf32>
        %add3A_1489 = arith.addf %add3A_1418, %mul3A_1488 : vector<16xf32>
        %get3A_1490 = arith.index_cast %rem3A_637 : i32 to index
        %get3A_1491 = arith.index_cast %add3A_1454 : i32 to index
        %get3A_1492 = arith.constant 64 : index
        %get3A_1493 = tpu.vector_load %arg11[%get3A_1490, %get3A_1491, %get3A_1492] {strides = array<i32>} : memref<8x64x128xf32, #tpu.memory_space<vmem>>, vector<1x1x16xf32>,
        %get3A_1494 = vector.shape_cast %get3A_1493 : vector<1x1x16xf32> to vector<16xf32>
        %mul3A_1495 = vector.broadcast %convert_element_type3A_1457 : f32 to vector<16xf32>
        %mul3A_1496 = arith.mulf %mul3A_1495, %get3A_1494 : vector<16xf32>
        %add3A_1497 = arith.addf %add3A_1426, %mul3A_1496 : vector<16xf32>
        %get3A_1498 = arith.index_cast %rem3A_637 : i32 to index
        %get3A_1499 = arith.index_cast %add3A_1454 : i32 to index
        %get3A_1500 = arith.constant 80 : index
        %get3A_1501 = tpu.vector_load %arg11[%get3A_1498, %get3A_1499, %get3A_1500] {strides = array<i32>} : memref<8x64x128xf32, #tpu.memory_space<vmem>>, vector<1x1x16xf32>,
        %get3A_1502 = vector.shape_cast %get3A_1501 : vector<1x1x16xf32> to vector<16xf32>
        %mul3A_1503 = vector.broadcast %convert_element_type3A_1457 : f32 to vector<16xf32>
        %mul3A_1504 = arith.mulf %mul3A_1503, %get3A_1502 : vector<16xf32>
        %add3A_1505 = arith.addf %add3A_1434, %mul3A_1504 : vector<16xf32>
        %get3A_1506 = arith.index_cast %rem3A_637 : i32 to index
        %get3A_1507 = arith.index_cast %add3A_1454 : i32 to index
        %get3A_1508 = arith.constant 96 : index
        %get3A_1509 = tpu.vector_load %arg11[%get3A_1506, %get3A_1507, %get3A_1508] {strides = array<i32>} : memref<8x64x128xf32, #tpu.memory_space<vmem>>, vector<1x1x16xf32>,
        %get3A_1510 = vector.shape_cast %get3A_1509 : vector<1x1x16xf32> to vector<16xf32>
        %mul3A_1511 = vector.broadcast %convert_element_type3A_1457 : f32 to vector<16xf32>
        %mul3A_1512 = arith.mulf %mul3A_1511, %get3A_1510 : vector<16xf32>
        %add3A_1513 = arith.addf %add3A_1442, %mul3A_1512 : vector<16xf32>
        %get3A_1514 = arith.index_cast %rem3A_637 : i32 to index
        %get3A_1515 = arith.index_cast %add3A_1454 : i32 to index
        %get3A_1516 = arith.constant 112 : index
        %get3A_1517 = tpu.vector_load %arg11[%get3A_1514, %get3A_1515, %get3A_1516] {strides = array<i32>} : memref<8x64x128xf32, #tpu.memory_space<vmem>>, vector<1x1x16xf32>,
        %get3A_1518 = vector.shape_cast %get3A_1517 : vector<1x1x16xf32> to vector<16xf32>
        %mul3A_1519 = vector.broadcast %convert_element_type3A_1457 : f32 to vector<16xf32>
        %mul3A_1520 = arith.mulf %mul3A_1519, %get3A_1518 : vector<16xf32>
        %add3A_1521 = arith.addf %add3A_1450, %mul3A_1520 : vector<16xf32>
        %mul3A_1522 = arith.constant 16 : i32
        %mul3A_1523 = arith.muli %while3A_732, %mul3A_1522 : i32
        %add3A_1524 = arith.constant 11 : i32
        %add3A_1525 = arith.addi %mul3A_1523, %add3A_1524 : i32
        %lt3A_1526 = arith.cmpi slt, %add3A_1525, %squeeze3A_642 : i32
        %convert_element_type3A_1527 = arith.extui %lt3A_1526 : i1 to i32
        %convert_element_type3A_1528 = arith.sitofp %convert_element_type3A_1527 : i32 to f32
        %get3A_1529 = arith.index_cast %rem3A_637 : i32 to index
        %get3A_1530 = arith.index_cast %add3A_1525 : i32 to index
        %get3A_1531 = arith.constant 0 : index
        %get3A_1532 = tpu.vector_load %arg11[%get3A_1529, %get3A_1530, %get3A_1531] {strides = array<i32>} : memref<8x64x128xf32, #tpu.memory_space<vmem>>, vector<1x1x16xf32>,
        %get3A_1533 = vector.shape_cast %get3A_1532 : vector<1x1x16xf32> to vector<16xf32>
        %mul3A_1534 = vector.broadcast %convert_element_type3A_1528 : f32 to vector<16xf32>
        %mul3A_1535 = arith.mulf %mul3A_1534, %get3A_1533 : vector<16xf32>
        %add3A_1536 = arith.addf %add3A_1465, %mul3A_1535 : vector<16xf32>
        %get3A_1537 = arith.index_cast %rem3A_637 : i32 to index
        %get3A_1538 = arith.index_cast %add3A_1525 : i32 to index
        %get3A_1539 = arith.constant 16 : index
        %get3A_1540 = tpu.vector_load %arg11[%get3A_1537, %get3A_1538, %get3A_1539] {strides = array<i32>} : memref<8x64x128xf32, #tpu.memory_space<vmem>>, vector<1x1x16xf32>,
        %get3A_1541 = vector.shape_cast %get3A_1540 : vector<1x1x16xf32> to vector<16xf32>
        %mul3A_1542 = vector.broadcast %convert_element_type3A_1528 : f32 to vector<16xf32>
        %mul3A_1543 = arith.mulf %mul3A_1542, %get3A_1541 : vector<16xf32>
        %add3A_1544 = arith.addf %add3A_1473, %mul3A_1543 : vector<16xf32>
        %get3A_1545 = arith.index_cast %rem3A_637 : i32 to index
        %get3A_1546 = arith.index_cast %add3A_1525 : i32 to index
        %get3A_1547 = arith.constant 32 : index
        %get3A_1548 = tpu.vector_load %arg11[%get3A_1545, %get3A_1546, %get3A_1547] {strides = array<i32>} : memref<8x64x128xf32, #tpu.memory_space<vmem>>, vector<1x1x16xf32>,
        %get3A_1549 = vector.shape_cast %get3A_1548 : vector<1x1x16xf32> to vector<16xf32>
        %mul3A_1550 = vector.broadcast %convert_element_type3A_1528 : f32 to vector<16xf32>
        %mul3A_1551 = arith.mulf %mul3A_1550, %get3A_1549 : vector<16xf32>
        %add3A_1552 = arith.addf %add3A_1481, %mul3A_1551 : vector<16xf32>
        %get3A_1553 = arith.index_cast %rem3A_637 : i32 to index
        %get3A_1554 = arith.index_cast %add3A_1525 : i32 to index
        %get3A_1555 = arith.constant 48 : index
        %get3A_1556 = tpu.vector_load %arg11[%get3A_1553, %get3A_1554, %get3A_1555] {strides = array<i32>} : memref<8x64x128xf32, #tpu.memory_space<vmem>>, vector<1x1x16xf32>,
        %get3A_1557 = vector.shape_cast %get3A_1556 : vector<1x1x16xf32> to vector<16xf32>
        %mul3A_1558 = vector.broadcast %convert_element_type3A_1528 : f32 to vector<16xf32>
        %mul3A_1559 = arith.mulf %mul3A_1558, %get3A_1557 : vector<16xf32>
        %add3A_1560 = arith.addf %add3A_1489, %mul3A_1559 : vector<16xf32>
        %get3A_1561 = arith.index_cast %rem3A_637 : i32 to index
        %get3A_1562 = arith.index_cast %add3A_1525 : i32 to index
        %get3A_1563 = arith.constant 64 : index
        %get3A_1564 = tpu.vector_load %arg11[%get3A_1561, %get3A_1562, %get3A_1563] {strides = array<i32>} : memref<8x64x128xf32, #tpu.memory_space<vmem>>, vector<1x1x16xf32>,
        %get3A_1565 = vector.shape_cast %get3A_1564 : vector<1x1x16xf32> to vector<16xf32>
        %mul3A_1566 = vector.broadcast %convert_element_type3A_1528 : f32 to vector<16xf32>
        %mul3A_1567 = arith.mulf %mul3A_1566, %get3A_1565 : vector<16xf32>
        %add3A_1568 = arith.addf %add3A_1497, %mul3A_1567 : vector<16xf32>
        %get3A_1569 = arith.index_cast %rem3A_637 : i32 to index
        %get3A_1570 = arith.index_cast %add3A_1525 : i32 to index
        %get3A_1571 = arith.constant 80 : index
        %get3A_1572 = tpu.vector_load %arg11[%get3A_1569, %get3A_1570, %get3A_1571] {strides = array<i32>} : memref<8x64x128xf32, #tpu.memory_space<vmem>>, vector<1x1x16xf32>,
        %get3A_1573 = vector.shape_cast %get3A_1572 : vector<1x1x16xf32> to vector<16xf32>
        %mul3A_1574 = vector.broadcast %convert_element_type3A_1528 : f32 to vector<16xf32>
        %mul3A_1575 = arith.mulf %mul3A_1574, %get3A_1573 : vector<16xf32>
        %add3A_1576 = arith.addf %add3A_1505, %mul3A_1575 : vector<16xf32>
        %get3A_1577 = arith.index_cast %rem3A_637 : i32 to index
        %get3A_1578 = arith.index_cast %add3A_1525 : i32 to index
        %get3A_1579 = arith.constant 96 : index
        %get3A_1580 = tpu.vector_load %arg11[%get3A_1577, %get3A_1578, %get3A_1579] {strides = array<i32>} : memref<8x64x128xf32, #tpu.memory_space<vmem>>, vector<1x1x16xf32>,
        %get3A_1581 = vector.shape_cast %get3A_1580 : vector<1x1x16xf32> to vector<16xf32>
        %mul3A_1582 = vector.broadcast %convert_element_type3A_1528 : f32 to vector<16xf32>
        %mul3A_1583 = arith.mulf %mul3A_1582, %get3A_1581 : vector<16xf32>
        %add3A_1584 = arith.addf %add3A_1513, %mul3A_1583 : vector<16xf32>
        %get3A_1585 = arith.index_cast %rem3A_637 : i32 to index
        %get3A_1586 = arith.index_cast %add3A_1525 : i32 to index
        %get3A_1587 = arith.constant 112 : index
        %get3A_1588 = tpu.vector_load %arg11[%get3A_1585, %get3A_1586, %get3A_1587] {strides = array<i32>} : memref<8x64x128xf32, #tpu.memory_space<vmem>>, vector<1x1x16xf32>,
        %get3A_1589 = vector.shape_cast %get3A_1588 : vector<1x1x16xf32> to vector<16xf32>
        %mul3A_1590 = vector.broadcast %convert_element_type3A_1528 : f32 to vector<16xf32>
        %mul3A_1591 = arith.mulf %mul3A_1590, %get3A_1589 : vector<16xf32>
        %add3A_1592 = arith.addf %add3A_1521, %mul3A_1591 : vector<16xf32>
        %mul3A_1593 = arith.constant 16 : i32
        %mul3A_1594 = arith.muli %while3A_732, %mul3A_1593 : i32
        %add3A_1595 = arith.constant 12 : i32
        %add3A_1596 = arith.addi %mul3A_1594, %add3A_1595 : i32
        %lt3A_1597 = arith.cmpi slt, %add3A_1596, %squeeze3A_642 : i32
        %convert_element_type3A_1598 = arith.extui %lt3A_1597 : i1 to i32
        %convert_element_type3A_1599 = arith.sitofp %convert_element_type3A_1598 : i32 to f32
        %get3A_1600 = arith.index_cast %rem3A_637 : i32 to index
        %get3A_1601 = arith.index_cast %add3A_1596 : i32 to index
        %get3A_1602 = arith.constant 0 : index
        %get3A_1603 = tpu.vector_load %arg11[%get3A_1600, %get3A_1601, %get3A_1602] {strides = array<i32>} : memref<8x64x128xf32, #tpu.memory_space<vmem>>, vector<1x1x16xf32>,
        %get3A_1604 = vector.shape_cast %get3A_1603 : vector<1x1x16xf32> to vector<16xf32>
        %mul3A_1605 = vector.broadcast %convert_element_type3A_1599 : f32 to vector<16xf32>
        %mul3A_1606 = arith.mulf %mul3A_1605, %get3A_1604 : vector<16xf32>
        %add3A_1607 = arith.addf %add3A_1536, %mul3A_1606 : vector<16xf32>
        %get3A_1608 = arith.index_cast %rem3A_637 : i32 to index
        %get3A_1609 = arith.index_cast %add3A_1596 : i32 to index
        %get3A_1610 = arith.constant 16 : index
        %get3A_1611 = tpu.vector_load %arg11[%get3A_1608, %get3A_1609, %get3A_1610] {strides = array<i32>} : memref<8x64x128xf32, #tpu.memory_space<vmem>>, vector<1x1x16xf32>,
        %get3A_1612 = vector.shape_cast %get3A_1611 : vector<1x1x16xf32> to vector<16xf32>
        %mul3A_1613 = vector.broadcast %convert_element_type3A_1599 : f32 to vector<16xf32>
        %mul3A_1614 = arith.mulf %mul3A_1613, %get3A_1612 : vector<16xf32>
        %add3A_1615 = arith.addf %add3A_1544, %mul3A_1614 : vector<16xf32>
        %get3A_1616 = arith.index_cast %rem3A_637 : i32 to index
        %get3A_1617 = arith.index_cast %add3A_1596 : i32 to index
        %get3A_1618 = arith.constant 32 : index
        %get3A_1619 = tpu.vector_load %arg11[%get3A_1616, %get3A_1617, %get3A_1618] {strides = array<i32>} : memref<8x64x128xf32, #tpu.memory_space<vmem>>, vector<1x1x16xf32>,
        %get3A_1620 = vector.shape_cast %get3A_1619 : vector<1x1x16xf32> to vector<16xf32>
        %mul3A_1621 = vector.broadcast %convert_element_type3A_1599 : f32 to vector<16xf32>
        %mul3A_1622 = arith.mulf %mul3A_1621, %get3A_1620 : vector<16xf32>
        %add3A_1623 = arith.addf %add3A_1552, %mul3A_1622 : vector<16xf32>
        %get3A_1624 = arith.index_cast %rem3A_637 : i32 to index
        %get3A_1625 = arith.index_cast %add3A_1596 : i32 to index
        %get3A_1626 = arith.constant 48 : index
        %get3A_1627 = tpu.vector_load %arg11[%get3A_1624, %get3A_1625, %get3A_1626] {strides = array<i32>} : memref<8x64x128xf32, #tpu.memory_space<vmem>>, vector<1x1x16xf32>,
        %get3A_1628 = vector.shape_cast %get3A_1627 : vector<1x1x16xf32> to vector<16xf32>
        %mul3A_1629 = vector.broadcast %convert_element_type3A_1599 : f32 to vector<16xf32>
        %mul3A_1630 = arith.mulf %mul3A_1629, %get3A_1628 : vector<16xf32>
        %add3A_1631 = arith.addf %add3A_1560, %mul3A_1630 : vector<16xf32>
        %get3A_1632 = arith.index_cast %rem3A_637 : i32 to index
        %get3A_1633 = arith.index_cast %add3A_1596 : i32 to index
        %get3A_1634 = arith.constant 64 : index
        %get3A_1635 = tpu.vector_load %arg11[%get3A_1632, %get3A_1633, %get3A_1634] {strides = array<i32>} : memref<8x64x128xf32, #tpu.memory_space<vmem>>, vector<1x1x16xf32>,
        %get3A_1636 = vector.shape_cast %get3A_1635 : vector<1x1x16xf32> to vector<16xf32>
        %mul3A_1637 = vector.broadcast %convert_element_type3A_1599 : f32 to vector<16xf32>
        %mul3A_1638 = arith.mulf %mul3A_1637, %get3A_1636 : vector<16xf32>
        %add3A_1639 = arith.addf %add3A_1568, %mul3A_1638 : vector<16xf32>
        %get3A_1640 = arith.index_cast %rem3A_637 : i32 to index
        %get3A_1641 = arith.index_cast %add3A_1596 : i32 to index
        %get3A_1642 = arith.constant 80 : index
        %get3A_1643 = tpu.vector_load %arg11[%get3A_1640, %get3A_1641, %get3A_1642] {strides = array<i32>} : memref<8x64x128xf32, #tpu.memory_space<vmem>>, vector<1x1x16xf32>,
        %get3A_1644 = vector.shape_cast %get3A_1643 : vector<1x1x16xf32> to vector<16xf32>
        %mul3A_1645 = vector.broadcast %convert_element_type3A_1599 : f32 to vector<16xf32>
        %mul3A_1646 = arith.mulf %mul3A_1645, %get3A_1644 : vector<16xf32>
        %add3A_1647 = arith.addf %add3A_1576, %mul3A_1646 : vector<16xf32>
        %get3A_1648 = arith.index_cast %rem3A_637 : i32 to index
        %get3A_1649 = arith.index_cast %add3A_1596 : i32 to index
        %get3A_1650 = arith.constant 96 : index
        %get3A_1651 = tpu.vector_load %arg11[%get3A_1648, %get3A_1649, %get3A_1650] {strides = array<i32>} : memref<8x64x128xf32, #tpu.memory_space<vmem>>, vector<1x1x16xf32>,
        %get3A_1652 = vector.shape_cast %get3A_1651 : vector<1x1x16xf32> to vector<16xf32>
        %mul3A_1653 = vector.broadcast %convert_element_type3A_1599 : f32 to vector<16xf32>
        %mul3A_1654 = arith.mulf %mul3A_1653, %get3A_1652 : vector<16xf32>
        %add3A_1655 = arith.addf %add3A_1584, %mul3A_1654 : vector<16xf32>
        %get3A_1656 = arith.index_cast %rem3A_637 : i32 to index
        %get3A_1657 = arith.index_cast %add3A_1596 : i32 to index
        %get3A_1658 = arith.constant 112 : index
        %get3A_1659 = tpu.vector_load %arg11[%get3A_1656, %get3A_1657, %get3A_1658] {strides = array<i32>} : memref<8x64x128xf32, #tpu.memory_space<vmem>>, vector<1x1x16xf32>,
        %get3A_1660 = vector.shape_cast %get3A_1659 : vector<1x1x16xf32> to vector<16xf32>
        %mul3A_1661 = vector.broadcast %convert_element_type3A_1599 : f32 to vector<16xf32>
        %mul3A_1662 = arith.mulf %mul3A_1661, %get3A_1660 : vector<16xf32>
        %add3A_1663 = arith.addf %add3A_1592, %mul3A_1662 : vector<16xf32>
        %mul3A_1664 = arith.constant 16 : i32
        %mul3A_1665 = arith.muli %while3A_732, %mul3A_1664 : i32
        %add3A_1666 = arith.constant 13 : i32
        %add3A_1667 = arith.addi %mul3A_1665, %add3A_1666 : i32
        %lt3A_1668 = arith.cmpi slt, %add3A_1667, %squeeze3A_642 : i32
        %convert_element_type3A_1669 = arith.extui %lt3A_1668 : i1 to i32
        %convert_element_type3A_1670 = arith.sitofp %convert_element_type3A_1669 : i32 to f32
        %get3A_1671 = arith.index_cast %rem3A_637 : i32 to index
        %get3A_1672 = arith.index_cast %add3A_1667 : i32 to index
        %get3A_1673 = arith.constant 0 : index
        %get3A_1674 = tpu.vector_load %arg11[%get3A_1671, %get3A_1672, %get3A_1673] {strides = array<i32>} : memref<8x64x128xf32, #tpu.memory_space<vmem>>, vector<1x1x16xf32>,
        %get3A_1675 = vector.shape_cast %get3A_1674 : vector<1x1x16xf32> to vector<16xf32>
        %mul3A_1676 = vector.broadcast %convert_element_type3A_1670 : f32 to vector<16xf32>
        %mul3A_1677 = arith.mulf %mul3A_1676, %get3A_1675 : vector<16xf32>
        %add3A_1678 = arith.addf %add3A_1607, %mul3A_1677 : vector<16xf32>
        %get3A_1679 = arith.index_cast %rem3A_637 : i32 to index
        %get3A_1680 = arith.index_cast %add3A_1667 : i32 to index
        %get3A_1681 = arith.constant 16 : index
        %get3A_1682 = tpu.vector_load %arg11[%get3A_1679, %get3A_1680, %get3A_1681] {strides = array<i32>} : memref<8x64x128xf32, #tpu.memory_space<vmem>>, vector<1x1x16xf32>,
        %get3A_1683 = vector.shape_cast %get3A_1682 : vector<1x1x16xf32> to vector<16xf32>
        %mul3A_1684 = vector.broadcast %convert_element_type3A_1670 : f32 to vector<16xf32>
        %mul3A_1685 = arith.mulf %mul3A_1684, %get3A_1683 : vector<16xf32>
        %add3A_1686 = arith.addf %add3A_1615, %mul3A_1685 : vector<16xf32>
        %get3A_1687 = arith.index_cast %rem3A_637 : i32 to index
        %get3A_1688 = arith.index_cast %add3A_1667 : i32 to index
        %get3A_1689 = arith.constant 32 : index
        %get3A_1690 = tpu.vector_load %arg11[%get3A_1687, %get3A_1688, %get3A_1689] {strides = array<i32>} : memref<8x64x128xf32, #tpu.memory_space<vmem>>, vector<1x1x16xf32>,
        %get3A_1691 = vector.shape_cast %get3A_1690 : vector<1x1x16xf32> to vector<16xf32>
        %mul3A_1692 = vector.broadcast %convert_element_type3A_1670 : f32 to vector<16xf32>
        %mul3A_1693 = arith.mulf %mul3A_1692, %get3A_1691 : vector<16xf32>
        %add3A_1694 = arith.addf %add3A_1623, %mul3A_1693 : vector<16xf32>
        %get3A_1695 = arith.index_cast %rem3A_637 : i32 to index
        %get3A_1696 = arith.index_cast %add3A_1667 : i32 to index
        %get3A_1697 = arith.constant 48 : index
        %get3A_1698 = tpu.vector_load %arg11[%get3A_1695, %get3A_1696, %get3A_1697] {strides = array<i32>} : memref<8x64x128xf32, #tpu.memory_space<vmem>>, vector<1x1x16xf32>,
        %get3A_1699 = vector.shape_cast %get3A_1698 : vector<1x1x16xf32> to vector<16xf32>
        %mul3A_1700 = vector.broadcast %convert_element_type3A_1670 : f32 to vector<16xf32>
        %mul3A_1701 = arith.mulf %mul3A_1700, %get3A_1699 : vector<16xf32>
        %add3A_1702 = arith.addf %add3A_1631, %mul3A_1701 : vector<16xf32>
        %get3A_1703 = arith.index_cast %rem3A_637 : i32 to index
        %get3A_1704 = arith.index_cast %add3A_1667 : i32 to index
        %get3A_1705 = arith.constant 64 : index
        %get3A_1706 = tpu.vector_load %arg11[%get3A_1703, %get3A_1704, %get3A_1705] {strides = array<i32>} : memref<8x64x128xf32, #tpu.memory_space<vmem>>, vector<1x1x16xf32>,
        %get3A_1707 = vector.shape_cast %get3A_1706 : vector<1x1x16xf32> to vector<16xf32>
        %mul3A_1708 = vector.broadcast %convert_element_type3A_1670 : f32 to vector<16xf32>
        %mul3A_1709 = arith.mulf %mul3A_1708, %get3A_1707 : vector<16xf32>
        %add3A_1710 = arith.addf %add3A_1639, %mul3A_1709 : vector<16xf32>
        %get3A_1711 = arith.index_cast %rem3A_637 : i32 to index
        %get3A_1712 = arith.index_cast %add3A_1667 : i32 to index
        %get3A_1713 = arith.constant 80 : index
        %get3A_1714 = tpu.vector_load %arg11[%get3A_1711, %get3A_1712, %get3A_1713] {strides = array<i32>} : memref<8x64x128xf32, #tpu.memory_space<vmem>>, vector<1x1x16xf32>,
        %get3A_1715 = vector.shape_cast %get3A_1714 : vector<1x1x16xf32> to vector<16xf32>
        %mul3A_1716 = vector.broadcast %convert_element_type3A_1670 : f32 to vector<16xf32>
        %mul3A_1717 = arith.mulf %mul3A_1716, %get3A_1715 : vector<16xf32>
        %add3A_1718 = arith.addf %add3A_1647, %mul3A_1717 : vector<16xf32>
        %get3A_1719 = arith.index_cast %rem3A_637 : i32 to index
        %get3A_1720 = arith.index_cast %add3A_1667 : i32 to index
        %get3A_1721 = arith.constant 96 : index
        %get3A_1722 = tpu.vector_load %arg11[%get3A_1719, %get3A_1720, %get3A_1721] {strides = array<i32>} : memref<8x64x128xf32, #tpu.memory_space<vmem>>, vector<1x1x16xf32>,
        %get3A_1723 = vector.shape_cast %get3A_1722 : vector<1x1x16xf32> to vector<16xf32>
        %mul3A_1724 = vector.broadcast %convert_element_type3A_1670 : f32 to vector<16xf32>
        %mul3A_1725 = arith.mulf %mul3A_1724, %get3A_1723 : vector<16xf32>
        %add3A_1726 = arith.addf %add3A_1655, %mul3A_1725 : vector<16xf32>
        %get3A_1727 = arith.index_cast %rem3A_637 : i32 to index
        %get3A_1728 = arith.index_cast %add3A_1667 : i32 to index
        %get3A_1729 = arith.constant 112 : index
        %get3A_1730 = tpu.vector_load %arg11[%get3A_1727, %get3A_1728, %get3A_1729] {strides = array<i32>} : memref<8x64x128xf32, #tpu.memory_space<vmem>>, vector<1x1x16xf32>,
        %get3A_1731 = vector.shape_cast %get3A_1730 : vector<1x1x16xf32> to vector<16xf32>
        %mul3A_1732 = vector.broadcast %convert_element_type3A_1670 : f32 to vector<16xf32>
        %mul3A_1733 = arith.mulf %mul3A_1732, %get3A_1731 : vector<16xf32>
        %add3A_1734 = arith.addf %add3A_1663, %mul3A_1733 : vector<16xf32>
        %mul3A_1735 = arith.constant 16 : i32
        %mul3A_1736 = arith.muli %while3A_732, %mul3A_1735 : i32
        %add3A_1737 = arith.constant 14 : i32
        %add3A_1738 = arith.addi %mul3A_1736, %add3A_1737 : i32
        %lt3A_1739 = arith.cmpi slt, %add3A_1738, %squeeze3A_642 : i32
        %convert_element_type3A_1740 = arith.extui %lt3A_1739 : i1 to i32
        %convert_element_type3A_1741 = arith.sitofp %convert_element_type3A_1740 : i32 to f32
        %get3A_1742 = arith.index_cast %rem3A_637 : i32 to index
        %get3A_1743 = arith.index_cast %add3A_1738 : i32 to index
        %get3A_1744 = arith.constant 0 : index
        %get3A_1745 = tpu.vector_load %arg11[%get3A_1742, %get3A_1743, %get3A_1744] {strides = array<i32>} : memref<8x64x128xf32, #tpu.memory_space<vmem>>, vector<1x1x16xf32>,
        %get3A_1746 = vector.shape_cast %get3A_1745 : vector<1x1x16xf32> to vector<16xf32>
        %mul3A_1747 = vector.broadcast %convert_element_type3A_1741 : f32 to vector<16xf32>
        %mul3A_1748 = arith.mulf %mul3A_1747, %get3A_1746 : vector<16xf32>
        %add3A_1749 = arith.addf %add3A_1678, %mul3A_1748 : vector<16xf32>
        %get3A_1750 = arith.index_cast %rem3A_637 : i32 to index
        %get3A_1751 = arith.index_cast %add3A_1738 : i32 to index
        %get3A_1752 = arith.constant 16 : index
        %get3A_1753 = tpu.vector_load %arg11[%get3A_1750, %get3A_1751, %get3A_1752] {strides = array<i32>} : memref<8x64x128xf32, #tpu.memory_space<vmem>>, vector<1x1x16xf32>,
        %get3A_1754 = vector.shape_cast %get3A_1753 : vector<1x1x16xf32> to vector<16xf32>
        %mul3A_1755 = vector.broadcast %convert_element_type3A_1741 : f32 to vector<16xf32>
        %mul3A_1756 = arith.mulf %mul3A_1755, %get3A_1754 : vector<16xf32>
        %add3A_1757 = arith.addf %add3A_1686, %mul3A_1756 : vector<16xf32>
        %get3A_1758 = arith.index_cast %rem3A_637 : i32 to index
        %get3A_1759 = arith.index_cast %add3A_1738 : i32 to index
        %get3A_1760 = arith.constant 32 : index
        %get3A_1761 = tpu.vector_load %arg11[%get3A_1758, %get3A_1759, %get3A_1760] {strides = array<i32>} : memref<8x64x128xf32, #tpu.memory_space<vmem>>, vector<1x1x16xf32>,
        %get3A_1762 = vector.shape_cast %get3A_1761 : vector<1x1x16xf32> to vector<16xf32>
        %mul3A_1763 = vector.broadcast %convert_element_type3A_1741 : f32 to vector<16xf32>
        %mul3A_1764 = arith.mulf %mul3A_1763, %get3A_1762 : vector<16xf32>
        %add3A_1765 = arith.addf %add3A_1694, %mul3A_1764 : vector<16xf32>
        %get3A_1766 = arith.index_cast %rem3A_637 : i32 to index
        %get3A_1767 = arith.index_cast %add3A_1738 : i32 to index
        %get3A_1768 = arith.constant 48 : index
        %get3A_1769 = tpu.vector_load %arg11[%get3A_1766, %get3A_1767, %get3A_1768] {strides = array<i32>} : memref<8x64x128xf32, #tpu.memory_space<vmem>>, vector<1x1x16xf32>,
        %get3A_1770 = vector.shape_cast %get3A_1769 : vector<1x1x16xf32> to vector<16xf32>
        %mul3A_1771 = vector.broadcast %convert_element_type3A_1741 : f32 to vector<16xf32>
        %mul3A_1772 = arith.mulf %mul3A_1771, %get3A_1770 : vector<16xf32>
        %add3A_1773 = arith.addf %add3A_1702, %mul3A_1772 : vector<16xf32>
        %get3A_1774 = arith.index_cast %rem3A_637 : i32 to index
        %get3A_1775 = arith.index_cast %add3A_1738 : i32 to index
        %get3A_1776 = arith.constant 64 : index
        %get3A_1777 = tpu.vector_load %arg11[%get3A_1774, %get3A_1775, %get3A_1776] {strides = array<i32>} : memref<8x64x128xf32, #tpu.memory_space<vmem>>, vector<1x1x16xf32>,
        %get3A_1778 = vector.shape_cast %get3A_1777 : vector<1x1x16xf32> to vector<16xf32>
        %mul3A_1779 = vector.broadcast %convert_element_type3A_1741 : f32 to vector<16xf32>
        %mul3A_1780 = arith.mulf %mul3A_1779, %get3A_1778 : vector<16xf32>
        %add3A_1781 = arith.addf %add3A_1710, %mul3A_1780 : vector<16xf32>
        %get3A_1782 = arith.index_cast %rem3A_637 : i32 to index
        %get3A_1783 = arith.index_cast %add3A_1738 : i32 to index
        %get3A_1784 = arith.constant 80 : index
        %get3A_1785 = tpu.vector_load %arg11[%get3A_1782, %get3A_1783, %get3A_1784] {strides = array<i32>} : memref<8x64x128xf32, #tpu.memory_space<vmem>>, vector<1x1x16xf32>,
        %get3A_1786 = vector.shape_cast %get3A_1785 : vector<1x1x16xf32> to vector<16xf32>
        %mul3A_1787 = vector.broadcast %convert_element_type3A_1741 : f32 to vector<16xf32>
        %mul3A_1788 = arith.mulf %mul3A_1787, %get3A_1786 : vector<16xf32>
        %add3A_1789 = arith.addf %add3A_1718, %mul3A_1788 : vector<16xf32>
        %get3A_1790 = arith.index_cast %rem3A_637 : i32 to index
        %get3A_1791 = arith.index_cast %add3A_1738 : i32 to index
        %get3A_1792 = arith.constant 96 : index
        %get3A_1793 = tpu.vector_load %arg11[%get3A_1790, %get3A_1791, %get3A_1792] {strides = array<i32>} : memref<8x64x128xf32, #tpu.memory_space<vmem>>, vector<1x1x16xf32>,
        %get3A_1794 = vector.shape_cast %get3A_1793 : vector<1x1x16xf32> to vector<16xf32>
        %mul3A_1795 = vector.broadcast %convert_element_type3A_1741 : f32 to vector<16xf32>
        %mul3A_1796 = arith.mulf %mul3A_1795, %get3A_1794 : vector<16xf32>
        %add3A_1797 = arith.addf %add3A_1726, %mul3A_1796 : vector<16xf32>
        %get3A_1798 = arith.index_cast %rem3A_637 : i32 to index
        %get3A_1799 = arith.index_cast %add3A_1738 : i32 to index
        %get3A_1800 = arith.constant 112 : index
        %get3A_1801 = tpu.vector_load %arg11[%get3A_1798, %get3A_1799, %get3A_1800] {strides = array<i32>} : memref<8x64x128xf32, #tpu.memory_space<vmem>>, vector<1x1x16xf32>,
        %get3A_1802 = vector.shape_cast %get3A_1801 : vector<1x1x16xf32> to vector<16xf32>
        %mul3A_1803 = vector.broadcast %convert_element_type3A_1741 : f32 to vector<16xf32>
        %mul3A_1804 = arith.mulf %mul3A_1803, %get3A_1802 : vector<16xf32>
        %add3A_1805 = arith.addf %add3A_1734, %mul3A_1804 : vector<16xf32>
        %mul3A_1806 = arith.constant 16 : i32
        %mul3A_1807 = arith.muli %while3A_732, %mul3A_1806 : i32
        %add3A_1808 = arith.constant 15 : i32
        %add3A_1809 = arith.addi %mul3A_1807, %add3A_1808 : i32
        %lt3A_1810 = arith.cmpi slt, %add3A_1809, %squeeze3A_642 : i32
        %convert_element_type3A_1811 = arith.extui %lt3A_1810 : i1 to i32
        %convert_element_type3A_1812 = arith.sitofp %convert_element_type3A_1811 : i32 to f32
        %get3A_1813 = arith.index_cast %rem3A_637 : i32 to index
        %get3A_1814 = arith.index_cast %add3A_1809 : i32 to index
        %get3A_1815 = arith.constant 0 : index
        %get3A_1816 = tpu.vector_load %arg11[%get3A_1813, %get3A_1814, %get3A_1815] {strides = array<i32>} : memref<8x64x128xf32, #tpu.memory_space<vmem>>, vector<1x1x16xf32>,
        %get3A_1817 = vector.shape_cast %get3A_1816 : vector<1x1x16xf32> to vector<16xf32>
        %mul3A_1818 = vector.broadcast %convert_element_type3A_1812 : f32 to vector<16xf32>
        %mul3A_1819 = arith.mulf %mul3A_1818, %get3A_1817 : vector<16xf32>
        %add3A_1820 = arith.addf %add3A_1749, %mul3A_1819 : vector<16xf32>
        %get3A_1821 = arith.index_cast %rem3A_637 : i32 to index
        %get3A_1822 = arith.index_cast %add3A_1809 : i32 to index
        %get3A_1823 = arith.constant 16 : index
        %get3A_1824 = tpu.vector_load %arg11[%get3A_1821, %get3A_1822, %get3A_1823] {strides = array<i32>} : memref<8x64x128xf32, #tpu.memory_space<vmem>>, vector<1x1x16xf32>,
        %get3A_1825 = vector.shape_cast %get3A_1824 : vector<1x1x16xf32> to vector<16xf32>
        %mul3A_1826 = vector.broadcast %convert_element_type3A_1812 : f32 to vector<16xf32>
        %mul3A_1827 = arith.mulf %mul3A_1826, %get3A_1825 : vector<16xf32>
        %add3A_1828 = arith.addf %add3A_1757, %mul3A_1827 : vector<16xf32>
        %get3A_1829 = arith.index_cast %rem3A_637 : i32 to index
        %get3A_1830 = arith.index_cast %add3A_1809 : i32 to index
        %get3A_1831 = arith.constant 32 : index
        %get3A_1832 = tpu.vector_load %arg11[%get3A_1829, %get3A_1830, %get3A_1831] {strides = array<i32>} : memref<8x64x128xf32, #tpu.memory_space<vmem>>, vector<1x1x16xf32>,
        %get3A_1833 = vector.shape_cast %get3A_1832 : vector<1x1x16xf32> to vector<16xf32>
        %mul3A_1834 = vector.broadcast %convert_element_type3A_1812 : f32 to vector<16xf32>
        %mul3A_1835 = arith.mulf %mul3A_1834, %get3A_1833 : vector<16xf32>
        %add3A_1836 = arith.addf %add3A_1765, %mul3A_1835 : vector<16xf32>
        %get3A_1837 = arith.index_cast %rem3A_637 : i32 to index
        %get3A_1838 = arith.index_cast %add3A_1809 : i32 to index
        %get3A_1839 = arith.constant 48 : index
        %get3A_1840 = tpu.vector_load %arg11[%get3A_1837, %get3A_1838, %get3A_1839] {strides = array<i32>} : memref<8x64x128xf32, #tpu.memory_space<vmem>>, vector<1x1x16xf32>,
        %get3A_1841 = vector.shape_cast %get3A_1840 : vector<1x1x16xf32> to vector<16xf32>
        %mul3A_1842 = vector.broadcast %convert_element_type3A_1812 : f32 to vector<16xf32>
        %mul3A_1843 = arith.mulf %mul3A_1842, %get3A_1841 : vector<16xf32>
        %add3A_1844 = arith.addf %add3A_1773, %mul3A_1843 : vector<16xf32>
        %get3A_1845 = arith.index_cast %rem3A_637 : i32 to index
        %get3A_1846 = arith.index_cast %add3A_1809 : i32 to index
        %get3A_1847 = arith.constant 64 : index
        %get3A_1848 = tpu.vector_load %arg11[%get3A_1845, %get3A_1846, %get3A_1847] {strides = array<i32>} : memref<8x64x128xf32, #tpu.memory_space<vmem>>, vector<1x1x16xf32>,
        %get3A_1849 = vector.shape_cast %get3A_1848 : vector<1x1x16xf32> to vector<16xf32>
        %mul3A_1850 = vector.broadcast %convert_element_type3A_1812 : f32 to vector<16xf32>
        %mul3A_1851 = arith.mulf %mul3A_1850, %get3A_1849 : vector<16xf32>
        %add3A_1852 = arith.addf %add3A_1781, %mul3A_1851 : vector<16xf32>
        %get3A_1853 = arith.index_cast %rem3A_637 : i32 to index
        %get3A_1854 = arith.index_cast %add3A_1809 : i32 to index
        %get3A_1855 = arith.constant 80 : index
        %get3A_1856 = tpu.vector_load %arg11[%get3A_1853, %get3A_1854, %get3A_1855] {strides = array<i32>} : memref<8x64x128xf32, #tpu.memory_space<vmem>>, vector<1x1x16xf32>,
        %get3A_1857 = vector.shape_cast %get3A_1856 : vector<1x1x16xf32> to vector<16xf32>
        %mul3A_1858 = vector.broadcast %convert_element_type3A_1812 : f32 to vector<16xf32>
        %mul3A_1859 = arith.mulf %mul3A_1858, %get3A_1857 : vector<16xf32>
        %add3A_1860 = arith.addf %add3A_1789, %mul3A_1859 : vector<16xf32>
        %get3A_1861 = arith.index_cast %rem3A_637 : i32 to index
        %get3A_1862 = arith.index_cast %add3A_1809 : i32 to index
        %get3A_1863 = arith.constant 96 : index
        %get3A_1864 = tpu.vector_load %arg11[%get3A_1861, %get3A_1862, %get3A_1863] {strides = array<i32>} : memref<8x64x128xf32, #tpu.memory_space<vmem>>, vector<1x1x16xf32>,
        %get3A_1865 = vector.shape_cast %get3A_1864 : vector<1x1x16xf32> to vector<16xf32>
        %mul3A_1866 = vector.broadcast %convert_element_type3A_1812 : f32 to vector<16xf32>
        %mul3A_1867 = arith.mulf %mul3A_1866, %get3A_1865 : vector<16xf32>
        %add3A_1868 = arith.addf %add3A_1797, %mul3A_1867 : vector<16xf32>
        %get3A_1869 = arith.index_cast %rem3A_637 : i32 to index
        %get3A_1870 = arith.index_cast %add3A_1809 : i32 to index
        %get3A_1871 = arith.constant 112 : index
        %get3A_1872 = tpu.vector_load %arg11[%get3A_1869, %get3A_1870, %get3A_1871] {strides = array<i32>} : memref<8x64x128xf32, #tpu.memory_space<vmem>>, vector<1x1x16xf32>,
        %get3A_1873 = vector.shape_cast %get3A_1872 : vector<1x1x16xf32> to vector<16xf32>
        %mul3A_1874 = vector.broadcast %convert_element_type3A_1812 : f32 to vector<16xf32>
        %mul3A_1875 = arith.mulf %mul3A_1874, %get3A_1873 : vector<16xf32>
        %add3A_1876 = arith.addf %add3A_1805, %mul3A_1875 : vector<16xf32>
        scf.yield %add3A_1820, %add3A_1828, %add3A_1836, %add3A_1844, %add3A_1852, %add3A_1860, %add3A_1868, %add3A_1876 : vector<16xf32>, vector<16xf32>, vector<16xf32>, vector<16xf32>, vector<16xf32>, vector<16xf32>, vector<16xf32>, vector<16xf32>
      }
      %swap3A_692 = arith.index_cast %scan3A_630 : i32 to index
      %swap3A_693 = arith.constant 0 : index
      %swap3A_694 = tpu.vector_load %arg12[%swap3A_692, %swap3A_693] {strides = array<i32>} : memref<160x128xf32, #tpu.memory_space<vmem>>, vector<1x16xf32>,
      %swap3A_695 = vector.shape_cast %swap3A_694 : vector<1x16xf32> to vector<16xf32>
      %swap3A_696 = vector.shape_cast %while3A_691#0 : vector<16xf32> to vector<1x16xf32>
      tpu.vector_store %arg12[%swap3A_692, %swap3A_693], %swap3A_696 {strides = array<i32>} : memref<160x128xf32, #tpu.memory_space<vmem>>, vector<1x16xf32>,
      %swap3A_697 = arith.index_cast %scan3A_630 : i32 to index
      %swap3A_698 = arith.constant 16 : index
      %swap3A_699 = tpu.vector_load %arg12[%swap3A_697, %swap3A_698] {strides = array<i32>} : memref<160x128xf32, #tpu.memory_space<vmem>>, vector<1x16xf32>,
      %swap3A_700 = vector.shape_cast %swap3A_699 : vector<1x16xf32> to vector<16xf32>
      %swap3A_701 = vector.shape_cast %while3A_691#1 : vector<16xf32> to vector<1x16xf32>
      tpu.vector_store %arg12[%swap3A_697, %swap3A_698], %swap3A_701 {strides = array<i32>} : memref<160x128xf32, #tpu.memory_space<vmem>>, vector<1x16xf32>,
      %swap3A_702 = arith.index_cast %scan3A_630 : i32 to index
      %swap3A_703 = arith.constant 32 : index
      %swap3A_704 = tpu.vector_load %arg12[%swap3A_702, %swap3A_703] {strides = array<i32>} : memref<160x128xf32, #tpu.memory_space<vmem>>, vector<1x16xf32>,
      %swap3A_705 = vector.shape_cast %swap3A_704 : vector<1x16xf32> to vector<16xf32>
      %swap3A_706 = vector.shape_cast %while3A_691#2 : vector<16xf32> to vector<1x16xf32>
      tpu.vector_store %arg12[%swap3A_702, %swap3A_703], %swap3A_706 {strides = array<i32>} : memref<160x128xf32, #tpu.memory_space<vmem>>, vector<1x16xf32>,
      %swap3A_707 = arith.index_cast %scan3A_630 : i32 to index
      %swap3A_708 = arith.constant 48 : index
      %swap3A_709 = tpu.vector_load %arg12[%swap3A_707, %swap3A_708] {strides = array<i32>} : memref<160x128xf32, #tpu.memory_space<vmem>>, vector<1x16xf32>,
      %swap3A_710 = vector.shape_cast %swap3A_709 : vector<1x16xf32> to vector<16xf32>
      %swap3A_711 = vector.shape_cast %while3A_691#3 : vector<16xf32> to vector<1x16xf32>
      tpu.vector_store %arg12[%swap3A_707, %swap3A_708], %swap3A_711 {strides = array<i32>} : memref<160x128xf32, #tpu.memory_space<vmem>>, vector<1x16xf32>,
      %swap3A_712 = arith.index_cast %scan3A_630 : i32 to index
      %swap3A_713 = arith.constant 64 : index
      %swap3A_714 = tpu.vector_load %arg12[%swap3A_712, %swap3A_713] {strides = array<i32>} : memref<160x128xf32, #tpu.memory_space<vmem>>, vector<1x16xf32>,
      %swap3A_715 = vector.shape_cast %swap3A_714 : vector<1x16xf32> to vector<16xf32>
      %swap3A_716 = vector.shape_cast %while3A_691#4 : vector<16xf32> to vector<1x16xf32>
      tpu.vector_store %arg12[%swap3A_712, %swap3A_713], %swap3A_716 {strides = array<i32>} : memref<160x128xf32, #tpu.memory_space<vmem>>, vector<1x16xf32>,
      %swap3A_717 = arith.index_cast %scan3A_630 : i32 to index
      %swap3A_718 = arith.constant 80 : index
      %swap3A_719 = tpu.vector_load %arg12[%swap3A_717, %swap3A_718] {strides = array<i32>} : memref<160x128xf32, #tpu.memory_space<vmem>>, vector<1x16xf32>,
      %swap3A_720 = vector.shape_cast %swap3A_719 : vector<1x16xf32> to vector<16xf32>
      %swap3A_721 = vector.shape_cast %while3A_691#5 : vector<16xf32> to vector<1x16xf32>
      tpu.vector_store %arg12[%swap3A_717, %swap3A_718], %swap3A_721 {strides = array<i32>} : memref<160x128xf32, #tpu.memory_space<vmem>>, vector<1x16xf32>,
      %swap3A_722 = arith.index_cast %scan3A_630 : i32 to index
      %swap3A_723 = arith.constant 96 : index
      %swap3A_724 = tpu.vector_load %arg12[%swap3A_722, %swap3A_723] {strides = array<i32>} : memref<160x128xf32, #tpu.memory_space<vmem>>, vector<1x16xf32>,
      %swap3A_725 = vector.shape_cast %swap3A_724 : vector<1x16xf32> to vector<16xf32>
      %swap3A_726 = vector.shape_cast %while3A_691#6 : vector<16xf32> to vector<1x16xf32>
      tpu.vector_store %arg12[%swap3A_722, %swap3A_723], %swap3A_726 {strides = array<i32>} : memref<160x128xf32, #tpu.memory_space<vmem>>, vector<1x16xf32>,
      %swap3A_727 = arith.index_cast %scan3A_630 : i32 to index
      %swap3A_728 = arith.constant 112 : index
      %swap3A_729 = tpu.vector_load %arg12[%swap3A_727, %swap3A_728] {strides = array<i32>} : memref<160x128xf32, #tpu.memory_space<vmem>>, vector<1x16xf32>,
      %swap3A_730 = vector.shape_cast %swap3A_729 : vector<1x16xf32> to vector<16xf32>
      %swap3A_731 = vector.shape_cast %while3A_691#7 : vector<16xf32> to vector<1x16xf32>
      tpu.vector_store %arg12[%swap3A_727, %swap3A_728], %swap3A_731 {strides = array<i32>} : memref<160x128xf32, #tpu.memory_space<vmem>>, vector<1x16xf32>,
    }
    %scan3A_589 = arith.constant 160 : i32
    %dma_start3A_590 = arith.constant 0 : i32
    %dma_start3A_591 = arith.constant 0 : i32
    %dma_start3A_592 = arith.constant 0 : i32
    %dma_start3A_593 = tpu.memref_slice %arg12[%dma_start3A_591, %dma_start3A_592] : memref<160x128xf32, #tpu.memory_space<vmem>> -> memref<80x128xf32, #tpu.memory_space<vmem>>
    %dma_start3A_594 = arith.constant 0 : i32
    %dma_start3A_595 = tpu.memref_slice %arg10[%dma_start3A_590, %dma_start3A_594] : memref<2x80xi32, #tpu.memory_space<vmem>> -> memref<1x80xi32, #tpu.memory_space<vmem>>
    %dma_start3A_596 = tpu.memref_squeeze %dma_start3A_595 : memref<1x80xi32, #tpu.memory_space<vmem>> -> memref<80xi32, #tpu.memory_space<vmem>>
    %dma_start3A_597 = arith.constant 0 : i32
    %dma_start3A_598 = arith.constant 0 : i32
    %dma_start3A_599 = tpu.memref_slice %arg5[%dma_start3A_597, %dma_start3A_598] : memref<5120x128xf32, #tpu.memory_space<hbm>> -> memref<5120x128xf32, #tpu.memory_space<hbm>>
    tpu.enqueue_indirect_dma source(%dma_start3A_593 : memref<80x128xf32, #tpu.memory_space<vmem>>) target(%dma_start3A_599 : memref<5120x128xf32, #tpu.memory_space<hbm>>) offsets(%dma_start3A_596 : memref<80xi32, #tpu.memory_space<vmem>>) semaphore(%arg14 : memref<!tpu.dma_semaphore, #tpu.memory_space<semaphore_mem>>)
    %dma_start3A_600 = arith.constant 1 : i32
    %dma_start3A_601 = arith.constant 80 : i32
    %dma_start3A_602 = arith.constant 0 : i32
    %dma_start3A_603 = tpu.memref_slice %arg12[%dma_start3A_601, %dma_start3A_602] : memref<160x128xf32, #tpu.memory_space<vmem>> -> memref<80x128xf32, #tpu.memory_space<vmem>>
    %dma_start3A_604 = arith.constant 0 : i32
    %dma_start3A_605 = tpu.memref_slice %arg10[%dma_start3A_600, %dma_start3A_604] : memref<2x80xi32, #tpu.memory_space<vmem>> -> memref<1x80xi32, #tpu.memory_space<vmem>>
    %dma_start3A_606 = tpu.memref_squeeze %dma_start3A_605 : memref<1x80xi32, #tpu.memory_space<vmem>> -> memref<80xi32, #tpu.memory_space<vmem>>
    %dma_start3A_607 = arith.constant 0 : i32
    %dma_start3A_608 = arith.constant 0 : i32
    %dma_start3A_609 = tpu.memref_slice %arg5[%dma_start3A_607, %dma_start3A_608] : memref<5120x128xf32, #tpu.memory_space<hbm>> -> memref<5120x128xf32, #tpu.memory_space<hbm>>
    tpu.enqueue_indirect_dma source(%dma_start3A_603 : memref<80x128xf32, #tpu.memory_space<vmem>>) target(%dma_start3A_609 : memref<5120x128xf32, #tpu.memory_space<hbm>>) offsets(%dma_start3A_606 : memref<80xi32, #tpu.memory_space<vmem>>) semaphore(%arg14 : memref<!tpu.dma_semaphore, #tpu.memory_space<semaphore_mem>>)
    %dma_wait3A_610 = arith.constant 0 : i32
    %dma_wait3A_611 = arith.constant 0 : i32
    %dma_wait3A_612 = arith.constant 0 : i32
    %dma_wait3A_613 = tpu.memref_slice %arg12[%dma_wait3A_611, %dma_wait3A_612] : memref<160x128xf32, #tpu.memory_space<vmem>> -> memref<80x128xf32, #tpu.memory_space<vmem>>
    %dma_wait3A_614 = arith.constant 0 : i32
    %dma_wait3A_615 = tpu.memref_slice %arg10[%dma_wait3A_610, %dma_wait3A_614] : memref<2x80xi32, #tpu.memory_space<vmem>> -> memref<1x80xi32, #tpu.memory_space<vmem>>
    %dma_wait3A_616 = tpu.memref_squeeze %dma_wait3A_615 : memref<1x80xi32, #tpu.memory_space<vmem>> -> memref<80xi32, #tpu.memory_space<vmem>>
    %dma_wait3A_617 = arith.constant 0 : i32
    %dma_wait3A_618 = arith.constant 0 : i32
    %dma_wait3A_619 = tpu.memref_slice %arg5[%dma_wait3A_617, %dma_wait3A_618] : memref<5120x128xf32, #tpu.memory_space<hbm>> -> memref<5120x128xf32, #tpu.memory_space<hbm>>
    tpu.wait_indirect_dma semaphore(%arg14 : memref<!tpu.dma_semaphore, #tpu.memory_space<semaphore_mem>>) src(%dma_wait3A_613 : memref<80x128xf32, #tpu.memory_space<vmem>>) dst(%dma_wait3A_619 : memref<5120x128xf32, #tpu.memory_space<hbm>>)
    %dma_wait3A_620 = arith.constant 1 : i32
    %dma_wait3A_621 = arith.constant 80 : i32
    %dma_wait3A_622 = arith.constant 0 : i32
    %dma_wait3A_623 = tpu.memref_slice %arg12[%dma_wait3A_621, %dma_wait3A_622] : memref<160x128xf32, #tpu.memory_space<vmem>> -> memref<80x128xf32, #tpu.memory_space<vmem>>
    %dma_wait3A_624 = arith.constant 0 : i32
    %dma_wait3A_625 = tpu.memref_slice %arg10[%dma_wait3A_620, %dma_wait3A_624] : memref<2x80xi32, #tpu.memory_space<vmem>> -> memref<1x80xi32, #tpu.memory_space<vmem>>
    %dma_wait3A_626 = tpu.memref_squeeze %dma_wait3A_625 : memref<1x80xi32, #tpu.memory_space<vmem>> -> memref<80xi32, #tpu.memory_space<vmem>>
    %dma_wait3A_627 = arith.constant 0 : i32
    %dma_wait3A_628 = arith.constant 0 : i32
    %dma_wait3A_629 = tpu.memref_slice %arg5[%dma_wait3A_627, %dma_wait3A_628] : memref<5120x128xf32, #tpu.memory_space<hbm>> -> memref<5120x128xf32, #tpu.memory_space<hbm>>
    tpu.wait_indirect_dma semaphore(%arg14 : memref<!tpu.dma_semaphore, #tpu.memory_space<semaphore_mem>>) src(%dma_wait3A_623 : memref<80x128xf32, #tpu.memory_space<vmem>>) dst(%dma_wait3A_629 : memref<5120x128xf32, #tpu.memory_space<hbm>>)
    return
  }
}

module attributes {stable_mosaic.version = 14 : i64} {
  func.func @_tc_body(%arg0: memref<5120x128xf32, #tpu.memory_space<vmem>>, %arg1: memref<5120x1xi32, #tpu.memory_space<vmem>>, %arg2: memref<256x1xi32, #tpu.memory_space<vmem>>, %arg3: memref<128x128xf32, #tpu.memory_space<vmem>>, %arg4: memref<1x128xf32, #tpu.memory_space<vmem>>, %arg5: memref<128x128xf32, #tpu.memory_space<vmem>>, %arg6: memref<1x128xf32, #tpu.memory_space<vmem>>, %arg7: memref<256x128xf32, #tpu.memory_space<vmem>>) attributes {dimension_semantics = [], scalar_prefetch = 0 : i64, scratch_operands = 0 : i64, tpu.core_type = #tpu.core_type<tc>} {
    %get3A = arith.constant 0 : index
    %get3A_0 = arith.constant 0 : index
    %get3A_1 = vector.load %arg1[%get3A, %get3A_0] : memref<5120x1xi32, #tpu.memory_space<vmem>>, vector<5120x1xi32>
    %get3A_2 = arith.constant 0 : index
    %get3A_3 = arith.constant 0 : index
    %get3A_4 = vector.load %arg0[%get3A_2, %get3A_3] : memref<5120x128xf32, #tpu.memory_space<vmem>>, vector<5120x128xf32>
    %max3A = arith.constant 1 : i32
    %max3A_5 = vector.broadcast %max3A : i32 to vector<5120x1xi32>
    %max3A_6 = arith.maxsi %get3A_1, %max3A_5 : vector<5120x1xi32>
    %convert_element_type3A = arith.sitofp %max3A_6 : vector<5120x1xi32> to vector<5120x1xf32>
    %div3A = vector.broadcast %convert_element_type3A : vector<5120x1xf32> to vector<5120x128xf32>
    %div3A_7 = arith.divf %get3A_4, %div3A : vector<5120x128xf32>
    %get3A_8 = arith.constant 0 : index
    %get3A_9 = arith.constant 0 : index
    %get3A_10 = vector.load %arg3[%get3A_8, %get3A_9] : memref<128x128xf32, #tpu.memory_space<vmem>>, vector<128x128xf32>
    %dot_general3A = arith.constant dense<0.000000e+00> : vector<5120x128xf32>
    %dot_general3A_11 = tpu.matmul %div3A_7, %get3A_10, %dot_general3A {dimension_numbers = #tpu.dot_dimension_numbers<[1], [0], [0], [1], [0, 0, 1, 1], [], []>, transpose_lhs_hint = false} : vector<5120x128xf32>, vector<128x128xf32>, vector<5120x128xf32> -> vector<5120x128xf32>
    %get3A_12 = arith.constant 0 : index
    %get3A_13 = arith.constant 0 : index
    %get3A_14 = vector.load %arg4[%get3A_12, %get3A_13] : memref<1x128xf32, #tpu.memory_space<vmem>>, vector<1x128xf32>
    %add3A = vector.broadcast %get3A_14 : vector<1x128xf32> to vector<5120x128xf32>
    %add3A_15 = arith.addf %dot_general3A_11, %add3A : vector<5120x128xf32>
    %tanh3A = math.tanh %add3A_15 : vector<5120x128xf32>
    %gt3A = arith.constant 0 : i32
    %gt3A_16 = vector.broadcast %gt3A : i32 to vector<5120x1xi32>
    %gt3A_17 = arith.cmpi sgt, %get3A_1, %gt3A_16 : vector<5120x1xi32>
    %convert_element_type3A_18 = arith.extui %gt3A_17 : vector<5120x1xi1> to vector<5120x1xi32>
    %convert_element_type3A_19 = arith.sitofp %convert_element_type3A_18 : vector<5120x1xi32> to vector<5120x1xf32>
    %mul3A = vector.broadcast %convert_element_type3A_19 : vector<5120x1xf32> to vector<5120x128xf32>
    %mul3A_20 = arith.mulf %tanh3A, %mul3A : vector<5120x128xf32>
    %get3A_21 = arith.constant 0 : index
    %get3A_22 = arith.constant 0 : index
    %get3A_23 = vector.load %arg2[%get3A_21, %get3A_22] : memref<256x1xi32, #tpu.memory_space<vmem>>, vector<256x1xi32>
    %max3A_24 = arith.constant 1 : i32
    %max3A_25 = vector.broadcast %max3A_24 : i32 to vector<256x1xi32>
    %max3A_26 = arith.maxsi %get3A_23, %max3A_25 : vector<256x1xi32>
    %convert_element_type3A_27 = arith.sitofp %max3A_26 : vector<256x1xi32> to vector<256x1xf32>
    %div3A_28 = arith.constant 1.000000e+00 : f32
    %div3A_29 = vector.broadcast %div3A_28 : f32 to vector<256x1xf32>
    %div3A_30 = arith.divf %div3A_29, %convert_element_type3A_27 : vector<256x1xf32>
    %broadcast_in_dim3A = arith.constant 0.000000e+00 : f32
    %broadcast_in_dim3A_31 = vector.broadcast %broadcast_in_dim3A : f32 to vector<256x128xf32>
    %gt3A_32 = arith.constant 0 : i32
    %gt3A_33 = vector.broadcast %gt3A_32 : i32 to vector<256x1xi32>
    %gt3A_34 = arith.cmpi sgt, %get3A_23, %gt3A_33 : vector<256x1xi32>
    %jit3A = arith.constant 0.000000e+00 : f32
    %broadcast_in_dim3A_35 = vector.broadcast %jit3A : f32 to vector<256x1xf32>
    %select_n3A = arith.select %gt3A_34, %div3A_30, %broadcast_in_dim3A_35 : vector<256x1xi1>, vector<256x1xf32>
    %slice3A = vector.extract_strided_slice %mul3A_20 {offsets = [0, 0], sizes = [256, 128], strides = [1, 1]} : vector<5120x128xf32> to vector<256x128xf32>
    %mul3A_36 = vector.broadcast %select_n3A : vector<256x1xf32> to vector<256x128xf32>
    %mul3A_37 = arith.mulf %mul3A_36, %slice3A : vector<256x128xf32>
    %add3A_38 = arith.addf %broadcast_in_dim3A_31, %mul3A_37 : vector<256x128xf32>
    %gt3A_39 = arith.constant 1 : i32
    %gt3A_40 = vector.broadcast %gt3A_39 : i32 to vector<256x1xi32>
    %gt3A_41 = arith.cmpi sgt, %get3A_23, %gt3A_40 : vector<256x1xi32>
    %jit3A_42 = arith.constant 0.000000e+00 : f32
    %broadcast_in_dim3A_43 = vector.broadcast %jit3A_42 : f32 to vector<256x1xf32>
    %select_n3A_44 = arith.select %gt3A_41, %div3A_30, %broadcast_in_dim3A_43 : vector<256x1xi1>, vector<256x1xf32>
    %slice3A_45 = vector.extract_strided_slice %mul3A_20 {offsets = [256, 0], sizes = [256, 128], strides = [1, 1]} : vector<5120x128xf32> to vector<256x128xf32>
    %mul3A_46 = vector.broadcast %select_n3A_44 : vector<256x1xf32> to vector<256x128xf32>
    %mul3A_47 = arith.mulf %mul3A_46, %slice3A_45 : vector<256x128xf32>
    %add3A_48 = arith.addf %add3A_38, %mul3A_47 : vector<256x128xf32>
    %gt3A_49 = arith.constant 2 : i32
    %gt3A_50 = vector.broadcast %gt3A_49 : i32 to vector<256x1xi32>
    %gt3A_51 = arith.cmpi sgt, %get3A_23, %gt3A_50 : vector<256x1xi32>
    %jit3A_52 = arith.constant 0.000000e+00 : f32
    %broadcast_in_dim3A_53 = vector.broadcast %jit3A_52 : f32 to vector<256x1xf32>
    %select_n3A_54 = arith.select %gt3A_51, %div3A_30, %broadcast_in_dim3A_53 : vector<256x1xi1>, vector<256x1xf32>
    %slice3A_55 = vector.extract_strided_slice %mul3A_20 {offsets = [512, 0], sizes = [256, 128], strides = [1, 1]} : vector<5120x128xf32> to vector<256x128xf32>
    %mul3A_56 = vector.broadcast %select_n3A_54 : vector<256x1xf32> to vector<256x128xf32>
    %mul3A_57 = arith.mulf %mul3A_56, %slice3A_55 : vector<256x128xf32>
    %add3A_58 = arith.addf %add3A_48, %mul3A_57 : vector<256x128xf32>
    %gt3A_59 = arith.constant 3 : i32
    %gt3A_60 = vector.broadcast %gt3A_59 : i32 to vector<256x1xi32>
    %gt3A_61 = arith.cmpi sgt, %get3A_23, %gt3A_60 : vector<256x1xi32>
    %jit3A_62 = arith.constant 0.000000e+00 : f32
    %broadcast_in_dim3A_63 = vector.broadcast %jit3A_62 : f32 to vector<256x1xf32>
    %select_n3A_64 = arith.select %gt3A_61, %div3A_30, %broadcast_in_dim3A_63 : vector<256x1xi1>, vector<256x1xf32>
    %slice3A_65 = vector.extract_strided_slice %mul3A_20 {offsets = [768, 0], sizes = [256, 128], strides = [1, 1]} : vector<5120x128xf32> to vector<256x128xf32>
    %mul3A_66 = vector.broadcast %select_n3A_64 : vector<256x1xf32> to vector<256x128xf32>
    %mul3A_67 = arith.mulf %mul3A_66, %slice3A_65 : vector<256x128xf32>
    %add3A_68 = arith.addf %add3A_58, %mul3A_67 : vector<256x128xf32>
    %gt3A_69 = arith.constant 4 : i32
    %gt3A_70 = vector.broadcast %gt3A_69 : i32 to vector<256x1xi32>
    %gt3A_71 = arith.cmpi sgt, %get3A_23, %gt3A_70 : vector<256x1xi32>
    %jit3A_72 = arith.constant 0.000000e+00 : f32
    %broadcast_in_dim3A_73 = vector.broadcast %jit3A_72 : f32 to vector<256x1xf32>
    %select_n3A_74 = arith.select %gt3A_71, %div3A_30, %broadcast_in_dim3A_73 : vector<256x1xi1>, vector<256x1xf32>
    %slice3A_75 = vector.extract_strided_slice %mul3A_20 {offsets = [1024, 0], sizes = [256, 128], strides = [1, 1]} : vector<5120x128xf32> to vector<256x128xf32>
    %mul3A_76 = vector.broadcast %select_n3A_74 : vector<256x1xf32> to vector<256x128xf32>
    %mul3A_77 = arith.mulf %mul3A_76, %slice3A_75 : vector<256x128xf32>
    %add3A_78 = arith.addf %add3A_68, %mul3A_77 : vector<256x128xf32>
    %gt3A_79 = arith.constant 5 : i32
    %gt3A_80 = vector.broadcast %gt3A_79 : i32 to vector<256x1xi32>
    %gt3A_81 = arith.cmpi sgt, %get3A_23, %gt3A_80 : vector<256x1xi32>
    %jit3A_82 = arith.constant 0.000000e+00 : f32
    %broadcast_in_dim3A_83 = vector.broadcast %jit3A_82 : f32 to vector<256x1xf32>
    %select_n3A_84 = arith.select %gt3A_81, %div3A_30, %broadcast_in_dim3A_83 : vector<256x1xi1>, vector<256x1xf32>
    %slice3A_85 = vector.extract_strided_slice %mul3A_20 {offsets = [1280, 0], sizes = [256, 128], strides = [1, 1]} : vector<5120x128xf32> to vector<256x128xf32>
    %mul3A_86 = vector.broadcast %select_n3A_84 : vector<256x1xf32> to vector<256x128xf32>
    %mul3A_87 = arith.mulf %mul3A_86, %slice3A_85 : vector<256x128xf32>
    %add3A_88 = arith.addf %add3A_78, %mul3A_87 : vector<256x128xf32>
    %gt3A_89 = arith.constant 6 : i32
    %gt3A_90 = vector.broadcast %gt3A_89 : i32 to vector<256x1xi32>
    %gt3A_91 = arith.cmpi sgt, %get3A_23, %gt3A_90 : vector<256x1xi32>
    %jit3A_92 = arith.constant 0.000000e+00 : f32
    %broadcast_in_dim3A_93 = vector.broadcast %jit3A_92 : f32 to vector<256x1xf32>
    %select_n3A_94 = arith.select %gt3A_91, %div3A_30, %broadcast_in_dim3A_93 : vector<256x1xi1>, vector<256x1xf32>
    %slice3A_95 = vector.extract_strided_slice %mul3A_20 {offsets = [1536, 0], sizes = [256, 128], strides = [1, 1]} : vector<5120x128xf32> to vector<256x128xf32>
    %mul3A_96 = vector.broadcast %select_n3A_94 : vector<256x1xf32> to vector<256x128xf32>
    %mul3A_97 = arith.mulf %mul3A_96, %slice3A_95 : vector<256x128xf32>
    %add3A_98 = arith.addf %add3A_88, %mul3A_97 : vector<256x128xf32>
    %gt3A_99 = arith.constant 7 : i32
    %gt3A_100 = vector.broadcast %gt3A_99 : i32 to vector<256x1xi32>
    %gt3A_101 = arith.cmpi sgt, %get3A_23, %gt3A_100 : vector<256x1xi32>
    %jit3A_102 = arith.constant 0.000000e+00 : f32
    %broadcast_in_dim3A_103 = vector.broadcast %jit3A_102 : f32 to vector<256x1xf32>
    %select_n3A_104 = arith.select %gt3A_101, %div3A_30, %broadcast_in_dim3A_103 : vector<256x1xi1>, vector<256x1xf32>
    %slice3A_105 = vector.extract_strided_slice %mul3A_20 {offsets = [1792, 0], sizes = [256, 128], strides = [1, 1]} : vector<5120x128xf32> to vector<256x128xf32>
    %mul3A_106 = vector.broadcast %select_n3A_104 : vector<256x1xf32> to vector<256x128xf32>
    %mul3A_107 = arith.mulf %mul3A_106, %slice3A_105 : vector<256x128xf32>
    %add3A_108 = arith.addf %add3A_98, %mul3A_107 : vector<256x128xf32>
    %gt3A_109 = arith.constant 8 : i32
    %gt3A_110 = vector.broadcast %gt3A_109 : i32 to vector<256x1xi32>
    %gt3A_111 = arith.cmpi sgt, %get3A_23, %gt3A_110 : vector<256x1xi32>
    %jit3A_112 = arith.constant 0.000000e+00 : f32
    %broadcast_in_dim3A_113 = vector.broadcast %jit3A_112 : f32 to vector<256x1xf32>
    %select_n3A_114 = arith.select %gt3A_111, %div3A_30, %broadcast_in_dim3A_113 : vector<256x1xi1>, vector<256x1xf32>
    %slice3A_115 = vector.extract_strided_slice %mul3A_20 {offsets = [2048, 0], sizes = [256, 128], strides = [1, 1]} : vector<5120x128xf32> to vector<256x128xf32>
    %mul3A_116 = vector.broadcast %select_n3A_114 : vector<256x1xf32> to vector<256x128xf32>
    %mul3A_117 = arith.mulf %mul3A_116, %slice3A_115 : vector<256x128xf32>
    %add3A_118 = arith.addf %add3A_108, %mul3A_117 : vector<256x128xf32>
    %gt3A_119 = arith.constant 9 : i32
    %gt3A_120 = vector.broadcast %gt3A_119 : i32 to vector<256x1xi32>
    %gt3A_121 = arith.cmpi sgt, %get3A_23, %gt3A_120 : vector<256x1xi32>
    %jit3A_122 = arith.constant 0.000000e+00 : f32
    %broadcast_in_dim3A_123 = vector.broadcast %jit3A_122 : f32 to vector<256x1xf32>
    %select_n3A_124 = arith.select %gt3A_121, %div3A_30, %broadcast_in_dim3A_123 : vector<256x1xi1>, vector<256x1xf32>
    %slice3A_125 = vector.extract_strided_slice %mul3A_20 {offsets = [2304, 0], sizes = [256, 128], strides = [1, 1]} : vector<5120x128xf32> to vector<256x128xf32>
    %mul3A_126 = vector.broadcast %select_n3A_124 : vector<256x1xf32> to vector<256x128xf32>
    %mul3A_127 = arith.mulf %mul3A_126, %slice3A_125 : vector<256x128xf32>
    %add3A_128 = arith.addf %add3A_118, %mul3A_127 : vector<256x128xf32>
    %gt3A_129 = arith.constant 10 : i32
    %gt3A_130 = vector.broadcast %gt3A_129 : i32 to vector<256x1xi32>
    %gt3A_131 = arith.cmpi sgt, %get3A_23, %gt3A_130 : vector<256x1xi32>
    %jit3A_132 = arith.constant 0.000000e+00 : f32
    %broadcast_in_dim3A_133 = vector.broadcast %jit3A_132 : f32 to vector<256x1xf32>
    %select_n3A_134 = arith.select %gt3A_131, %div3A_30, %broadcast_in_dim3A_133 : vector<256x1xi1>, vector<256x1xf32>
    %slice3A_135 = vector.extract_strided_slice %mul3A_20 {offsets = [2560, 0], sizes = [256, 128], strides = [1, 1]} : vector<5120x128xf32> to vector<256x128xf32>
    %mul3A_136 = vector.broadcast %select_n3A_134 : vector<256x1xf32> to vector<256x128xf32>
    %mul3A_137 = arith.mulf %mul3A_136, %slice3A_135 : vector<256x128xf32>
    %add3A_138 = arith.addf %add3A_128, %mul3A_137 : vector<256x128xf32>
    %gt3A_139 = arith.constant 11 : i32
    %gt3A_140 = vector.broadcast %gt3A_139 : i32 to vector<256x1xi32>
    %gt3A_141 = arith.cmpi sgt, %get3A_23, %gt3A_140 : vector<256x1xi32>
    %jit3A_142 = arith.constant 0.000000e+00 : f32
    %broadcast_in_dim3A_143 = vector.broadcast %jit3A_142 : f32 to vector<256x1xf32>
    %select_n3A_144 = arith.select %gt3A_141, %div3A_30, %broadcast_in_dim3A_143 : vector<256x1xi1>, vector<256x1xf32>
    %slice3A_145 = vector.extract_strided_slice %mul3A_20 {offsets = [2816, 0], sizes = [256, 128], strides = [1, 1]} : vector<5120x128xf32> to vector<256x128xf32>
    %mul3A_146 = vector.broadcast %select_n3A_144 : vector<256x1xf32> to vector<256x128xf32>
    %mul3A_147 = arith.mulf %mul3A_146, %slice3A_145 : vector<256x128xf32>
    %add3A_148 = arith.addf %add3A_138, %mul3A_147 : vector<256x128xf32>
    %gt3A_149 = arith.constant 12 : i32
    %gt3A_150 = vector.broadcast %gt3A_149 : i32 to vector<256x1xi32>
    %gt3A_151 = arith.cmpi sgt, %get3A_23, %gt3A_150 : vector<256x1xi32>
    %jit3A_152 = arith.constant 0.000000e+00 : f32
    %broadcast_in_dim3A_153 = vector.broadcast %jit3A_152 : f32 to vector<256x1xf32>
    %select_n3A_154 = arith.select %gt3A_151, %div3A_30, %broadcast_in_dim3A_153 : vector<256x1xi1>, vector<256x1xf32>
    %slice3A_155 = vector.extract_strided_slice %mul3A_20 {offsets = [3072, 0], sizes = [256, 128], strides = [1, 1]} : vector<5120x128xf32> to vector<256x128xf32>
    %mul3A_156 = vector.broadcast %select_n3A_154 : vector<256x1xf32> to vector<256x128xf32>
    %mul3A_157 = arith.mulf %mul3A_156, %slice3A_155 : vector<256x128xf32>
    %add3A_158 = arith.addf %add3A_148, %mul3A_157 : vector<256x128xf32>
    %gt3A_159 = arith.constant 13 : i32
    %gt3A_160 = vector.broadcast %gt3A_159 : i32 to vector<256x1xi32>
    %gt3A_161 = arith.cmpi sgt, %get3A_23, %gt3A_160 : vector<256x1xi32>
    %jit3A_162 = arith.constant 0.000000e+00 : f32
    %broadcast_in_dim3A_163 = vector.broadcast %jit3A_162 : f32 to vector<256x1xf32>
    %select_n3A_164 = arith.select %gt3A_161, %div3A_30, %broadcast_in_dim3A_163 : vector<256x1xi1>, vector<256x1xf32>
    %slice3A_165 = vector.extract_strided_slice %mul3A_20 {offsets = [3328, 0], sizes = [256, 128], strides = [1, 1]} : vector<5120x128xf32> to vector<256x128xf32>
    %mul3A_166 = vector.broadcast %select_n3A_164 : vector<256x1xf32> to vector<256x128xf32>
    %mul3A_167 = arith.mulf %mul3A_166, %slice3A_165 : vector<256x128xf32>
    %add3A_168 = arith.addf %add3A_158, %mul3A_167 : vector<256x128xf32>
    %gt3A_169 = arith.constant 14 : i32
    %gt3A_170 = vector.broadcast %gt3A_169 : i32 to vector<256x1xi32>
    %gt3A_171 = arith.cmpi sgt, %get3A_23, %gt3A_170 : vector<256x1xi32>
    %jit3A_172 = arith.constant 0.000000e+00 : f32
    %broadcast_in_dim3A_173 = vector.broadcast %jit3A_172 : f32 to vector<256x1xf32>
    %select_n3A_174 = arith.select %gt3A_171, %div3A_30, %broadcast_in_dim3A_173 : vector<256x1xi1>, vector<256x1xf32>
    %slice3A_175 = vector.extract_strided_slice %mul3A_20 {offsets = [3584, 0], sizes = [256, 128], strides = [1, 1]} : vector<5120x128xf32> to vector<256x128xf32>
    %mul3A_176 = vector.broadcast %select_n3A_174 : vector<256x1xf32> to vector<256x128xf32>
    %mul3A_177 = arith.mulf %mul3A_176, %slice3A_175 : vector<256x128xf32>
    %add3A_178 = arith.addf %add3A_168, %mul3A_177 : vector<256x128xf32>
    %gt3A_179 = arith.constant 15 : i32
    %gt3A_180 = vector.broadcast %gt3A_179 : i32 to vector<256x1xi32>
    %gt3A_181 = arith.cmpi sgt, %get3A_23, %gt3A_180 : vector<256x1xi32>
    %jit3A_182 = arith.constant 0.000000e+00 : f32
    %broadcast_in_dim3A_183 = vector.broadcast %jit3A_182 : f32 to vector<256x1xf32>
    %select_n3A_184 = arith.select %gt3A_181, %div3A_30, %broadcast_in_dim3A_183 : vector<256x1xi1>, vector<256x1xf32>
    %slice3A_185 = vector.extract_strided_slice %mul3A_20 {offsets = [3840, 0], sizes = [256, 128], strides = [1, 1]} : vector<5120x128xf32> to vector<256x128xf32>
    %mul3A_186 = vector.broadcast %select_n3A_184 : vector<256x1xf32> to vector<256x128xf32>
    %mul3A_187 = arith.mulf %mul3A_186, %slice3A_185 : vector<256x128xf32>
    %add3A_188 = arith.addf %add3A_178, %mul3A_187 : vector<256x128xf32>
    %gt3A_189 = arith.constant 16 : i32
    %gt3A_190 = vector.broadcast %gt3A_189 : i32 to vector<256x1xi32>
    %gt3A_191 = arith.cmpi sgt, %get3A_23, %gt3A_190 : vector<256x1xi32>
    %jit3A_192 = arith.constant 0.000000e+00 : f32
    %broadcast_in_dim3A_193 = vector.broadcast %jit3A_192 : f32 to vector<256x1xf32>
    %select_n3A_194 = arith.select %gt3A_191, %div3A_30, %broadcast_in_dim3A_193 : vector<256x1xi1>, vector<256x1xf32>
    %slice3A_195 = vector.extract_strided_slice %mul3A_20 {offsets = [4096, 0], sizes = [256, 128], strides = [1, 1]} : vector<5120x128xf32> to vector<256x128xf32>
    %mul3A_196 = vector.broadcast %select_n3A_194 : vector<256x1xf32> to vector<256x128xf32>
    %mul3A_197 = arith.mulf %mul3A_196, %slice3A_195 : vector<256x128xf32>
    %add3A_198 = arith.addf %add3A_188, %mul3A_197 : vector<256x128xf32>
    %gt3A_199 = arith.constant 17 : i32
    %gt3A_200 = vector.broadcast %gt3A_199 : i32 to vector<256x1xi32>
    %gt3A_201 = arith.cmpi sgt, %get3A_23, %gt3A_200 : vector<256x1xi32>
    %jit3A_202 = arith.constant 0.000000e+00 : f32
    %broadcast_in_dim3A_203 = vector.broadcast %jit3A_202 : f32 to vector<256x1xf32>
    %select_n3A_204 = arith.select %gt3A_201, %div3A_30, %broadcast_in_dim3A_203 : vector<256x1xi1>, vector<256x1xf32>
    %slice3A_205 = vector.extract_strided_slice %mul3A_20 {offsets = [4352, 0], sizes = [256, 128], strides = [1, 1]} : vector<5120x128xf32> to vector<256x128xf32>
    %mul3A_206 = vector.broadcast %select_n3A_204 : vector<256x1xf32> to vector<256x128xf32>
    %mul3A_207 = arith.mulf %mul3A_206, %slice3A_205 : vector<256x128xf32>
    %add3A_208 = arith.addf %add3A_198, %mul3A_207 : vector<256x128xf32>
    %gt3A_209 = arith.constant 18 : i32
    %gt3A_210 = vector.broadcast %gt3A_209 : i32 to vector<256x1xi32>
    %gt3A_211 = arith.cmpi sgt, %get3A_23, %gt3A_210 : vector<256x1xi32>
    %jit3A_212 = arith.constant 0.000000e+00 : f32
    %broadcast_in_dim3A_213 = vector.broadcast %jit3A_212 : f32 to vector<256x1xf32>
    %select_n3A_214 = arith.select %gt3A_211, %div3A_30, %broadcast_in_dim3A_213 : vector<256x1xi1>, vector<256x1xf32>
    %slice3A_215 = vector.extract_strided_slice %mul3A_20 {offsets = [4608, 0], sizes = [256, 128], strides = [1, 1]} : vector<5120x128xf32> to vector<256x128xf32>
    %mul3A_216 = vector.broadcast %select_n3A_214 : vector<256x1xf32> to vector<256x128xf32>
    %mul3A_217 = arith.mulf %mul3A_216, %slice3A_215 : vector<256x128xf32>
    %add3A_218 = arith.addf %add3A_208, %mul3A_217 : vector<256x128xf32>
    %gt3A_219 = arith.constant 19 : i32
    %gt3A_220 = vector.broadcast %gt3A_219 : i32 to vector<256x1xi32>
    %gt3A_221 = arith.cmpi sgt, %get3A_23, %gt3A_220 : vector<256x1xi32>
    %jit3A_222 = arith.constant 0.000000e+00 : f32
    %broadcast_in_dim3A_223 = vector.broadcast %jit3A_222 : f32 to vector<256x1xf32>
    %select_n3A_224 = arith.select %gt3A_221, %div3A_30, %broadcast_in_dim3A_223 : vector<256x1xi1>, vector<256x1xf32>
    %slice3A_225 = vector.extract_strided_slice %mul3A_20 {offsets = [4864, 0], sizes = [256, 128], strides = [1, 1]} : vector<5120x128xf32> to vector<256x128xf32>
    %mul3A_226 = vector.broadcast %select_n3A_224 : vector<256x1xf32> to vector<256x128xf32>
    %mul3A_227 = arith.mulf %mul3A_226, %slice3A_225 : vector<256x128xf32>
    %add3A_228 = arith.addf %add3A_218, %mul3A_227 : vector<256x128xf32>
    %get3A_229 = arith.constant 0 : index
    %get3A_230 = arith.constant 0 : index
    %get3A_231 = vector.load %arg5[%get3A_229, %get3A_230] : memref<128x128xf32, #tpu.memory_space<vmem>>, vector<128x128xf32>
    %dot_general3A_232 = arith.constant dense<0.000000e+00> : vector<256x128xf32>
    %dot_general3A_233 = tpu.matmul %add3A_228, %get3A_231, %dot_general3A_232 {dimension_numbers = #tpu.dot_dimension_numbers<[1], [0], [0], [1], [0, 0, 1, 1], [], []>, transpose_lhs_hint = false} : vector<256x128xf32>, vector<128x128xf32>, vector<256x128xf32> -> vector<256x128xf32>
    %get3A_234 = arith.constant 0 : index
    %get3A_235 = arith.constant 0 : index
    %get3A_236 = vector.load %arg6[%get3A_234, %get3A_235] : memref<1x128xf32, #tpu.memory_space<vmem>>, vector<1x128xf32>
    %add3A_237 = vector.broadcast %get3A_236 : vector<1x128xf32> to vector<256x128xf32>
    %add3A_238 = arith.addf %dot_general3A_233, %add3A_237 : vector<256x128xf32>
    %tanh3A_239 = math.tanh %add3A_238 : vector<256x128xf32>
    %gt3A_240 = arith.constant 0 : i32
    %gt3A_241 = vector.broadcast %gt3A_240 : i32 to vector<256x1xi32>
    %gt3A_242 = arith.cmpi sgt, %get3A_23, %gt3A_241 : vector<256x1xi32>
    %convert_element_type3A_243 = arith.extui %gt3A_242 : vector<256x1xi1> to vector<256x1xi32>
    %convert_element_type3A_244 = arith.sitofp %convert_element_type3A_243 : vector<256x1xi32> to vector<256x1xf32>
    %mul3A_245 = vector.broadcast %convert_element_type3A_244 : vector<256x1xf32> to vector<256x128xf32>
    %mul3A_246 = arith.mulf %tanh3A_239, %mul3A_245 : vector<256x128xf32>
    %swap3A = arith.constant 0 : index
    %swap3A_247 = arith.constant 0 : index
    %swap3A_248 = vector.load %arg7[%swap3A, %swap3A_247] : memref<256x128xf32, #tpu.memory_space<vmem>>, vector<256x128xf32>
    tpu.vector_store %arg7[%swap3A, %swap3A_247], %mul3A_246 {strides = array<i32>} : memref<256x128xf32, #tpu.memory_space<vmem>>, vector<256x128xf32>,
    return
  }
}

</mosaic_0001>

<sc_bundles>
// kernel: kernel.4.cloned.1.call-start
scs
__scs_entry_jumppad:
0x0: {  	(pc) =	sbr.rel $0x88, $3  }
0x1: {  	(tag) =	ssettag $0x0;
	lr =	simm.s32 $0x1  }
0x2: {  	[smem:$0x3F99] =	sst lr;
	_ =	strace $0xD0000000  }
0x3: {  	_ = 	snop  }
0x4: {  	_ = 	snop  }
0x5: {  	_ = 	snop  }
0x6: {  	_ = 	snop  }
0x7: {  	_ = 	snop  }
__scs_overlays_trampoline_lowered:
0x8: {  	[smem:$0x3FA8] =	sst s0  }
0x9: {  	[smem:$0x3FA9] =	sst s1  }
0xa: {  	[smem:$0x3FAA] =	sst s2  }
0xb: {  	[smem:$0x3FAB] =	sst s3  }
0xc: {  	[smem:$0x3FAC] =	sst s4  }
0xd: {  	[smem:$0x3FAD] =	sst s5  }
0xe: {  	[smem:$0x3FAE] =	sst s6  }
0xf: {  	[smem:$0x3FAF] =	sst s7  }
0x10: {  	[smem:$0x3FB0] =	sst s8  }
0x11: {  	[smem:$0x3FB1] =	sst s9;
	s0 =	simm.s32 @!p0 $0x0  }
0x12: {  	s1 =	sld [smem:$0x3F97];
	s0 =	simm.s32 @p0 $0x1  }
0x13: {  	[smem:$0x3FB2] =	sst s0;
	s0 =	simm.s32 @!p1 $0x0  }
0x14: {  	s2 =	sld [smem:$0x3F96];
	s0 =	simm.s32 @p1 $0x1  }
0x15: {  	[smem:$0x3FB3] =	sst s0;
	s0 =	simm.s32 @!p2 $0x0  }
0x16: {  	s3 =	sld [smem:$0x3FDB];
	s0 =	simm.s32 @p2 $0x1  }
0x17: {  	s4 =	simm.s32 $0x1BF5;
	[smem:$0x3FB5] =	sst s0  }
0x18: {  	s0 =	sld [smem:$0x3F98];
	_ =	swait.ge [sflag:s4], $0x0  }
0x19: {  	s7 =	sld [smem:$0x3F99]  }
0x1a: {  	s8 =	sadd.s32 $0xFFFFE003, lr  }
0x1b: {  	s9 =	sadd.s32 $0xFFFFFEF7, lr;
	s5 =	simm.s32 $0xFFFFFFFF;
	p2 =	slt.u32 s8, $0xFFFFF086  }
0x1c: {  	p1 =	slt.u32 s9, $0xF7A;
	s5 =	simm.s32 @!p2 $0x0  }
0x1d: {  	s5 =	simm.s32 @p1 $0x1;
	p0 =	seq.s32 s7, s2  }
0x1e: {  	s7 =	smul.u32 @!p0 $0xF7A, s2;
	p2 =	seq.s32 @!p0 s5, $0x0  }
0x1f: {  	s9 =	smul.u32 $0xF7A, s1;
	s8 =	simm.s32 @!p0 $0x1BF5;
	p2 =	por !p2, p0  }
0x20: {  	[sflag:s8] =	ssyncset.s32 @!p0 $0xFFFFF086;
	s6 =	sadd.s32 @!p0 s3, s7;
	s7 =	simm.s32 @!p0 $0x108  }
0x21: {  	s3 =	sadd.s32 s3, s9;
	s6 =	sadd.s32 @!p0 $0x88, s6;
	s7 =	simm.s32 @p2 $0x1082  }
0x22: {  	[simem:s7], [sflag:s8] =	dma.local @!p0 [hbm:s6], $0xF7A  }
0x23: {  	s9 =	sor.u32 $0xD0000000, s2;
	s6 =	simm.s32 $0x108;
	_ =	swait.ge @!p0 [sflag:s8], $0x0  }
0x24: {  	s3 =	sadd.s32 $0x88, s3;
	s6 =	simm.s32 @!p1 $0x1082;
	[sflag:s4] =	ssyncset.s32 $0xFFFFF086  }
0x25: {  	[simem:s6], [sflag:s4] =	dma.local [hbm:s3], $0xF7A  }
0x26: {  	[smem:$0x3F99] =	sst s1;
	(tag) =	ssettag s2;
	_ =	strace s9  }
0x27: {  	s1 =	sld [smem:$0x3FA9]  }
0x28: {  	s2 =	sld [smem:$0x3FAA]  }
0x29: {  	s4 =	sld [smem:$0x3FAC]  }
0x2a: {  	p0 =	seq.s32 s5, $0x0;
	s5 =	sld [smem:$0x3FAD]  }
0x2b: {  	s6 =	sld [smem:$0x3FAE]  }
0x2c: {  	s7 =	sld [smem:$0x3FAF]  }
0x2d: {  	s3 =	simm.s32 $0x108;
	s8 =	sld [smem:$0x3FB0]  }
0x2e: {  	s3 =	simm.s32 @!p0 $0x1082;
	s9 =	sld [smem:$0x3FB1]  }
0x2f: {  	lr =	sadd.s32 s0, s3;
	s0 =	sld [smem:$0x3FA8]  }
0x30: {  	s3 =	sld [smem:$0x3FAB]  }
0x31: {  	[smem:$0x3FB4] =	sst s10  }
0x32: {  	s10 =	sld [smem:$0x3FB2];
	_ =	sdelay $0x3  }
0x33: {  	p0 =	seq.s32 s10, $0x1;
	s10 =	sld [smem:$0x3FB4];
	_ =	sdelay $0x3  }
0x34: {  	[smem:$0x3FB4] =	sst s10  }
0x35: {  	s10 =	sld [smem:$0x3FB3];
	_ =	sdelay $0x3  }
0x36: {  	p1 =	seq.s32 s10, $0x1;
	s10 =	sld [smem:$0x3FB4];
	_ =	sdelay $0x3  }
0x37: {  	[smem:$0x3FB4] =	sst s10  }
0x38: {  	s10 =	sld [smem:$0x3FB5]  }
0x39: {  	_ = 	snop;
	(pc) =	sbr.ind lr, $3  }
0x3a: {  	_ = 	snop  }
0x3b: {  	_ = 	snop  }
0x3c: {  	p2 =	seq.s32 s10, $0x1;
	s10 =	sld [smem:$0x3FB4]  }
0x3d: {  	_ =	shalt  }
0x3e: {  	_ =	shalt  }
0x3f: {  	_ =	shalt  }
0x40: {  	_ =	shalt  }
0x41: {  	_ =	shalt  }
0x42: {  	_ =	shalt  }
0x43: {  	_ =	shalt  }
0x44: {  	_ =	shalt  }
0x45: {  	_ =	shalt  }
0x46: {  	_ =	shalt  }
0x47: {  	_ =	shalt  }
0x48: {  	_ =	shalt  }
0x49: {  	_ =	shalt  }
0x4a: {  	_ =	shalt  }
0x4b: {  	_ =	shalt  }
0x4c: {  	_ =	shalt  }
0x4d: {  	_ =	shalt  }
0x4e: {  	_ =	shalt  }
0x4f: {  	_ =	shalt  }
0x50: {  	_ =	shalt  }
0x51: {  	_ =	shalt  }
0x52: {  	_ =	shalt  }
0x53: {  	_ =	shalt  }
0x54: {  	_ =	shalt  }
0x55: {  	_ =	shalt  }
0x56: {  	_ =	shalt  }
0x57: {  	_ =	shalt  }
0x58: {  	_ =	shalt  }
0x59: {  	_ =	shalt  }
0x5a: {  	_ =	shalt  }
0x5b: {  	_ =	shalt  }
0x5c: {  	_ =	shalt  }
0x5d: {  	_ =	shalt  }
0x5e: {  	_ =	shalt  }
0x5f: {  	_ =	shalt  }
0x60: {  	_ =	shalt  }
0x61: {  	_ =	shalt  }
0x62: {  	_ =	shalt  }
0x63: {  	_ =	shalt  }
0x64: {  	_ =	shalt  }
0x65: {  	_ =	shalt  }
0x66: {  	_ =	shalt  }
0x67: {  	_ =	shalt  }
0x68: {  	_ =	shalt  }
0x69: {  	_ =	shalt  }
0x6a: {  	_ =	shalt  }
0x6b: {  	_ =	shalt  }
0x6c: {  	_ =	shalt  }
0x6d: {  	_ =	shalt  }
0x6e: {  	_ =	shalt  }
0x6f: {  	_ =	shalt  }
0x70: {  	_ =	shalt  }
0x71: {  	_ =	shalt  }
0x72: {  	_ =	shalt  }
0x73: {  	_ =	shalt  }
0x74: {  	_ =	shalt  }
0x75: {  	_ =	shalt  }
0x76: {  	_ =	shalt  }
0x77: {  	_ =	shalt  }
0x78: {  	_ =	shalt  }
0x79: {  	_ =	shalt  }
0x7a: {  	_ =	shalt  }
0x7b: {  	_ =	shalt  }
0x7c: {  	_ =	shalt  }
0x7d: {  	_ =	shalt  }
0x7e: {  	_ =	shalt  }
0x7f: {  	_ =	shalt  }
0x80: {  	_ =	shalt  }
0x81: {  	_ =	shalt  }
0x82: {  	_ =	shalt  }
0x83: {  	_ =	shalt  }
0x84: {  	_ =	shalt  }
0x85: {  	_ =	shalt  }
0x86: {  	_ =	shalt  }
0x87: {  	_ =	shalt  }
.Lfunc_end0:
.L_simem_size_0:
called_computation_lowered:
.L_overlay_start_0:
0x88: {  	s2 =	sld [smem:$0x3FD9]  }
0x89: {  	s3 =	sld [smem:$0x3FFE];
	_ =	sdelay $0x1  }
0x8a: {  	s1 =	srdreg.scid  }
0x8b: {  	s0 =	sand.u32 $0x1, s1  }
0x8c: {  	s17 =	sshll.u32 s0, $0xA;
	s2 =	sadd.s32 s3, s2  }
0x8d: {  	s2 =	sadd.s32 s2, s17  }
0x8e: {  	[smem:$0x3FC0] =	sst s2  }
0x8f: {  	_ = 	snop  }
0x90: {  	s2 =	sld [smem:$0x3FC6]  }
0x91: {  	s18 =	sld [smem:$0x3FD0];
	(tm) =	ssettm $0x1  }
0x92: {  	s4 =	sld [smem:$0x3FFB];
	_ =	sdelay $0x3  }
0x93: {  	_ =	strace s4  }
0x94: {  	s4 =	sld [smem:$0x3FFC];
	_ =	sdelay $0x3  }
0x95: {  	_ =	strace s4  }
0x96: {  	s4 =	sld [smem:$0x3FFD];
	_ =	sdelay $0x3  }
0x97: {  	_ =	strace s4  }
0x98: {  	_ =	strace $0x8FFFFFFF  }
0x99: {  	s19 =	sld [smem:$0x3FDB];
	_ =	sdelay $0x1  }
0x9a: {  	s5 =	simm.s32 $_scs_section_size  }
0x9b: {  	s6 =	simm.s32 $_size__tile_overlayer_lowered;
	s7 =	simm.s32 $_tile_overlayer_lowered  }
0x9c: {  	s22 =	simm.s32 $0x1BFF;
	s21 =	sshll.u32 s7, $0x1;
	s4 =	sadd.s32 s5, s19  }
0x9d: {  	s8 =	simm.s32 $0x0;
	s20 =	sshll.u32 s6, $0x1;
	s6 =	sadd.s32 s21, s4  }
0x9e: {  	[timem:s8], [sflag:s22] =	dma.local [hbm:s6], s20  }
0x9f: {  	_ =	swait.ge [sflag:s22], s20  }
0xa0: {  	s5 =	ssub.s32 $0x0, s20;
	[sflag:s22] =	ssyncset.done $0x0  }
0xa1: {  	[sflag:s22] =	ssyncadd.s32 s5;
	_ =	sdelay $0x1  }
0xa2: {  	s23 =	simm.s32 $0x1B8B  }
0xa3: {  	_ =	swait.ge [sflag:s23], $0x1  }
0xa4: {  	[sflag:s23] =	ssyncset.done $0x0  }
0xa5: {  	s25 =	simm.s32 $0x1B8E;
	s24 =	sld [smem:$0x3FFE];
	[sflag:s23] =	ssyncadd.s32 $0xFFFFFFFF  }
0xa6: {  	s26 =	simm.s32 $execute0_lowered;
	[smem:$0x3FD2] =	sst s25  }
0xa7: {  	s6 =	sshll.u32 s26, $0x1;
	_ =	strace $0x80000046;
	[dreg:$0x1] =	wrdreg $0xFFFFFFFF  }
0xa8: {  	s28 =	simm.s32 $_size_execute0_lowered;
	s4 =	sadd.s32 s4, s6;
	[dreg:$0x0] =	wrdreg $0x0  }
0xa9: {  	s6 =	sshll.u32 s28, $0x1;
	[dreg:$0x2] =	wrdreg s4  }
0xaa: {  	[dreg:$0x3] =	wrdreg s6  }
0xab: {  	[dreg:$0x4] =	wrdreg $0xC0  }
0xac: {  	_ =	task [dreg:s8], $0x5FFFF  }
0xad: {  	[dreg:$0x1] =	wrdreg $0xFFFFFFFF  }
0xae: {  	[dreg:$0x0] =	wrdreg $0x60  }
0xaf: {  	[dreg:$0x2] =	wrdreg s24  }
0xb0: {  	[dreg:$0x3] =	wrdreg s18  }
0xb1: {  	[dreg:$0x4] =	wrdreg s2  }
0xb2: {  	[dreg:$0x5] =	wrdreg $0x9  }
0xb3: {  	_ =	task.clear_ibuf [dreg:s8], $0x6FFFF;
	_ =	strace $0x90000046  }
0xb4: {  	s29 =	simm.s32 $0x9;
	_ =	strace $0x80000048  }
0xb5: {  	_ =	swait.ge [sflag:s29], $0x1  }
0xb6: {  	[sflag:s29] =	ssyncadd.s32 $0xFFFFFFFF  }
0xb7: {  	_ =	strace $0x90000048  }
0xb8: {  	_ =	sfence  }
0xb9: {  	s30 =	sld [smem:$0x0];
	_ =	sdelay $0x2  }
0xba: {  	s31 =	sshll.u32 s1, $0xD;
	s1 =	sshrl.u32 s1, $0x2  }
0xbb: {  	s3 =	sand.u32 $0x4000, s31;
	s1 =	sadd.s32 s1, s30  }
0xbc: {  	s0 =	sor.u32 s3, s0;
	s1 =	sshll.u32 s1, $0x11  }
0xbd: {  	s0 =	sor.u32 s1, s0  }
0xbe: {  	s0 =	sadd.s32 $0x8F2B, s0  }
0xbf: {  	[sflag:s0] =	ssyncadd.remote.s32 $0x1  }
0xc0: {  	_ =	sfence.sel $0xFFFF  }
0xc1: {  	[dreg:$0x0] =	wrdreg $0xFFFFFFFF;
	(pc) =	sbr.abs _section_cstart, $3  }
0xc2: {  	[dreg:$0x1] =	wrdreg $0xFFFFFFFF  }
0xc3: {  	_ =	task.clear_ibuf [dreg:s8], $0x2FFFF;
	_ =	strace $0x9FFFFFFF  }
0xc4: {  	(tm) =	ssettm $0x7FFFFFFF  }
0xc5: {  	_ =	shalt  }
tec
execute0_lowered:
.L_overlay_start_1:
0x0: {  	(tag) =	ssettag $0x1  }
0x1: {  	s0 =	srdreg.scid;
	s1 =	stileid.u32;
	v0 =	vlaneseq.u32  }
0x2: {  	s0 =	sand.u32 $0x1, s0;
	s1 =	sshll.u32 s1, $0x1;
	v0 =	vmul.u32 $0x20, v0  }
0x3: {  	s1 =	sor.u32 s0, s1  }
0x4: {  	v1 =	vor.u32 s1, v0;
	s2 =	sor.u32 $0x200, s1  }
0x5: {  	s23 =	sor.u32 $0x400, s1;
	s24 =	sor.u32 $0x600, s1;
	s25 =	sor.u32 $0x800, s1;
	v2 =	vmul.u32 $0xCCD, v1;
	v3 =	vor.u32 s2, v0  }
0x6: {  	s26 =	sor.u32 $0xA00, s1;
	s28 =	sor.u32 $0xC00, s1;
	v6 =	vor.u32 s23, v0;
	v38 =	vor.u32 s24, v0;
	v40 =	vor.u32 s25, v0  }
0x7: {  	v43 =	vor.u32 s26, v0;
	v46 =	vor.u32 s28, v0;
	v5 =	vmul.u32 $0xCCD, v3  }
0x8: {  	v8 =	vmul.u32 $0xCCD, v6;
	v34 =	vshrl.u32 v3, $0x1;
	v39 =	vmul.u32 $0xCCD, v38  }
0x9: {  	v41 =	vshrl.u32 v6, $0x1;
	v2 =	vshrl.u32 v2, $0x10;
	v5 =	vshrl.u32 v5, $0x10  }
0xa: {  	v4 =	vmul.u32 $0xFFFFEC, v2;
	v36 =	vshrl.u32 v8, $0x10;
	v7 =	vmul.u32 $0xFFFFEC, v5  }
0xb: {  	v42 =	vmul.u32 $0xCCD, v40;
	v9 =	vmul.u32 $0xCCD, v43;
	v37 =	vmul.u32 $0xFFFFEC, v36  }
0xc: {  	v4 =	vadd.s32 v1, v4;
	v1 =	vshrl.u32 v1, $0x1;
	v35 =	vadd.s32 v3, v7  }
0xd: {  	v9 =	vshrl.u32 v9, $0x10;
	v4 =	vshll.u32 v4, $0x8;
	[tilespmem:$0x1FEC0] =	vst v1;
	v1 =	vshll.u32 v35, $0x8  }
0xe: {  	v3 =	vadd.s32 v6, v37;
	v6 =	vshrl.u32 v42, $0x10;
	v1 =	vadd.s32 v5, v1  }
0xf: {  	v3 =	vshll.u32 v3, $0x8;
	v45 =	vmul.u32 $0xFFFFEC, v6;
	[tilespmem:$0x1FEF0] =	vst v1;
	v1 =	vshrl.u32 v39, $0x10  }
0x10: {  	s29 =	sor.u32 $0xE00, s1;
	[tilespmem:$0x1FEE0] =	vst v34;
	v33 =	vadd.s32 v2, v4;
	v2 =	vadd.s32 v36, v3;
	v44 =	vmul.u32 $0xFFFFEC, v1  }
0x11: {  	s4 =	sor.u32 $0x1000, s1;
	v12 =	vor.u32 s29, v0;
	v11 =	vmul.u32 $0xFFFFEC, v9;
	[tilespmem:$0x1FF10] =	vst v2;
	v2 =	vadd.s32 v40, v45  }
0x12: {  	v52 =	vor.u32 s4, v0;
	[tilespmem:$0x1FF00] =	vst v41;
	v2 =	vshll.u32 v2, $0x8;
	v8 =	vadd.s32 v38, v44  }
0x13: {  	v11 =	vadd.s32 v43, v11;
	[tilespmem:$0x1FED0] =	vst v33;
	v47 =	vadd.s32 v6, v2;
	v8 =	vshll.u32 v8, $0x8  }
0x14: {  	s3 =	rddreg [dreg:$0x0];
	s5 =	sor.u32 $0x1200, s1;
	v10 =	vmul.u32 $0xCCD, v46;
	v48 =	vshll.u32 v11, $0x8;
	[tilespmem:$0x1FF30] =	vst v47;
	v1 =	vadd.s32 v1, v8  }
0x15: {  	s6 =	rddreg [dreg:$0x1];
	s7 =	simm.s32 $0x0;
	v0 =	vor.u32 s5, v0;
	v14 =	vmul.u32 $0xCCD, v12;
	[tilespmem:$0x1FF20] =	vst v1;
	v1 =	vadd.s32 v9, v48  }
0x16: {  	[smem:$0x7FF] =	sst s7;
	v53 =	vmul.u32 $0xCCD, v52;
	v10 =	vshrl.u32 v10, $0x10;
	v4 =	vshrl.u32 v38, $0x1;
	[tilespmem:$0x1FF40] =	vst v1  }
0x17: {  	s2 =	rddreg [dreg:$0x2];
	v54 =	vmul.u32 $0xCCD, v0;
	v13 =	vmul.u32 $0xFFFFEC, v10;
	v5 =	vshrl.u32 v40, $0x1;
	_ =	strace $0x80000047;
	[tilespmem:$0x1FF50] =	vst v4  }
0x18: {  	v60 =	vshrl.u32 v43, $0x1;
	v61 =	vshrl.u32 v12, $0x1;
	v50 =	vshrl.u32 v14, $0x10;
	[tilespmem:$0x1FF80] =	vst v5  }
0x19: {  	v51 =	vmul.u32 $0xFFFFEC, v50;
	v49 =	vadd.s32 v46, v13;
	v3 =	vshrl.u32 v46, $0x1;
	[tilespmem:$0x1FF90] =	vst v60  }
0x1a: {  	v56 =	vshrl.u32 v53, $0x10;
	v57 =	vshrl.u32 v54, $0x10;
	v1 =	vshll.u32 v49, $0x8;
	[tilespmem:$0x1FFA0] =	vst v3  }
0x1b: {  	v59 =	vmul.u32 $0xFFFFEC, v57;
	v55 =	vadd.s32 v12, v51;
	v1 =	vadd.s32 v10, v1;
	[tilespmem:$0x1FFB0] =	vst v61  }
0x1c: {  	v62 =	vshrl.u32 v52, $0x1;
	v58 =	vmul.u32 $0xFFFFEC, v56;
	[tilespmem:$0x1FF60] =	vst v1;
	v1 =	vshll.u32 v55, $0x8  }
0x1d: {  	s9 =	simm.s32 $0x50;
	s14 =	simm.s32 $0xA;
	s15 =	simm.s32 $0x9;
	v2 =	vadd.s32 v0, v59;
	[tilespmem:$0x1FFC0] =	vst v62;
	v1 =	vadd.s32 v50, v1  }
0x1e: {  	s20 =	simm.s32 $0x0;
	s30 =	ssub.s32 $0x2, s0;
	s1 =	smul.u32 $0x14, s1;
	v0 =	vshrl.u32 v0, $0x1;
	v2 =	vshll.u32 v2, $0x8;
	[tilespmem:$0x1FF70] =	vst v1;
	v1 =	vadd.s32 v52, v58  }
0x1f: {  	s0 =	sshll.u32 s0, $0x6;
	s8 =	sshrl.u32 s30, $0x1;
	s4 =	sadd.s32 $0x1200, s3;
	v63 =	vadd.s32 v57, v2;
	[tilespmem:$0x1FFE0] =	vst v0;
	v1 =	vshll.u32 v1, $0x8  }
0x20: {  	s5 =	sadd.s32 $0xB200, s3;
	s31 =	ssub.s32 s30, s8;
	s1 =	sadd.s32 s6, s1;
	[tilespmem:$0x1FFF0] =	vst v63;
	v1 =	vadd.s32 v56, v1  }
0x21: {  	s8 =	sor.u32 $0x20, s0;
	s7 =	smax.u32 s31, $0x1;
	[dreg:$0x4] =	wrdreg s1;
	[tilespmem:$0x1FFD0] =	vst v1  }
.LBB2_1:
0x22: {  	v0 =	vld [tilespmem:$0x1FEC0];
	_ =	sdelay $0x4  }
0x23: {  	[tilespmem:$0x7900] =	vst v0;
	v0 =	vld [tilespmem:$0x1FED0];
	_ =	sdelay $0x4  }
0x24: {  	[tilespmem:$0x7A00] =	vst v0;
	v0 =	vld [tilespmem:$0x1FEE0];
	_ =	sdelay $0x4  }
0x25: {  	[tilespmem:$0x7910] =	vst v0;
	v0 =	vld [tilespmem:$0x1FEF0];
	_ =	sdelay $0x4  }
0x26: {  	[tilespmem:$0x7A10] =	vst v0;
	v0 =	vld [tilespmem:$0x1FF00];
	_ =	sdelay $0x4  }
0x27: {  	[tilespmem:$0x7920] =	vst v0;
	v0 =	vld [tilespmem:$0x1FF10];
	_ =	sdelay $0x4  }
0x28: {  	[tilespmem:$0x7A20] =	vst v0;
	v0 =	vld [tilespmem:$0x1FF50];
	_ =	sdelay $0x4  }
0x29: {  	[tilespmem:$0x7930] =	vst v0;
	v0 =	vld [tilespmem:$0x1FF20];
	_ =	sdelay $0x4  }
0x2a: {  	[tilespmem:$0x7A30] =	vst v0;
	v0 =	vld [tilespmem:$0x1FF80];
	_ =	sdelay $0x4  }
0x2b: {  	[tilespmem:$0x7940] =	vst v0;
	v0 =	vld [tilespmem:$0x1FF30];
	_ =	sdelay $0x4  }
0x2c: {  	[tilespmem:$0x7A40] =	vst v0;
	v0 =	vld [tilespmem:$0x1FF90];
	_ =	sdelay $0x4  }
0x2d: {  	[tilespmem:$0x7950] =	vst v0;
	v0 =	vld [tilespmem:$0x1FF40];
	_ =	sdelay $0x4  }
0x2e: {  	[tilespmem:$0x7A80] =	vst v0;
	v0 =	vld [tilespmem:$0x1FFA0];
	_ =	sdelay $0x4  }
0x2f: {  	[tilespmem:$0x7960] =	vst v0;
	v0 =	vld [tilespmem:$0x1FF60];
	_ =	sdelay $0x4  }
0x30: {  	[tilespmem:$0x7A90] =	vst v0;
	v0 =	vld [tilespmem:$0x1FFB0];
	_ =	sdelay $0x4  }
0x31: {  	[tilespmem:$0x7970] =	vst v0;
	v0 =	vld [tilespmem:$0x1FF70];
	_ =	sdelay $0x4  }
0x32: {  	[tilespmem:$0x7AA0] =	vst v0;
	v0 =	vld [tilespmem:$0x1FFC0];
	_ =	sdelay $0x4  }
0x33: {  	[tilespmem:$0x7980] =	vst v0;
	v0 =	vld [tilespmem:$0x1FFD0];
	_ =	sdelay $0x4  }
0x34: {  	[tilespmem:$0x7AB0] =	vst v0;
	v0 =	vld [tilespmem:$0x1FFE0];
	_ =	sdelay $0x4  }
0x35: {  	[tilespmem:$0x7990] =	vst v0;
	v0 =	vld [tilespmem:$0x1FFF0];
	_ =	sdelay $0x4  }
0x36: {  	s0 =	simm.s32 $0x0;
	s1 =	simm.s32 $0x7900;
	[tilespmem:$0x7AC0] =	vst v0  }
0x37: {  	[tilespmem:s0], [sflag:$0x9] =	stream.indirect.gather [hbm4b:s4+s9], $0x80, s1, s9, $0xb8;
	[tilespmem:$0x1CB00] =	vst v63  }
0x38: {  	s29 =	simm.s32 $0x7950;
	s3 =	simm.s32 $0x2800  }
0x39: {  	[tilespmem:s3], [sflag:$0x9] =	stream.indirect.gather [hbm4b:s4+s9], $0x80, s29, s9, $0xb8;
	[tilespmem:$0x1CB00] =	vst v63  }
0x3a: {  	s30 =	rddreg [dreg:$0x4];
	s31 =	simm.s32 $0x7800  }
0x3b: {  	[tilespmem:s31], [sflag:$0xA] =	stream.linear.gather [hbm4b:s30+s0], $0xA0, $0x38;
	[tilespmem:$0x1CB00] =	vst v63  }
0x3c: {  	_ =	swait.ge [sflag:s14], $0xA0  }
0x3d: {  	[sflag:s14] =	ssyncset.done $0x0  }
0x3e: {  	[sflag:s14] =	ssyncadd.s32 $0xFFFFFF60  }
0x3f: {  	_ =	swait.ge [sflag:s15], $0x2800  }
0x40: {  	[sflag:s15] =	ssyncset.done $0x0  }
0x41: {  	[sflag:s15] =	ssyncadd.s32 $0xFFFFD800  }
0x42: {  	_ =	swait.ge [sflag:s15], $0x2800  }
0x43: {  	[sflag:s15] =	ssyncset.done $0x0  }
0x44: {  	[sflag:s15] =	ssyncadd.s32 $0xFFFFD800  }
0x45: {  	s1 =	simm.s32 $0x100;
	s3 =	simm.s32 $0x0;
	s0 =	smov.u32 s8;
	v0 =	vld [tilespmem:s8+$0xFFFFFFE0]  }
.LBB2_2:
0x46: {  	p0 =	sne.s32 s1, $0x9F00;
	_ =	sdelay $0x2  }
0x47: {  	s6 =	sshra.s32 s3, $0x2;
	s3 =	smov.u32 s1  }
0x48: {  	[tilespmem:s6+$0x5000] =	vst v0  }
0x49: {  	v0 =	vld [tilespmem:s0+$0xFFFFFFF0];
	_ =	sdelay $0x4  }
0x4a: {  	[tilespmem:s6+$0x5010] =	vst v0  }
0x4b: {  	v0 =	vld [tilespmem:s0+$0x0];
	_ =	sdelay $0x4  }
0x4c: {  	[tilespmem:s6+$0x5020] =	vst v0  }
0x4d: {  	v0 =	vld [tilespmem:s0+$0x10];
	_ =	sdelay $0x1  }
.Ltmp0:
0x4e: {  	(pc) =	sbr.rel @p0 .LBB2_2-.Ltmp0, $3  }
0x4f: {  	_ =	sdelay $0x1  }
0x50: {  	s0 =	sadd.s32 $0x80, s0;
	[tilespmem:s6+$0x5030] =	vst v0  }
0x51: {  	s1 =	sadd.s32 $0x100, s1;
	v0 =	vld [tilespmem:s0+$0xFFFFFFE0]  }
0x52: {  	_ =	sdelay $0x2  }
0x53: {  	s1 =	sshra.s32 s3, $0x2  }
0x54: {  	[tilespmem:s1+$0x5000] =	vst v0  }
0x55: {  	v0 =	vld [tilespmem:s0+$0xFFFFFFF0];
	_ =	sdelay $0x4  }
0x56: {  	[tilespmem:s1+$0x5010] =	vst v0  }
0x57: {  	v0 =	vld [tilespmem:s0+$0x0];
	_ =	sdelay $0x4  }
0x58: {  	[tilespmem:s1+$0x5020] =	vst v0  }
0x59: {  	v0 =	vld [tilespmem:s0+$0x10];
	_ =	sdelay $0x4  }
0x5a: {  	[tilespmem:s1+$0x5030] =	vst v0  }
0x5b: {  	v0 =	vld [tilespmem:$0x7800];
	_ =	sdelay $0x4  }
0x5c: {  	(v2sf) =	vpush v0, $0x0;
	_ =	sdelay $0xe  }
0x5d: {  	s24 =	spop (v2sf)  }
0x5e: {  	s0 =	sadd.s32 $0xF, s24  }
0x5f: {  	s0 =	sshra.s32 s0, $0x4  }
0x60: {  	p0 =	sgt.s32 s0, $0x2  }
0x61: {  	p1 =	seq.s32 @p0 s0, $0x3  }
0x62: {  	p2 =	por !p1, !p0  }
0x63: {  	s1 =	simm.s32 @!p2 $0x30;
	s3 =	simm.s32 @!p2 $0x5000;
	s6 =	simm.s32 @!p2 $0x7B00  }
0x64: {  	[tilespmem:s6], [sflag:$0x1] =	stream.indirect.gather @!p2 [hbm4b:s2+s1], $0x80, s3, s1, $0xb8;
	[tilespmem:$0x1CB00] =	vst v63  }
0x65: {  	p2 =	por p1, !p0  }
0x66: {  	p2 =	seq.s32 @!p2 s0, $0x4  }
0x67: {  	p1 =	por @p0 !p2, p1  }
0x68: {  	p1 =	por p1, !p0  }
0x69: {  	s1 =	simm.s32 @!p1 $0x40;
	s3 =	simm.s32 @!p1 $0x5000;
	s6 =	simm.s32 @!p1 $0x7B00  }
0x6a: {  	[tilespmem:s6], [sflag:$0x1] =	stream.indirect.gather @!p1 [hbm4b:s2+s1], $0x80, s3, s1, $0xb8;
	[tilespmem:$0x1CB00] =	vst v63  }
0x6b: {  	p1 =	seq.s32 @!p0 s0, $0x1  }
0x6c: {  	p2 =	por !p1, p0  }
0x6d: {  	s1 =	simm.s32 @!p2 $0x10;
	s3 =	simm.s32 @!p2 $0x5000;
	s6 =	simm.s32 @!p2 $0x7B00  }
0x6e: {  	[tilespmem:s6], [sflag:$0x1] =	stream.indirect.gather @!p2 [hbm4b:s2+s1], $0x80, s3, s1, $0xb8;
	[tilespmem:$0x1CB00] =	vst v63  }
0x6f: {  	p2 =	por p1, p0  }
0x70: {  	p2 =	seq.s32 @!p2 s0, $0x2  }
0x71: {  	p1 =	por @!p0 !p2, p1  }
0x72: {  	p0 =	por p1, p0  }
0x73: {  	s0 =	simm.s32 @!p0 $0x20;
	s1 =	simm.s32 @!p0 $0x5000;
	s3 =	simm.s32 @!p0 $0x7B00  }
0x74: {  	[tilespmem:s3], [sflag:$0x1] =	stream.indirect.gather @!p0 [hbm4b:s2+s0], $0x80, s1, s0, $0xb8;
	[tilespmem:$0x1CB00] =	vst v63  }
0x75: {  	v58 =	vld [tilespmem:$0x7801];
	_ =	sdelay $0x4  }
0x76: {  	(v2sf) =	vpush v58, $0x0;
	_ =	sdelay $0xe  }
0x77: {  	s25 =	spop (v2sf)  }
0x78: {  	s0 =	sadd.s32 $0xF, s25  }
0x79: {  	s0 =	sshra.s32 s0, $0x4  }
0x7a: {  	p0 =	sgt.s32 s0, $0x2  }
0x7b: {  	p1 =	seq.s32 @p0 s0, $0x3  }
0x7c: {  	p2 =	por !p1, !p0  }
0x7d: {  	s1 =	simm.s32 @!p2 $0x30;
	s3 =	simm.s32 @!p2 $0x5040;
	s6 =	simm.s32 @!p2 $0x9B00  }
0x7e: {  	[tilespmem:s6], [sflag:$0x2] =	stream.indirect.gather @!p2 [hbm4b:s2+s1], $0x80, s3, s1, $0xb8;
	[tilespmem:$0x1CB00] =	vst v63  }
0x7f: {  	p2 =	por p1, !p0  }
0x80: {  	p2 =	seq.s32 @!p2 s0, $0x4  }
0x81: {  	p1 =	por @p0 !p2, p1  }
0x82: {  	p1 =	por p1, !p0  }
0x83: {  	s1 =	simm.s32 @!p1 $0x40;
	s3 =	simm.s32 @!p1 $0x5040;
	s6 =	simm.s32 @!p1 $0x9B00  }
0x84: {  	[tilespmem:s6], [sflag:$0x2] =	stream.indirect.gather @!p1 [hbm4b:s2+s1], $0x80, s3, s1, $0xb8;
	[tilespmem:$0x1CB00] =	vst v63  }
0x85: {  	p1 =	seq.s32 @!p0 s0, $0x1  }
0x86: {  	p2 =	por !p1, p0  }
0x87: {  	s1 =	simm.s32 @!p2 $0x10;
	s3 =	simm.s32 @!p2 $0x5040;
	s6 =	simm.s32 @!p2 $0x9B00  }
0x88: {  	[tilespmem:s6], [sflag:$0x2] =	stream.indirect.gather @!p2 [hbm4b:s2+s1], $0x80, s3, s1, $0xb8;
	[tilespmem:$0x1CB00] =	vst v63  }
0x89: {  	p2 =	por p1, p0  }
0x8a: {  	p2 =	seq.s32 @!p2 s0, $0x2  }
0x8b: {  	p1 =	por @!p0 !p2, p1  }
0x8c: {  	p0 =	por p1, p0  }
0x8d: {  	s0 =	simm.s32 @!p0 $0x20;
	s1 =	simm.s32 @!p0 $0x5040;
	s3 =	simm.s32 @!p0 $0x9B00  }
0x8e: {  	[tilespmem:s3], [sflag:$0x2] =	stream.indirect.gather @!p0 [hbm4b:s2+s0], $0x80, s1, s0, $0xb8;
	[tilespmem:$0x1CB00] =	vst v63  }
0x8f: {  	v59 =	vld [tilespmem:$0x7802];
	_ =	sdelay $0x4  }
0x90: {  	(v2sf) =	vpush v59, $0x0;
	_ =	sdelay $0xe  }
0x91: {  	s26 =	spop (v2sf)  }
0x92: {  	s0 =	sadd.s32 $0xF, s26  }
0x93: {  	s0 =	sshra.s32 s0, $0x4  }
0x94: {  	p0 =	sgt.s32 s0, $0x2  }
0x95: {  	p1 =	seq.s32 @p0 s0, $0x3  }
0x96: {  	p2 =	por !p1, !p0  }
0x97: {  	s1 =	simm.s32 @!p2 $0x30;
	s3 =	simm.s32 @!p2 $0x5080;
	s6 =	simm.s32 @!p2 $0xBB00  }
0x98: {  	[tilespmem:s6], [sflag:$0x3] =	stream.indirect.gather @!p2 [hbm4b:s2+s1], $0x80, s3, s1, $0xb8;
	[tilespmem:$0x1CB00] =	vst v63  }
0x99: {  	p2 =	por p1, !p0  }
0x9a: {  	p2 =	seq.s32 @!p2 s0, $0x4  }
0x9b: {  	p1 =	por @p0 !p2, p1  }
0x9c: {  	p1 =	por p1, !p0  }
0x9d: {  	s1 =	simm.s32 @!p1 $0x40;
	s3 =	simm.s32 @!p1 $0x5080;
	s6 =	simm.s32 @!p1 $0xBB00  }
0x9e: {  	[tilespmem:s6], [sflag:$0x3] =	stream.indirect.gather @!p1 [hbm4b:s2+s1], $0x80, s3, s1, $0xb8;
	[tilespmem:$0x1CB00] =	vst v63  }
0x9f: {  	p1 =	seq.s32 @!p0 s0, $0x1  }
0xa0: {  	p2 =	por !p1, p0  }
0xa1: {  	s1 =	simm.s32 @!p2 $0x10;
	s3 =	simm.s32 @!p2 $0x5080;
	s6 =	simm.s32 @!p2 $0xBB00  }
0xa2: {  	[tilespmem:s6], [sflag:$0x3] =	stream.indirect.gather @!p2 [hbm4b:s2+s1], $0x80, s3, s1, $0xb8;
	[tilespmem:$0x1CB00] =	vst v63  }
0xa3: {  	p2 =	por p1, p0  }
0xa4: {  	p2 =	seq.s32 @!p2 s0, $0x2  }
0xa5: {  	p1 =	por @!p0 !p2, p1  }
0xa6: {  	p0 =	por p1, p0  }
0xa7: {  	s0 =	simm.s32 @!p0 $0x20;
	s1 =	simm.s32 @!p0 $0x5080;
	s3 =	simm.s32 @!p0 $0xBB00  }
0xa8: {  	[tilespmem:s3], [sflag:$0x3] =	stream.indirect.gather @!p0 [hbm4b:s2+s0], $0x80, s1, s0, $0xb8;
	[tilespmem:$0x1CB00] =	vst v63  }
0xa9: {  	v60 =	vld [tilespmem:$0x7803];
	_ =	sdelay $0x4  }
0xaa: {  	(v2sf) =	vpush v60, $0x0;
	_ =	sdelay $0xe  }
0xab: {  	s28 =	spop (v2sf)  }
0xac: {  	s0 =	sadd.s32 $0xF, s28  }
0xad: {  	s0 =	sshra.s32 s0, $0x4  }
0xae: {  	p0 =	sgt.s32 s0, $0x2  }
0xaf: {  	p1 =	seq.s32 @p0 s0, $0x3  }
0xb0: {  	p2 =	por !p1, !p0  }
0xb1: {  	s1 =	simm.s32 @!p2 $0x30;
	s3 =	simm.s32 @!p2 $0x50C0;
	s6 =	simm.s32 @!p2 $0xDB00  }
0xb2: {  	[tilespmem:s6], [sflag:$0x4] =	stream.indirect.gather @!p2 [hbm4b:s2+s1], $0x80, s3, s1, $0xb8;
	[tilespmem:$0x1CB00] =	vst v63  }
0xb3: {  	p2 =	por p1, !p0  }
0xb4: {  	p2 =	seq.s32 @!p2 s0, $0x4  }
0xb5: {  	p1 =	por @p0 !p2, p1  }
0xb6: {  	p1 =	por p1, !p0  }
0xb7: {  	s1 =	simm.s32 @!p1 $0x40;
	s3 =	simm.s32 @!p1 $0x50C0;
	s6 =	simm.s32 @!p1 $0xDB00  }
0xb8: {  	[tilespmem:s6], [sflag:$0x4] =	stream.indirect.gather @!p1 [hbm4b:s2+s1], $0x80, s3, s1, $0xb8;
	[tilespmem:$0x1CB00] =	vst v63  }
0xb9: {  	p1 =	seq.s32 @!p0 s0, $0x1  }
0xba: {  	p2 =	por !p1, p0  }
0xbb: {  	s1 =	simm.s32 @!p2 $0x10;
	s3 =	simm.s32 @!p2 $0x50C0;
	s6 =	simm.s32 @!p2 $0xDB00  }
0xbc: {  	[tilespmem:s6], [sflag:$0x4] =	stream.indirect.gather @!p2 [hbm4b:s2+s1], $0x80, s3, s1, $0xb8;
	[tilespmem:$0x1CB00] =	vst v63  }
0xbd: {  	p2 =	por p1, p0  }
0xbe: {  	p2 =	seq.s32 @!p2 s0, $0x2  }
0xbf: {  	p1 =	por @!p0 !p2, p1  }
0xc0: {  	p0 =	por p1, p0  }
0xc1: {  	s0 =	simm.s32 @!p0 $0x20;
	s1 =	simm.s32 @!p0 $0x50C0;
	s3 =	simm.s32 @!p0 $0xDB00  }
0xc2: {  	[tilespmem:s3], [sflag:$0x4] =	stream.indirect.gather @!p0 [hbm4b:s2+s0], $0x80, s1, s0, $0xb8;
	[tilespmem:$0x1CB00] =	vst v63  }
0xc3: {  	v61 =	vld [tilespmem:$0x7804];
	_ =	sdelay $0x4  }
0xc4: {  	(v2sf) =	vpush v61, $0x0;
	_ =	sdelay $0xe  }
0xc5: {  	s29 =	spop (v2sf)  }
0xc6: {  	s0 =	sadd.s32 $0xF, s29  }
0xc7: {  	s0 =	sshra.s32 s0, $0x4  }
0xc8: {  	p0 =	sgt.s32 s0, $0x2  }
0xc9: {  	p1 =	seq.s32 @p0 s0, $0x3  }
0xca: {  	p2 =	por !p1, !p0  }
0xcb: {  	s1 =	simm.s32 @!p2 $0x30;
	s3 =	simm.s32 @!p2 $0x5100;
	s6 =	simm.s32 @!p2 $0xFB00  }
0xcc: {  	[tilespmem:s6], [sflag:$0x5] =	stream.indirect.gather @!p2 [hbm4b:s2+s1], $0x80, s3, s1, $0xb8;
	[tilespmem:$0x1CB00] =	vst v63  }
0xcd: {  	p2 =	por p1, !p0  }
0xce: {  	p2 =	seq.s32 @!p2 s0, $0x4  }
0xcf: {  	p1 =	por @p0 !p2, p1  }
0xd0: {  	p1 =	por p1, !p0  }
0xd1: {  	s1 =	simm.s32 @!p1 $0x40;
	s3 =	simm.s32 @!p1 $0x5100;
	s6 =	simm.s32 @!p1 $0xFB00  }
0xd2: {  	[tilespmem:s6], [sflag:$0x5] =	stream.indirect.gather @!p1 [hbm4b:s2+s1], $0x80, s3, s1, $0xb8;
	[tilespmem:$0x1CB00] =	vst v63  }
0xd3: {  	p1 =	seq.s32 @!p0 s0, $0x1  }
0xd4: {  	p2 =	por !p1, p0  }
0xd5: {  	s1 =	simm.s32 @!p2 $0x10;
	s3 =	simm.s32 @!p2 $0x5100;
	s6 =	simm.s32 @!p2 $0xFB00  }
0xd6: {  	[tilespmem:s6], [sflag:$0x5] =	stream.indirect.gather @!p2 [hbm4b:s2+s1], $0x80, s3, s1, $0xb8;
	[tilespmem:$0x1CB00] =	vst v63  }
0xd7: {  	p2 =	por p1, p0  }
0xd8: {  	p2 =	seq.s32 @!p2 s0, $0x2  }
0xd9: {  	p1 =	por @!p0 !p2, p1  }
0xda: {  	p0 =	por p1, p0  }
0xdb: {  	s0 =	simm.s32 @!p0 $0x20;
	s1 =	simm.s32 @!p0 $0x5100;
	s3 =	simm.s32 @!p0 $0xFB00  }
0xdc: {  	[tilespmem:s3], [sflag:$0x5] =	stream.indirect.gather @!p0 [hbm4b:s2+s0], $0x80, s1, s0, $0xb8;
	[tilespmem:$0x1CB00] =	vst v63  }
0xdd: {  	v62 =	vld [tilespmem:$0x7805];
	_ =	sdelay $0x4  }
0xde: {  	(v2sf) =	vpush v62, $0x0;
	_ =	sdelay $0xe  }
0xdf: {  	s30 =	spop (v2sf)  }
0xe0: {  	s0 =	sadd.s32 $0xF, s30  }
0xe1: {  	s0 =	sshra.s32 s0, $0x4  }
0xe2: {  	p0 =	sgt.s32 s0, $0x2  }
0xe3: {  	p1 =	seq.s32 @p0 s0, $0x3  }
0xe4: {  	p2 =	por !p1, !p0  }
0xe5: {  	s1 =	simm.s32 @!p2 $0x30;
	s3 =	simm.s32 @!p2 $0x5140;
	s6 =	simm.s32 @!p2 $0x11B00  }
0xe6: {  	[tilespmem:s6], [sflag:$0x6] =	stream.indirect.gather @!p2 [hbm4b:s2+s1], $0x80, s3, s1, $0xb8;
	[tilespmem:$0x1CB00] =	vst v63  }
0xe7: {  	p2 =	por p1, !p0  }
0xe8: {  	p2 =	seq.s32 @!p2 s0, $0x4  }
0xe9: {  	p1 =	por @p0 !p2, p1  }
0xea: {  	p1 =	por p1, !p0  }
0xeb: {  	s1 =	simm.s32 @!p1 $0x40;
	s3 =	simm.s32 @!p1 $0x5140;
	s6 =	simm.s32 @!p1 $0x11B00  }
0xec: {  	[tilespmem:s6], [sflag:$0x6] =	stream.indirect.gather @!p1 [hbm4b:s2+s1], $0x80, s3, s1, $0xb8;
	[tilespmem:$0x1CB00] =	vst v63  }
0xed: {  	p1 =	seq.s32 @!p0 s0, $0x1  }
0xee: {  	p2 =	por !p1, p0  }
0xef: {  	s1 =	simm.s32 @!p2 $0x10;
	s3 =	simm.s32 @!p2 $0x5140;
	s6 =	simm.s32 @!p2 $0x11B00  }
0xf0: {  	[tilespmem:s6], [sflag:$0x6] =	stream.indirect.gather @!p2 [hbm4b:s2+s1], $0x80, s3, s1, $0xb8;
	[tilespmem:$0x1CB00] =	vst v63  }
0xf1: {  	p2 =	por p1, p0  }
0xf2: {  	p2 =	seq.s32 @!p2 s0, $0x2  }
0xf3: {  	p1 =	por @!p0 !p2, p1  }
0xf4: {  	p0 =	por p1, p0  }
0xf5: {  	s0 =	simm.s32 @!p0 $0x20;
	s1 =	simm.s32 @!p0 $0x5140;
	s3 =	simm.s32 @!p0 $0x11B00  }
0xf6: {  	[tilespmem:s3], [sflag:$0x6] =	stream.indirect.gather @!p0 [hbm4b:s2+s0], $0x80, s1, s0, $0xb8;
	[tilespmem:$0x1CB00] =	vst v63  }
0xf7: {  	v63 =	vld [tilespmem:$0x7806];
	_ =	sdelay $0x4  }
0xf8: {  	(v2sf) =	vpush v63, $0x0;
	_ =	sdelay $0xe  }
0xf9: {  	s31 =	spop (v2sf)  }
0xfa: {  	s0 =	sadd.s32 $0xF, s31  }
0xfb: {  	s0 =	sshra.s32 s0, $0x4  }
0xfc: {  	p0 =	sgt.s32 s0, $0x2  }
0xfd: {  	p1 =	seq.s32 @p0 s0, $0x3  }
0xfe: {  	p2 =	por !p1, !p0  }
0xff: {  	s1 =	simm.s32 @!p2 $0x30;
	s3 =	simm.s32 @!p2 $0x5180;
	s6 =	simm.s32 @!p2 $0x13B00  }
0x100: {  	[tilespmem:s6], [sflag:$0x7] =	stream.indirect.gather @!p2 [hbm4b:s2+s1], $0x80, s3, s1, $0xb8;
	[tilespmem:$0x1CB00] =	vst v63  }
0x101: {  	p2 =	por p1, !p0  }
0x102: {  	p2 =	seq.s32 @!p2 s0, $0x4  }
0x103: {  	p1 =	por @p0 !p2, p1  }
0x104: {  	p1 =	por p1, !p0  }
0x105: {  	s1 =	simm.s32 @!p1 $0x40;
	s3 =	simm.s32 @!p1 $0x5180;
	s6 =	simm.s32 @!p1 $0x13B00  }
0x106: {  	[tilespmem:s6], [sflag:$0x7] =	stream.indirect.gather @!p1 [hbm4b:s2+s1], $0x80, s3, s1, $0xb8;
	[tilespmem:$0x1CB00] =	vst v63  }
0x107: {  	p1 =	seq.s32 @!p0 s0, $0x1  }
0x108: {  	p2 =	por !p1, p0  }
0x109: {  	s1 =	simm.s32 @!p2 $0x10;
	s3 =	simm.s32 @!p2 $0x5180;
	s6 =	simm.s32 @!p2 $0x13B00  }
0x10a: {  	[tilespmem:s6], [sflag:$0x7] =	stream.indirect.gather @!p2 [hbm4b:s2+s1], $0x80, s3, s1, $0xb8;
	[tilespmem:$0x1CB00] =	vst v63  }
0x10b: {  	p2 =	por p1, p0  }
0x10c: {  	p2 =	seq.s32 @!p2 s0, $0x2  }
0x10d: {  	p1 =	por @!p0 !p2, p1  }
0x10e: {  	s21 =	simm.s32 $0x0;
	s22 =	simm.s32 $0x0;
	p0 =	por p1, p0  }
0x10f: {  	s0 =	simm.s32 @!p0 $0x20;
	s1 =	simm.s32 @!p0 $0x5180;
	s3 =	simm.s32 @!p0 $0x13B00  }
0x110: {  	[tilespmem:s3], [sflag:$0x7] =	stream.indirect.gather @!p0 [hbm4b:s2+s0], $0x80, s1, s0, $0xb8;
	[tilespmem:$0x1CB00] =	vst v63  }
.LBB2_4:
0x111: {  	p0 =	sgt.u32 s22, $0x98  }
.Ltmp1:
0x112: {  	_ = 	snop;
	(pc) =	sbr.rel @p0 .LBB2_6-.Ltmp1, $1  }
0x113: {  	_ =	sdelay $0x3  }
0x114: {  	s0 =	sadd.s32 $0x7, s22  }
0x115: {  	v0 =	vld [tilespmem:s0+$0x7800];
	_ =	sdelay $0x4  }
0x116: {  	(v2sf) =	vpush v0, $0x0;
	_ =	sdelay $0xe  }
0x117: {  	s1 =	spop (v2sf)  }
0x118: {  	s1 =	sadd.s32 $0xF, s1  }
0x119: {  	s1 =	sshra.s32 s1, $0x4  }
0x11a: {  	p0 =	sgt.s32 s1, $0x2  }
0x11b: {  	p1 =	seq.s32 @p0 s1, $0x3  }
0x11c: {  	p2 =	por !p1, !p0  }
0x11d: {  	s3 =	sand.u32 $0x7, s0;
	s10 =	sshll.u32 @!p2 s0, $0x6  }
0x11e: {  	s6 =	sshll.u32 @!p2 s3, $0xD;
	s11 =	sadd.s32 @!p2 $0x1, s3;
	s10 =	sand.u32 @!p2 $0x3FFFFFC0, s10  }
0x11f: {  	s12 =	simm.s32 @!p2 $0x30;
	s6 =	sadd.s32 @!p2 $0x7B00, s6;
	s10 =	sadd.s32 @!p2 $0x5000, s10  }
0x120: {  	[tilespmem:s6], [sflag:s11] =	stream.indirect.gather @!p2 [hbm4b:s2+s12], $0x80, s10, s12, $0xb8;
	[tilespmem:$0x1CB00] =	vst v63  }
0x121: {  	p2 =	por p1, !p0  }
0x122: {  	p2 =	seq.s32 @!p2 s1, $0x4  }
0x123: {  	p1 =	por @p0 !p2, p1  }
0x124: {  	p1 =	por p1, !p0  }
0x125: {  	s10 =	sshll.u32 @!p1 s0, $0x6  }
0x126: {  	s6 =	sshll.u32 @!p1 s3, $0xD;
	s11 =	sadd.s32 @!p1 $0x1, s3;
	s10 =	sand.u32 @!p1 $0x3FFFFFC0, s10  }
0x127: {  	s12 =	simm.s32 @!p1 $0x40;
	s6 =	sadd.s32 @!p1 $0x7B00, s6;
	s10 =	sadd.s32 @!p1 $0x5000, s10  }
0x128: {  	[tilespmem:s6], [sflag:s11] =	stream.indirect.gather @!p1 [hbm4b:s2+s12], $0x80, s10, s12, $0xb8;
	[tilespmem:$0x1CB00] =	vst v63  }
0x129: {  	p1 =	seq.s32 @!p0 s1, $0x1  }
0x12a: {  	p2 =	por !p1, p0  }
0x12b: {  	s10 =	sshll.u32 @!p2 s0, $0x6  }
0x12c: {  	s6 =	sshll.u32 @!p2 s3, $0xD;
	s11 =	sadd.s32 @!p2 $0x1, s3;
	s10 =	sand.u32 @!p2 $0x3FFFFFC0, s10  }
0x12d: {  	s12 =	simm.s32 @!p2 $0x10;
	s6 =	sadd.s32 @!p2 $0x7B00, s6;
	s10 =	sadd.s32 @!p2 $0x5000, s10  }
0x12e: {  	[tilespmem:s6], [sflag:s11] =	stream.indirect.gather @!p2 [hbm4b:s2+s12], $0x80, s10, s12, $0xb8;
	[tilespmem:$0x1CB00] =	vst v63  }
0x12f: {  	p2 =	por p1, p0  }
0x130: {  	p2 =	seq.s32 @!p2 s1, $0x2  }
0x131: {  	p1 =	por @!p0 !p2, p1  }
0x132: {  	p0 =	por p1, p0  }
0x133: {  	s0 =	sshll.u32 @!p0 s0, $0x6  }
0x134: {  	s1 =	sshll.u32 @!p0 s3, $0xD;
	s3 =	sadd.s32 @!p0 $0x1, s3;
	s0 =	sand.u32 @!p0 $0x3FFFFFC0, s0  }
0x135: {  	s6 =	simm.s32 @!p0 $0x20;
	s1 =	sadd.s32 @!p0 $0x7B00, s1;
	s0 =	sadd.s32 @!p0 $0x5000, s0  }
0x136: {  	[tilespmem:s1], [sflag:s3] =	stream.indirect.gather @!p0 [hbm4b:s2+s6], $0x80, s0, s6, $0xb8;
	[tilespmem:$0x1CB00] =	vst v63  }
.LBB2_6:
0x137: {  	v0 =	vld [tilespmem:s22+$0x7800];
	_ =	sdelay $0x4  }
0x138: {  	(v2sf) =	vpush v0, $0x0;
	_ =	sdelay $0xe  }
0x139: {  	s24 =	spop (v2sf)  }
0x13a: {  	s0 =	sadd.s32 $0xF, s24  }
0x13b: {  	s1 =	sshra.s32 s0, $0x4  }
0x13c: {  	p0 =	sgt.s32 s1, $0x2  }
.Ltmp2:
0x13d: {  	_ = 	snop;
	(pc) =	sbr.rel @p0 .LBB2_10-.Ltmp2, $2  }
0x13e: {  	_ =	sdelay $0x2  }
0x13f: {  	s0 =	sand.u32 $0x7, s22  }
0x140: {  	p0 =	seq.s32 s1, $0x1  }
.Ltmp3:
0x141: {  	_ = 	snop;
	(pc) =	sbr.rel @p0 .LBB2_15-.Ltmp3, $1  }
0x142: {  	_ =	sdelay $0x3  }
0x143: {  	p0 =	seq.s32 s1, $0x2  }
.Ltmp4:
0x144: {  	_ = 	snop;
	(pc) =	sbr.rel @!p0 .LBB2_13-.Ltmp4, $1  }
0x145: {  	_ =	sdelay $0x3  }
.Ltmp5:
0x146: {  	(pc) =	sbr.rel .LBB2_16-.Ltmp5, $4  }
0x147: {  	s0 =	sadd.s32 $0x1, s0  }
0x148: {  	_ =	swait.ge [sflag:s0], $0x1000  }
0x149: {  	[sflag:s0] =	ssyncset.done $0x0  }
0x14a: {  	[sflag:s0] =	ssyncadd.s32 $0xFFFFF000  }
.LBB2_10:
0x14b: {  	p0 =	seq.s32 s1, $0x3  }
.Ltmp6:
0x14c: {  	_ = 	snop;
	(pc) =	sbr.rel @p0 .LBB2_22-.Ltmp6, $1  }
0x14d: {  	_ =	sdelay $0x3  }
0x14e: {  	p0 =	seq.s32 s1, $0x4  }
.Ltmp7:
0x14f: {  	_ = 	snop;
	(pc) =	sbr.rel @!p0 .LBB2_13-.Ltmp7, $1  }
0x150: {  	_ =	sdelay $0x3  }
.Ltmp8:
0x151: {  	(pc) =	sbr.rel .LBB2_16-.Ltmp8, $4  }
0x152: {  	s0 =	sadd.s32 $0x1, s0  }
0x153: {  	_ =	swait.ge [sflag:s0], $0x2000  }
0x154: {  	[sflag:s0] =	ssyncset.done $0x0  }
0x155: {  	[sflag:s0] =	ssyncadd.s32 $0xFFFFE000  }
.LBB2_13:
0x156: {  	p0 =	slt.s32 s1, $0x1  }
.Ltmp9:
0x157: {  	_ = 	snop;
	(pc) =	sbr.rel @!p0 .LBB2_16-.Ltmp9, $1  }
0x158: {  	_ =	sdelay $0x3  }
.Ltmp10:
0x159: {  	(pc) =	sbr.rel .LBB2_19-.Ltmp10, $4  }
0x15a: {  	_ = 	snop  }
0x15b: {  	v1 =	vimm.f32 $0.0e+00;
	v2 =	vimm.f32 $0.0e+00  }
0x15c: {  	v3 =	vimm.f32 $0.0e+00;
	v8 =	vimm.f32 $0.0e+00;
	v0 =	vimm.f32 $0.0e+00  }
0x15d: {  	v4 =	vimm.f32 $0.0e+00;
	v5 =	vimm.f32 $0.0e+00;
	v6 =	vimm.f32 $0.0e+00  }
.LBB2_15:
.Ltmp11:
0x15e: {  	(pc) =	sbr.rel .LBB2_16-.Ltmp11, $4  }
0x15f: {  	s0 =	sadd.s32 $0x1, s0  }
0x160: {  	_ =	swait.ge [sflag:s0], $0x800  }
0x161: {  	[sflag:s0] =	ssyncset.done $0x0  }
0x162: {  	[sflag:s0] =	ssyncadd.s32 $0xFFFFF800  }
.LBB2_22:
0x163: {  	s0 =	sadd.s32 $0x1, s0  }
0x164: {  	_ =	swait.ge [sflag:s0], $0x1800  }
0x165: {  	[sflag:s0] =	ssyncset.done $0x0  }
0x166: {  	[sflag:s0] =	ssyncadd.s32 $0xFFFFE800  }
.LBB2_16:
0x167: {  	s0 =	sand.u32 $0x7, s21  }
0x168: {  	s0 =	sshll.u32 s0, $0xD  }
0x169: {  	s23 =	sadd.s32 $0x7F00, s0  }
0x16a: {  	v20 =	vld [tilespmem:s23+$0x380]  }
0x16b: {  	v21 =	vld [tilespmem:s23+$0x390]  }
0x16c: {  	v31 =	vld [tilespmem:s23+$0x3A0]  }
0x16d: {  	v33 =	vld [tilespmem:s23+$0x3B0]  }
0x16e: {  	v37 =	vld [tilespmem:s23+$0x3C0]  }
0x16f: {  	v38 =	vld [tilespmem:s23+$0x3D0]  }
0x170: {  	v39 =	vld [tilespmem:s23+$0x300]  }
0x171: {  	v40 =	vld [tilespmem:s23+$0x310]  }
0x172: {  	v46 =	vld [tilespmem:s23+$0x320]  }
0x173: {  	v47 =	vld [tilespmem:s23+$0x330]  }
0x174: {  	v22 =	vld [tilespmem:s23+$0x340]  }
0x175: {  	v23 =	vld [tilespmem:s23+$0x350]  }
0x176: {  	v44 =	vld [tilespmem:s23+$0x280]  }
0x177: {  	v45 =	vld [tilespmem:s23+$0x290]  }
0x178: {  	v24 =	vld [tilespmem:s23+$0x2A0]  }
0x179: {  	v14 =	vld [tilespmem:s23+$0x2B0]  }
0x17a: {  	v13 =	vld [tilespmem:s23+$0x2C0]  }
0x17b: {  	v26 =	vld [tilespmem:s23+$0x2D0]  }
0x17c: {  	v43 =	vld [tilespmem:s23+$0x200]  }
0x17d: {  	v27 =	vld [tilespmem:s23+$0x210]  }
0x17e: {  	v12 =	vld [tilespmem:s23+$0x220]  }
0x17f: {  	v11 =	vld [tilespmem:s23+$0x230]  }
0x180: {  	v10 =	vld [tilespmem:s23+$0x240]  }
0x181: {  	v28 =	vld [tilespmem:s23+$0x250]  }
0x182: {  	v41 =	vld [tilespmem:s23+$0x180]  }
0x183: {  	v35 =	vld [tilespmem:s23+$0x190]  }
0x184: {  	v32 =	vld [tilespmem:s23+$0x1A0]  }
0x185: {  	v8 =	vld [tilespmem:s23+$0x1B0]  }
0x186: {  	v7 =	vld [tilespmem:s23+$0x1C0]  }
0x187: {  	v6 =	vld [tilespmem:s23+$0x1D0]  }
0x188: {  	v4 =	vld [tilespmem:s23+$0x100]  }
0x189: {  	v5 =	vld [tilespmem:s23+$0x110]  }
0x18a: {  	v2 =	vld [tilespmem:s23+$0x120]  }
0x18b: {  	v3 =	vld [tilespmem:s23+$0x130]  }
0x18c: {  	v0 =	vld [tilespmem:s23+$0x140]  }
0x18d: {  	v25 =	vld [tilespmem:s23+$0xFFFFFC80]  }
0x18e: {  	v29 =	vld [tilespmem:s23+$0xFFFFFC90]  }
0x18f: {  	v30 =	vld [tilespmem:s23+$0xFFFFFC00]  }
0x190: {  	v48 =	vld [tilespmem:s23+$0xFFFFFC10]  }
0x191: {  	v49 =	vld [tilespmem:s23+$0xFFFFFC20]  }
0x192: {  	v50 =	vld [tilespmem:s23+$0xFFFFFC30]  }
0x193: {  	v51 =	vld [tilespmem:s23+$0xFFFFFCA0]  }
0x194: {  	p0 =	sgt.s32 s24, $0x1;
	s3 =	simm.f32 $1.000000000e+00;
	v52 =	vld [tilespmem:s23+$0xFFFFFCB0]  }
0x195: {  	p1 =	sgt.s32 s24, $0x0;
	s6 =	simm.f32 $1.000000000e+00;
	s3 =	simm.s32 @!p0 $0x0;
	v53 =	vld [tilespmem:s23+$0xFFFFFD00]  }
0x196: {  	s19 =	simm.f32 $1.000000000e+00;
	s25 =	simm.f32 $1.000000000e+00;
	s6 =	simm.s32 @!p1 $0x0;
	v55 =	vld [tilespmem:s23+$0xFFFFFD10];
	v54 =	vmul.f32 s3, v25  }
0x197: {  	s18 =	simm.f32 $1.000000000e+00;
	s26 =	simm.f32 $1.000000000e+00;
	p0 =	sgt.s32 s24, $0x2;
	v58 =	vld [tilespmem:s23+$0xFFFFFD80];
	v29 =	vmul.f32 s3, v29;
	v30 =	vmul.f32 s6, v30  }
0x198: {  	s17 =	simm.f32 $1.000000000e+00;
	s19 =	simm.s32 @!p0 $0x0;
	p0 =	sgt.s32 s24, $0xF;
	v61 =	vld [tilespmem:s23+$0xFFFFFE30];
	v48 =	vmul.f32 s6, v48;
	v49 =	vmul.f32 s6, v49  }
0x199: {  	s16 =	simm.f32 $1.000000000e+00;
	v1 =	vld [tilespmem:s23+$0x150];
	s25 =	simm.s32 @!p0 $0x0;
	p0 =	sgt.s32 s24, $0x3;
	v50 =	vmul.f32 s6, v50;
	v51 =	vmul.f32 s3, v51  }
0x19a: {  	s28 =	simm.f32 $1.000000000e+00;
	v42 =	vld [tilespmem:s23+$0x80];
	s18 =	simm.s32 @!p0 $0x0;
	p0 =	sgt.s32 s24, $0xE;
	v52 =	vmul.f32 s3, v52;
	v53 =	vmul.f32 s19, v53  }
0x19b: {  	p1 =	sgt.s32 s24, $0x4;
	v36 =	vld [tilespmem:s23+$0x90];
	s26 =	simm.s32 @!p0 $0x0;
	p0 =	sgt.s32 s24, $0x5;
	v62 =	vmul.f32 s19, v55;
	v60 =	vmul.f32 s25, v31  }
0x19c: {  	s17 =	simm.s32 @!p1 $0x0;
	v34 =	vld [tilespmem:s23+$0xA0];
	s16 =	simm.s32 @!p0 $0x0;
	p0 =	sgt.s32 s24, $0xD;
	v63 =	vmul.f32 s18, v58;
	v58 =	vmul.f32 s25, v33  }
0x19d: {  	v59 =	vld [tilespmem:s23+$0xFFFFFF90];
	s28 =	simm.s32 @!p0 $0x0;
	v33 =	vmul.f32 s25, v37;
	v37 =	vmul.f32 s17, v61  }
0x19e: {  	s13 =	simm.f32 $1.000000000e+00;
	v9 =	vld [tilespmem:s23+$0xB0];
	p0 =	sgt.s32 s24, $0x6;
	v25 =	vimm.f32 $0.0e+00;
	v61 =	vmul.f32 s26, v22;
	v44 =	vmul.f32 s28, v44  }
0x19f: {  	s29 =	simm.f32 $1.000000000e+00;
	v56 =	vld [tilespmem:s23+$0xFFFFFD20];
	v45 =	vmul.f32 s28, v45;
	s13 =	simm.s32 @!p0 $0x0;
	p0 =	sgt.s32 s24, $0xC;
	v13 =	vmul.f32 s28, v13;
	v30 =	vadd.f32 v30, v25  }
0x1a0: {  	s12 =	simm.f32 $1.000000000e+00;
	p1 =	sgt.s32 s24, $0x7;
	v57 =	vld [tilespmem:s23+$0xFFFFFD30];
	v26 =	vmul.f32 s28, v26;
	s29 =	simm.s32 @!p0 $0x0;
	v48 =	vadd.f32 v48, v25;
	v49 =	vadd.f32 v49, v25  }
0x1a1: {  	s12 =	simm.s32 @!p1 $0x0;
	v55 =	vld [tilespmem:s23+$0xFFFFFDB0];
	v50 =	vadd.f32 v50, v25;
	v43 =	vmul.f32 s29, v43;
	v18 =	vmul.f32 s29, v27  }
0x1a2: {  	s11 =	simm.f32 $1.000000000e+00;
	p0 =	sgt.s32 s24, $0x8;
	v27 =	vmul.f32 s12, v59;
	v12 =	vmul.f32 s29, v12;
	v30 =	vadd.f32 v54, v30;
	v54 =	vld [tilespmem:s23+$0xFFFFFD90]  }
0x1a3: {  	s30 =	simm.f32 $1.000000000e+00;
	s11 =	simm.s32 @!p0 $0x0;
	p0 =	sgt.s32 s24, $0xB;
	v59 =	vmul.f32 s29, v28;
	v48 =	vadd.f32 v29, v48;
	v50 =	vadd.f32 v52, v50;
	v52 =	vld [tilespmem:s23+$0xFFFFFDA0]  }
0x1a4: {  	s10 =	simm.f32 $1.000000000e+00;
	s30 =	simm.s32 @!p0 $0x0;
	p0 =	sgt.s32 s24, $0x9;
	v49 =	vadd.f32 v51, v49;
	v29 =	vmul.f32 s25, v20;
	v20 =	vmul.f32 s19, v56;
	v51 =	vld [tilespmem:s23+$0xFFFFFE00]  }
0x1a5: {  	v17 =	vld [tilespmem:s23+$0xFFFFFE20];
	s10 =	simm.s32 @!p0 $0x0;
	v15 =	vadd.f32 v53, v30;
	v30 =	vmul.f32 s25, v21;
	v21 =	vmul.f32 s19, v57  }
0x1a6: {  	v56 =	vld [tilespmem:s23+$0xFFFFFE10];
	v16 =	vmul.f32 s18, v55;
	v42 =	vmul.f32 s10, v42;
	v48 =	vadd.f32 v62, v48  }
0x1a7: {  	[tilespmem:$0x1FE90] =	vst v61;
	v61 =	vld [tilespmem:s23+$0xFFFFFFA0];
	v49 =	vadd.f32 v20, v49;
	v53 =	vmul.f32 s25, v38;
	v50 =	vadd.f32 v21, v50  }
0x1a8: {  	s0 =	simm.f32 $1.000000000e+00;
	p0 =	sgt.s32 s24, $0xA;
	v62 =	vld [tilespmem:s23+$0xFFFFFE80];
	v38 =	vmul.f32 s26, v40;
	v15 =	vadd.f32 v63, v15;
	v52 =	vmul.f32 s18, v52  }
0x1a9: {  	s0 =	simm.s32 @!p0 $0x0;
	v54 =	vmul.f32 s18, v54;
	v51 =	vmul.f32 s17, v51;
	v50 =	vadd.f32 v16, v50;
	v16 =	vld [tilespmem:s23+$0xFFFFFEA0]  }
0x1aa: {  	v40 =	vmul.f32 s26, v47;
	v4 =	vmul.f32 s0, v4;
	v49 =	vadd.f32 v52, v49;
	v52 =	vld [tilespmem:s23+$0xFFFFFE90]  }
0x1ab: {  	v56 =	vmul.f32 s17, v56;
	v48 =	vadd.f32 v54, v48;
	v63 =	vadd.f32 v51, v15;
	v51 =	vld [tilespmem:s23+$0xFFFFFEB0]  }
0x1ac: {  	v5 =	vmul.f32 s0, v5;
	v15 =	vmul.f32 s17, v17;
	v50 =	vadd.f32 v37, v50;
	v37 =	vld [tilespmem:s23+$0xFFFFFF80]  }
0x1ad: {  	v2 =	vmul.f32 s0, v2;
	v3 =	vmul.f32 s0, v3;
	v47 =	vadd.f32 v56, v48;
	v48 =	vld [tilespmem:s23+$0xFFFFFF00]  }
0x1ae: {  	v21 =	vmul.f32 s26, v39;
	v54 =	vmul.f32 s16, v62;
	v49 =	vadd.f32 v15, v49;
	v15 =	vld [tilespmem:s23+$0xFFFFFF10]  }
0x1af: {  	v39 =	vmul.f32 s26, v46;
	v62 =	vmul.f32 s26, v23;
	v56 =	vld [tilespmem:s23+$0xFFFFFF20]  }
0x1b0: {  	v46 =	vmul.f32 s28, v24;
	v54 =	vadd.f32 v54, v63;
	v63 =	vld [tilespmem:s23+$0xFFFFFF30];
	v16 =	vmul.f32 s16, v16  }
0x1b1: {  	v17 =	vmul.f32 s29, v11;
	[tilespmem:$0x1FEA0] =	vst v62;
	v62 =	vld [tilespmem:s23+$0xFFFFFFB0];
	v52 =	vmul.f32 s16, v52  }
0x1b2: {  	v20 =	vld [tilespmem:s23+$0xFFFFFF40];
	v51 =	vmul.f32 s16, v51;
	v16 =	vadd.f32 v16, v49;
	v49 =	vmul.f32 s28, v14  }
0x1b3: {  	v57 =	vld [tilespmem:s23+$0xFFFFFFC0];
	v48 =	vmul.f32 s13, v48;
	v14 =	vmul.f32 s13, v15  }
0x1b4: {  	v47 =	vadd.f32 v52, v47;
	v15 =	vmul.f32 s13, v56;
	v52 =	vmul.f32 s12, v37;
	v37 =	vld [tilespmem:s23+$0x30]  }
0x1b5: {  	v50 =	vadd.f32 v51, v50;
	v63 =	vmul.f32 s13, v63;
	v51 =	vmul.f32 s12, v61;
	v56 =	vld [tilespmem:s23+$0xC0]  }
0x1b6: {  	[tilespmem:$0x1FEB0] =	vst v13;
	v11 =	vmul.f32 s12, v62;
	v13 =	vadd.f32 v48, v54;
	v14 =	vadd.f32 v14, v47;
	v47 =	vld [tilespmem:s23+$0x0]  }
0x1b7: {  	v61 =	vmul.f32 s29, v10;
	v62 =	vmul.f32 s13, v20;
	v15 =	vadd.f32 v15, v16;
	v16 =	vld [tilespmem:s23+$0x10]  }
0x1b8: {  	v50 =	vadd.f32 v63, v50;
	v54 =	vld [tilespmem:s23+$0x20];
	v13 =	vadd.f32 v52, v13;
	v52 =	vmul.f32 s30, v32  }
0x1b9: {  	v48 =	vadd.f32 v51, v15;
	v51 =	vld [tilespmem:s23+$0xD0];
	v32 =	vmul.f32 s30, v7;
	v7 =	vmul.f32 s10, v34  }
0x1ba: {  	v34 =	vmul.f32 s30, v6;
	v6 =	vmul.f32 s10, v9;
	v9 =	vld [tilespmem:s23+$0xFFFFFEC0]  }
0x1bb: {  	v11 =	vadd.f32 v11, v50;
	v15 =	vmul.f32 s30, v41;
	v50 =	vld [tilespmem:s23+$0xFFFFFD40];
	v37 =	vmul.f32 s11, v37  }
0x1bc: {  	v10 =	vmul.f32 s11, v47;
	v47 =	vld [tilespmem:s23+$0x40];
	v63 =	vmul.f32 s11, v16  }
0x1bd: {  	v14 =	vadd.f32 v27, v14;
	v19 =	vmul.f32 s11, v54;
	v54 =	vmul.f32 s30, v35;
	v16 =	vld [tilespmem:s23+$0xFFFFFFD0]  }
0x1be: {  	v11 =	vadd.f32 v37, v11;
	v35 =	vmul.f32 s0, v0;
	v10 =	vadd.f32 v10, v13;
	v13 =	vld [tilespmem:s23+$0x50]  }
0x1bf: {  	v14 =	vadd.f32 v63, v14;
	v41 =	vadd.f32 v19, v48;
	v19 =	vmul.f32 s30, v8;
	v63 =	vld [tilespmem:s23+$0xFFFFFF50]  }
0x1c0: {  	v8 =	vmul.f32 s10, v36;
	v6 =	vadd.f32 v6, v11;
	v11 =	vld [tilespmem:s23+$0xFFFFFE40];
	v36 =	vmul.f32 s0, v1  }
0x1c1: {  	v1 =	vld [tilespmem:s23+$0xFFFFFE50];
	v10 =	vadd.f32 v42, v10;
	v7 =	vadd.f32 v7, v41;
	v41 =	vmul.f32 s10, v56  }
0x1c2: {  	v8 =	vadd.f32 v8, v14;
	v14 =	vld [tilespmem:s23+$0xFFFFFED0];
	v42 =	vmul.f32 s10, v51;
	v56 =	vmul.f32 s12, v57  }
0x1c3: {  	v51 =	vld [tilespmem:s23+$0xFFFFFDC0];
	v3 =	vadd.f32 v3, v6;
	v47 =	vmul.f32 s11, v47;
	v57 =	vmul.f32 s12, v16  }
0x1c4: {  	v16 =	vld [tilespmem:s23+$0xFFFFFD50];
	v0 =	vadd.f32 v4, v10;
	v8 =	vadd.f32 v5, v8;
	v4 =	vmul.f32 s16, v9  }
0x1c5: {  	v2 =	vadd.f32 v2, v7;
	v9 =	vmul.f32 s19, v50;
	v48 =	vmul.f32 s11, v13;
	v13 =	vld [tilespmem:s23+$0xFFFFFDD0]  }
0x1c6: {  	v37 =	vld [tilespmem:s23+$0xFFFFFCC0];
	v3 =	vadd.f32 v19, v3;
	v63 =	vmul.f32 s13, v63;
	v10 =	vmul.f32 s17, v11  }
0x1c7: {  	p0 =	sne.s32 s1, $0x1;
	v15 =	vadd.f32 v15, v0;
	v5 =	vmul.f32 s16, v14;
	v14 =	vadd.f32 v54, v8  }
.Ltmp12:
0x1c8: {  	v6 =	vmul.f32 s17, v1;
	v1 =	vld [tilespmem:s23+$0xFFFFFC40];
	v52 =	vadd.f32 v52, v2;
	v50 =	vadd.f32 v17, v3;
	(pc) =	sbr.rel @!p0 .LBB2_18-.Ltmp12, $4  }
0x1c9: {  	v2 =	vld [tilespmem:s23+$0xFFFFFC50];
	v7 =	vmul.f32 s18, v51;
	v11 =	vmul.f32 s19, v16;
	v55 =	vadd.f32 v18, v14  }
0x1ca: {  	v3 =	vld [tilespmem:s23+$0xFFFFFC60];
	v14 =	vadd.f32 v12, v52;
	v0 =	vmul.f32 s18, v13;
	v13 =	vadd.f32 v43, v15  }
0x1cb: {  	v8 =	vld [tilespmem:s23+$0xFFFFFCD0];
	v12 =	vmul.f32 s3, v37;
	v43 =	vimm.f32 $0.0e+00;
	v52 =	vadd.f32 v45, v55  }
0x1cc: {  	s31 =	simm.s32 $0xF;
	s1 =	sadd.s32 $0xFFFFFFFF, s1;
	v45 =	vimm.f32 $0.0e+00;
	v51 =	vadd.f32 v44, v13;
	v13 =	vld [tilespmem:s23+$0xFFFFFC70];
	v44 =	vimm.f32 $0.0e+00  }
.LBB2_17:
0x1cd: {  	_ = 	snop  }
0x1ce: {  	v14 =	vadd.f32 v46, v14;
	v16 =	vadd.f32 v49, v50  }
0x1cf: {  	v17 =	vld [tilespmem:s23+$0xFFFFFCF0];
	v38 =	vadd.f32 v38, v52  }
0x1d0: {  	v54 =	vld [tilespmem:s23+$0xFFFFFCE0];
	v14 =	vadd.f32 v39, v14;
	v18 =	vadd.f32 v40, v16;
	v8 =	vmul.f32 s3, v8  }
0x1d1: {  	v55 =	vld [tilespmem:s23+$0xFFFFFD60];
	v1 =	vmul.f32 s6, v1;
	v37 =	vadd.f32 v21, v51;
	v2 =	vmul.f32 s6, v2  }
0x1d2: {  	v19 =	vld [tilespmem:s23+$0xFFFFFD70];
	v3 =	vmul.f32 s6, v3;
	v51 =	vadd.f32 v30, v38;
	v52 =	vadd.f32 v60, v14  }
0x1d3: {  	v13 =	vmul.f32 s6, v13;
	v14 =	vadd.f32 v58, v18;
	v50 =	vadd.f32 v29, v37;
	v29 =	vld [tilespmem:s23+$0xFFFFFDE0]  }
0x1d4: {  	v30 =	vmul.f32 s3, v17;
	v1 =	vadd.f32 v1, v25;
	v2 =	vadd.f32 v2, v45;
	v25 =	vld [tilespmem:s23+$0xFFFFFDF0]  }
0x1d5: {  	v31 =	vld [tilespmem:s23+$0xFFFFFE60];
	v3 =	vadd.f32 v3, v43;
	v13 =	vadd.f32 v13, v44;
	[tilespmem:$0x1FDD0] =	vst v14;
	v14 =	vmul.f32 s3, v54  }
0x1d6: {  	v1 =	vadd.f32 v12, v1;
	v2 =	vadd.f32 v8, v2;
	v8 =	vmul.f32 s19, v55;
	v12 =	vld [tilespmem:s23+$0xFFFFFE70]  }
0x1d7: {  	v13 =	vadd.f32 v30, v13;
	v30 =	vld [tilespmem:s23+$0xFFFFFEE0];
	v3 =	vadd.f32 v14, v3;
	v14 =	vmul.f32 s19, v19  }
0x1d8: {  	v1 =	vadd.f32 v9, v1;
	v2 =	vadd.f32 v11, v2;
	v11 =	vld [tilespmem:s23+$0xFFFFFEF0];
	v9 =	vmul.f32 s18, v29  }
0x1d9: {  	v3 =	vadd.f32 v8, v3;
	v8 =	vadd.f32 v14, v13;
	v13 =	vmul.f32 s18, v25;
	v14 =	vld [tilespmem:s23+$0xFFFFFF60]  }
0x1da: {  	v1 =	vadd.f32 v7, v1;
	v0 =	vadd.f32 v0, v2;
	v2 =	vmul.f32 s17, v31;
	v7 =	vld [tilespmem:s23+$0xFFFFFF70]  }
0x1db: {  	v3 =	vadd.f32 v9, v3;
	v8 =	vadd.f32 v13, v8;
	v9 =	vmul.f32 s17, v12;
	v12 =	vld [tilespmem:s23+$0xFFFFFFE0]  }
0x1dc: {  	v1 =	vadd.f32 v10, v1;
	v0 =	vadd.f32 v6, v0;
	v6 =	vmul.f32 s16, v30;
	v10 =	vld [tilespmem:s23+$0xFFFFFFF0]  }
0x1dd: {  	v2 =	vadd.f32 v2, v3;
	v3 =	vadd.f32 v9, v8;
	v8 =	vmul.f32 s16, v11;
	v9 =	vld [tilespmem:s23+$0x60]  }
0x1de: {  	v1 =	vadd.f32 v4, v1;
	v0 =	vadd.f32 v5, v0;
	v4 =	vmul.f32 s13, v14;
	v5 =	vld [tilespmem:s23+$0x70]  }
0x1df: {  	v11 =	vld [tilespmem:s23+$0xF0];
	v2 =	vadd.f32 v6, v2;
	v3 =	vadd.f32 v8, v3;
	v6 =	vmul.f32 s13, v7  }
0x1e0: {  	v7 =	vld [tilespmem:s23+$0xE0];
	v8 =	vmul.f32 s12, v12  }
0x1e1: {  	v2 =	vadd.f32 v4, v2;
	v3 =	vadd.f32 v6, v3;
	v4 =	vmul.f32 s12, v10;
	v6 =	vld [tilespmem:s23+$0x160]  }
0x1e2: {  	v10 =	vld [tilespmem:s23+$0x170];
	v9 =	vmul.f32 s11, v9  }
0x1e3: {  	v2 =	vadd.f32 v8, v2;
	v3 =	vadd.f32 v4, v3;
	v4 =	vmul.f32 s11, v5;
	v5 =	vld [tilespmem:s23+$0x1E0]  }
0x1e4: {  	v8 =	vld [tilespmem:s23+$0x1F0]  }
0x1e5: {  	v7 =	vmul.f32 s10, v7;
	v2 =	vadd.f32 v9, v2;
	v9 =	vld [tilespmem:s23+$0x260]  }
0x1e6: {  	v3 =	vadd.f32 v4, v3;
	v4 =	vmul.f32 s10, v11;
	v11 =	vld [tilespmem:s23+$0x270]  }
0x1e7: {  	v6 =	vmul.f32 s0, v6;
	v2 =	vadd.f32 v7, v2;
	v7 =	vld [tilespmem:s23+$0x2E0]  }
0x1e8: {  	v1 =	vadd.f32 v62, v1;
	v3 =	vadd.f32 v4, v3;
	v4 =	vmul.f32 s0, v10;
	v10 =	vld [tilespmem:s23+$0x2F0]  }
0x1e9: {  	v0 =	vadd.f32 v63, v0;
	v5 =	vmul.f32 s30, v5;
	v2 =	vadd.f32 v6, v2;
	v6 =	vld [tilespmem:s23+$0x360]  }
0x1ea: {  	v3 =	vadd.f32 v4, v3;
	v4 =	vmul.f32 s30, v8;
	v8 =	vmul.f32 s29, v9;
	v9 =	vld [tilespmem:s23+$0x370]  }
0x1eb: {  	v1 =	vadd.f32 v56, v1;
	v2 =	vadd.f32 v5, v2;
	v5 =	vld [tilespmem:s23+$0x3E0]  }
0x1ec: {  	v0 =	vadd.f32 v57, v0;
	v3 =	vadd.f32 v4, v3;
	v4 =	vmul.f32 s29, v11;
	v11 =	vld [tilespmem:s23+$0x3F0];
	s23 =	sadd.s32 $0x800, s23  }
0x1ed: {  	v1 =	vadd.f32 v47, v1;
	v12 =	vld [tilespmem:s23+$0x380]  }
0x1ee: {  	v0 =	vadd.f32 v48, v0;
	v13 =	vld [tilespmem:s23+$0x290]  }
0x1ef: {  	v1 =	vadd.f32 v41, v1;
	v14 =	vld [tilespmem:s23+$0x2A0]  }
0x1f0: {  	v0 =	vadd.f32 v42, v0;
	v24 =	vld [tilespmem:s23+$0x2B0]  }
0x1f1: {  	v1 =	vadd.f32 v35, v1;
	v27 =	vld [tilespmem:s23+$0x2D0]  }
0x1f2: {  	v0 =	vadd.f32 v36, v0;
	v28 =	vld [tilespmem:s23+$0x200]  }
0x1f3: {  	v1 =	vadd.f32 v32, v1;
	v32 =	vld [tilespmem:s23+$0x210]  }
0x1f4: {  	v0 =	vadd.f32 v34, v0;
	v34 =	vld [tilespmem:s23+$0x220]  }
0x1f5: {  	v35 =	vld [tilespmem:s23+$0x230]  }
0x1f6: {  	v36 =	vld [tilespmem:s23+$0x240]  }
0x1f7: {  	v42 =	vld [tilespmem:s23+$0x180]  }
0x1f8: {  	v47 =	vld [tilespmem:s23+$0x190]  }
0x1f9: {  	v48 =	vld [tilespmem:s23+$0x1A0]  }
0x1fa: {  	v56 =	vld [tilespmem:s23+$0x1B0]  }
0x1fb: {  	v57 =	vld [tilespmem:s23+$0x1C0]  }
0x1fc: {  	v62 =	vld [tilespmem:s23+$0x1D0]  }
0x1fd: {  	v63 =	vld [tilespmem:s23+$0x100]  }
0x1fe: {  	v15 =	vld [tilespmem:s23+$0x110]  }
0x1ff: {  	v16 =	vld [tilespmem:s23+$0x120]  }
0x200: {  	v17 =	vld [tilespmem:s23+$0x130]  }
0x201: {  	v18 =	vld [tilespmem:s23+$0x140]  }
0x202: {  	v19 =	vld [tilespmem:s23+$0x150]  }
0x203: {  	v20 =	vld [tilespmem:s23+$0x80]  }
0x204: {  	v21 =	vld [tilespmem:s23+$0xA0]  }
0x205: {  	v22 =	vld [tilespmem:s23+$0xC0]  }
0x206: {  	v23 =	vld [tilespmem:s23+$0xD0]  }
0x207: {  	v3 =	vadd.f32 v4, v3;
	v4 =	vmul.f32 s28, v10;
	v10 =	vld [tilespmem:$0x1FEB0]  }
0x208: {  	v25 =	vld [tilespmem:s23+$0x0]  }
0x209: {  	v3 =	vadd.f32 v4, v3;
	v4 =	vmul.f32 s26, v9;
	v9 =	vld [tilespmem:$0x1FE90]  }
0x20a: {  	v1 =	vadd.f32 v61, v1;
	v29 =	vld [tilespmem:s23+$0x10]  }
0x20b: {  	v30 =	vld [tilespmem:s23+$0x20]  }
0x20c: {  	v31 =	vld [tilespmem:s23+$0x30];
	v1 =	vadd.f32 v10, v1  }
0x20d: {  	v0 =	vadd.f32 v59, v0;
	v7 =	vmul.f32 s28, v7;
	v2 =	vadd.f32 v8, v2;
	v8 =	vld [tilespmem:s23+$0x390]  }
0x20e: {  	v1 =	vadd.f32 v9, v1;
	v9 =	vld [tilespmem:$0x1FEA0]  }
0x20f: {  	v0 =	vadd.f32 v26, v0;
	v6 =	vmul.f32 s26, v6;
	v26 =	vld [tilespmem:s23+$0x2C0];
	v2 =	vadd.f32 v7, v2  }
0x210: {  	v7 =	vld [tilespmem:s23+$0x3B0]  }
0x211: {  	v2 =	vadd.f32 v6, v2;
	v6 =	vld [tilespmem:s23+$0x3D0]  }
0x212: {  	s31 =	sadd.s32 $0x10, s31;
	v5 =	vmul.f32 s25, v5;
	v3 =	vadd.f32 v4, v3;
	v4 =	vmul.f32 s25, v11;
	v11 =	vld [tilespmem:s23+$0x280]  }
0x213: {  	p1 =	slt.s32 s31, s24;
	v10 =	vld [tilespmem:s23+$0x3A0];
	v0 =	vadd.f32 v9, v0  }
0x214: {  	s12 =	sadd.s32 $0xFFFFFFFE, s31;
	s11 =	sadd.s32 $0xFFFFFFFF, s31;
	s25 =	simm.f32 $1.000000000e+00;
	v43 =	vadd.f32 v5, v2;
	v2 =	vld [tilespmem:s23+$0x320]  }
0x215: {  	s26 =	simm.f32 $1.000000000e+00;
	s25 =	simm.s32 @!p1 $0x0;
	p1 =	slt.s32 s11, s24;
	v45 =	vadd.f32 v53, v0;
	v0 =	vld [tilespmem:s23+$0x300]  }
0x216: {  	s28 =	simm.f32 $1.000000000e+00;
	v44 =	vadd.f32 v4, v3;
	v3 =	vld [tilespmem:s23+$0x330];
	s26 =	simm.s32 @!p1 $0x0;
	p1 =	slt.s32 s12, s24  }
0x217: {  	s13 =	sadd.s32 $0xFFFFFFFD, s31;
	v4 =	vld [tilespmem:s23+$0x340];
	v8 =	vmul.f32 s25, v8;
	v7 =	vmul.f32 s25, v7;
	s28 =	simm.s32 @!p1 $0x0  }
0x218: {  	s16 =	sadd.s32 $0xFFFFFFFC, s31;
	s29 =	simm.f32 $1.000000000e+00;
	v5 =	vld [tilespmem:s23+$0x350];
	p1 =	slt.s32 s13, s24;
	v46 =	vmul.f32 s28, v14;
	v49 =	vmul.f32 s28, v24  }
0x219: {  	s30 =	simm.f32 $1.000000000e+00;
	v24 =	vld [tilespmem:s23+$0x40];
	s29 =	simm.s32 @!p1 $0x0;
	v58 =	vmul.f32 s28, v27;
	p1 =	slt.s32 s16, s24;
	v55 =	vmul.f32 s25, v6  }
0x21a: {  	v27 =	vld [tilespmem:s23+$0xFFFFFF80];
	s30 =	simm.s32 @!p1 $0x0;
	v61 =	vmul.f32 s29, v36;
	v0 =	vmul.f32 s26, v0  }
0x21b: {  	s17 =	sadd.s32 $0xFFFFFFFB, s31;
	v1 =	vadd.f32 v33, v1;
	v33 =	vld [tilespmem:s23+$0x250];
	v60 =	vmul.f32 s25, v10;
	v54 =	vmul.f32 s30, v47  }
0x21c: {  	s6 =	sadd.s32 $0xFFFFFFF8, s31;
	s0 =	simm.f32 $1.000000000e+00;
	p1 =	slt.s32 s17, s24;
	v38 =	vmul.f32 s30, v57;
	v57 =	vld [tilespmem:s23+$0xFFFFFE90];
	[tilespmem:$0x1FE20] =	vst v0;
	v0 =	vmul.f32 s26, v4  }
0x21d: {  	s19 =	sadd.s32 $0xFFFFFFF9, s31;
	s18 =	sadd.s32 $0xFFFFFFFA, s31;
	[tilespmem:$0x1FDF0] =	vst v7;
	s0 =	simm.s32 @!p1 $0x0;
	v40 =	vmul.f32 s26, v3;
	v3 =	vmul.f32 s30, v56;
	v56 =	vld [tilespmem:s23+$0xFFFFFE80]  }
0x21e: {  	s10 =	simm.f32 $1.000000000e+00;
	s11 =	simm.f32 $1.000000000e+00;
	s12 =	sadd.s32 $0xFFFFFFF7, s31;
	v7 =	vmul.f32 s0, v15;
	v15 =	vld [tilespmem:s23+$0xFFFFFE00];
	[tilespmem:$0x1FE90] =	vst v0;
	v0 =	vmul.f32 s26, v5  }
0x21f: {  	s13 =	sadd.s32 $0xFFFFFFF6, s31;
	p2 =	slt.s32 s12, s24;
	p1 =	slt.s32 s18, s24;
	v39 =	vmul.f32 s26, v2;
	v36 =	vmul.f32 s0, v19;
	v19 =	vld [tilespmem:s23+$0xFFFFFD00]  }
0x220: {  	s12 =	simm.f32 $1.000000000e+00;
	v2 =	vmul.f32 s30, v48;
	s10 =	simm.s32 @!p1 $0x0;
	p1 =	slt.s32 s19, s24;
	v9 =	vld [tilespmem:s23+$0x3C0];
	[tilespmem:$0x1FEA0] =	vst v0;
	v0 =	vmul.f32 s28, v11  }
0x221: {  	s16 =	sadd.s32 $0xFFFFFFF5, s31;
	s17 =	sadd.s32 $0xFFFFFFF4, s31;
	v6 =	vmul.f32 s0, v63;
	s11 =	simm.s32 @!p1 $0x0;
	v41 =	vmul.f32 s10, v22;
	v22 =	vld [tilespmem:s23+$0xFFFFFC90]  }
0x222: {  	s18 =	sadd.s32 $0xFFFFFFF3, s31;
	s19 =	sadd.s32 $0xFFFFFFF2, s31;
	p1 =	slt.s32 s6, s24;
	v63 =	vmul.f32 s11, v29;
	v29 =	vld [tilespmem:s23+$0xFFFFFC20];
	[tilespmem:$0x1FE70] =	vst v0;
	v0 =	vmul.f32 s28, v13  }
0x223: {  	[tilespmem:$0x1FE10] =	vst v8;
	v8 =	vmul.f32 s0, v16;
	v14 =	vmul.f32 s11, v31;
	s12 =	simm.s32 @!p1 $0x0;
	p1 =	slt.s32 s13, s24;
	s13 =	simm.f32 $1.000000000e+00;
	v53 =	vld [tilespmem:s23+$0x90]  }
0x224: {  	v59 =	vmul.f32 s29, v33;
	v33 =	vld [tilespmem:s23+$0xFFFFFF10];
	s13 =	simm.s32 @!p2 $0x0;
	p2 =	slt.s32 s16, s24;
	s16 =	simm.f32 $1.000000000e+00;
	[tilespmem:$0x1FE80] =	vst v0;
	v0 =	vmul.f32 s28, v26  }
0x225: {  	v47 =	vmul.f32 s11, v24;
	v24 =	vmul.f32 s12, v27;
	s16 =	simm.s32 @!p1 $0x0;
	p1 =	slt.s32 s17, s24;
	s17 =	simm.f32 $1.000000000e+00;
	v26 =	vld [tilespmem:s23+$0x50]  }
0x226: {  	s17 =	simm.s32 @!p2 $0x0;
	v31 =	vmul.f32 s16, v57;
	p2 =	slt.s32 s18, s24;
	s18 =	simm.f32 $1.000000000e+00;
	v57 =	vld [tilespmem:s23+$0xFFFFFD30];
	[tilespmem:$0x1FEB0] =	vst v0;
	v0 =	vmul.f32 s29, v28  }
0x227: {  	v37 =	vmul.f32 s25, v9;
	v9 =	vmul.f32 s0, v17;
	v17 =	vld [tilespmem:s23+$0xFFFFFD80];
	s18 =	simm.s32 @!p1 $0x0;
	p1 =	slt.s32 s19, s24;
	s19 =	simm.f32 $1.000000000e+00  }
0x228: {  	v15 =	vmul.f32 s17, v15;
	s19 =	simm.s32 @!p2 $0x0;
	v28 =	vld [tilespmem:s23+$0xFFFFFF90];
	[tilespmem:$0x1FE30] =	vst v0;
	v0 =	vmul.f32 s29, v32  }
0x229: {  	s3 =	simm.f32 $1.000000000e+00;
	v10 =	vmul.f32 s10, v53;
	v53 =	vld [tilespmem:s23+$0xFFFFFD90];
	v19 =	vmul.f32 s19, v19  }
0x22a: {  	s3 =	simm.s32 @!p1 $0x0;
	v48 =	vmul.f32 s11, v26;
	v26 =	vld [tilespmem:s23+$0xFFFFFC10];
	[tilespmem:$0x1FE40] =	vst v0;
	v0 =	vmul.f32 s29, v34  }
0x22b: {  	v22 =	vmul.f32 s3, v22;
	v11 =	vmul.f32 s10, v21;
	v21 =	vld [tilespmem:s23+$0xFFFFFC80]  }
0x22c: {  	s6 =	sadd.s32 $0xFFFFFFF1, s31;
	v4 =	vmul.f32 s11, v25;
	v32 =	vld [tilespmem:s23+$0xFFFFFF00];
	[tilespmem:$0x1FE50] =	vst v0;
	v0 =	vmul.f32 s29, v35  }
0x22d: {  	p2 =	slt.s32 s6, s24;
	s6 =	simm.f32 $1.000000000e+00;
	v34 =	vmul.f32 s30, v62;
	v62 =	vld [tilespmem:s23+$0xFFFFFC30];
	v25 =	vmul.f32 s12, v28  }
0x22e: {  	s6 =	simm.s32 @!p2 $0x0;
	[tilespmem:$0x1FE60] =	vst v0;
	v0 =	vmul.f32 s30, v42;
	v42 =	vmul.f32 s10, v23;
	v23 =	vld [tilespmem:s23+$0xFFFFFC00]  }
0x22f: {  	v28 =	vmul.f32 s13, v33;
	v33 =	vld [tilespmem:s23+$0xFFFFFCA0];
	v26 =	vmul.f32 s6, v26  }
0x230: {  	v35 =	vmul.f32 s0, v18;
	v18 =	vmul.f32 s18, v53;
	v53 =	vld [tilespmem:s23+$0xFFFFFCB0]  }
0x231: {  	v29 =	vmul.f32 s6, v29;
	v17 =	vmul.f32 s18, v17;
	v26 =	vadd.f32 v26, v51;
	v51 =	vld [tilespmem:$0x1FDD0]  }
0x232: {  	v5 =	vmul.f32 s10, v20;
	v20 =	vld [tilespmem:s23+$0xFFFFFD10];
	v13 =	vmul.f32 s11, v30  }
0x233: {  	v30 =	vmul.f32 s16, v56;
	v56 =	vld [tilespmem:s23+$0xFFFFFD20];
	v23 =	vmul.f32 s6, v23  }
0x234: {  	v29 =	vadd.f32 v29, v52;
	v27 =	vmul.f32 s13, v32;
	v32 =	vmul.f32 s6, v62;
	v62 =	vld [tilespmem:s23+$0xFFFFFDA0]  }
0x235: {  	v21 =	vmul.f32 s3, v21;
	v33 =	vmul.f32 s3, v33;
	v23 =	vadd.f32 v23, v50;
	v50 =	vld [tilespmem:s23+$0xFFFFFDB0]  }
0x236: {  	v22 =	vadd.f32 v22, v26;
	v26 =	vld [tilespmem:s23+$0xFFFFFE30];
	v32 =	vadd.f32 v32, v51;
	v51 =	vmul.f32 s3, v53  }
0x237: {  	v52 =	vld [tilespmem:s23+$0xFFFFFE20];
	v20 =	vmul.f32 s19, v20;
	v29 =	vadd.f32 v33, v29;
	v21 =	vadd.f32 v21, v23  }
0x238: {  	v16 =	vld [tilespmem:s23+$0xFFFFFE10];
	v23 =	vmul.f32 s19, v56;
	v32 =	vadd.f32 v51, v32;
	v56 =	vmul.f32 s19, v57  }
0x239: {  	v20 =	vadd.f32 v20, v22;
	v22 =	vld [tilespmem:s23+$0xFFFFFEB0];
	v19 =	vadd.f32 v19, v21;
	v21 =	vmul.f32 s18, v62  }
0x23a: {  	v57 =	vld [tilespmem:s23+$0xFFFFFEA0];
	v23 =	vadd.f32 v23, v29;
	v29 =	vadd.f32 v56, v32;
	v50 =	vmul.f32 s18, v50  }
0x23b: {  	v18 =	vadd.f32 v18, v20;
	v20 =	vld [tilespmem:s23+$0xFFFFFF30];
	v26 =	vmul.f32 s17, v26;
	v17 =	vadd.f32 v17, v19  }
0x23c: {  	v56 =	vmul.f32 s17, v52;
	v21 =	vadd.f32 v21, v23;
	v23 =	vadd.f32 v50, v29  }
0x23d: {  	v12 =	vmul.f32 s25, v12;
	v62 =	vld [tilespmem:s23+$0xFFFFFFB0];
	v15 =	vadd.f32 v15, v17  }
0x23e: {  	v22 =	vmul.f32 s16, v22;
	v19 =	vadd.f32 v56, v21;
	v21 =	vadd.f32 v26, v23  }
0x23f: {  	v16 =	vmul.f32 s17, v16;
	v57 =	vmul.f32 s16, v57  }
0x240: {  	[tilespmem:$0x1FE00] =	vst v1;
	v1 =	vld [tilespmem:s23+$0x310];
	v20 =	vmul.f32 s13, v20;
	v15 =	vadd.f32 v30, v15;
	v50 =	vadd.f32 v22, v21  }
0x241: {  	[tilespmem:$0x1FDE0] =	vst v12;
	v12 =	vld [tilespmem:s23+$0xB0];
	v16 =	vadd.f32 v16, v18;
	v17 =	vadd.f32 v57, v19  }
0x242: {  	v53 =	vmovc v55;
	v55 =	vld [tilespmem:s23+$0xFFFFFF20];
	v18 =	vmul.f32 s12, v62;
	v15 =	vadd.f32 v27, v15;
	v19 =	vadd.f32 v20, v50;
	_ =	sdelay $0x1  }
0x243: {  	v29 =	vld [tilespmem:s23+$0xFFFFFFA0];
	v15 =	vadd.f32 v24, v15;
	v18 =	vadd.f32 v18, v19  }
0x244: {  	v1 =	vmul.f32 s26, v1;
	v33 =	vmov v37;
	v37 =	vld [tilespmem:s23+$0xFFFFFCC0];
	v16 =	vadd.f32 v31, v16  }
0x245: {  	v12 =	vmul.f32 s10, v12;
	v51 =	vld [tilespmem:s23+$0xFFFFFE50];
	v15 =	vadd.f32 v4, v15;
	v14 =	vadd.f32 v14, v18  }
0x246: {  	v52 =	vld [tilespmem:s23+$0xFFFFFDD0];
	v32 =	vmovc v38;
	v38 =	vmov v1;
	v1 =	vmul.f32 s13, v55;
	v16 =	vadd.f32 v28, v16  }
0x247: {  	v55 =	vld [tilespmem:s23+$0xFFFFFD40];
	v15 =	vadd.f32 v5, v15;
	v12 =	vadd.f32 v12, v14  }
0x248: {  	v28 =	vld [tilespmem:s23+$0xFFFFFEC0];
	v16 =	vadd.f32 v25, v16;
	v27 =	vmul.f32 s12, v29;
	v17 =	vadd.f32 v1, v17  }
0x249: {  	v23 =	vld [tilespmem:s23+$0xFFFFFFC0];
	v14 =	vadd.f32 v6, v15;
	v9 =	vadd.f32 v9, v12  }
0x24a: {  	v26 =	vmov v58;
	v58 =	vld [tilespmem:$0x1FDF0];
	v16 =	vadd.f32 v63, v16;
	v17 =	vadd.f32 v27, v17  }
0x24b: {  	v12 =	vadd.f32 v0, v14;
	v0 =	vmul.f32 s18, v52;
	v52 =	vadd.f32 v3, v9;
	v3 =	vld [tilespmem:$0x1FE30]  }
0x24c: {  	v25 =	vld [tilespmem:$0x1FE00];
	v16 =	vadd.f32 v10, v16  }
0x24d: {  	v30 =	vld [tilespmem:s23+$0xFFFFFFD0];
	v13 =	vadd.f32 v13, v17  }
0x24e: {  	v21 =	vld [tilespmem:s23+$0xFFFFFF40];
	v15 =	vadd.f32 v7, v16  }
0x24f: {  	v22 =	vld [tilespmem:s23+$0xFFFFFF50];
	v11 =	vadd.f32 v11, v13  }
0x250: {  	v14 =	vadd.f32 v54, v15;
	v54 =	vadd.f32 v3, v12;
	v3 =	vld [tilespmem:$0x1FE40]  }
0x251: {  	v12 =	vld [tilespmem:$0x1FE50]  }
0x252: {  	v29 =	vld [tilespmem:$0x1FDE0];
	v11 =	vadd.f32 v8, v11  }
0x253: {  	v1 =	vld [tilespmem:s23+$0xFFFFFC40]  }
0x254: {  	v20 =	vld [tilespmem:s23+$0xFFFFFED0];
	v15 =	vadd.f32 v2, v11  }
0x255: {  	v56 =	vmul.f32 s12, v23;
	v23 =	vld [tilespmem:s23+$0xFFFFFE40]  }
0x256: {  	v9 =	vmul.f32 s19, v55;
	v55 =	vadd.f32 v3, v14;
	v14 =	vadd.f32 v12, v15;
	v15 =	vld [tilespmem:$0x1FE70]  }
0x257: {  	v57 =	vmul.f32 s12, v30;
	v30 =	vld [tilespmem:$0x1FE10]  }
0x258: {  	v62 =	vmul.f32 s13, v21;
	v21 =	vld [tilespmem:s23+$0xFFFFFDC0]  }
0x259: {  	v13 =	vld [tilespmem:s23+$0xFFFFFD50]  }
0x25a: {  	v12 =	vld [tilespmem:$0x1FE60]  }
0x25b: {  	p0 =	sne.s32 s1, $0x1;
	v6 =	vmul.f32 s17, v51;
	v51 =	vadd.f32 v15, v54;
	v15 =	vld [tilespmem:$0x1FE80]  }
.Ltmp13:
0x25c: {  	v8 =	vld [tilespmem:s23+$0xFFFFFCD0];
	(pc) =	sbr.rel @p0 .LBB2_17-.Ltmp13, $4  }
0x25d: {  	v63 =	vmul.f32 s13, v22;
	v7 =	vmul.f32 s18, v21;
	v21 =	vld [tilespmem:$0x1FE20]  }
0x25e: {  	v4 =	vmul.f32 s16, v28;
	v5 =	vmul.f32 s16, v20;
	v2 =	vld [tilespmem:s23+$0xFFFFFC50]  }
0x25f: {  	v10 =	vmul.f32 s17, v23;
	v11 =	vmul.f32 s19, v13;
	v13 =	vld [tilespmem:s23+$0xFFFFFC70]  }
0x260: {  	s1 =	sadd.s32 $0xFFFFFFFF, s1;
	v3 =	vld [tilespmem:s23+$0xFFFFFC60];
	v50 =	vadd.f32 v12, v52;
	v12 =	vmul.f32 s3, v37;
	v52 =	vadd.f32 v15, v55  }
.LBB2_18:
0x261: {  	_ =	sdelay $0x1  }
0x262: {  	v17 =	vmul.f32 s6, v1;
	v50 =	vadd.f32 v49, v50  }
0x263: {  	v16 =	vld [tilespmem:s23+$0xFFFFFCE0];
	v1 =	vadd.f32 v21, v51;
	v15 =	vmul.f32 s3, v8;
	v8 =	vadd.f32 v46, v14  }
0x264: {  	v18 =	vld [tilespmem:s23+$0xFFFFFCF0];
	v19 =	vadd.f32 v38, v52;
	v55 =	vadd.f32 v17, v25  }
0x265: {  	v52 =	vld [tilespmem:s23+$0xFFFFFD60];
	v14 =	vadd.f32 v40, v50;
	v22 =	vmul.f32 s6, v3;
	v8 =	vadd.f32 v39, v8  }
0x266: {  	v23 =	vld [tilespmem:s23+$0xFFFFFD70];
	v20 =	vmul.f32 s6, v2;
	v1 =	vadd.f32 v29, v1;
	v2 =	vadd.f32 v30, v19  }
0x267: {  	v54 =	vld [tilespmem:s23+$0xFFFFFDE0];
	v13 =	vmul.f32 s6, v13;
	v22 =	vadd.f32 v22, v43;
	v3 =	vadd.f32 v60, v8  }
0x268: {  	v16 =	vmul.f32 s3, v16;
	v8 =	vadd.f32 v58, v14;
	v58 =	vadd.f32 v20, v45;
	v60 =	vld [tilespmem:s23+$0xFFFFFDF0]  }
0x269: {  	v24 =	vld [tilespmem:s23+$0xFFFFFE60];
	v12 =	vadd.f32 v12, v55;
	v18 =	vmul.f32 s3, v18;
	v13 =	vadd.f32 v13, v44  }
0x26a: {  	v30 =	vld [tilespmem:s23+$0xFFFFFE70];
	v29 =	vmul.f32 s19, v52;
	v16 =	vadd.f32 v16, v22;
	v28 =	vadd.f32 v15, v58  }
0x26b: {  	v37 =	vld [tilespmem:s23+$0xFFFFFEE0];
	v31 =	vmul.f32 s19, v23;
	v9 =	vadd.f32 v9, v12;
	v13 =	vadd.f32 v18, v13  }
0x26c: {  	v38 =	vmul.f32 s18, v54;
	v39 =	vld [tilespmem:s23+$0xFFFFFEF0];
	v15 =	vadd.f32 v29, v16;
	v11 =	vadd.f32 v11, v28  }
0x26d: {  	v43 =	vld [tilespmem:s23+$0xFFFFFF60];
	v7 =	vadd.f32 v7, v9;
	v13 =	vadd.f32 v31, v13;
	v40 =	vmul.f32 s18, v60  }
0x26e: {  	v9 =	vmul.f32 s17, v24;
	v12 =	vadd.f32 v38, v15;
	v0 =	vadd.f32 v0, v11;
	v11 =	vld [tilespmem:s23+$0xFFFFFF70]  }
0x26f: {  	v45 =	vld [tilespmem:s23+$0xFFFFFFE0];
	v44 =	vmul.f32 s17, v30;
	v7 =	vadd.f32 v10, v7;
	v13 =	vadd.f32 v40, v13  }
0x270: {  	v10 =	vld [tilespmem:s23+$0xFFFFFFF0];
	v9 =	vadd.f32 v9, v12;
	v0 =	vadd.f32 v6, v0;
	v6 =	vmul.f32 s16, v37  }
0x271: {  	v50 =	vld [tilespmem:s23+$0x60];
	v49 =	vmul.f32 s16, v39;
	v46 =	vadd.f32 v44, v13  }
0x272: {  	v0 =	vadd.f32 v5, v0;
	v5 =	vmul.f32 s13, v43;
	v6 =	vadd.f32 v6, v9  }
0x273: {  	v51 =	vld [tilespmem:s23+$0xE0];
	v9 =	vadd.f32 v49, v46;
	v11 =	vmul.f32 s13, v11  }
0x274: {  	v52 =	vmul.f32 s12, v45;
	v5 =	vadd.f32 v5, v6  }
0x275: {  	v4 =	vadd.f32 v4, v7;
	v6 =	vadd.f32 v11, v9;
	v9 =	vmul.f32 s12, v10;
	v10 =	vld [tilespmem:s23+$0x160]  }
0x276: {  	v11 =	vmul.f32 s11, v50;
	v5 =	vadd.f32 v52, v5  }
0x277: {  	v4 =	vadd.f32 v62, v4;
	v6 =	vadd.f32 v9, v6;
	v9 =	vld [tilespmem:s23+$0x1E0]  }
0x278: {  	v12 =	vmul.f32 s10, v51;
	v5 =	vadd.f32 v11, v5  }
0x279: {  	v4 =	vadd.f32 v56, v4;
	v11 =	vld [tilespmem:s23+$0x260]  }
0x27a: {  	v10 =	vmul.f32 s0, v10;
	v5 =	vadd.f32 v12, v5  }
0x27b: {  	v7 =	vld [tilespmem:s23+$0x70];
	v4 =	vadd.f32 v47, v4  }
0x27c: {  	v9 =	vmul.f32 s30, v9;
	v5 =	vadd.f32 v10, v5  }
0x27d: {  	v54 =	vld [tilespmem:s23+$0xF0];
	v4 =	vadd.f32 v41, v4  }
0x27e: {  	v11 =	vmul.f32 s29, v11;
	v5 =	vadd.f32 v9, v5  }
0x27f: {  	v55 =	vld [tilespmem:s23+$0x170];
	v0 =	vadd.f32 v63, v0;
	v4 =	vadd.f32 v35, v4  }
0x280: {  	v7 =	vmul.f32 s11, v7;
	v5 =	vadd.f32 v11, v5;
	v11 =	vld [tilespmem:$0x1FEB0]  }
0x281: {  	v56 =	vld [tilespmem:s23+$0x1F0];
	v0 =	vadd.f32 v57, v0;
	v4 =	vadd.f32 v32, v4  }
0x282: {  	v58 =	vld [tilespmem:s23+$0x2E0];
	v6 =	vadd.f32 v7, v6;
	v7 =	vmul.f32 s10, v54  }
0x283: {  	v57 =	vld [tilespmem:s23+$0x270];
	v0 =	vadd.f32 v48, v0;
	v4 =	vadd.f32 v61, v4  }
0x284: {  	v60 =	vld [tilespmem:s23+$0x2F0];
	v6 =	vadd.f32 v7, v6;
	v7 =	vmul.f32 s0, v55  }
0x285: {  	v0 =	vadd.f32 v42, v0;
	v4 =	vadd.f32 v11, v4;
	v11 =	vld [tilespmem:$0x1FE90]  }
0x286: {  	v10 =	vld [tilespmem:s23+$0x360];
	v6 =	vadd.f32 v7, v6;
	v7 =	vmul.f32 s30, v56  }
0x287: {  	v62 =	vld [tilespmem:s23+$0x370];
	v0 =	vadd.f32 v36, v0  }
0x288: {  	v9 =	vld [tilespmem:s23+$0x3E0];
	v6 =	vadd.f32 v7, v6;
	v7 =	vmul.f32 s29, v57  }
0x289: {  	v63 =	vld [tilespmem:s23+$0x3F0];
	v12 =	vmul.f32 s28, v58;
	v0 =	vadd.f32 v34, v0  }
0x28a: {  	v6 =	vadd.f32 v7, v6;
	v7 =	vmul.f32 s28, v60;
	v4 =	vadd.f32 v11, v4;
	v11 =	vld [tilespmem:$0x1FEA0]  }
0x28b: {  	v0 =	vadd.f32 v59, v0;
	v10 =	vmul.f32 s26, v10  }
0x28c: {  	v5 =	vadd.f32 v12, v5;
	v6 =	vadd.f32 v7, v6;
	v7 =	vmul.f32 s26, v62  }
0x28d: {  	v0 =	vadd.f32 v26, v0;
	v9 =	vmul.f32 s25, v9  }
0x28e: {  	v5 =	vadd.f32 v10, v5;
	v6 =	vadd.f32 v7, v6;
	v7 =	vmul.f32 s25, v63  }
0x28f: {  	v11 =	vadd.f32 v11, v0  }
0x290: {  	v5 =	vadd.f32 v9, v5;
	v6 =	vadd.f32 v7, v6  }
0x291: {  	v0 =	vadd.f32 v33, v4;
	v4 =	vadd.f32 v53, v11  }
.LBB2_19:
0x292: {  	s0 =	sshll.u32 s22, $0x7  }
0x293: {  	s0 =	sand.u32 $0x3FFFFF80, s0  }
0x294: {  	[tilespmem:s0+$0x17B00] =	vst v1  }
0x295: {  	s22 =	sadd.s32 $0x1, s22;
	[tilespmem:s0+$0x17B10] =	vst v2  }
0x296: {  	p0 =	sne.s32 s22, $0xA0;
	[tilespmem:s0+$0x17B20] =	vst v3  }
.Ltmp14:
0x297: {  	[tilespmem:s0+$0x17B30] =	vst v8;
	(pc) =	sbr.rel @p0 .LBB2_4-.Ltmp14, $4  }
0x298: {  	[tilespmem:s0+$0x17B40] =	vst v0  }
0x299: {  	[tilespmem:s0+$0x17B50] =	vst v4  }
0x29a: {  	[tilespmem:s0+$0x17B60] =	vst v5  }
0x29b: {  	s21 =	sadd.s32 $0x1, s21;
	[tilespmem:s0+$0x17B70] =	vst v6  }
0x29c: {  	s0 =	simm.s32 $0x7A00;
	s1 =	simm.s32 $0x17B00  }
0x29d: {  	[hbm4b:s5+s9] =	stream.indirect.scatter [tilespmem:s1], [sflag:$0x9], $0x80, s0, s9, $0xb8;
	[tilespmem:$0x1CB00] =	vst v63  }
0x29e: {  	s30 =	simm.s32 $0x7A80;
	s31 =	simm.s32 $0x1A300;
	s20 =	sadd.s32 $0x1, s20  }
0x29f: {  	[hbm4b:s5+s9] =	stream.indirect.scatter [tilespmem:s31], [sflag:$0x9], $0x80, s30, s9, $0xb8;
	[tilespmem:$0x1CB00] =	vst v63  }
0x2a0: {  	p0 =	sne.s32 s20, s7;
	_ =	swait.ge [sflag:s15], $0x2800  }
.Ltmp15:
0x2a1: {  	[sflag:s15] =	ssyncset.done $0x0;
	(pc) =	sbr.rel @p0 .LBB2_1-.Ltmp15, $4  }
0x2a2: {  	[sflag:s15] =	ssyncadd.s32 $0xFFFFD800  }
0x2a3: {  	_ =	swait.ge [sflag:s15], $0x2800  }
0x2a4: {  	[sflag:s15] =	ssyncset.done $0x0  }
0x2a5: {  	[sflag:s15] =	ssyncadd.s32 $0xFFFFD800  }
0x2a6: {  	_ =	sfence.sel $0x180000  }
0x2a7: {  	[bflag:$0x0] =	sbarrier.arrive $0xFFFF  }
0x2a8: {  	_ =	strace $0x90000047  }
0x2a9: {  	s0 =	stileid.u32;
	[bflag:$0x2] =	sbarrier.arrive $0xFFFF  }
0x2aa: {  	p0 =	sne.s32 s0, $0x0;
	s0 =	rddreg [dreg:$0x3]  }
0x2ab: {  	s0 =	sadd.s32 @!p0 $0x100000, s0  }
0x2ac: {  	[sflag:s0] =	ssyncadd.tile.s32 @!p0 $0x1;
	_ =	shalt  }
.Lfunc_end2:
_tile_overlayer_lowered:
.L_overlay_start_2:
0x2ad: {  	(tag) =	ssettag $0x2  }
0x2ae: {  	s0 =	rddreg [dreg:$0x0];
	s2 =	stileid.u32  }
0x2af: {  	s1 =	rddreg [dreg:$0x1];
	p0 =	sne.s32 s2, $0x0  }
0x2b0: {  	s3 =	rddreg [dreg:$0x2];
	[bflag:$0x3] =	sbarrier.arrive $0xFFFF;
	s2 =	simm.s32 @!p0 $0x1C0A  }
0x2b1: {  	[timem:s3], [sflag:s2] =	dma.local @!p0 [hbm:s0], s1  }
0x2b2: {  	s0 =	simm.s32 @!p0 $0xA  }
0x2b3: {  	_ =	swait.ge @!p0 [sflag:s0], s1  }
0x2b4: {  	s1 =	ssub.s32 @!p0 $0x0, s1;
	[sflag:s0] =	ssyncset.done @!p0 $0x0  }
0x2b5: {  	[sflag:s0] =	ssyncadd.s32 @!p0 s1  }
0x2b6: {  	[bflag:$0x3] =	sbarrier.arrive $0xFFFF  }
0x2b7: {  	_ =	shalt  }

</sc_bundles>
